<compile_context>
chip_gen: v7x
topology: tpu7x:2x2x1
jax: 0.10.2.dev20260603
libtpu: 0.0.44.dev20260713+nightly
codegen_flags: <defaults>
</compile_context>

<pallas_src>
import jax
import jax.numpy as jnp
from jax import lax
from jax.experimental import pallas as pl
from jax.experimental.pallas import tpu as pltpu
from jax.experimental.pallas import tpu_sc as plsc

NUM_HEADS = 16
SEQ = 2048
TWIDTH = 3968
NCHUNK = TWIDTH // 16


def _body(bias_hbm, delta_hbm, out_hbm, bias_v, delta_v, t0, t1, sem0, sem1):
    nc = 2
    wid = lax.axis_index("s") * nc + lax.axis_index("c")
    h = wid // 2
    half = wid % 2

    pltpu.sync_copy(bias_hbm.at[pl.ds(h * 256, 256)], bias_v)
    pltpu.sync_copy(delta_hbm, delta_v)
    delta = delta_v[...]

    lane = lax.iota(jnp.int32, 16)
    bufs = (t0, t1)
    sems = (sem0, sem1)
    nbuf = len(bufs)

    def drain16(t_q, sem):
        def drain(u, carry):
            pltpu.make_async_copy(
                t_q.at[:, pl.ds(0, SEQ)], out_hbm.at[h, pl.ds(0, 8)], sem).wait()
            return carry
        lax.fori_loop(0, 16, drain, None)

    for p in range(8):
        t_q, sem = bufs[p % nbuf], sems[p % nbuf]
        if p >= nbuf:
            drain16(t_q, sem)

        q = half * 8 + p
        base = 1920 + 8 * q

        for r in range(8):
            def build_chunk(c, carry, r=r, base=base, t_q=t_q):
                a = c * 16 + lane
                idx = jnp.clip(base + r - a + delta, -127, 127) + 127
                t_q[r, pl.ds(c * 16, 16)] = plsc.load_gather(bias_v, [idx])
                return carry
            lax.fori_loop(0, NCHUNK, build_chunk, None)

        def fire(u, carry, q=q, t_q=t_q, sem=sem):
            row0 = 8 * (q + 16 * u)
            s = 128 * (15 - u)
            pltpu.async_copy(
                t_q.at[:, pl.ds(s, SEQ)], out_hbm.at[h, pl.ds(row0, 8)], sem)
            return carry
        lax.fori_loop(0, 16, fire, None)

    for b in range(nbuf):
        drain16(bufs[b], sems[b])


def kernel(bias, qlen, klen):
    bias_flat = jnp.pad(bias, ((0, 0), (0, 1))).reshape(-1)
    delta = jnp.full((16,), qlen - klen, dtype=jnp.int32)

    run = pl.kernel(
        _body,
        out_type=jax.ShapeDtypeStruct((NUM_HEADS, SEQ, SEQ), jnp.float32),
        mesh=plsc.VectorSubcoreMesh(core_axis_name="c", subcore_axis_name="s"),
        compiler_params=pltpu.CompilerParams(needs_layout_passes=False),
        scratch_types=[
            pltpu.VMEM((256,), jnp.float32),
            pltpu.VMEM((16,), jnp.int32),
            pltpu.VMEM((8, TWIDTH), jnp.float32),
            pltpu.VMEM((8, TWIDTH), jnp.float32),
            pltpu.SemaphoreType.DMA,
            pltpu.SemaphoreType.DMA,
        ],
    )
    return run(bias_flat, delta)

# --- scband reference (transcript-rebuilt; emitter-appended) ---
"""Pipeline reference for scband-rel-pos-bias-79697413145006 (READ-ONLY COPY).

The authoritative reference and input builder live on the scoring server;
editing this copy changes nothing except your own understanding.
"""

import jax, jax.numpy as jnp
import numpy as np

NUM_HEADS = 16
MAX_DISTANCE = 128

def setup_inputs(seed: int = 0) -> dict:
    key = jax.random.key(seed)
    bias = jax.random.truncated_normal(key, -2.0, 2.0, (NUM_HEADS, 2 * MAX_DISTANCE - 1), dtype=jnp.float32) * 0.02
    return {"bias": bias, "qlen": 2048, "klen": 2048}

def reference(bias, qlen, klen):
    max_distance = MAX_DISTANCE
    q_ids = jnp.arange(2048) + (qlen - 2048)
    k_ids = jnp.arange(2048) + (klen - 2048)
    ctx = q_ids[:, None] - k_ids[None, :]
    ctx = jnp.clip(ctx, -max_distance + 1, max_distance - 1)
    ctx = ctx + (max_distance - 1)
    # gather along last axis of bias: rel[h, i, j] = bias[h, ctx[i, j]]
    rel = jnp.take(bias, ctx, axis=1)
    return rel

if __name__ == "__main__":
    import jax
    _d = setup_inputs()
    print(jax.jit(kernel)(*tuple(_d.values())))

</pallas_src>

<mosaic_0001>
#map = affine_map<(d0, d1) -> (0)>
#map1 = affine_map<(d0, d1) -> (0, 0, 0)>
module attributes {stable_mosaic.version = 14 : i64} {
  func.func @_body(%arg0: i32, %arg1: i32, %arg2: memref<4096xf32, #tpu.memory_space<hbm>>, %arg3: memref<16xi32, #tpu.memory_space<hbm>>, %arg4: memref<16x2048x2048xf32, #tpu.memory_space<hbm>>, %arg5: memref<256xf32, #tpu.memory_space<vmem>>, %arg6: memref<16xi32, #tpu.memory_space<vmem>>, %arg7: memref<8x3968xf32, #tpu.memory_space<vmem>>, %arg8: memref<8x3968xf32, #tpu.memory_space<vmem>>, %arg9: memref<!tpu.dma_semaphore, #tpu.memory_space<semaphore_mem>>, %arg10: memref<!tpu.dma_semaphore, #tpu.memory_space<semaphore_mem>>) attributes {dimension_semantics = [#tpu.dimension_semantics<core_parallel>, #tpu.dimension_semantics<subcore_parallel>], iteration_bounds = array<i64: 2, 16>, scalar_prefetch = 0 : i64, scratch_operands = 6 : i64, tpu.core_type = #tpu.core_type<sc_vector_subcore>, window_params = [{transform_indices = #map}, {transform_indices = #map}, {transform_indices = #map1}]} {
    %mul3A = arith.constant 2 : i32
    %mul3A_0 = arith.muli %arg1, %mul3A : i32
    %add3A = arith.addi %mul3A_0, %arg0 : i32
    %jit3A = arith.constant 2 : i32
    %div3A = arith.divsi %add3A, %jit3A : i32
    %sign3A = arith.constant 0 : i32
    %sign3A_1 = arith.cmpi sgt, %add3A, %sign3A : i32
    %sign3A_2 = arith.extui %sign3A_1 : i1 to i32
    %sign3A_3 = arith.constant 0 : i32
    %sign3A_4 = arith.cmpi slt, %add3A, %sign3A_3 : i32
    %sign3A_5 = arith.extui %sign3A_4 : i1 to i32
    %sign3A_6 = arith.subi %sign3A_2, %sign3A_5 : i32
    %sign3A_7 = arith.constant 0 : i32
    %sign3A_8 = arith.cmpi sgt, %jit3A, %sign3A_7 : i32
    %sign3A_9 = arith.extui %sign3A_8 : i1 to i32
    %sign3A_10 = arith.constant 0 : i32
    %sign3A_11 = arith.cmpi slt, %jit3A, %sign3A_10 : i32
    %sign3A_12 = arith.extui %sign3A_11 : i1 to i32
    %sign3A_13 = arith.subi %sign3A_9, %sign3A_12 : i32
    %ne3A = arith.cmpi ne, %sign3A_6, %sign3A_13 : i32
    %rem3A = arith.remsi %add3A, %jit3A : i32
    %ne3A_14 = arith.constant 0 : i32
    %ne3A_15 = arith.cmpi ne, %rem3A, %ne3A_14 : i32
    %and3A = arith.andi %ne3A, %ne3A_15 : i1
    %sub3A = arith.constant 1 : i32
    %sub3A_16 = arith.subi %div3A, %sub3A : i32
    %select_n3A = arith.select %and3A, %sub3A_16, %div3A : i32
    %jit3A_17 = arith.constant 2 : i32
    %eq3A = arith.constant 0 : i32
    %eq3A_18 = arith.cmpi eq, %jit3A_17, %eq3A : i32
    %jit3A_19 = arith.constant 1 : i32
    %select_n3A_20 = arith.select %eq3A_18, %jit3A_19, %jit3A_17 : i32
    %rem3A_21 = arith.remsi %add3A, %select_n3A_20 : i32
    %ne3A_22 = arith.constant 0 : i32
    %ne3A_23 = arith.cmpi ne, %rem3A_21, %ne3A_22 : i32
    %lt3A = arith.constant 0 : i32
    %lt3A_24 = arith.cmpi slt, %rem3A_21, %lt3A : i32
    %lt3A_25 = arith.constant 0 : i32
    %lt3A_26 = arith.cmpi slt, %select_n3A_20, %lt3A_25 : i32
    %ne3A_27 = arith.xori %lt3A_24, %lt3A_26 : i1
    %and3A_28 = arith.andi %ne3A_27, %ne3A_23 : i1
    %add3A_29 = arith.addi %rem3A_21, %select_n3A_20 : i32
    %select_n3A_30 = arith.select %and3A_28, %add3A_29, %rem3A_21 : i32
    %mul3A_31 = arith.constant 256 : i32
    %mul3A_32 = arith.muli %select_n3A, %mul3A_31 : i32
    "tpu.region"() ({
      %run_scoped3A = tpu.sem_alloc : memref<!tpu.dma_semaphore, #tpu.memory_space<semaphore_mem>>
      %dma_start3A = tpu.memref_slice %arg2[%mul3A_32] : memref<4096xf32, #tpu.memory_space<hbm>> -> memref<256xf32, #tpu.memory_space<hbm>>
      %dma_start3A_497 = tpu.memref_slice %arg2[%mul3A_32] : memref<4096xf32, #tpu.memory_space<hbm>> -> memref<256xf32, #tpu.memory_space<hbm>>
      tpu.enqueue_dma source(%dma_start3A_497 : memref<256xf32, #tpu.memory_space<hbm>>) target(%arg5 : memref<256xf32, #tpu.memory_space<vmem>>) target_semaphore(%run_scoped3A : memref<!tpu.dma_semaphore, #tpu.memory_space<semaphore_mem>>)
      %dma_wait3A = tpu.memref_slice %arg2[%mul3A_32] : memref<4096xf32, #tpu.memory_space<hbm>> -> memref<256xf32, #tpu.memory_space<hbm>>
      %dma_wait3A_498 = tpu.memref_slice %arg2[%mul3A_32] : memref<4096xf32, #tpu.memory_space<hbm>> -> memref<256xf32, #tpu.memory_space<hbm>>
      tpu.wait_dma2 semaphore(%run_scoped3A : memref<!tpu.dma_semaphore, #tpu.memory_space<semaphore_mem>>) src(%dma_wait3A_498 : memref<256xf32, #tpu.memory_space<hbm>>) dst(%arg5 : memref<256xf32, #tpu.memory_space<vmem>>)
      tpu.yield
    }) : () -> ()
    "tpu.region"() ({
      %run_scoped3A = tpu.sem_alloc : memref<!tpu.dma_semaphore, #tpu.memory_space<semaphore_mem>>
      tpu.enqueue_dma source(%arg3 : memref<16xi32, #tpu.memory_space<hbm>>) target(%arg6 : memref<16xi32, #tpu.memory_space<vmem>>) target_semaphore(%run_scoped3A : memref<!tpu.dma_semaphore, #tpu.memory_space<semaphore_mem>>)
      tpu.wait_dma2 semaphore(%run_scoped3A : memref<!tpu.dma_semaphore, #tpu.memory_space<semaphore_mem>>) src(%arg3 : memref<16xi32, #tpu.memory_space<hbm>>) dst(%arg6 : memref<16xi32, #tpu.memory_space<vmem>>)
      tpu.yield
    }) : () -> ()
    %get3A = arith.constant 0 : index
    %get3A_33 = tpu.vector_load %arg6[%get3A] {strides = array<i32>} : memref<16xi32, #tpu.memory_space<vmem>>, vector<16xi32>,
    %iota3A = tpu.iota {dimensions = array<i32: 0>} : vector<16xi32>
    %mul3A_34 = arith.constant 8 : i32
    %mul3A_35 = arith.muli %select_n3A_30, %mul3A_34 : i32
    %add3A_36 = arith.constant 0 : i32
    %add3A_37 = arith.addi %mul3A_35, %add3A_36 : i32
    %mul3A_38 = arith.constant 8 : i32
    %mul3A_39 = arith.muli %mul3A_38, %add3A_37 : i32
    %add3A_40 = arith.constant 1920 : i32
    %add3A_41 = arith.addi %add3A_40, %mul3A_39 : i32
    %scan3A = arith.constant 0 : i32
    %scan3A_42 = arith.constant 248 : i32
    %scan3A_43 = arith.addi %scan3A, %scan3A_42 : i32
    %scan3A_44 = arith.constant 1 : i32
    scf.for %scan3A_497 = %scan3A to %scan3A_43 step %scan3A_44  : i32 {
      %mul3A_498 = arith.constant 16 : i32
      %mul3A_499 = arith.muli %scan3A_497, %mul3A_498 : i32
      %add3A_500 = vector.broadcast %mul3A_499 : i32 to vector<16xi32>
      %add3A_501 = arith.addi %add3A_500, %iota3A : vector<16xi32>
      %add3A_502 = arith.constant 0 : i32
      %add3A_503 = arith.addi %add3A_41, %add3A_502 : i32
      %sub3A_504 = vector.broadcast %add3A_503 : i32 to vector<16xi32>
      %sub3A_505 = arith.subi %sub3A_504, %add3A_501 : vector<16xi32>
      %add3A_506 = arith.addi %sub3A_505, %get3A_33 : vector<16xi32>
      %jit3A_507 = arith.constant -127 : i32
      %jit3A_508 = arith.constant 127 : i32
      %max3A = vector.broadcast %jit3A_507 : i32 to vector<16xi32>
      %max3A_509 = arith.maxsi %max3A, %add3A_506 : vector<16xi32>
      %min3A = vector.broadcast %jit3A_508 : i32 to vector<16xi32>
      %min3A_510 = arith.minsi %min3A, %max3A_509 : vector<16xi32>
      %add3A_511 = arith.constant 127 : i32
      %add3A_512 = vector.broadcast %add3A_511 : i32 to vector<16xi32>
      %add3A_513 = arith.addi %min3A_510, %add3A_512 : vector<16xi32>
      %gather3A = tpu.vector_load_idx %arg5[%add3A_513] : memref<256xf32, #tpu.memory_space<vmem>>[vector<16xi32>], vector<16xf32>,
      %mul3A_514 = arith.constant 16 : i32
      %mul3A_515 = arith.muli %scan3A_497, %mul3A_514 : i32
      %swap3A = arith.constant 0 : i32
      %swap3A_516 = arith.index_cast %swap3A : i32 to index
      %swap3A_517 = arith.index_cast %mul3A_515 : i32 to index
      %swap3A_518 = tpu.vector_load %arg7[%swap3A_516, %swap3A_517] {strides = array<i32>} : memref<8x3968xf32, #tpu.memory_space<vmem>>, vector<16xf32>,
      tpu.vector_store %arg7[%swap3A_516, %swap3A_517], %gather3A {strides = array<i32>} : memref<8x3968xf32, #tpu.memory_space<vmem>>, vector<16xf32>,
    }
    %scan3A_45 = arith.constant 248 : i32
    %scan3A_46 = arith.constant 0 : i32
    %scan3A_47 = arith.constant 248 : i32
    %scan3A_48 = arith.addi %scan3A_46, %scan3A_47 : i32
    %scan3A_49 = arith.constant 1 : i32
    scf.for %scan3A_497 = %scan3A_46 to %scan3A_48 step %scan3A_49  : i32 {
      %mul3A_498 = arith.constant 16 : i32
      %mul3A_499 = arith.muli %scan3A_497, %mul3A_498 : i32
      %add3A_500 = vector.broadcast %mul3A_499 : i32 to vector<16xi32>
      %add3A_501 = arith.addi %add3A_500, %iota3A : vector<16xi32>
      %add3A_502 = arith.constant 1 : i32
      %add3A_503 = arith.addi %add3A_41, %add3A_502 : i32
      %sub3A_504 = vector.broadcast %add3A_503 : i32 to vector<16xi32>
      %sub3A_505 = arith.subi %sub3A_504, %add3A_501 : vector<16xi32>
      %add3A_506 = arith.addi %sub3A_505, %get3A_33 : vector<16xi32>
      %jit3A_507 = arith.constant -127 : i32
      %jit3A_508 = arith.constant 127 : i32
      %max3A = vector.broadcast %jit3A_507 : i32 to vector<16xi32>
      %max3A_509 = arith.maxsi %max3A, %add3A_506 : vector<16xi32>
      %min3A = vector.broadcast %jit3A_508 : i32 to vector<16xi32>
      %min3A_510 = arith.minsi %min3A, %max3A_509 : vector<16xi32>
      %add3A_511 = arith.constant 127 : i32
      %add3A_512 = vector.broadcast %add3A_511 : i32 to vector<16xi32>
      %add3A_513 = arith.addi %min3A_510, %add3A_512 : vector<16xi32>
      %gather3A = tpu.vector_load_idx %arg5[%add3A_513] : memref<256xf32, #tpu.memory_space<vmem>>[vector<16xi32>], vector<16xf32>,
      %mul3A_514 = arith.constant 16 : i32
      %mul3A_515 = arith.muli %scan3A_497, %mul3A_514 : i32
      %swap3A = arith.constant 1 : i32
      %swap3A_516 = arith.index_cast %swap3A : i32 to index
      %swap3A_517 = arith.index_cast %mul3A_515 : i32 to index
      %swap3A_518 = tpu.vector_load %arg7[%swap3A_516, %swap3A_517] {strides = array<i32>} : memref<8x3968xf32, #tpu.memory_space<vmem>>, vector<16xf32>,
      tpu.vector_store %arg7[%swap3A_516, %swap3A_517], %gather3A {strides = array<i32>} : memref<8x3968xf32, #tpu.memory_space<vmem>>, vector<16xf32>,
    }
    %scan3A_50 = arith.constant 248 : i32
    %scan3A_51 = arith.constant 0 : i32
    %scan3A_52 = arith.constant 248 : i32
    %scan3A_53 = arith.addi %scan3A_51, %scan3A_52 : i32
    %scan3A_54 = arith.constant 1 : i32
    scf.for %scan3A_497 = %scan3A_51 to %scan3A_53 step %scan3A_54  : i32 {
      %mul3A_498 = arith.constant 16 : i32
      %mul3A_499 = arith.muli %scan3A_497, %mul3A_498 : i32
      %add3A_500 = vector.broadcast %mul3A_499 : i32 to vector<16xi32>
      %add3A_501 = arith.addi %add3A_500, %iota3A : vector<16xi32>
      %add3A_502 = arith.constant 2 : i32
      %add3A_503 = arith.addi %add3A_41, %add3A_502 : i32
      %sub3A_504 = vector.broadcast %add3A_503 : i32 to vector<16xi32>
      %sub3A_505 = arith.subi %sub3A_504, %add3A_501 : vector<16xi32>
      %add3A_506 = arith.addi %sub3A_505, %get3A_33 : vector<16xi32>
      %jit3A_507 = arith.constant -127 : i32
      %jit3A_508 = arith.constant 127 : i32
      %max3A = vector.broadcast %jit3A_507 : i32 to vector<16xi32>
      %max3A_509 = arith.maxsi %max3A, %add3A_506 : vector<16xi32>
      %min3A = vector.broadcast %jit3A_508 : i32 to vector<16xi32>
      %min3A_510 = arith.minsi %min3A, %max3A_509 : vector<16xi32>
      %add3A_511 = arith.constant 127 : i32
      %add3A_512 = vector.broadcast %add3A_511 : i32 to vector<16xi32>
      %add3A_513 = arith.addi %min3A_510, %add3A_512 : vector<16xi32>
      %gather3A = tpu.vector_load_idx %arg5[%add3A_513] : memref<256xf32, #tpu.memory_space<vmem>>[vector<16xi32>], vector<16xf32>,
      %mul3A_514 = arith.constant 16 : i32
      %mul3A_515 = arith.muli %scan3A_497, %mul3A_514 : i32
      %swap3A = arith.constant 2 : i32
      %swap3A_516 = arith.index_cast %swap3A : i32 to index
      %swap3A_517 = arith.index_cast %mul3A_515 : i32 to index
      %swap3A_518 = tpu.vector_load %arg7[%swap3A_516, %swap3A_517] {strides = array<i32>} : memref<8x3968xf32, #tpu.memory_space<vmem>>, vector<16xf32>,
      tpu.vector_store %arg7[%swap3A_516, %swap3A_517], %gather3A {strides = array<i32>} : memref<8x3968xf32, #tpu.memory_space<vmem>>, vector<16xf32>,
    }
    %scan3A_55 = arith.constant 248 : i32
    %scan3A_56 = arith.constant 0 : i32
    %scan3A_57 = arith.constant 248 : i32
    %scan3A_58 = arith.addi %scan3A_56, %scan3A_57 : i32
    %scan3A_59 = arith.constant 1 : i32
    scf.for %scan3A_497 = %scan3A_56 to %scan3A_58 step %scan3A_59  : i32 {
      %mul3A_498 = arith.constant 16 : i32
      %mul3A_499 = arith.muli %scan3A_497, %mul3A_498 : i32
      %add3A_500 = vector.broadcast %mul3A_499 : i32 to vector<16xi32>
      %add3A_501 = arith.addi %add3A_500, %iota3A : vector<16xi32>
      %add3A_502 = arith.constant 3 : i32
      %add3A_503 = arith.addi %add3A_41, %add3A_502 : i32
      %sub3A_504 = vector.broadcast %add3A_503 : i32 to vector<16xi32>
      %sub3A_505 = arith.subi %sub3A_504, %add3A_501 : vector<16xi32>
      %add3A_506 = arith.addi %sub3A_505, %get3A_33 : vector<16xi32>
      %jit3A_507 = arith.constant -127 : i32
      %jit3A_508 = arith.constant 127 : i32
      %max3A = vector.broadcast %jit3A_507 : i32 to vector<16xi32>
      %max3A_509 = arith.maxsi %max3A, %add3A_506 : vector<16xi32>
      %min3A = vector.broadcast %jit3A_508 : i32 to vector<16xi32>
      %min3A_510 = arith.minsi %min3A, %max3A_509 : vector<16xi32>
      %add3A_511 = arith.constant 127 : i32
      %add3A_512 = vector.broadcast %add3A_511 : i32 to vector<16xi32>
      %add3A_513 = arith.addi %min3A_510, %add3A_512 : vector<16xi32>
      %gather3A = tpu.vector_load_idx %arg5[%add3A_513] : memref<256xf32, #tpu.memory_space<vmem>>[vector<16xi32>], vector<16xf32>,
      %mul3A_514 = arith.constant 16 : i32
      %mul3A_515 = arith.muli %scan3A_497, %mul3A_514 : i32
      %swap3A = arith.constant 3 : i32
      %swap3A_516 = arith.index_cast %swap3A : i32 to index
      %swap3A_517 = arith.index_cast %mul3A_515 : i32 to index
      %swap3A_518 = tpu.vector_load %arg7[%swap3A_516, %swap3A_517] {strides = array<i32>} : memref<8x3968xf32, #tpu.memory_space<vmem>>, vector<16xf32>,
      tpu.vector_store %arg7[%swap3A_516, %swap3A_517], %gather3A {strides = array<i32>} : memref<8x3968xf32, #tpu.memory_space<vmem>>, vector<16xf32>,
    }
    %scan3A_60 = arith.constant 248 : i32
    %scan3A_61 = arith.constant 0 : i32
    %scan3A_62 = arith.constant 248 : i32
    %scan3A_63 = arith.addi %scan3A_61, %scan3A_62 : i32
    %scan3A_64 = arith.constant 1 : i32
    scf.for %scan3A_497 = %scan3A_61 to %scan3A_63 step %scan3A_64  : i32 {
      %mul3A_498 = arith.constant 16 : i32
      %mul3A_499 = arith.muli %scan3A_497, %mul3A_498 : i32
      %add3A_500 = vector.broadcast %mul3A_499 : i32 to vector<16xi32>
      %add3A_501 = arith.addi %add3A_500, %iota3A : vector<16xi32>
      %add3A_502 = arith.constant 4 : i32
      %add3A_503 = arith.addi %add3A_41, %add3A_502 : i32
      %sub3A_504 = vector.broadcast %add3A_503 : i32 to vector<16xi32>
      %sub3A_505 = arith.subi %sub3A_504, %add3A_501 : vector<16xi32>
      %add3A_506 = arith.addi %sub3A_505, %get3A_33 : vector<16xi32>
      %jit3A_507 = arith.constant -127 : i32
      %jit3A_508 = arith.constant 127 : i32
      %max3A = vector.broadcast %jit3A_507 : i32 to vector<16xi32>
      %max3A_509 = arith.maxsi %max3A, %add3A_506 : vector<16xi32>
      %min3A = vector.broadcast %jit3A_508 : i32 to vector<16xi32>
      %min3A_510 = arith.minsi %min3A, %max3A_509 : vector<16xi32>
      %add3A_511 = arith.constant 127 : i32
      %add3A_512 = vector.broadcast %add3A_511 : i32 to vector<16xi32>
      %add3A_513 = arith.addi %min3A_510, %add3A_512 : vector<16xi32>
      %gather3A = tpu.vector_load_idx %arg5[%add3A_513] : memref<256xf32, #tpu.memory_space<vmem>>[vector<16xi32>], vector<16xf32>,
      %mul3A_514 = arith.constant 16 : i32
      %mul3A_515 = arith.muli %scan3A_497, %mul3A_514 : i32
      %swap3A = arith.constant 4 : i32
      %swap3A_516 = arith.index_cast %swap3A : i32 to index
      %swap3A_517 = arith.index_cast %mul3A_515 : i32 to index
      %swap3A_518 = tpu.vector_load %arg7[%swap3A_516, %swap3A_517] {strides = array<i32>} : memref<8x3968xf32, #tpu.memory_space<vmem>>, vector<16xf32>,
      tpu.vector_store %arg7[%swap3A_516, %swap3A_517], %gather3A {strides = array<i32>} : memref<8x3968xf32, #tpu.memory_space<vmem>>, vector<16xf32>,
    }
    %scan3A_65 = arith.constant 248 : i32
    %scan3A_66 = arith.constant 0 : i32
    %scan3A_67 = arith.constant 248 : i32
    %scan3A_68 = arith.addi %scan3A_66, %scan3A_67 : i32
    %scan3A_69 = arith.constant 1 : i32
    scf.for %scan3A_497 = %scan3A_66 to %scan3A_68 step %scan3A_69  : i32 {
      %mul3A_498 = arith.constant 16 : i32
      %mul3A_499 = arith.muli %scan3A_497, %mul3A_498 : i32
      %add3A_500 = vector.broadcast %mul3A_499 : i32 to vector<16xi32>
      %add3A_501 = arith.addi %add3A_500, %iota3A : vector<16xi32>
      %add3A_502 = arith.constant 5 : i32
      %add3A_503 = arith.addi %add3A_41, %add3A_502 : i32
      %sub3A_504 = vector.broadcast %add3A_503 : i32 to vector<16xi32>
      %sub3A_505 = arith.subi %sub3A_504, %add3A_501 : vector<16xi32>
      %add3A_506 = arith.addi %sub3A_505, %get3A_33 : vector<16xi32>
      %jit3A_507 = arith.constant -127 : i32
      %jit3A_508 = arith.constant 127 : i32
      %max3A = vector.broadcast %jit3A_507 : i32 to vector<16xi32>
      %max3A_509 = arith.maxsi %max3A, %add3A_506 : vector<16xi32>
      %min3A = vector.broadcast %jit3A_508 : i32 to vector<16xi32>
      %min3A_510 = arith.minsi %min3A, %max3A_509 : vector<16xi32>
      %add3A_511 = arith.constant 127 : i32
      %add3A_512 = vector.broadcast %add3A_511 : i32 to vector<16xi32>
      %add3A_513 = arith.addi %min3A_510, %add3A_512 : vector<16xi32>
      %gather3A = tpu.vector_load_idx %arg5[%add3A_513] : memref<256xf32, #tpu.memory_space<vmem>>[vector<16xi32>], vector<16xf32>,
      %mul3A_514 = arith.constant 16 : i32
      %mul3A_515 = arith.muli %scan3A_497, %mul3A_514 : i32
      %swap3A = arith.constant 5 : i32
      %swap3A_516 = arith.index_cast %swap3A : i32 to index
      %swap3A_517 = arith.index_cast %mul3A_515 : i32 to index
      %swap3A_518 = tpu.vector_load %arg7[%swap3A_516, %swap3A_517] {strides = array<i32>} : memref<8x3968xf32, #tpu.memory_space<vmem>>, vector<16xf32>,
      tpu.vector_store %arg7[%swap3A_516, %swap3A_517], %gather3A {strides = array<i32>} : memref<8x3968xf32, #tpu.memory_space<vmem>>, vector<16xf32>,
    }
    %scan3A_70 = arith.constant 248 : i32
    %scan3A_71 = arith.constant 0 : i32
    %scan3A_72 = arith.constant 248 : i32
    %scan3A_73 = arith.addi %scan3A_71, %scan3A_72 : i32
    %scan3A_74 = arith.constant 1 : i32
    scf.for %scan3A_497 = %scan3A_71 to %scan3A_73 step %scan3A_74  : i32 {
      %mul3A_498 = arith.constant 16 : i32
      %mul3A_499 = arith.muli %scan3A_497, %mul3A_498 : i32
      %add3A_500 = vector.broadcast %mul3A_499 : i32 to vector<16xi32>
      %add3A_501 = arith.addi %add3A_500, %iota3A : vector<16xi32>
      %add3A_502 = arith.constant 6 : i32
      %add3A_503 = arith.addi %add3A_41, %add3A_502 : i32
      %sub3A_504 = vector.broadcast %add3A_503 : i32 to vector<16xi32>
      %sub3A_505 = arith.subi %sub3A_504, %add3A_501 : vector<16xi32>
      %add3A_506 = arith.addi %sub3A_505, %get3A_33 : vector<16xi32>
      %jit3A_507 = arith.constant -127 : i32
      %jit3A_508 = arith.constant 127 : i32
      %max3A = vector.broadcast %jit3A_507 : i32 to vector<16xi32>
      %max3A_509 = arith.maxsi %max3A, %add3A_506 : vector<16xi32>
      %min3A = vector.broadcast %jit3A_508 : i32 to vector<16xi32>
      %min3A_510 = arith.minsi %min3A, %max3A_509 : vector<16xi32>
      %add3A_511 = arith.constant 127 : i32
      %add3A_512 = vector.broadcast %add3A_511 : i32 to vector<16xi32>
      %add3A_513 = arith.addi %min3A_510, %add3A_512 : vector<16xi32>
      %gather3A = tpu.vector_load_idx %arg5[%add3A_513] : memref<256xf32, #tpu.memory_space<vmem>>[vector<16xi32>], vector<16xf32>,
      %mul3A_514 = arith.constant 16 : i32
      %mul3A_515 = arith.muli %scan3A_497, %mul3A_514 : i32
      %swap3A = arith.constant 6 : i32
      %swap3A_516 = arith.index_cast %swap3A : i32 to index
      %swap3A_517 = arith.index_cast %mul3A_515 : i32 to index
      %swap3A_518 = tpu.vector_load %arg7[%swap3A_516, %swap3A_517] {strides = array<i32>} : memref<8x3968xf32, #tpu.memory_space<vmem>>, vector<16xf32>,
      tpu.vector_store %arg7[%swap3A_516, %swap3A_517], %gather3A {strides = array<i32>} : memref<8x3968xf32, #tpu.memory_space<vmem>>, vector<16xf32>,
    }
    %scan3A_75 = arith.constant 248 : i32
    %scan3A_76 = arith.constant 0 : i32
    %scan3A_77 = arith.constant 248 : i32
    %scan3A_78 = arith.addi %scan3A_76, %scan3A_77 : i32
    %scan3A_79 = arith.constant 1 : i32
    scf.for %scan3A_497 = %scan3A_76 to %scan3A_78 step %scan3A_79  : i32 {
      %mul3A_498 = arith.constant 16 : i32
      %mul3A_499 = arith.muli %scan3A_497, %mul3A_498 : i32
      %add3A_500 = vector.broadcast %mul3A_499 : i32 to vector<16xi32>
      %add3A_501 = arith.addi %add3A_500, %iota3A : vector<16xi32>
      %add3A_502 = arith.constant 7 : i32
      %add3A_503 = arith.addi %add3A_41, %add3A_502 : i32
      %sub3A_504 = vector.broadcast %add3A_503 : i32 to vector<16xi32>
      %sub3A_505 = arith.subi %sub3A_504, %add3A_501 : vector<16xi32>
      %add3A_506 = arith.addi %sub3A_505, %get3A_33 : vector<16xi32>
      %jit3A_507 = arith.constant -127 : i32
      %jit3A_508 = arith.constant 127 : i32
      %max3A = vector.broadcast %jit3A_507 : i32 to vector<16xi32>
      %max3A_509 = arith.maxsi %max3A, %add3A_506 : vector<16xi32>
      %min3A = vector.broadcast %jit3A_508 : i32 to vector<16xi32>
      %min3A_510 = arith.minsi %min3A, %max3A_509 : vector<16xi32>
      %add3A_511 = arith.constant 127 : i32
      %add3A_512 = vector.broadcast %add3A_511 : i32 to vector<16xi32>
      %add3A_513 = arith.addi %min3A_510, %add3A_512 : vector<16xi32>
      %gather3A = tpu.vector_load_idx %arg5[%add3A_513] : memref<256xf32, #tpu.memory_space<vmem>>[vector<16xi32>], vector<16xf32>,
      %mul3A_514 = arith.constant 16 : i32
      %mul3A_515 = arith.muli %scan3A_497, %mul3A_514 : i32
      %swap3A = arith.constant 7 : i32
      %swap3A_516 = arith.index_cast %swap3A : i32 to index
      %swap3A_517 = arith.index_cast %mul3A_515 : i32 to index
      %swap3A_518 = tpu.vector_load %arg7[%swap3A_516, %swap3A_517] {strides = array<i32>} : memref<8x3968xf32, #tpu.memory_space<vmem>>, vector<16xf32>,
      tpu.vector_store %arg7[%swap3A_516, %swap3A_517], %gather3A {strides = array<i32>} : memref<8x3968xf32, #tpu.memory_space<vmem>>, vector<16xf32>,
    }
    %scan3A_80 = arith.constant 248 : i32
    %scan3A_81 = arith.constant 0 : i32
    %scan3A_82 = arith.constant 16 : i32
    %scan3A_83 = arith.addi %scan3A_81, %scan3A_82 : i32
    %scan3A_84 = arith.constant 1 : i32
    scf.for %scan3A_497 = %scan3A_81 to %scan3A_83 step %scan3A_84  : i32 {
      %mul3A_498 = arith.constant 16 : i32
      %mul3A_499 = arith.muli %mul3A_498, %scan3A_497 : i32
      %add3A_500 = arith.addi %add3A_37, %mul3A_499 : i32
      %mul3A_501 = arith.constant 8 : i32
      %mul3A_502 = arith.muli %mul3A_501, %add3A_500 : i32
      %sub3A_503 = arith.constant 15 : i32
      %sub3A_504 = arith.subi %sub3A_503, %scan3A_497 : i32
      %mul3A_505 = arith.constant 128 : i32
      %mul3A_506 = arith.muli %mul3A_505, %sub3A_504 : i32
      %dma_start3A = arith.constant 0 : i32
      %dma_start3A_507 = tpu.memref_slice %arg7[%dma_start3A, %mul3A_506] : memref<8x3968xf32, #tpu.memory_space<vmem>> -> memref<8x2048xf32, #tpu.memory_space<vmem>>
      %dma_start3A_508 = arith.constant 0 : i32
      %dma_start3A_509 = tpu.memref_slice %arg4[%select_n3A, %mul3A_502, %dma_start3A_508] : memref<16x2048x2048xf32, #tpu.memory_space<hbm>> -> memref<1x8x2048xf32, #tpu.memory_space<hbm>>
      %dma_start3A_510 = tpu.memref_squeeze %dma_start3A_509 : memref<1x8x2048xf32, #tpu.memory_space<hbm>> -> memref<8x2048xf32, #tpu.memory_space<hbm>>
      %dma_start3A_511 = arith.constant 0 : i32
      %dma_start3A_512 = tpu.memref_slice %arg4[%select_n3A, %mul3A_502, %dma_start3A_511] : memref<16x2048x2048xf32, #tpu.memory_space<hbm>> -> memref<1x8x2048xf32, #tpu.memory_space<hbm>>
      %dma_start3A_513 = tpu.memref_squeeze %dma_start3A_512 : memref<1x8x2048xf32, #tpu.memory_space<hbm>> -> memref<8x2048xf32, #tpu.memory_space<hbm>>
      %dma_start3A_514 = arith.constant 0 : i32
      %dma_start3A_515 = tpu.memref_slice %arg7[%dma_start3A_514, %mul3A_506] : memref<8x3968xf32, #tpu.memory_space<vmem>> -> memref<8x2048xf32, #tpu.memory_space<vmem>>
      tpu.enqueue_dma source(%dma_start3A_515 : memref<8x2048xf32, #tpu.memory_space<vmem>>) target(%dma_start3A_513 : memref<8x2048xf32, #tpu.memory_space<hbm>>) target_semaphore(%arg9 : memref<!tpu.dma_semaphore, #tpu.memory_space<semaphore_mem>>)
    }
    %scan3A_85 = arith.constant 16 : i32
    %mul3A_86 = arith.constant 8 : i32
    %mul3A_87 = arith.muli %select_n3A_30, %mul3A_86 : i32
    %add3A_88 = arith.constant 1 : i32
    %add3A_89 = arith.addi %mul3A_87, %add3A_88 : i32
    %mul3A_90 = arith.constant 8 : i32
    %mul3A_91 = arith.muli %mul3A_90, %add3A_89 : i32
    %add3A_92 = arith.constant 1920 : i32
    %add3A_93 = arith.addi %add3A_92, %mul3A_91 : i32
    %scan3A_94 = arith.constant 0 : i32
    %scan3A_95 = arith.constant 248 : i32
    %scan3A_96 = arith.addi %scan3A_94, %scan3A_95 : i32
    %scan3A_97 = arith.constant 1 : i32
    scf.for %scan3A_497 = %scan3A_94 to %scan3A_96 step %scan3A_97  : i32 {
      %mul3A_498 = arith.constant 16 : i32
      %mul3A_499 = arith.muli %scan3A_497, %mul3A_498 : i32
      %add3A_500 = vector.broadcast %mul3A_499 : i32 to vector<16xi32>
      %add3A_501 = arith.addi %add3A_500, %iota3A : vector<16xi32>
      %add3A_502 = arith.constant 0 : i32
      %add3A_503 = arith.addi %add3A_93, %add3A_502 : i32
      %sub3A_504 = vector.broadcast %add3A_503 : i32 to vector<16xi32>
      %sub3A_505 = arith.subi %sub3A_504, %add3A_501 : vector<16xi32>
      %add3A_506 = arith.addi %sub3A_505, %get3A_33 : vector<16xi32>
      %jit3A_507 = arith.constant -127 : i32
      %jit3A_508 = arith.constant 127 : i32
      %max3A = vector.broadcast %jit3A_507 : i32 to vector<16xi32>
      %max3A_509 = arith.maxsi %max3A, %add3A_506 : vector<16xi32>
      %min3A = vector.broadcast %jit3A_508 : i32 to vector<16xi32>
      %min3A_510 = arith.minsi %min3A, %max3A_509 : vector<16xi32>
      %add3A_511 = arith.constant 127 : i32
      %add3A_512 = vector.broadcast %add3A_511 : i32 to vector<16xi32>
      %add3A_513 = arith.addi %min3A_510, %add3A_512 : vector<16xi32>
      %gather3A = tpu.vector_load_idx %arg5[%add3A_513] : memref<256xf32, #tpu.memory_space<vmem>>[vector<16xi32>], vector<16xf32>,
      %mul3A_514 = arith.constant 16 : i32
      %mul3A_515 = arith.muli %scan3A_497, %mul3A_514 : i32
      %swap3A = arith.constant 0 : i32
      %swap3A_516 = arith.index_cast %swap3A : i32 to index
      %swap3A_517 = arith.index_cast %mul3A_515 : i32 to index
      %swap3A_518 = tpu.vector_load %arg8[%swap3A_516, %swap3A_517] {strides = array<i32>} : memref<8x3968xf32, #tpu.memory_space<vmem>>, vector<16xf32>,
      tpu.vector_store %arg8[%swap3A_516, %swap3A_517], %gather3A {strides = array<i32>} : memref<8x3968xf32, #tpu.memory_space<vmem>>, vector<16xf32>,
    }
    %scan3A_98 = arith.constant 248 : i32
    %scan3A_99 = arith.constant 0 : i32
    %scan3A_100 = arith.constant 248 : i32
    %scan3A_101 = arith.addi %scan3A_99, %scan3A_100 : i32
    %scan3A_102 = arith.constant 1 : i32
    scf.for %scan3A_497 = %scan3A_99 to %scan3A_101 step %scan3A_102  : i32 {
      %mul3A_498 = arith.constant 16 : i32
      %mul3A_499 = arith.muli %scan3A_497, %mul3A_498 : i32
      %add3A_500 = vector.broadcast %mul3A_499 : i32 to vector<16xi32>
      %add3A_501 = arith.addi %add3A_500, %iota3A : vector<16xi32>
      %add3A_502 = arith.constant 1 : i32
      %add3A_503 = arith.addi %add3A_93, %add3A_502 : i32
      %sub3A_504 = vector.broadcast %add3A_503 : i32 to vector<16xi32>
      %sub3A_505 = arith.subi %sub3A_504, %add3A_501 : vector<16xi32>
      %add3A_506 = arith.addi %sub3A_505, %get3A_33 : vector<16xi32>
      %jit3A_507 = arith.constant -127 : i32
      %jit3A_508 = arith.constant 127 : i32
      %max3A = vector.broadcast %jit3A_507 : i32 to vector<16xi32>
      %max3A_509 = arith.maxsi %max3A, %add3A_506 : vector<16xi32>
      %min3A = vector.broadcast %jit3A_508 : i32 to vector<16xi32>
      %min3A_510 = arith.minsi %min3A, %max3A_509 : vector<16xi32>
      %add3A_511 = arith.constant 127 : i32
      %add3A_512 = vector.broadcast %add3A_511 : i32 to vector<16xi32>
      %add3A_513 = arith.addi %min3A_510, %add3A_512 : vector<16xi32>
      %gather3A = tpu.vector_load_idx %arg5[%add3A_513] : memref<256xf32, #tpu.memory_space<vmem>>[vector<16xi32>], vector<16xf32>,
      %mul3A_514 = arith.constant 16 : i32
      %mul3A_515 = arith.muli %scan3A_497, %mul3A_514 : i32
      %swap3A = arith.constant 1 : i32
      %swap3A_516 = arith.index_cast %swap3A : i32 to index
      %swap3A_517 = arith.index_cast %mul3A_515 : i32 to index
      %swap3A_518 = tpu.vector_load %arg8[%swap3A_516, %swap3A_517] {strides = array<i32>} : memref<8x3968xf32, #tpu.memory_space<vmem>>, vector<16xf32>,
      tpu.vector_store %arg8[%swap3A_516, %swap3A_517], %gather3A {strides = array<i32>} : memref<8x3968xf32, #tpu.memory_space<vmem>>, vector<16xf32>,
    }
    %scan3A_103 = arith.constant 248 : i32
    %scan3A_104 = arith.constant 0 : i32
    %scan3A_105 = arith.constant 248 : i32
    %scan3A_106 = arith.addi %scan3A_104, %scan3A_105 : i32
    %scan3A_107 = arith.constant 1 : i32
    scf.for %scan3A_497 = %scan3A_104 to %scan3A_106 step %scan3A_107  : i32 {
      %mul3A_498 = arith.constant 16 : i32
      %mul3A_499 = arith.muli %scan3A_497, %mul3A_498 : i32
      %add3A_500 = vector.broadcast %mul3A_499 : i32 to vector<16xi32>
      %add3A_501 = arith.addi %add3A_500, %iota3A : vector<16xi32>
      %add3A_502 = arith.constant 2 : i32
      %add3A_503 = arith.addi %add3A_93, %add3A_502 : i32
      %sub3A_504 = vector.broadcast %add3A_503 : i32 to vector<16xi32>
      %sub3A_505 = arith.subi %sub3A_504, %add3A_501 : vector<16xi32>
      %add3A_506 = arith.addi %sub3A_505, %get3A_33 : vector<16xi32>
      %jit3A_507 = arith.constant -127 : i32
      %jit3A_508 = arith.constant 127 : i32
      %max3A = vector.broadcast %jit3A_507 : i32 to vector<16xi32>
      %max3A_509 = arith.maxsi %max3A, %add3A_506 : vector<16xi32>
      %min3A = vector.broadcast %jit3A_508 : i32 to vector<16xi32>
      %min3A_510 = arith.minsi %min3A, %max3A_509 : vector<16xi32>
      %add3A_511 = arith.constant 127 : i32
      %add3A_512 = vector.broadcast %add3A_511 : i32 to vector<16xi32>
      %add3A_513 = arith.addi %min3A_510, %add3A_512 : vector<16xi32>
      %gather3A = tpu.vector_load_idx %arg5[%add3A_513] : memref<256xf32, #tpu.memory_space<vmem>>[vector<16xi32>], vector<16xf32>,
      %mul3A_514 = arith.constant 16 : i32
      %mul3A_515 = arith.muli %scan3A_497, %mul3A_514 : i32
      %swap3A = arith.constant 2 : i32
      %swap3A_516 = arith.index_cast %swap3A : i32 to index
      %swap3A_517 = arith.index_cast %mul3A_515 : i32 to index
      %swap3A_518 = tpu.vector_load %arg8[%swap3A_516, %swap3A_517] {strides = array<i32>} : memref<8x3968xf32, #tpu.memory_space<vmem>>, vector<16xf32>,
      tpu.vector_store %arg8[%swap3A_516, %swap3A_517], %gather3A {strides = array<i32>} : memref<8x3968xf32, #tpu.memory_space<vmem>>, vector<16xf32>,
    }
    %scan3A_108 = arith.constant 248 : i32
    %scan3A_109 = arith.constant 0 : i32
    %scan3A_110 = arith.constant 248 : i32
    %scan3A_111 = arith.addi %scan3A_109, %scan3A_110 : i32
    %scan3A_112 = arith.constant 1 : i32
    scf.for %scan3A_497 = %scan3A_109 to %scan3A_111 step %scan3A_112  : i32 {
      %mul3A_498 = arith.constant 16 : i32
      %mul3A_499 = arith.muli %scan3A_497, %mul3A_498 : i32
      %add3A_500 = vector.broadcast %mul3A_499 : i32 to vector<16xi32>
      %add3A_501 = arith.addi %add3A_500, %iota3A : vector<16xi32>
      %add3A_502 = arith.constant 3 : i32
      %add3A_503 = arith.addi %add3A_93, %add3A_502 : i32
      %sub3A_504 = vector.broadcast %add3A_503 : i32 to vector<16xi32>
      %sub3A_505 = arith.subi %sub3A_504, %add3A_501 : vector<16xi32>
      %add3A_506 = arith.addi %sub3A_505, %get3A_33 : vector<16xi32>
      %jit3A_507 = arith.constant -127 : i32
      %jit3A_508 = arith.constant 127 : i32
      %max3A = vector.broadcast %jit3A_507 : i32 to vector<16xi32>
      %max3A_509 = arith.maxsi %max3A, %add3A_506 : vector<16xi32>
      %min3A = vector.broadcast %jit3A_508 : i32 to vector<16xi32>
      %min3A_510 = arith.minsi %min3A, %max3A_509 : vector<16xi32>
      %add3A_511 = arith.constant 127 : i32
      %add3A_512 = vector.broadcast %add3A_511 : i32 to vector<16xi32>
      %add3A_513 = arith.addi %min3A_510, %add3A_512 : vector<16xi32>
      %gather3A = tpu.vector_load_idx %arg5[%add3A_513] : memref<256xf32, #tpu.memory_space<vmem>>[vector<16xi32>], vector<16xf32>,
      %mul3A_514 = arith.constant 16 : i32
      %mul3A_515 = arith.muli %scan3A_497, %mul3A_514 : i32
      %swap3A = arith.constant 3 : i32
      %swap3A_516 = arith.index_cast %swap3A : i32 to index
      %swap3A_517 = arith.index_cast %mul3A_515 : i32 to index
      %swap3A_518 = tpu.vector_load %arg8[%swap3A_516, %swap3A_517] {strides = array<i32>} : memref<8x3968xf32, #tpu.memory_space<vmem>>, vector<16xf32>,
      tpu.vector_store %arg8[%swap3A_516, %swap3A_517], %gather3A {strides = array<i32>} : memref<8x3968xf32, #tpu.memory_space<vmem>>, vector<16xf32>,
    }
    %scan3A_113 = arith.constant 248 : i32
    %scan3A_114 = arith.constant 0 : i32
    %scan3A_115 = arith.constant 248 : i32
    %scan3A_116 = arith.addi %scan3A_114, %scan3A_115 : i32
    %scan3A_117 = arith.constant 1 : i32
    scf.for %scan3A_497 = %scan3A_114 to %scan3A_116 step %scan3A_117  : i32 {
      %mul3A_498 = arith.constant 16 : i32
      %mul3A_499 = arith.muli %scan3A_497, %mul3A_498 : i32
      %add3A_500 = vector.broadcast %mul3A_499 : i32 to vector<16xi32>
      %add3A_501 = arith.addi %add3A_500, %iota3A : vector<16xi32>
      %add3A_502 = arith.constant 4 : i32
      %add3A_503 = arith.addi %add3A_93, %add3A_502 : i32
      %sub3A_504 = vector.broadcast %add3A_503 : i32 to vector<16xi32>
      %sub3A_505 = arith.subi %sub3A_504, %add3A_501 : vector<16xi32>
      %add3A_506 = arith.addi %sub3A_505, %get3A_33 : vector<16xi32>
      %jit3A_507 = arith.constant -127 : i32
      %jit3A_508 = arith.constant 127 : i32
      %max3A = vector.broadcast %jit3A_507 : i32 to vector<16xi32>
      %max3A_509 = arith.maxsi %max3A, %add3A_506 : vector<16xi32>
      %min3A = vector.broadcast %jit3A_508 : i32 to vector<16xi32>
      %min3A_510 = arith.minsi %min3A, %max3A_509 : vector<16xi32>
      %add3A_511 = arith.constant 127 : i32
      %add3A_512 = vector.broadcast %add3A_511 : i32 to vector<16xi32>
      %add3A_513 = arith.addi %min3A_510, %add3A_512 : vector<16xi32>
      %gather3A = tpu.vector_load_idx %arg5[%add3A_513] : memref<256xf32, #tpu.memory_space<vmem>>[vector<16xi32>], vector<16xf32>,
      %mul3A_514 = arith.constant 16 : i32
      %mul3A_515 = arith.muli %scan3A_497, %mul3A_514 : i32
      %swap3A = arith.constant 4 : i32
      %swap3A_516 = arith.index_cast %swap3A : i32 to index
      %swap3A_517 = arith.index_cast %mul3A_515 : i32 to index
      %swap3A_518 = tpu.vector_load %arg8[%swap3A_516, %swap3A_517] {strides = array<i32>} : memref<8x3968xf32, #tpu.memory_space<vmem>>, vector<16xf32>,
      tpu.vector_store %arg8[%swap3A_516, %swap3A_517], %gather3A {strides = array<i32>} : memref<8x3968xf32, #tpu.memory_space<vmem>>, vector<16xf32>,
    }
    %scan3A_118 = arith.constant 248 : i32
    %scan3A_119 = arith.constant 0 : i32
    %scan3A_120 = arith.constant 248 : i32
    %scan3A_121 = arith.addi %scan3A_119, %scan3A_120 : i32
    %scan3A_122 = arith.constant 1 : i32
    scf.for %scan3A_497 = %scan3A_119 to %scan3A_121 step %scan3A_122  : i32 {
      %mul3A_498 = arith.constant 16 : i32
      %mul3A_499 = arith.muli %scan3A_497, %mul3A_498 : i32
      %add3A_500 = vector.broadcast %mul3A_499 : i32 to vector<16xi32>
      %add3A_501 = arith.addi %add3A_500, %iota3A : vector<16xi32>
      %add3A_502 = arith.constant 5 : i32
      %add3A_503 = arith.addi %add3A_93, %add3A_502 : i32
      %sub3A_504 = vector.broadcast %add3A_503 : i32 to vector<16xi32>
      %sub3A_505 = arith.subi %sub3A_504, %add3A_501 : vector<16xi32>
      %add3A_506 = arith.addi %sub3A_505, %get3A_33 : vector<16xi32>
      %jit3A_507 = arith.constant -127 : i32
      %jit3A_508 = arith.constant 127 : i32
      %max3A = vector.broadcast %jit3A_507 : i32 to vector<16xi32>
      %max3A_509 = arith.maxsi %max3A, %add3A_506 : vector<16xi32>
      %min3A = vector.broadcast %jit3A_508 : i32 to vector<16xi32>
      %min3A_510 = arith.minsi %min3A, %max3A_509 : vector<16xi32>
      %add3A_511 = arith.constant 127 : i32
      %add3A_512 = vector.broadcast %add3A_511 : i32 to vector<16xi32>
      %add3A_513 = arith.addi %min3A_510, %add3A_512 : vector<16xi32>
      %gather3A = tpu.vector_load_idx %arg5[%add3A_513] : memref<256xf32, #tpu.memory_space<vmem>>[vector<16xi32>], vector<16xf32>,
      %mul3A_514 = arith.constant 16 : i32
      %mul3A_515 = arith.muli %scan3A_497, %mul3A_514 : i32
      %swap3A = arith.constant 5 : i32
      %swap3A_516 = arith.index_cast %swap3A : i32 to index
      %swap3A_517 = arith.index_cast %mul3A_515 : i32 to index
      %swap3A_518 = tpu.vector_load %arg8[%swap3A_516, %swap3A_517] {strides = array<i32>} : memref<8x3968xf32, #tpu.memory_space<vmem>>, vector<16xf32>,
      tpu.vector_store %arg8[%swap3A_516, %swap3A_517], %gather3A {strides = array<i32>} : memref<8x3968xf32, #tpu.memory_space<vmem>>, vector<16xf32>,
    }
    %scan3A_123 = arith.constant 248 : i32
    %scan3A_124 = arith.constant 0 : i32
    %scan3A_125 = arith.constant 248 : i32
    %scan3A_126 = arith.addi %scan3A_124, %scan3A_125 : i32
    %scan3A_127 = arith.constant 1 : i32
    scf.for %scan3A_497 = %scan3A_124 to %scan3A_126 step %scan3A_127  : i32 {
      %mul3A_498 = arith.constant 16 : i32
      %mul3A_499 = arith.muli %scan3A_497, %mul3A_498 : i32
      %add3A_500 = vector.broadcast %mul3A_499 : i32 to vector<16xi32>
      %add3A_501 = arith.addi %add3A_500, %iota3A : vector<16xi32>
      %add3A_502 = arith.constant 6 : i32
      %add3A_503 = arith.addi %add3A_93, %add3A_502 : i32
      %sub3A_504 = vector.broadcast %add3A_503 : i32 to vector<16xi32>
      %sub3A_505 = arith.subi %sub3A_504, %add3A_501 : vector<16xi32>
      %add3A_506 = arith.addi %sub3A_505, %get3A_33 : vector<16xi32>
      %jit3A_507 = arith.constant -127 : i32
      %jit3A_508 = arith.constant 127 : i32
      %max3A = vector.broadcast %jit3A_507 : i32 to vector<16xi32>
      %max3A_509 = arith.maxsi %max3A, %add3A_506 : vector<16xi32>
      %min3A = vector.broadcast %jit3A_508 : i32 to vector<16xi32>
      %min3A_510 = arith.minsi %min3A, %max3A_509 : vector<16xi32>
      %add3A_511 = arith.constant 127 : i32
      %add3A_512 = vector.broadcast %add3A_511 : i32 to vector<16xi32>
      %add3A_513 = arith.addi %min3A_510, %add3A_512 : vector<16xi32>
      %gather3A = tpu.vector_load_idx %arg5[%add3A_513] : memref<256xf32, #tpu.memory_space<vmem>>[vector<16xi32>], vector<16xf32>,
      %mul3A_514 = arith.constant 16 : i32
      %mul3A_515 = arith.muli %scan3A_497, %mul3A_514 : i32
      %swap3A = arith.constant 6 : i32
      %swap3A_516 = arith.index_cast %swap3A : i32 to index
      %swap3A_517 = arith.index_cast %mul3A_515 : i32 to index
      %swap3A_518 = tpu.vector_load %arg8[%swap3A_516, %swap3A_517] {strides = array<i32>} : memref<8x3968xf32, #tpu.memory_space<vmem>>, vector<16xf32>,
      tpu.vector_store %arg8[%swap3A_516, %swap3A_517], %gather3A {strides = array<i32>} : memref<8x3968xf32, #tpu.memory_space<vmem>>, vector<16xf32>,
    }
    %scan3A_128 = arith.constant 248 : i32
    %scan3A_129 = arith.constant 0 : i32
    %scan3A_130 = arith.constant 248 : i32
    %scan3A_131 = arith.addi %scan3A_129, %scan3A_130 : i32
    %scan3A_132 = arith.constant 1 : i32
    scf.for %scan3A_497 = %scan3A_129 to %scan3A_131 step %scan3A_132  : i32 {
      %mul3A_498 = arith.constant 16 : i32
      %mul3A_499 = arith.muli %scan3A_497, %mul3A_498 : i32
      %add3A_500 = vector.broadcast %mul3A_499 : i32 to vector<16xi32>
      %add3A_501 = arith.addi %add3A_500, %iota3A : vector<16xi32>
      %add3A_502 = arith.constant 7 : i32
      %add3A_503 = arith.addi %add3A_93, %add3A_502 : i32
      %sub3A_504 = vector.broadcast %add3A_503 : i32 to vector<16xi32>
      %sub3A_505 = arith.subi %sub3A_504, %add3A_501 : vector<16xi32>
      %add3A_506 = arith.addi %sub3A_505, %get3A_33 : vector<16xi32>
      %jit3A_507 = arith.constant -127 : i32
      %jit3A_508 = arith.constant 127 : i32
      %max3A = vector.broadcast %jit3A_507 : i32 to vector<16xi32>
      %max3A_509 = arith.maxsi %max3A, %add3A_506 : vector<16xi32>
      %min3A = vector.broadcast %jit3A_508 : i32 to vector<16xi32>
      %min3A_510 = arith.minsi %min3A, %max3A_509 : vector<16xi32>
      %add3A_511 = arith.constant 127 : i32
      %add3A_512 = vector.broadcast %add3A_511 : i32 to vector<16xi32>
      %add3A_513 = arith.addi %min3A_510, %add3A_512 : vector<16xi32>
      %gather3A = tpu.vector_load_idx %arg5[%add3A_513] : memref<256xf32, #tpu.memory_space<vmem>>[vector<16xi32>], vector<16xf32>,
      %mul3A_514 = arith.constant 16 : i32
      %mul3A_515 = arith.muli %scan3A_497, %mul3A_514 : i32
      %swap3A = arith.constant 7 : i32
      %swap3A_516 = arith.index_cast %swap3A : i32 to index
      %swap3A_517 = arith.index_cast %mul3A_515 : i32 to index
      %swap3A_518 = tpu.vector_load %arg8[%swap3A_516, %swap3A_517] {strides = array<i32>} : memref<8x3968xf32, #tpu.memory_space<vmem>>, vector<16xf32>,
      tpu.vector_store %arg8[%swap3A_516, %swap3A_517], %gather3A {strides = array<i32>} : memref<8x3968xf32, #tpu.memory_space<vmem>>, vector<16xf32>,
    }
    %scan3A_133 = arith.constant 248 : i32
    %scan3A_134 = arith.constant 0 : i32
    %scan3A_135 = arith.constant 16 : i32
    %scan3A_136 = arith.addi %scan3A_134, %scan3A_135 : i32
    %scan3A_137 = arith.constant 1 : i32
    scf.for %scan3A_497 = %scan3A_134 to %scan3A_136 step %scan3A_137  : i32 {
      %mul3A_498 = arith.constant 16 : i32
      %mul3A_499 = arith.muli %mul3A_498, %scan3A_497 : i32
      %add3A_500 = arith.addi %add3A_89, %mul3A_499 : i32
      %mul3A_501 = arith.constant 8 : i32
      %mul3A_502 = arith.muli %mul3A_501, %add3A_500 : i32
      %sub3A_503 = arith.constant 15 : i32
      %sub3A_504 = arith.subi %sub3A_503, %scan3A_497 : i32
      %mul3A_505 = arith.constant 128 : i32
      %mul3A_506 = arith.muli %mul3A_505, %sub3A_504 : i32
      %dma_start3A = arith.constant 0 : i32
      %dma_start3A_507 = tpu.memref_slice %arg8[%dma_start3A, %mul3A_506] : memref<8x3968xf32, #tpu.memory_space<vmem>> -> memref<8x2048xf32, #tpu.memory_space<vmem>>
      %dma_start3A_508 = arith.constant 0 : i32
      %dma_start3A_509 = tpu.memref_slice %arg4[%select_n3A, %mul3A_502, %dma_start3A_508] : memref<16x2048x2048xf32, #tpu.memory_space<hbm>> -> memref<1x8x2048xf32, #tpu.memory_space<hbm>>
      %dma_start3A_510 = tpu.memref_squeeze %dma_start3A_509 : memref<1x8x2048xf32, #tpu.memory_space<hbm>> -> memref<8x2048xf32, #tpu.memory_space<hbm>>
      %dma_start3A_511 = arith.constant 0 : i32
      %dma_start3A_512 = tpu.memref_slice %arg4[%select_n3A, %mul3A_502, %dma_start3A_511] : memref<16x2048x2048xf32, #tpu.memory_space<hbm>> -> memref<1x8x2048xf32, #tpu.memory_space<hbm>>
      %dma_start3A_513 = tpu.memref_squeeze %dma_start3A_512 : memref<1x8x2048xf32, #tpu.memory_space<hbm>> -> memref<8x2048xf32, #tpu.memory_space<hbm>>
      %dma_start3A_514 = arith.constant 0 : i32
      %dma_start3A_515 = tpu.memref_slice %arg8[%dma_start3A_514, %mul3A_506] : memref<8x3968xf32, #tpu.memory_space<vmem>> -> memref<8x2048xf32, #tpu.memory_space<vmem>>
      tpu.enqueue_dma source(%dma_start3A_515 : memref<8x2048xf32, #tpu.memory_space<vmem>>) target(%dma_start3A_513 : memref<8x2048xf32, #tpu.memory_space<hbm>>) target_semaphore(%arg10 : memref<!tpu.dma_semaphore, #tpu.memory_space<semaphore_mem>>)
    }
    %scan3A_138 = arith.constant 16 : i32
    %scan3A_139 = arith.constant 0 : i32
    %scan3A_140 = arith.constant 16 : i32
    %scan3A_141 = arith.addi %scan3A_139, %scan3A_140 : i32
    %scan3A_142 = arith.constant 1 : i32
    scf.for %scan3A_497 = %scan3A_139 to %scan3A_141 step %scan3A_142  : i32 {
      %dma_wait3A = arith.constant 0 : i32
      %dma_wait3A_498 = arith.constant 0 : i32
      %dma_wait3A_499 = tpu.memref_slice %arg7[%dma_wait3A, %dma_wait3A_498] : memref<8x3968xf32, #tpu.memory_space<vmem>> -> memref<8x2048xf32, #tpu.memory_space<vmem>>
      %dma_wait3A_500 = arith.constant 0 : i32
      %dma_wait3A_501 = arith.constant 0 : i32
      %dma_wait3A_502 = tpu.memref_slice %arg4[%select_n3A, %dma_wait3A_500, %dma_wait3A_501] : memref<16x2048x2048xf32, #tpu.memory_space<hbm>> -> memref<1x8x2048xf32, #tpu.memory_space<hbm>>
      %dma_wait3A_503 = tpu.memref_squeeze %dma_wait3A_502 : memref<1x8x2048xf32, #tpu.memory_space<hbm>> -> memref<8x2048xf32, #tpu.memory_space<hbm>>
      %dma_wait3A_504 = arith.constant 0 : i32
      %dma_wait3A_505 = arith.constant 0 : i32
      %dma_wait3A_506 = tpu.memref_slice %arg4[%select_n3A, %dma_wait3A_504, %dma_wait3A_505] : memref<16x2048x2048xf32, #tpu.memory_space<hbm>> -> memref<1x8x2048xf32, #tpu.memory_space<hbm>>
      %dma_wait3A_507 = tpu.memref_squeeze %dma_wait3A_506 : memref<1x8x2048xf32, #tpu.memory_space<hbm>> -> memref<8x2048xf32, #tpu.memory_space<hbm>>
      %dma_wait3A_508 = arith.constant 0 : i32
      %dma_wait3A_509 = arith.constant 0 : i32
      %dma_wait3A_510 = tpu.memref_slice %arg7[%dma_wait3A_508, %dma_wait3A_509] : memref<8x3968xf32, #tpu.memory_space<vmem>> -> memref<8x2048xf32, #tpu.memory_space<vmem>>
      tpu.wait_dma2 semaphore(%arg9 : memref<!tpu.dma_semaphore, #tpu.memory_space<semaphore_mem>>) src(%dma_wait3A_510 : memref<8x2048xf32, #tpu.memory_space<vmem>>) dst(%dma_wait3A_507 : memref<8x2048xf32, #tpu.memory_space<hbm>>)
    }
    %scan3A_143 = arith.constant 16 : i32
    %mul3A_144 = arith.constant 8 : i32
    %mul3A_145 = arith.muli %select_n3A_30, %mul3A_144 : i32
    %add3A_146 = arith.constant 2 : i32
    %add3A_147 = arith.addi %mul3A_145, %add3A_146 : i32
    %mul3A_148 = arith.constant 8 : i32
    %mul3A_149 = arith.muli %mul3A_148, %add3A_147 : i32
    %add3A_150 = arith.constant 1920 : i32
    %add3A_151 = arith.addi %add3A_150, %mul3A_149 : i32
    %scan3A_152 = arith.constant 0 : i32
    %scan3A_153 = arith.constant 248 : i32
    %scan3A_154 = arith.addi %scan3A_152, %scan3A_153 : i32
    %scan3A_155 = arith.constant 1 : i32
    scf.for %scan3A_497 = %scan3A_152 to %scan3A_154 step %scan3A_155  : i32 {
      %mul3A_498 = arith.constant 16 : i32
      %mul3A_499 = arith.muli %scan3A_497, %mul3A_498 : i32
      %add3A_500 = vector.broadcast %mul3A_499 : i32 to vector<16xi32>
      %add3A_501 = arith.addi %add3A_500, %iota3A : vector<16xi32>
      %add3A_502 = arith.constant 0 : i32
      %add3A_503 = arith.addi %add3A_151, %add3A_502 : i32
      %sub3A_504 = vector.broadcast %add3A_503 : i32 to vector<16xi32>
      %sub3A_505 = arith.subi %sub3A_504, %add3A_501 : vector<16xi32>
      %add3A_506 = arith.addi %sub3A_505, %get3A_33 : vector<16xi32>
      %jit3A_507 = arith.constant -127 : i32
      %jit3A_508 = arith.constant 127 : i32
      %max3A = vector.broadcast %jit3A_507 : i32 to vector<16xi32>
      %max3A_509 = arith.maxsi %max3A, %add3A_506 : vector<16xi32>
      %min3A = vector.broadcast %jit3A_508 : i32 to vector<16xi32>
      %min3A_510 = arith.minsi %min3A, %max3A_509 : vector<16xi32>
      %add3A_511 = arith.constant 127 : i32
      %add3A_512 = vector.broadcast %add3A_511 : i32 to vector<16xi32>
      %add3A_513 = arith.addi %min3A_510, %add3A_512 : vector<16xi32>
      %gather3A = tpu.vector_load_idx %arg5[%add3A_513] : memref<256xf32, #tpu.memory_space<vmem>>[vector<16xi32>], vector<16xf32>,
      %mul3A_514 = arith.constant 16 : i32
      %mul3A_515 = arith.muli %scan3A_497, %mul3A_514 : i32
      %swap3A = arith.constant 0 : i32
      %swap3A_516 = arith.index_cast %swap3A : i32 to index
      %swap3A_517 = arith.index_cast %mul3A_515 : i32 to index
      %swap3A_518 = tpu.vector_load %arg7[%swap3A_516, %swap3A_517] {strides = array<i32>} : memref<8x3968xf32, #tpu.memory_space<vmem>>, vector<16xf32>,
      tpu.vector_store %arg7[%swap3A_516, %swap3A_517], %gather3A {strides = array<i32>} : memref<8x3968xf32, #tpu.memory_space<vmem>>, vector<16xf32>,
    }
    %scan3A_156 = arith.constant 248 : i32
    %scan3A_157 = arith.constant 0 : i32
    %scan3A_158 = arith.constant 248 : i32
    %scan3A_159 = arith.addi %scan3A_157, %scan3A_158 : i32
    %scan3A_160 = arith.constant 1 : i32
    scf.for %scan3A_497 = %scan3A_157 to %scan3A_159 step %scan3A_160  : i32 {
      %mul3A_498 = arith.constant 16 : i32
      %mul3A_499 = arith.muli %scan3A_497, %mul3A_498 : i32
      %add3A_500 = vector.broadcast %mul3A_499 : i32 to vector<16xi32>
      %add3A_501 = arith.addi %add3A_500, %iota3A : vector<16xi32>
      %add3A_502 = arith.constant 1 : i32
      %add3A_503 = arith.addi %add3A_151, %add3A_502 : i32
      %sub3A_504 = vector.broadcast %add3A_503 : i32 to vector<16xi32>
      %sub3A_505 = arith.subi %sub3A_504, %add3A_501 : vector<16xi32>
      %add3A_506 = arith.addi %sub3A_505, %get3A_33 : vector<16xi32>
      %jit3A_507 = arith.constant -127 : i32
      %jit3A_508 = arith.constant 127 : i32
      %max3A = vector.broadcast %jit3A_507 : i32 to vector<16xi32>
      %max3A_509 = arith.maxsi %max3A, %add3A_506 : vector<16xi32>
      %min3A = vector.broadcast %jit3A_508 : i32 to vector<16xi32>
      %min3A_510 = arith.minsi %min3A, %max3A_509 : vector<16xi32>
      %add3A_511 = arith.constant 127 : i32
      %add3A_512 = vector.broadcast %add3A_511 : i32 to vector<16xi32>
      %add3A_513 = arith.addi %min3A_510, %add3A_512 : vector<16xi32>
      %gather3A = tpu.vector_load_idx %arg5[%add3A_513] : memref<256xf32, #tpu.memory_space<vmem>>[vector<16xi32>], vector<16xf32>,
      %mul3A_514 = arith.constant 16 : i32
      %mul3A_515 = arith.muli %scan3A_497, %mul3A_514 : i32
      %swap3A = arith.constant 1 : i32
      %swap3A_516 = arith.index_cast %swap3A : i32 to index
      %swap3A_517 = arith.index_cast %mul3A_515 : i32 to index
      %swap3A_518 = tpu.vector_load %arg7[%swap3A_516, %swap3A_517] {strides = array<i32>} : memref<8x3968xf32, #tpu.memory_space<vmem>>, vector<16xf32>,
      tpu.vector_store %arg7[%swap3A_516, %swap3A_517], %gather3A {strides = array<i32>} : memref<8x3968xf32, #tpu.memory_space<vmem>>, vector<16xf32>,
    }
    %scan3A_161 = arith.constant 248 : i32
    %scan3A_162 = arith.constant 0 : i32
    %scan3A_163 = arith.constant 248 : i32
    %scan3A_164 = arith.addi %scan3A_162, %scan3A_163 : i32
    %scan3A_165 = arith.constant 1 : i32
    scf.for %scan3A_497 = %scan3A_162 to %scan3A_164 step %scan3A_165  : i32 {
      %mul3A_498 = arith.constant 16 : i32
      %mul3A_499 = arith.muli %scan3A_497, %mul3A_498 : i32
      %add3A_500 = vector.broadcast %mul3A_499 : i32 to vector<16xi32>
      %add3A_501 = arith.addi %add3A_500, %iota3A : vector<16xi32>
      %add3A_502 = arith.constant 2 : i32
      %add3A_503 = arith.addi %add3A_151, %add3A_502 : i32
      %sub3A_504 = vector.broadcast %add3A_503 : i32 to vector<16xi32>
      %sub3A_505 = arith.subi %sub3A_504, %add3A_501 : vector<16xi32>
      %add3A_506 = arith.addi %sub3A_505, %get3A_33 : vector<16xi32>
      %jit3A_507 = arith.constant -127 : i32
      %jit3A_508 = arith.constant 127 : i32
      %max3A = vector.broadcast %jit3A_507 : i32 to vector<16xi32>
      %max3A_509 = arith.maxsi %max3A, %add3A_506 : vector<16xi32>
      %min3A = vector.broadcast %jit3A_508 : i32 to vector<16xi32>
      %min3A_510 = arith.minsi %min3A, %max3A_509 : vector<16xi32>
      %add3A_511 = arith.constant 127 : i32
      %add3A_512 = vector.broadcast %add3A_511 : i32 to vector<16xi32>
      %add3A_513 = arith.addi %min3A_510, %add3A_512 : vector<16xi32>
      %gather3A = tpu.vector_load_idx %arg5[%add3A_513] : memref<256xf32, #tpu.memory_space<vmem>>[vector<16xi32>], vector<16xf32>,
      %mul3A_514 = arith.constant 16 : i32
      %mul3A_515 = arith.muli %scan3A_497, %mul3A_514 : i32
      %swap3A = arith.constant 2 : i32
      %swap3A_516 = arith.index_cast %swap3A : i32 to index
      %swap3A_517 = arith.index_cast %mul3A_515 : i32 to index
      %swap3A_518 = tpu.vector_load %arg7[%swap3A_516, %swap3A_517] {strides = array<i32>} : memref<8x3968xf32, #tpu.memory_space<vmem>>, vector<16xf32>,
      tpu.vector_store %arg7[%swap3A_516, %swap3A_517], %gather3A {strides = array<i32>} : memref<8x3968xf32, #tpu.memory_space<vmem>>, vector<16xf32>,
    }
    %scan3A_166 = arith.constant 248 : i32
    %scan3A_167 = arith.constant 0 : i32
    %scan3A_168 = arith.constant 248 : i32
    %scan3A_169 = arith.addi %scan3A_167, %scan3A_168 : i32
    %scan3A_170 = arith.constant 1 : i32
    scf.for %scan3A_497 = %scan3A_167 to %scan3A_169 step %scan3A_170  : i32 {
      %mul3A_498 = arith.constant 16 : i32
      %mul3A_499 = arith.muli %scan3A_497, %mul3A_498 : i32
      %add3A_500 = vector.broadcast %mul3A_499 : i32 to vector<16xi32>
      %add3A_501 = arith.addi %add3A_500, %iota3A : vector<16xi32>
      %add3A_502 = arith.constant 3 : i32
      %add3A_503 = arith.addi %add3A_151, %add3A_502 : i32
      %sub3A_504 = vector.broadcast %add3A_503 : i32 to vector<16xi32>
      %sub3A_505 = arith.subi %sub3A_504, %add3A_501 : vector<16xi32>
      %add3A_506 = arith.addi %sub3A_505, %get3A_33 : vector<16xi32>
      %jit3A_507 = arith.constant -127 : i32
      %jit3A_508 = arith.constant 127 : i32
      %max3A = vector.broadcast %jit3A_507 : i32 to vector<16xi32>
      %max3A_509 = arith.maxsi %max3A, %add3A_506 : vector<16xi32>
      %min3A = vector.broadcast %jit3A_508 : i32 to vector<16xi32>
      %min3A_510 = arith.minsi %min3A, %max3A_509 : vector<16xi32>
      %add3A_511 = arith.constant 127 : i32
      %add3A_512 = vector.broadcast %add3A_511 : i32 to vector<16xi32>
      %add3A_513 = arith.addi %min3A_510, %add3A_512 : vector<16xi32>
      %gather3A = tpu.vector_load_idx %arg5[%add3A_513] : memref<256xf32, #tpu.memory_space<vmem>>[vector<16xi32>], vector<16xf32>,
      %mul3A_514 = arith.constant 16 : i32
      %mul3A_515 = arith.muli %scan3A_497, %mul3A_514 : i32
      %swap3A = arith.constant 3 : i32
      %swap3A_516 = arith.index_cast %swap3A : i32 to index
      %swap3A_517 = arith.index_cast %mul3A_515 : i32 to index
      %swap3A_518 = tpu.vector_load %arg7[%swap3A_516, %swap3A_517] {strides = array<i32>} : memref<8x3968xf32, #tpu.memory_space<vmem>>, vector<16xf32>,
      tpu.vector_store %arg7[%swap3A_516, %swap3A_517], %gather3A {strides = array<i32>} : memref<8x3968xf32, #tpu.memory_space<vmem>>, vector<16xf32>,
    }
    %scan3A_171 = arith.constant 248 : i32
    %scan3A_172 = arith.constant 0 : i32
    %scan3A_173 = arith.constant 248 : i32
    %scan3A_174 = arith.addi %scan3A_172, %scan3A_173 : i32
    %scan3A_175 = arith.constant 1 : i32
    scf.for %scan3A_497 = %scan3A_172 to %scan3A_174 step %scan3A_175  : i32 {
      %mul3A_498 = arith.constant 16 : i32
      %mul3A_499 = arith.muli %scan3A_497, %mul3A_498 : i32
      %add3A_500 = vector.broadcast %mul3A_499 : i32 to vector<16xi32>
      %add3A_501 = arith.addi %add3A_500, %iota3A : vector<16xi32>
      %add3A_502 = arith.constant 4 : i32
      %add3A_503 = arith.addi %add3A_151, %add3A_502 : i32
      %sub3A_504 = vector.broadcast %add3A_503 : i32 to vector<16xi32>
      %sub3A_505 = arith.subi %sub3A_504, %add3A_501 : vector<16xi32>
      %add3A_506 = arith.addi %sub3A_505, %get3A_33 : vector<16xi32>
      %jit3A_507 = arith.constant -127 : i32
      %jit3A_508 = arith.constant 127 : i32
      %max3A = vector.broadcast %jit3A_507 : i32 to vector<16xi32>
      %max3A_509 = arith.maxsi %max3A, %add3A_506 : vector<16xi32>
      %min3A = vector.broadcast %jit3A_508 : i32 to vector<16xi32>
      %min3A_510 = arith.minsi %min3A, %max3A_509 : vector<16xi32>
      %add3A_511 = arith.constant 127 : i32
      %add3A_512 = vector.broadcast %add3A_511 : i32 to vector<16xi32>
      %add3A_513 = arith.addi %min3A_510, %add3A_512 : vector<16xi32>
      %gather3A = tpu.vector_load_idx %arg5[%add3A_513] : memref<256xf32, #tpu.memory_space<vmem>>[vector<16xi32>], vector<16xf32>,
      %mul3A_514 = arith.constant 16 : i32
      %mul3A_515 = arith.muli %scan3A_497, %mul3A_514 : i32
      %swap3A = arith.constant 4 : i32
      %swap3A_516 = arith.index_cast %swap3A : i32 to index
      %swap3A_517 = arith.index_cast %mul3A_515 : i32 to index
      %swap3A_518 = tpu.vector_load %arg7[%swap3A_516, %swap3A_517] {strides = array<i32>} : memref<8x3968xf32, #tpu.memory_space<vmem>>, vector<16xf32>,
      tpu.vector_store %arg7[%swap3A_516, %swap3A_517], %gather3A {strides = array<i32>} : memref<8x3968xf32, #tpu.memory_space<vmem>>, vector<16xf32>,
    }
    %scan3A_176 = arith.constant 248 : i32
    %scan3A_177 = arith.constant 0 : i32
    %scan3A_178 = arith.constant 248 : i32
    %scan3A_179 = arith.addi %scan3A_177, %scan3A_178 : i32
    %scan3A_180 = arith.constant 1 : i32
    scf.for %scan3A_497 = %scan3A_177 to %scan3A_179 step %scan3A_180  : i32 {
      %mul3A_498 = arith.constant 16 : i32
      %mul3A_499 = arith.muli %scan3A_497, %mul3A_498 : i32
      %add3A_500 = vector.broadcast %mul3A_499 : i32 to vector<16xi32>
      %add3A_501 = arith.addi %add3A_500, %iota3A : vector<16xi32>
      %add3A_502 = arith.constant 5 : i32
      %add3A_503 = arith.addi %add3A_151, %add3A_502 : i32
      %sub3A_504 = vector.broadcast %add3A_503 : i32 to vector<16xi32>
      %sub3A_505 = arith.subi %sub3A_504, %add3A_501 : vector<16xi32>
      %add3A_506 = arith.addi %sub3A_505, %get3A_33 : vector<16xi32>
      %jit3A_507 = arith.constant -127 : i32
      %jit3A_508 = arith.constant 127 : i32
      %max3A = vector.broadcast %jit3A_507 : i32 to vector<16xi32>
      %max3A_509 = arith.maxsi %max3A, %add3A_506 : vector<16xi32>
      %min3A = vector.broadcast %jit3A_508 : i32 to vector<16xi32>
      %min3A_510 = arith.minsi %min3A, %max3A_509 : vector<16xi32>
      %add3A_511 = arith.constant 127 : i32
      %add3A_512 = vector.broadcast %add3A_511 : i32 to vector<16xi32>
      %add3A_513 = arith.addi %min3A_510, %add3A_512 : vector<16xi32>
      %gather3A = tpu.vector_load_idx %arg5[%add3A_513] : memref<256xf32, #tpu.memory_space<vmem>>[vector<16xi32>], vector<16xf32>,
      %mul3A_514 = arith.constant 16 : i32
      %mul3A_515 = arith.muli %scan3A_497, %mul3A_514 : i32
      %swap3A = arith.constant 5 : i32
      %swap3A_516 = arith.index_cast %swap3A : i32 to index
      %swap3A_517 = arith.index_cast %mul3A_515 : i32 to index
      %swap3A_518 = tpu.vector_load %arg7[%swap3A_516, %swap3A_517] {strides = array<i32>} : memref<8x3968xf32, #tpu.memory_space<vmem>>, vector<16xf32>,
      tpu.vector_store %arg7[%swap3A_516, %swap3A_517], %gather3A {strides = array<i32>} : memref<8x3968xf32, #tpu.memory_space<vmem>>, vector<16xf32>,
    }
    %scan3A_181 = arith.constant 248 : i32
    %scan3A_182 = arith.constant 0 : i32
    %scan3A_183 = arith.constant 248 : i32
    %scan3A_184 = arith.addi %scan3A_182, %scan3A_183 : i32
    %scan3A_185 = arith.constant 1 : i32
    scf.for %scan3A_497 = %scan3A_182 to %scan3A_184 step %scan3A_185  : i32 {
      %mul3A_498 = arith.constant 16 : i32
      %mul3A_499 = arith.muli %scan3A_497, %mul3A_498 : i32
      %add3A_500 = vector.broadcast %mul3A_499 : i32 to vector<16xi32>
      %add3A_501 = arith.addi %add3A_500, %iota3A : vector<16xi32>
      %add3A_502 = arith.constant 6 : i32
      %add3A_503 = arith.addi %add3A_151, %add3A_502 : i32
      %sub3A_504 = vector.broadcast %add3A_503 : i32 to vector<16xi32>
      %sub3A_505 = arith.subi %sub3A_504, %add3A_501 : vector<16xi32>
      %add3A_506 = arith.addi %sub3A_505, %get3A_33 : vector<16xi32>
      %jit3A_507 = arith.constant -127 : i32
      %jit3A_508 = arith.constant 127 : i32
      %max3A = vector.broadcast %jit3A_507 : i32 to vector<16xi32>
      %max3A_509 = arith.maxsi %max3A, %add3A_506 : vector<16xi32>
      %min3A = vector.broadcast %jit3A_508 : i32 to vector<16xi32>
      %min3A_510 = arith.minsi %min3A, %max3A_509 : vector<16xi32>
      %add3A_511 = arith.constant 127 : i32
      %add3A_512 = vector.broadcast %add3A_511 : i32 to vector<16xi32>
      %add3A_513 = arith.addi %min3A_510, %add3A_512 : vector<16xi32>
      %gather3A = tpu.vector_load_idx %arg5[%add3A_513] : memref<256xf32, #tpu.memory_space<vmem>>[vector<16xi32>], vector<16xf32>,
      %mul3A_514 = arith.constant 16 : i32
      %mul3A_515 = arith.muli %scan3A_497, %mul3A_514 : i32
      %swap3A = arith.constant 6 : i32
      %swap3A_516 = arith.index_cast %swap3A : i32 to index
      %swap3A_517 = arith.index_cast %mul3A_515 : i32 to index
      %swap3A_518 = tpu.vector_load %arg7[%swap3A_516, %swap3A_517] {strides = array<i32>} : memref<8x3968xf32, #tpu.memory_space<vmem>>, vector<16xf32>,
      tpu.vector_store %arg7[%swap3A_516, %swap3A_517], %gather3A {strides = array<i32>} : memref<8x3968xf32, #tpu.memory_space<vmem>>, vector<16xf32>,
    }
    %scan3A_186 = arith.constant 248 : i32
    %scan3A_187 = arith.constant 0 : i32
    %scan3A_188 = arith.constant 248 : i32
    %scan3A_189 = arith.addi %scan3A_187, %scan3A_188 : i32
    %scan3A_190 = arith.constant 1 : i32
    scf.for %scan3A_497 = %scan3A_187 to %scan3A_189 step %scan3A_190  : i32 {
      %mul3A_498 = arith.constant 16 : i32
      %mul3A_499 = arith.muli %scan3A_497, %mul3A_498 : i32
      %add3A_500 = vector.broadcast %mul3A_499 : i32 to vector<16xi32>
      %add3A_501 = arith.addi %add3A_500, %iota3A : vector<16xi32>
      %add3A_502 = arith.constant 7 : i32
      %add3A_503 = arith.addi %add3A_151, %add3A_502 : i32
      %sub3A_504 = vector.broadcast %add3A_503 : i32 to vector<16xi32>
      %sub3A_505 = arith.subi %sub3A_504, %add3A_501 : vector<16xi32>
      %add3A_506 = arith.addi %sub3A_505, %get3A_33 : vector<16xi32>
      %jit3A_507 = arith.constant -127 : i32
      %jit3A_508 = arith.constant 127 : i32
      %max3A = vector.broadcast %jit3A_507 : i32 to vector<16xi32>
      %max3A_509 = arith.maxsi %max3A, %add3A_506 : vector<16xi32>
      %min3A = vector.broadcast %jit3A_508 : i32 to vector<16xi32>
      %min3A_510 = arith.minsi %min3A, %max3A_509 : vector<16xi32>
      %add3A_511 = arith.constant 127 : i32
      %add3A_512 = vector.broadcast %add3A_511 : i32 to vector<16xi32>
      %add3A_513 = arith.addi %min3A_510, %add3A_512 : vector<16xi32>
      %gather3A = tpu.vector_load_idx %arg5[%add3A_513] : memref<256xf32, #tpu.memory_space<vmem>>[vector<16xi32>], vector<16xf32>,
      %mul3A_514 = arith.constant 16 : i32
      %mul3A_515 = arith.muli %scan3A_497, %mul3A_514 : i32
      %swap3A = arith.constant 7 : i32
      %swap3A_516 = arith.index_cast %swap3A : i32 to index
      %swap3A_517 = arith.index_cast %mul3A_515 : i32 to index
      %swap3A_518 = tpu.vector_load %arg7[%swap3A_516, %swap3A_517] {strides = array<i32>} : memref<8x3968xf32, #tpu.memory_space<vmem>>, vector<16xf32>,
      tpu.vector_store %arg7[%swap3A_516, %swap3A_517], %gather3A {strides = array<i32>} : memref<8x3968xf32, #tpu.memory_space<vmem>>, vector<16xf32>,
    }
    %scan3A_191 = arith.constant 248 : i32
    %scan3A_192 = arith.constant 0 : i32
    %scan3A_193 = arith.constant 16 : i32
    %scan3A_194 = arith.addi %scan3A_192, %scan3A_193 : i32
    %scan3A_195 = arith.constant 1 : i32
    scf.for %scan3A_497 = %scan3A_192 to %scan3A_194 step %scan3A_195  : i32 {
      %mul3A_498 = arith.constant 16 : i32
      %mul3A_499 = arith.muli %mul3A_498, %scan3A_497 : i32
      %add3A_500 = arith.addi %add3A_147, %mul3A_499 : i32
      %mul3A_501 = arith.constant 8 : i32
      %mul3A_502 = arith.muli %mul3A_501, %add3A_500 : i32
      %sub3A_503 = arith.constant 15 : i32
      %sub3A_504 = arith.subi %sub3A_503, %scan3A_497 : i32
      %mul3A_505 = arith.constant 128 : i32
      %mul3A_506 = arith.muli %mul3A_505, %sub3A_504 : i32
      %dma_start3A = arith.constant 0 : i32
      %dma_start3A_507 = tpu.memref_slice %arg7[%dma_start3A, %mul3A_506] : memref<8x3968xf32, #tpu.memory_space<vmem>> -> memref<8x2048xf32, #tpu.memory_space<vmem>>
      %dma_start3A_508 = arith.constant 0 : i32
      %dma_start3A_509 = tpu.memref_slice %arg4[%select_n3A, %mul3A_502, %dma_start3A_508] : memref<16x2048x2048xf32, #tpu.memory_space<hbm>> -> memref<1x8x2048xf32, #tpu.memory_space<hbm>>
      %dma_start3A_510 = tpu.memref_squeeze %dma_start3A_509 : memref<1x8x2048xf32, #tpu.memory_space<hbm>> -> memref<8x2048xf32, #tpu.memory_space<hbm>>
      %dma_start3A_511 = arith.constant 0 : i32
      %dma_start3A_512 = tpu.memref_slice %arg4[%select_n3A, %mul3A_502, %dma_start3A_511] : memref<16x2048x2048xf32, #tpu.memory_space<hbm>> -> memref<1x8x2048xf32, #tpu.memory_space<hbm>>
      %dma_start3A_513 = tpu.memref_squeeze %dma_start3A_512 : memref<1x8x2048xf32, #tpu.memory_space<hbm>> -> memref<8x2048xf32, #tpu.memory_space<hbm>>
      %dma_start3A_514 = arith.constant 0 : i32
      %dma_start3A_515 = tpu.memref_slice %arg7[%dma_start3A_514, %mul3A_506] : memref<8x3968xf32, #tpu.memory_space<vmem>> -> memref<8x2048xf32, #tpu.memory_space<vmem>>
      tpu.enqueue_dma source(%dma_start3A_515 : memref<8x2048xf32, #tpu.memory_space<vmem>>) target(%dma_start3A_513 : memref<8x2048xf32, #tpu.memory_space<hbm>>) target_semaphore(%arg9 : memref<!tpu.dma_semaphore, #tpu.memory_space<semaphore_mem>>)
    }
    %scan3A_196 = arith.constant 16 : i32
    %scan3A_197 = arith.constant 0 : i32
    %scan3A_198 = arith.constant 16 : i32
    %scan3A_199 = arith.addi %scan3A_197, %scan3A_198 : i32
    %scan3A_200 = arith.constant 1 : i32
    scf.for %scan3A_497 = %scan3A_197 to %scan3A_199 step %scan3A_200  : i32 {
      %dma_wait3A = arith.constant 0 : i32
      %dma_wait3A_498 = arith.constant 0 : i32
      %dma_wait3A_499 = tpu.memref_slice %arg8[%dma_wait3A, %dma_wait3A_498] : memref<8x3968xf32, #tpu.memory_space<vmem>> -> memref<8x2048xf32, #tpu.memory_space<vmem>>
      %dma_wait3A_500 = arith.constant 0 : i32
      %dma_wait3A_501 = arith.constant 0 : i32
      %dma_wait3A_502 = tpu.memref_slice %arg4[%select_n3A, %dma_wait3A_500, %dma_wait3A_501] : memref<16x2048x2048xf32, #tpu.memory_space<hbm>> -> memref<1x8x2048xf32, #tpu.memory_space<hbm>>
      %dma_wait3A_503 = tpu.memref_squeeze %dma_wait3A_502 : memref<1x8x2048xf32, #tpu.memory_space<hbm>> -> memref<8x2048xf32, #tpu.memory_space<hbm>>
      %dma_wait3A_504 = arith.constant 0 : i32
      %dma_wait3A_505 = arith.constant 0 : i32
      %dma_wait3A_506 = tpu.memref_slice %arg4[%select_n3A, %dma_wait3A_504, %dma_wait3A_505] : memref<16x2048x2048xf32, #tpu.memory_space<hbm>> -> memref<1x8x2048xf32, #tpu.memory_space<hbm>>
      %dma_wait3A_507 = tpu.memref_squeeze %dma_wait3A_506 : memref<1x8x2048xf32, #tpu.memory_space<hbm>> -> memref<8x2048xf32, #tpu.memory_space<hbm>>
      %dma_wait3A_508 = arith.constant 0 : i32
      %dma_wait3A_509 = arith.constant 0 : i32
      %dma_wait3A_510 = tpu.memref_slice %arg8[%dma_wait3A_508, %dma_wait3A_509] : memref<8x3968xf32, #tpu.memory_space<vmem>> -> memref<8x2048xf32, #tpu.memory_space<vmem>>
      tpu.wait_dma2 semaphore(%arg10 : memref<!tpu.dma_semaphore, #tpu.memory_space<semaphore_mem>>) src(%dma_wait3A_510 : memref<8x2048xf32, #tpu.memory_space<vmem>>) dst(%dma_wait3A_507 : memref<8x2048xf32, #tpu.memory_space<hbm>>)
    }
    %scan3A_201 = arith.constant 16 : i32
    %mul3A_202 = arith.constant 8 : i32
    %mul3A_203 = arith.muli %select_n3A_30, %mul3A_202 : i32
    %add3A_204 = arith.constant 3 : i32
    %add3A_205 = arith.addi %mul3A_203, %add3A_204 : i32
    %mul3A_206 = arith.constant 8 : i32
    %mul3A_207 = arith.muli %mul3A_206, %add3A_205 : i32
    %add3A_208 = arith.constant 1920 : i32
    %add3A_209 = arith.addi %add3A_208, %mul3A_207 : i32
    %scan3A_210 = arith.constant 0 : i32
    %scan3A_211 = arith.constant 248 : i32
    %scan3A_212 = arith.addi %scan3A_210, %scan3A_211 : i32
    %scan3A_213 = arith.constant 1 : i32
    scf.for %scan3A_497 = %scan3A_210 to %scan3A_212 step %scan3A_213  : i32 {
      %mul3A_498 = arith.constant 16 : i32
      %mul3A_499 = arith.muli %scan3A_497, %mul3A_498 : i32
      %add3A_500 = vector.broadcast %mul3A_499 : i32 to vector<16xi32>
      %add3A_501 = arith.addi %add3A_500, %iota3A : vector<16xi32>
      %add3A_502 = arith.constant 0 : i32
      %add3A_503 = arith.addi %add3A_209, %add3A_502 : i32
      %sub3A_504 = vector.broadcast %add3A_503 : i32 to vector<16xi32>
      %sub3A_505 = arith.subi %sub3A_504, %add3A_501 : vector<16xi32>
      %add3A_506 = arith.addi %sub3A_505, %get3A_33 : vector<16xi32>
      %jit3A_507 = arith.constant -127 : i32
      %jit3A_508 = arith.constant 127 : i32
      %max3A = vector.broadcast %jit3A_507 : i32 to vector<16xi32>
      %max3A_509 = arith.maxsi %max3A, %add3A_506 : vector<16xi32>
      %min3A = vector.broadcast %jit3A_508 : i32 to vector<16xi32>
      %min3A_510 = arith.minsi %min3A, %max3A_509 : vector<16xi32>
      %add3A_511 = arith.constant 127 : i32
      %add3A_512 = vector.broadcast %add3A_511 : i32 to vector<16xi32>
      %add3A_513 = arith.addi %min3A_510, %add3A_512 : vector<16xi32>
      %gather3A = tpu.vector_load_idx %arg5[%add3A_513] : memref<256xf32, #tpu.memory_space<vmem>>[vector<16xi32>], vector<16xf32>,
      %mul3A_514 = arith.constant 16 : i32
      %mul3A_515 = arith.muli %scan3A_497, %mul3A_514 : i32
      %swap3A = arith.constant 0 : i32
      %swap3A_516 = arith.index_cast %swap3A : i32 to index
      %swap3A_517 = arith.index_cast %mul3A_515 : i32 to index
      %swap3A_518 = tpu.vector_load %arg8[%swap3A_516, %swap3A_517] {strides = array<i32>} : memref<8x3968xf32, #tpu.memory_space<vmem>>, vector<16xf32>,
      tpu.vector_store %arg8[%swap3A_516, %swap3A_517], %gather3A {strides = array<i32>} : memref<8x3968xf32, #tpu.memory_space<vmem>>, vector<16xf32>,
    }
    %scan3A_214 = arith.constant 248 : i32
    %scan3A_215 = arith.constant 0 : i32
    %scan3A_216 = arith.constant 248 : i32
    %scan3A_217 = arith.addi %scan3A_215, %scan3A_216 : i32
    %scan3A_218 = arith.constant 1 : i32
    scf.for %scan3A_497 = %scan3A_215 to %scan3A_217 step %scan3A_218  : i32 {
      %mul3A_498 = arith.constant 16 : i32
      %mul3A_499 = arith.muli %scan3A_497, %mul3A_498 : i32
      %add3A_500 = vector.broadcast %mul3A_499 : i32 to vector<16xi32>
      %add3A_501 = arith.addi %add3A_500, %iota3A : vector<16xi32>
      %add3A_502 = arith.constant 1 : i32
      %add3A_503 = arith.addi %add3A_209, %add3A_502 : i32
      %sub3A_504 = vector.broadcast %add3A_503 : i32 to vector<16xi32>
      %sub3A_505 = arith.subi %sub3A_504, %add3A_501 : vector<16xi32>
      %add3A_506 = arith.addi %sub3A_505, %get3A_33 : vector<16xi32>
      %jit3A_507 = arith.constant -127 : i32
      %jit3A_508 = arith.constant 127 : i32
      %max3A = vector.broadcast %jit3A_507 : i32 to vector<16xi32>
      %max3A_509 = arith.maxsi %max3A, %add3A_506 : vector<16xi32>
      %min3A = vector.broadcast %jit3A_508 : i32 to vector<16xi32>
      %min3A_510 = arith.minsi %min3A, %max3A_509 : vector<16xi32>
      %add3A_511 = arith.constant 127 : i32
      %add3A_512 = vector.broadcast %add3A_511 : i32 to vector<16xi32>
      %add3A_513 = arith.addi %min3A_510, %add3A_512 : vector<16xi32>
      %gather3A = tpu.vector_load_idx %arg5[%add3A_513] : memref<256xf32, #tpu.memory_space<vmem>>[vector<16xi32>], vector<16xf32>,
      %mul3A_514 = arith.constant 16 : i32
      %mul3A_515 = arith.muli %scan3A_497, %mul3A_514 : i32
      %swap3A = arith.constant 1 : i32
      %swap3A_516 = arith.index_cast %swap3A : i32 to index
      %swap3A_517 = arith.index_cast %mul3A_515 : i32 to index
      %swap3A_518 = tpu.vector_load %arg8[%swap3A_516, %swap3A_517] {strides = array<i32>} : memref<8x3968xf32, #tpu.memory_space<vmem>>, vector<16xf32>,
      tpu.vector_store %arg8[%swap3A_516, %swap3A_517], %gather3A {strides = array<i32>} : memref<8x3968xf32, #tpu.memory_space<vmem>>, vector<16xf32>,
    }
    %scan3A_219 = arith.constant 248 : i32
    %scan3A_220 = arith.constant 0 : i32
    %scan3A_221 = arith.constant 248 : i32
    %scan3A_222 = arith.addi %scan3A_220, %scan3A_221 : i32
    %scan3A_223 = arith.constant 1 : i32
    scf.for %scan3A_497 = %scan3A_220 to %scan3A_222 step %scan3A_223  : i32 {
      %mul3A_498 = arith.constant 16 : i32
      %mul3A_499 = arith.muli %scan3A_497, %mul3A_498 : i32
      %add3A_500 = vector.broadcast %mul3A_499 : i32 to vector<16xi32>
      %add3A_501 = arith.addi %add3A_500, %iota3A : vector<16xi32>
      %add3A_502 = arith.constant 2 : i32
      %add3A_503 = arith.addi %add3A_209, %add3A_502 : i32
      %sub3A_504 = vector.broadcast %add3A_503 : i32 to vector<16xi32>
      %sub3A_505 = arith.subi %sub3A_504, %add3A_501 : vector<16xi32>
      %add3A_506 = arith.addi %sub3A_505, %get3A_33 : vector<16xi32>
      %jit3A_507 = arith.constant -127 : i32
      %jit3A_508 = arith.constant 127 : i32
      %max3A = vector.broadcast %jit3A_507 : i32 to vector<16xi32>
      %max3A_509 = arith.maxsi %max3A, %add3A_506 : vector<16xi32>
      %min3A = vector.broadcast %jit3A_508 : i32 to vector<16xi32>
      %min3A_510 = arith.minsi %min3A, %max3A_509 : vector<16xi32>
      %add3A_511 = arith.constant 127 : i32
      %add3A_512 = vector.broadcast %add3A_511 : i32 to vector<16xi32>
      %add3A_513 = arith.addi %min3A_510, %add3A_512 : vector<16xi32>
      %gather3A = tpu.vector_load_idx %arg5[%add3A_513] : memref<256xf32, #tpu.memory_space<vmem>>[vector<16xi32>], vector<16xf32>,
      %mul3A_514 = arith.constant 16 : i32
      %mul3A_515 = arith.muli %scan3A_497, %mul3A_514 : i32
      %swap3A = arith.constant 2 : i32
      %swap3A_516 = arith.index_cast %swap3A : i32 to index
      %swap3A_517 = arith.index_cast %mul3A_515 : i32 to index
      %swap3A_518 = tpu.vector_load %arg8[%swap3A_516, %swap3A_517] {strides = array<i32>} : memref<8x3968xf32, #tpu.memory_space<vmem>>, vector<16xf32>,
      tpu.vector_store %arg8[%swap3A_516, %swap3A_517], %gather3A {strides = array<i32>} : memref<8x3968xf32, #tpu.memory_space<vmem>>, vector<16xf32>,
    }
    %scan3A_224 = arith.constant 248 : i32
    %scan3A_225 = arith.constant 0 : i32
    %scan3A_226 = arith.constant 248 : i32
    %scan3A_227 = arith.addi %scan3A_225, %scan3A_226 : i32
    %scan3A_228 = arith.constant 1 : i32
    scf.for %scan3A_497 = %scan3A_225 to %scan3A_227 step %scan3A_228  : i32 {
      %mul3A_498 = arith.constant 16 : i32
      %mul3A_499 = arith.muli %scan3A_497, %mul3A_498 : i32
      %add3A_500 = vector.broadcast %mul3A_499 : i32 to vector<16xi32>
      %add3A_501 = arith.addi %add3A_500, %iota3A : vector<16xi32>
      %add3A_502 = arith.constant 3 : i32
      %add3A_503 = arith.addi %add3A_209, %add3A_502 : i32
      %sub3A_504 = vector.broadcast %add3A_503 : i32 to vector<16xi32>
      %sub3A_505 = arith.subi %sub3A_504, %add3A_501 : vector<16xi32>
      %add3A_506 = arith.addi %sub3A_505, %get3A_33 : vector<16xi32>
      %jit3A_507 = arith.constant -127 : i32
      %jit3A_508 = arith.constant 127 : i32
      %max3A = vector.broadcast %jit3A_507 : i32 to vector<16xi32>
      %max3A_509 = arith.maxsi %max3A, %add3A_506 : vector<16xi32>
      %min3A = vector.broadcast %jit3A_508 : i32 to vector<16xi32>
      %min3A_510 = arith.minsi %min3A, %max3A_509 : vector<16xi32>
      %add3A_511 = arith.constant 127 : i32
      %add3A_512 = vector.broadcast %add3A_511 : i32 to vector<16xi32>
      %add3A_513 = arith.addi %min3A_510, %add3A_512 : vector<16xi32>
      %gather3A = tpu.vector_load_idx %arg5[%add3A_513] : memref<256xf32, #tpu.memory_space<vmem>>[vector<16xi32>], vector<16xf32>,
      %mul3A_514 = arith.constant 16 : i32
      %mul3A_515 = arith.muli %scan3A_497, %mul3A_514 : i32
      %swap3A = arith.constant 3 : i32
      %swap3A_516 = arith.index_cast %swap3A : i32 to index
      %swap3A_517 = arith.index_cast %mul3A_515 : i32 to index
      %swap3A_518 = tpu.vector_load %arg8[%swap3A_516, %swap3A_517] {strides = array<i32>} : memref<8x3968xf32, #tpu.memory_space<vmem>>, vector<16xf32>,
      tpu.vector_store %arg8[%swap3A_516, %swap3A_517], %gather3A {strides = array<i32>} : memref<8x3968xf32, #tpu.memory_space<vmem>>, vector<16xf32>,
    }
    %scan3A_229 = arith.constant 248 : i32
    %scan3A_230 = arith.constant 0 : i32
    %scan3A_231 = arith.constant 248 : i32
    %scan3A_232 = arith.addi %scan3A_230, %scan3A_231 : i32
    %scan3A_233 = arith.constant 1 : i32
    scf.for %scan3A_497 = %scan3A_230 to %scan3A_232 step %scan3A_233  : i32 {
      %mul3A_498 = arith.constant 16 : i32
      %mul3A_499 = arith.muli %scan3A_497, %mul3A_498 : i32
      %add3A_500 = vector.broadcast %mul3A_499 : i32 to vector<16xi32>
      %add3A_501 = arith.addi %add3A_500, %iota3A : vector<16xi32>
      %add3A_502 = arith.constant 4 : i32
      %add3A_503 = arith.addi %add3A_209, %add3A_502 : i32
      %sub3A_504 = vector.broadcast %add3A_503 : i32 to vector<16xi32>
      %sub3A_505 = arith.subi %sub3A_504, %add3A_501 : vector<16xi32>
      %add3A_506 = arith.addi %sub3A_505, %get3A_33 : vector<16xi32>
      %jit3A_507 = arith.constant -127 : i32
      %jit3A_508 = arith.constant 127 : i32
      %max3A = vector.broadcast %jit3A_507 : i32 to vector<16xi32>
      %max3A_509 = arith.maxsi %max3A, %add3A_506 : vector<16xi32>
      %min3A = vector.broadcast %jit3A_508 : i32 to vector<16xi32>
      %min3A_510 = arith.minsi %min3A, %max3A_509 : vector<16xi32>
      %add3A_511 = arith.constant 127 : i32
      %add3A_512 = vector.broadcast %add3A_511 : i32 to vector<16xi32>
      %add3A_513 = arith.addi %min3A_510, %add3A_512 : vector<16xi32>
      %gather3A = tpu.vector_load_idx %arg5[%add3A_513] : memref<256xf32, #tpu.memory_space<vmem>>[vector<16xi32>], vector<16xf32>,
      %mul3A_514 = arith.constant 16 : i32
      %mul3A_515 = arith.muli %scan3A_497, %mul3A_514 : i32
      %swap3A = arith.constant 4 : i32
      %swap3A_516 = arith.index_cast %swap3A : i32 to index
      %swap3A_517 = arith.index_cast %mul3A_515 : i32 to index
      %swap3A_518 = tpu.vector_load %arg8[%swap3A_516, %swap3A_517] {strides = array<i32>} : memref<8x3968xf32, #tpu.memory_space<vmem>>, vector<16xf32>,
      tpu.vector_store %arg8[%swap3A_516, %swap3A_517], %gather3A {strides = array<i32>} : memref<8x3968xf32, #tpu.memory_space<vmem>>, vector<16xf32>,
    }
    %scan3A_234 = arith.constant 248 : i32
    %scan3A_235 = arith.constant 0 : i32
    %scan3A_236 = arith.constant 248 : i32
    %scan3A_237 = arith.addi %scan3A_235, %scan3A_236 : i32
    %scan3A_238 = arith.constant 1 : i32
    scf.for %scan3A_497 = %scan3A_235 to %scan3A_237 step %scan3A_238  : i32 {
      %mul3A_498 = arith.constant 16 : i32
      %mul3A_499 = arith.muli %scan3A_497, %mul3A_498 : i32
      %add3A_500 = vector.broadcast %mul3A_499 : i32 to vector<16xi32>
      %add3A_501 = arith.addi %add3A_500, %iota3A : vector<16xi32>
      %add3A_502 = arith.constant 5 : i32
      %add3A_503 = arith.addi %add3A_209, %add3A_502 : i32
      %sub3A_504 = vector.broadcast %add3A_503 : i32 to vector<16xi32>
      %sub3A_505 = arith.subi %sub3A_504, %add3A_501 : vector<16xi32>
      %add3A_506 = arith.addi %sub3A_505, %get3A_33 : vector<16xi32>
      %jit3A_507 = arith.constant -127 : i32
      %jit3A_508 = arith.constant 127 : i32
      %max3A = vector.broadcast %jit3A_507 : i32 to vector<16xi32>
      %max3A_509 = arith.maxsi %max3A, %add3A_506 : vector<16xi32>
      %min3A = vector.broadcast %jit3A_508 : i32 to vector<16xi32>
      %min3A_510 = arith.minsi %min3A, %max3A_509 : vector<16xi32>
      %add3A_511 = arith.constant 127 : i32
      %add3A_512 = vector.broadcast %add3A_511 : i32 to vector<16xi32>
      %add3A_513 = arith.addi %min3A_510, %add3A_512 : vector<16xi32>
      %gather3A = tpu.vector_load_idx %arg5[%add3A_513] : memref<256xf32, #tpu.memory_space<vmem>>[vector<16xi32>], vector<16xf32>,
      %mul3A_514 = arith.constant 16 : i32
      %mul3A_515 = arith.muli %scan3A_497, %mul3A_514 : i32
      %swap3A = arith.constant 5 : i32
      %swap3A_516 = arith.index_cast %swap3A : i32 to index
      %swap3A_517 = arith.index_cast %mul3A_515 : i32 to index
      %swap3A_518 = tpu.vector_load %arg8[%swap3A_516, %swap3A_517] {strides = array<i32>} : memref<8x3968xf32, #tpu.memory_space<vmem>>, vector<16xf32>,
      tpu.vector_store %arg8[%swap3A_516, %swap3A_517], %gather3A {strides = array<i32>} : memref<8x3968xf32, #tpu.memory_space<vmem>>, vector<16xf32>,
    }
    %scan3A_239 = arith.constant 248 : i32
    %scan3A_240 = arith.constant 0 : i32
    %scan3A_241 = arith.constant 248 : i32
    %scan3A_242 = arith.addi %scan3A_240, %scan3A_241 : i32
    %scan3A_243 = arith.constant 1 : i32
    scf.for %scan3A_497 = %scan3A_240 to %scan3A_242 step %scan3A_243  : i32 {
      %mul3A_498 = arith.constant 16 : i32
      %mul3A_499 = arith.muli %scan3A_497, %mul3A_498 : i32
      %add3A_500 = vector.broadcast %mul3A_499 : i32 to vector<16xi32>
      %add3A_501 = arith.addi %add3A_500, %iota3A : vector<16xi32>
      %add3A_502 = arith.constant 6 : i32
      %add3A_503 = arith.addi %add3A_209, %add3A_502 : i32
      %sub3A_504 = vector.broadcast %add3A_503 : i32 to vector<16xi32>
      %sub3A_505 = arith.subi %sub3A_504, %add3A_501 : vector<16xi32>
      %add3A_506 = arith.addi %sub3A_505, %get3A_33 : vector<16xi32>
      %jit3A_507 = arith.constant -127 : i32
      %jit3A_508 = arith.constant 127 : i32
      %max3A = vector.broadcast %jit3A_507 : i32 to vector<16xi32>
      %max3A_509 = arith.maxsi %max3A, %add3A_506 : vector<16xi32>
      %min3A = vector.broadcast %jit3A_508 : i32 to vector<16xi32>
      %min3A_510 = arith.minsi %min3A, %max3A_509 : vector<16xi32>
      %add3A_511 = arith.constant 127 : i32
      %add3A_512 = vector.broadcast %add3A_511 : i32 to vector<16xi32>
      %add3A_513 = arith.addi %min3A_510, %add3A_512 : vector<16xi32>
      %gather3A = tpu.vector_load_idx %arg5[%add3A_513] : memref<256xf32, #tpu.memory_space<vmem>>[vector<16xi32>], vector<16xf32>,
      %mul3A_514 = arith.constant 16 : i32
      %mul3A_515 = arith.muli %scan3A_497, %mul3A_514 : i32
      %swap3A = arith.constant 6 : i32
      %swap3A_516 = arith.index_cast %swap3A : i32 to index
      %swap3A_517 = arith.index_cast %mul3A_515 : i32 to index
      %swap3A_518 = tpu.vector_load %arg8[%swap3A_516, %swap3A_517] {strides = array<i32>} : memref<8x3968xf32, #tpu.memory_space<vmem>>, vector<16xf32>,
      tpu.vector_store %arg8[%swap3A_516, %swap3A_517], %gather3A {strides = array<i32>} : memref<8x3968xf32, #tpu.memory_space<vmem>>, vector<16xf32>,
    }
    %scan3A_244 = arith.constant 248 : i32
    %scan3A_245 = arith.constant 0 : i32
    %scan3A_246 = arith.constant 248 : i32
    %scan3A_247 = arith.addi %scan3A_245, %scan3A_246 : i32
    %scan3A_248 = arith.constant 1 : i32
    scf.for %scan3A_497 = %scan3A_245 to %scan3A_247 step %scan3A_248  : i32 {
      %mul3A_498 = arith.constant 16 : i32
      %mul3A_499 = arith.muli %scan3A_497, %mul3A_498 : i32
      %add3A_500 = vector.broadcast %mul3A_499 : i32 to vector<16xi32>
      %add3A_501 = arith.addi %add3A_500, %iota3A : vector<16xi32>
      %add3A_502 = arith.constant 7 : i32
      %add3A_503 = arith.addi %add3A_209, %add3A_502 : i32
      %sub3A_504 = vector.broadcast %add3A_503 : i32 to vector<16xi32>
      %sub3A_505 = arith.subi %sub3A_504, %add3A_501 : vector<16xi32>
      %add3A_506 = arith.addi %sub3A_505, %get3A_33 : vector<16xi32>
      %jit3A_507 = arith.constant -127 : i32
      %jit3A_508 = arith.constant 127 : i32
      %max3A = vector.broadcast %jit3A_507 : i32 to vector<16xi32>
      %max3A_509 = arith.maxsi %max3A, %add3A_506 : vector<16xi32>
      %min3A = vector.broadcast %jit3A_508 : i32 to vector<16xi32>
      %min3A_510 = arith.minsi %min3A, %max3A_509 : vector<16xi32>
      %add3A_511 = arith.constant 127 : i32
      %add3A_512 = vector.broadcast %add3A_511 : i32 to vector<16xi32>
      %add3A_513 = arith.addi %min3A_510, %add3A_512 : vector<16xi32>
      %gather3A = tpu.vector_load_idx %arg5[%add3A_513] : memref<256xf32, #tpu.memory_space<vmem>>[vector<16xi32>], vector<16xf32>,
      %mul3A_514 = arith.constant 16 : i32
      %mul3A_515 = arith.muli %scan3A_497, %mul3A_514 : i32
      %swap3A = arith.constant 7 : i32
      %swap3A_516 = arith.index_cast %swap3A : i32 to index
      %swap3A_517 = arith.index_cast %mul3A_515 : i32 to index
      %swap3A_518 = tpu.vector_load %arg8[%swap3A_516, %swap3A_517] {strides = array<i32>} : memref<8x3968xf32, #tpu.memory_space<vmem>>, vector<16xf32>,
      tpu.vector_store %arg8[%swap3A_516, %swap3A_517], %gather3A {strides = array<i32>} : memref<8x3968xf32, #tpu.memory_space<vmem>>, vector<16xf32>,
    }
    %scan3A_249 = arith.constant 248 : i32
    %scan3A_250 = arith.constant 0 : i32
    %scan3A_251 = arith.constant 16 : i32
    %scan3A_252 = arith.addi %scan3A_250, %scan3A_251 : i32
    %scan3A_253 = arith.constant 1 : i32
    scf.for %scan3A_497 = %scan3A_250 to %scan3A_252 step %scan3A_253  : i32 {
      %mul3A_498 = arith.constant 16 : i32
      %mul3A_499 = arith.muli %mul3A_498, %scan3A_497 : i32
      %add3A_500 = arith.addi %add3A_205, %mul3A_499 : i32
      %mul3A_501 = arith.constant 8 : i32
      %mul3A_502 = arith.muli %mul3A_501, %add3A_500 : i32
      %sub3A_503 = arith.constant 15 : i32
      %sub3A_504 = arith.subi %sub3A_503, %scan3A_497 : i32
      %mul3A_505 = arith.constant 128 : i32
      %mul3A_506 = arith.muli %mul3A_505, %sub3A_504 : i32
      %dma_start3A = arith.constant 0 : i32
      %dma_start3A_507 = tpu.memref_slice %arg8[%dma_start3A, %mul3A_506] : memref<8x3968xf32, #tpu.memory_space<vmem>> -> memref<8x2048xf32, #tpu.memory_space<vmem>>
      %dma_start3A_508 = arith.constant 0 : i32
      %dma_start3A_509 = tpu.memref_slice %arg4[%select_n3A, %mul3A_502, %dma_start3A_508] : memref<16x2048x2048xf32, #tpu.memory_space<hbm>> -> memref<1x8x2048xf32, #tpu.memory_space<hbm>>
      %dma_start3A_510 = tpu.memref_squeeze %dma_start3A_509 : memref<1x8x2048xf32, #tpu.memory_space<hbm>> -> memref<8x2048xf32, #tpu.memory_space<hbm>>
      %dma_start3A_511 = arith.constant 0 : i32
      %dma_start3A_512 = tpu.memref_slice %arg4[%select_n3A, %mul3A_502, %dma_start3A_511] : memref<16x2048x2048xf32, #tpu.memory_space<hbm>> -> memref<1x8x2048xf32, #tpu.memory_space<hbm>>
      %dma_start3A_513 = tpu.memref_squeeze %dma_start3A_512 : memref<1x8x2048xf32, #tpu.memory_space<hbm>> -> memref<8x2048xf32, #tpu.memory_space<hbm>>
      %dma_start3A_514 = arith.constant 0 : i32
      %dma_start3A_515 = tpu.memref_slice %arg8[%dma_start3A_514, %mul3A_506] : memref<8x3968xf32, #tpu.memory_space<vmem>> -> memref<8x2048xf32, #tpu.memory_space<vmem>>
      tpu.enqueue_dma source(%dma_start3A_515 : memref<8x2048xf32, #tpu.memory_space<vmem>>) target(%dma_start3A_513 : memref<8x2048xf32, #tpu.memory_space<hbm>>) target_semaphore(%arg10 : memref<!tpu.dma_semaphore, #tpu.memory_space<semaphore_mem>>)
    }
    %scan3A_254 = arith.constant 16 : i32
    %scan3A_255 = arith.constant 0 : i32
    %scan3A_256 = arith.constant 16 : i32
    %scan3A_257 = arith.addi %scan3A_255, %scan3A_256 : i32
    %scan3A_258 = arith.constant 1 : i32
    scf.for %scan3A_497 = %scan3A_255 to %scan3A_257 step %scan3A_258  : i32 {
      %dma_wait3A = arith.constant 0 : i32
      %dma_wait3A_498 = arith.constant 0 : i32
      %dma_wait3A_499 = tpu.memref_slice %arg7[%dma_wait3A, %dma_wait3A_498] : memref<8x3968xf32, #tpu.memory_space<vmem>> -> memref<8x2048xf32, #tpu.memory_space<vmem>>
      %dma_wait3A_500 = arith.constant 0 : i32
      %dma_wait3A_501 = arith.constant 0 : i32
      %dma_wait3A_502 = tpu.memref_slice %arg4[%select_n3A, %dma_wait3A_500, %dma_wait3A_501] : memref<16x2048x2048xf32, #tpu.memory_space<hbm>> -> memref<1x8x2048xf32, #tpu.memory_space<hbm>>
      %dma_wait3A_503 = tpu.memref_squeeze %dma_wait3A_502 : memref<1x8x2048xf32, #tpu.memory_space<hbm>> -> memref<8x2048xf32, #tpu.memory_space<hbm>>
      %dma_wait3A_504 = arith.constant 0 : i32
      %dma_wait3A_505 = arith.constant 0 : i32
      %dma_wait3A_506 = tpu.memref_slice %arg4[%select_n3A, %dma_wait3A_504, %dma_wait3A_505] : memref<16x2048x2048xf32, #tpu.memory_space<hbm>> -> memref<1x8x2048xf32, #tpu.memory_space<hbm>>
      %dma_wait3A_507 = tpu.memref_squeeze %dma_wait3A_506 : memref<1x8x2048xf32, #tpu.memory_space<hbm>> -> memref<8x2048xf32, #tpu.memory_space<hbm>>
      %dma_wait3A_508 = arith.constant 0 : i32
      %dma_wait3A_509 = arith.constant 0 : i32
      %dma_wait3A_510 = tpu.memref_slice %arg7[%dma_wait3A_508, %dma_wait3A_509] : memref<8x3968xf32, #tpu.memory_space<vmem>> -> memref<8x2048xf32, #tpu.memory_space<vmem>>
      tpu.wait_dma2 semaphore(%arg9 : memref<!tpu.dma_semaphore, #tpu.memory_space<semaphore_mem>>) src(%dma_wait3A_510 : memref<8x2048xf32, #tpu.memory_space<vmem>>) dst(%dma_wait3A_507 : memref<8x2048xf32, #tpu.memory_space<hbm>>)
    }
    %scan3A_259 = arith.constant 16 : i32
    %mul3A_260 = arith.constant 8 : i32
    %mul3A_261 = arith.muli %select_n3A_30, %mul3A_260 : i32
    %add3A_262 = arith.constant 4 : i32
    %add3A_263 = arith.addi %mul3A_261, %add3A_262 : i32
    %mul3A_264 = arith.constant 8 : i32
    %mul3A_265 = arith.muli %mul3A_264, %add3A_263 : i32
    %add3A_266 = arith.constant 1920 : i32
    %add3A_267 = arith.addi %add3A_266, %mul3A_265 : i32
    %scan3A_268 = arith.constant 0 : i32
    %scan3A_269 = arith.constant 248 : i32
    %scan3A_270 = arith.addi %scan3A_268, %scan3A_269 : i32
    %scan3A_271 = arith.constant 1 : i32
    scf.for %scan3A_497 = %scan3A_268 to %scan3A_270 step %scan3A_271  : i32 {
      %mul3A_498 = arith.constant 16 : i32
      %mul3A_499 = arith.muli %scan3A_497, %mul3A_498 : i32
      %add3A_500 = vector.broadcast %mul3A_499 : i32 to vector<16xi32>
      %add3A_501 = arith.addi %add3A_500, %iota3A : vector<16xi32>
      %add3A_502 = arith.constant 0 : i32
      %add3A_503 = arith.addi %add3A_267, %add3A_502 : i32
      %sub3A_504 = vector.broadcast %add3A_503 : i32 to vector<16xi32>
      %sub3A_505 = arith.subi %sub3A_504, %add3A_501 : vector<16xi32>
      %add3A_506 = arith.addi %sub3A_505, %get3A_33 : vector<16xi32>
      %jit3A_507 = arith.constant -127 : i32
      %jit3A_508 = arith.constant 127 : i32
      %max3A = vector.broadcast %jit3A_507 : i32 to vector<16xi32>
      %max3A_509 = arith.maxsi %max3A, %add3A_506 : vector<16xi32>
      %min3A = vector.broadcast %jit3A_508 : i32 to vector<16xi32>
      %min3A_510 = arith.minsi %min3A, %max3A_509 : vector<16xi32>
      %add3A_511 = arith.constant 127 : i32
      %add3A_512 = vector.broadcast %add3A_511 : i32 to vector<16xi32>
      %add3A_513 = arith.addi %min3A_510, %add3A_512 : vector<16xi32>
      %gather3A = tpu.vector_load_idx %arg5[%add3A_513] : memref<256xf32, #tpu.memory_space<vmem>>[vector<16xi32>], vector<16xf32>,
      %mul3A_514 = arith.constant 16 : i32
      %mul3A_515 = arith.muli %scan3A_497, %mul3A_514 : i32
      %swap3A = arith.constant 0 : i32
      %swap3A_516 = arith.index_cast %swap3A : i32 to index
      %swap3A_517 = arith.index_cast %mul3A_515 : i32 to index
      %swap3A_518 = tpu.vector_load %arg7[%swap3A_516, %swap3A_517] {strides = array<i32>} : memref<8x3968xf32, #tpu.memory_space<vmem>>, vector<16xf32>,
      tpu.vector_store %arg7[%swap3A_516, %swap3A_517], %gather3A {strides = array<i32>} : memref<8x3968xf32, #tpu.memory_space<vmem>>, vector<16xf32>,
    }
    %scan3A_272 = arith.constant 248 : i32
    %scan3A_273 = arith.constant 0 : i32
    %scan3A_274 = arith.constant 248 : i32
    %scan3A_275 = arith.addi %scan3A_273, %scan3A_274 : i32
    %scan3A_276 = arith.constant 1 : i32
    scf.for %scan3A_497 = %scan3A_273 to %scan3A_275 step %scan3A_276  : i32 {
      %mul3A_498 = arith.constant 16 : i32
      %mul3A_499 = arith.muli %scan3A_497, %mul3A_498 : i32
      %add3A_500 = vector.broadcast %mul3A_499 : i32 to vector<16xi32>
      %add3A_501 = arith.addi %add3A_500, %iota3A : vector<16xi32>
      %add3A_502 = arith.constant 1 : i32
      %add3A_503 = arith.addi %add3A_267, %add3A_502 : i32
      %sub3A_504 = vector.broadcast %add3A_503 : i32 to vector<16xi32>
      %sub3A_505 = arith.subi %sub3A_504, %add3A_501 : vector<16xi32>
      %add3A_506 = arith.addi %sub3A_505, %get3A_33 : vector<16xi32>
      %jit3A_507 = arith.constant -127 : i32
      %jit3A_508 = arith.constant 127 : i32
      %max3A = vector.broadcast %jit3A_507 : i32 to vector<16xi32>
      %max3A_509 = arith.maxsi %max3A, %add3A_506 : vector<16xi32>
      %min3A = vector.broadcast %jit3A_508 : i32 to vector<16xi32>
      %min3A_510 = arith.minsi %min3A, %max3A_509 : vector<16xi32>
      %add3A_511 = arith.constant 127 : i32
      %add3A_512 = vector.broadcast %add3A_511 : i32 to vector<16xi32>
      %add3A_513 = arith.addi %min3A_510, %add3A_512 : vector<16xi32>
      %gather3A = tpu.vector_load_idx %arg5[%add3A_513] : memref<256xf32, #tpu.memory_space<vmem>>[vector<16xi32>], vector<16xf32>,
      %mul3A_514 = arith.constant 16 : i32
      %mul3A_515 = arith.muli %scan3A_497, %mul3A_514 : i32
      %swap3A = arith.constant 1 : i32
      %swap3A_516 = arith.index_cast %swap3A : i32 to index
      %swap3A_517 = arith.index_cast %mul3A_515 : i32 to index
      %swap3A_518 = tpu.vector_load %arg7[%swap3A_516, %swap3A_517] {strides = array<i32>} : memref<8x3968xf32, #tpu.memory_space<vmem>>, vector<16xf32>,
      tpu.vector_store %arg7[%swap3A_516, %swap3A_517], %gather3A {strides = array<i32>} : memref<8x3968xf32, #tpu.memory_space<vmem>>, vector<16xf32>,
    }
    %scan3A_277 = arith.constant 248 : i32
    %scan3A_278 = arith.constant 0 : i32
    %scan3A_279 = arith.constant 248 : i32
    %scan3A_280 = arith.addi %scan3A_278, %scan3A_279 : i32
    %scan3A_281 = arith.constant 1 : i32
    scf.for %scan3A_497 = %scan3A_278 to %scan3A_280 step %scan3A_281  : i32 {
      %mul3A_498 = arith.constant 16 : i32
      %mul3A_499 = arith.muli %scan3A_497, %mul3A_498 : i32
      %add3A_500 = vector.broadcast %mul3A_499 : i32 to vector<16xi32>
      %add3A_501 = arith.addi %add3A_500, %iota3A : vector<16xi32>
      %add3A_502 = arith.constant 2 : i32
      %add3A_503 = arith.addi %add3A_267, %add3A_502 : i32
      %sub3A_504 = vector.broadcast %add3A_503 : i32 to vector<16xi32>
      %sub3A_505 = arith.subi %sub3A_504, %add3A_501 : vector<16xi32>
      %add3A_506 = arith.addi %sub3A_505, %get3A_33 : vector<16xi32>
      %jit3A_507 = arith.constant -127 : i32
      %jit3A_508 = arith.constant 127 : i32
      %max3A = vector.broadcast %jit3A_507 : i32 to vector<16xi32>
      %max3A_509 = arith.maxsi %max3A, %add3A_506 : vector<16xi32>
      %min3A = vector.broadcast %jit3A_508 : i32 to vector<16xi32>
      %min3A_510 = arith.minsi %min3A, %max3A_509 : vector<16xi32>
      %add3A_511 = arith.constant 127 : i32
      %add3A_512 = vector.broadcast %add3A_511 : i32 to vector<16xi32>
      %add3A_513 = arith.addi %min3A_510, %add3A_512 : vector<16xi32>
      %gather3A = tpu.vector_load_idx %arg5[%add3A_513] : memref<256xf32, #tpu.memory_space<vmem>>[vector<16xi32>], vector<16xf32>,
      %mul3A_514 = arith.constant 16 : i32
      %mul3A_515 = arith.muli %scan3A_497, %mul3A_514 : i32
      %swap3A = arith.constant 2 : i32
      %swap3A_516 = arith.index_cast %swap3A : i32 to index
      %swap3A_517 = arith.index_cast %mul3A_515 : i32 to index
      %swap3A_518 = tpu.vector_load %arg7[%swap3A_516, %swap3A_517] {strides = array<i32>} : memref<8x3968xf32, #tpu.memory_space<vmem>>, vector<16xf32>,
      tpu.vector_store %arg7[%swap3A_516, %swap3A_517], %gather3A {strides = array<i32>} : memref<8x3968xf32, #tpu.memory_space<vmem>>, vector<16xf32>,
    }
    %scan3A_282 = arith.constant 248 : i32
    %scan3A_283 = arith.constant 0 : i32
    %scan3A_284 = arith.constant 248 : i32
    %scan3A_285 = arith.addi %scan3A_283, %scan3A_284 : i32
    %scan3A_286 = arith.constant 1 : i32
    scf.for %scan3A_497 = %scan3A_283 to %scan3A_285 step %scan3A_286  : i32 {
      %mul3A_498 = arith.constant 16 : i32
      %mul3A_499 = arith.muli %scan3A_497, %mul3A_498 : i32
      %add3A_500 = vector.broadcast %mul3A_499 : i32 to vector<16xi32>
      %add3A_501 = arith.addi %add3A_500, %iota3A : vector<16xi32>
      %add3A_502 = arith.constant 3 : i32
      %add3A_503 = arith.addi %add3A_267, %add3A_502 : i32
      %sub3A_504 = vector.broadcast %add3A_503 : i32 to vector<16xi32>
      %sub3A_505 = arith.subi %sub3A_504, %add3A_501 : vector<16xi32>
      %add3A_506 = arith.addi %sub3A_505, %get3A_33 : vector<16xi32>
      %jit3A_507 = arith.constant -127 : i32
      %jit3A_508 = arith.constant 127 : i32
      %max3A = vector.broadcast %jit3A_507 : i32 to vector<16xi32>
      %max3A_509 = arith.maxsi %max3A, %add3A_506 : vector<16xi32>
      %min3A = vector.broadcast %jit3A_508 : i32 to vector<16xi32>
      %min3A_510 = arith.minsi %min3A, %max3A_509 : vector<16xi32>
      %add3A_511 = arith.constant 127 : i32
      %add3A_512 = vector.broadcast %add3A_511 : i32 to vector<16xi32>
      %add3A_513 = arith.addi %min3A_510, %add3A_512 : vector<16xi32>
      %gather3A = tpu.vector_load_idx %arg5[%add3A_513] : memref<256xf32, #tpu.memory_space<vmem>>[vector<16xi32>], vector<16xf32>,
      %mul3A_514 = arith.constant 16 : i32
      %mul3A_515 = arith.muli %scan3A_497, %mul3A_514 : i32
      %swap3A = arith.constant 3 : i32
      %swap3A_516 = arith.index_cast %swap3A : i32 to index
      %swap3A_517 = arith.index_cast %mul3A_515 : i32 to index
      %swap3A_518 = tpu.vector_load %arg7[%swap3A_516, %swap3A_517] {strides = array<i32>} : memref<8x3968xf32, #tpu.memory_space<vmem>>, vector<16xf32>,
      tpu.vector_store %arg7[%swap3A_516, %swap3A_517], %gather3A {strides = array<i32>} : memref<8x3968xf32, #tpu.memory_space<vmem>>, vector<16xf32>,
    }
    %scan3A_287 = arith.constant 248 : i32
    %scan3A_288 = arith.constant 0 : i32
    %scan3A_289 = arith.constant 248 : i32
    %scan3A_290 = arith.addi %scan3A_288, %scan3A_289 : i32
    %scan3A_291 = arith.constant 1 : i32
    scf.for %scan3A_497 = %scan3A_288 to %scan3A_290 step %scan3A_291  : i32 {
      %mul3A_498 = arith.constant 16 : i32
      %mul3A_499 = arith.muli %scan3A_497, %mul3A_498 : i32
      %add3A_500 = vector.broadcast %mul3A_499 : i32 to vector<16xi32>
      %add3A_501 = arith.addi %add3A_500, %iota3A : vector<16xi32>
      %add3A_502 = arith.constant 4 : i32
      %add3A_503 = arith.addi %add3A_267, %add3A_502 : i32
      %sub3A_504 = vector.broadcast %add3A_503 : i32 to vector<16xi32>
      %sub3A_505 = arith.subi %sub3A_504, %add3A_501 : vector<16xi32>
      %add3A_506 = arith.addi %sub3A_505, %get3A_33 : vector<16xi32>
      %jit3A_507 = arith.constant -127 : i32
      %jit3A_508 = arith.constant 127 : i32
      %max3A = vector.broadcast %jit3A_507 : i32 to vector<16xi32>
      %max3A_509 = arith.maxsi %max3A, %add3A_506 : vector<16xi32>
      %min3A = vector.broadcast %jit3A_508 : i32 to vector<16xi32>
      %min3A_510 = arith.minsi %min3A, %max3A_509 : vector<16xi32>
      %add3A_511 = arith.constant 127 : i32
      %add3A_512 = vector.broadcast %add3A_511 : i32 to vector<16xi32>
      %add3A_513 = arith.addi %min3A_510, %add3A_512 : vector<16xi32>
      %gather3A = tpu.vector_load_idx %arg5[%add3A_513] : memref<256xf32, #tpu.memory_space<vmem>>[vector<16xi32>], vector<16xf32>,
      %mul3A_514 = arith.constant 16 : i32
      %mul3A_515 = arith.muli %scan3A_497, %mul3A_514 : i32
      %swap3A = arith.constant 4 : i32
      %swap3A_516 = arith.index_cast %swap3A : i32 to index
      %swap3A_517 = arith.index_cast %mul3A_515 : i32 to index
      %swap3A_518 = tpu.vector_load %arg7[%swap3A_516, %swap3A_517] {strides = array<i32>} : memref<8x3968xf32, #tpu.memory_space<vmem>>, vector<16xf32>,
      tpu.vector_store %arg7[%swap3A_516, %swap3A_517], %gather3A {strides = array<i32>} : memref<8x3968xf32, #tpu.memory_space<vmem>>, vector<16xf32>,
    }
    %scan3A_292 = arith.constant 248 : i32
    %scan3A_293 = arith.constant 0 : i32
    %scan3A_294 = arith.constant 248 : i32
    %scan3A_295 = arith.addi %scan3A_293, %scan3A_294 : i32
    %scan3A_296 = arith.constant 1 : i32
    scf.for %scan3A_497 = %scan3A_293 to %scan3A_295 step %scan3A_296  : i32 {
      %mul3A_498 = arith.constant 16 : i32
      %mul3A_499 = arith.muli %scan3A_497, %mul3A_498 : i32
      %add3A_500 = vector.broadcast %mul3A_499 : i32 to vector<16xi32>
      %add3A_501 = arith.addi %add3A_500, %iota3A : vector<16xi32>
      %add3A_502 = arith.constant 5 : i32
      %add3A_503 = arith.addi %add3A_267, %add3A_502 : i32
      %sub3A_504 = vector.broadcast %add3A_503 : i32 to vector<16xi32>
      %sub3A_505 = arith.subi %sub3A_504, %add3A_501 : vector<16xi32>
      %add3A_506 = arith.addi %sub3A_505, %get3A_33 : vector<16xi32>
      %jit3A_507 = arith.constant -127 : i32
      %jit3A_508 = arith.constant 127 : i32
      %max3A = vector.broadcast %jit3A_507 : i32 to vector<16xi32>
      %max3A_509 = arith.maxsi %max3A, %add3A_506 : vector<16xi32>
      %min3A = vector.broadcast %jit3A_508 : i32 to vector<16xi32>
      %min3A_510 = arith.minsi %min3A, %max3A_509 : vector<16xi32>
      %add3A_511 = arith.constant 127 : i32
      %add3A_512 = vector.broadcast %add3A_511 : i32 to vector<16xi32>
      %add3A_513 = arith.addi %min3A_510, %add3A_512 : vector<16xi32>
      %gather3A = tpu.vector_load_idx %arg5[%add3A_513] : memref<256xf32, #tpu.memory_space<vmem>>[vector<16xi32>], vector<16xf32>,
      %mul3A_514 = arith.constant 16 : i32
      %mul3A_515 = arith.muli %scan3A_497, %mul3A_514 : i32
      %swap3A = arith.constant 5 : i32
      %swap3A_516 = arith.index_cast %swap3A : i32 to index
      %swap3A_517 = arith.index_cast %mul3A_515 : i32 to index
      %swap3A_518 = tpu.vector_load %arg7[%swap3A_516, %swap3A_517] {strides = array<i32>} : memref<8x3968xf32, #tpu.memory_space<vmem>>, vector<16xf32>,
      tpu.vector_store %arg7[%swap3A_516, %swap3A_517], %gather3A {strides = array<i32>} : memref<8x3968xf32, #tpu.memory_space<vmem>>, vector<16xf32>,
    }
    %scan3A_297 = arith.constant 248 : i32
    %scan3A_298 = arith.constant 0 : i32
    %scan3A_299 = arith.constant 248 : i32
    %scan3A_300 = arith.addi %scan3A_298, %scan3A_299 : i32
    %scan3A_301 = arith.constant 1 : i32
    scf.for %scan3A_497 = %scan3A_298 to %scan3A_300 step %scan3A_301  : i32 {
      %mul3A_498 = arith.constant 16 : i32
      %mul3A_499 = arith.muli %scan3A_497, %mul3A_498 : i32
      %add3A_500 = vector.broadcast %mul3A_499 : i32 to vector<16xi32>
      %add3A_501 = arith.addi %add3A_500, %iota3A : vector<16xi32>
      %add3A_502 = arith.constant 6 : i32
      %add3A_503 = arith.addi %add3A_267, %add3A_502 : i32
      %sub3A_504 = vector.broadcast %add3A_503 : i32 to vector<16xi32>
      %sub3A_505 = arith.subi %sub3A_504, %add3A_501 : vector<16xi32>
      %add3A_506 = arith.addi %sub3A_505, %get3A_33 : vector<16xi32>
      %jit3A_507 = arith.constant -127 : i32
      %jit3A_508 = arith.constant 127 : i32
      %max3A = vector.broadcast %jit3A_507 : i32 to vector<16xi32>
      %max3A_509 = arith.maxsi %max3A, %add3A_506 : vector<16xi32>
      %min3A = vector.broadcast %jit3A_508 : i32 to vector<16xi32>
      %min3A_510 = arith.minsi %min3A, %max3A_509 : vector<16xi32>
      %add3A_511 = arith.constant 127 : i32
      %add3A_512 = vector.broadcast %add3A_511 : i32 to vector<16xi32>
      %add3A_513 = arith.addi %min3A_510, %add3A_512 : vector<16xi32>
      %gather3A = tpu.vector_load_idx %arg5[%add3A_513] : memref<256xf32, #tpu.memory_space<vmem>>[vector<16xi32>], vector<16xf32>,
      %mul3A_514 = arith.constant 16 : i32
      %mul3A_515 = arith.muli %scan3A_497, %mul3A_514 : i32
      %swap3A = arith.constant 6 : i32
      %swap3A_516 = arith.index_cast %swap3A : i32 to index
      %swap3A_517 = arith.index_cast %mul3A_515 : i32 to index
      %swap3A_518 = tpu.vector_load %arg7[%swap3A_516, %swap3A_517] {strides = array<i32>} : memref<8x3968xf32, #tpu.memory_space<vmem>>, vector<16xf32>,
      tpu.vector_store %arg7[%swap3A_516, %swap3A_517], %gather3A {strides = array<i32>} : memref<8x3968xf32, #tpu.memory_space<vmem>>, vector<16xf32>,
    }
    %scan3A_302 = arith.constant 248 : i32
    %scan3A_303 = arith.constant 0 : i32
    %scan3A_304 = arith.constant 248 : i32
    %scan3A_305 = arith.addi %scan3A_303, %scan3A_304 : i32
    %scan3A_306 = arith.constant 1 : i32
    scf.for %scan3A_497 = %scan3A_303 to %scan3A_305 step %scan3A_306  : i32 {
      %mul3A_498 = arith.constant 16 : i32
      %mul3A_499 = arith.muli %scan3A_497, %mul3A_498 : i32
      %add3A_500 = vector.broadcast %mul3A_499 : i32 to vector<16xi32>
      %add3A_501 = arith.addi %add3A_500, %iota3A : vector<16xi32>
      %add3A_502 = arith.constant 7 : i32
      %add3A_503 = arith.addi %add3A_267, %add3A_502 : i32
      %sub3A_504 = vector.broadcast %add3A_503 : i32 to vector<16xi32>
      %sub3A_505 = arith.subi %sub3A_504, %add3A_501 : vector<16xi32>
      %add3A_506 = arith.addi %sub3A_505, %get3A_33 : vector<16xi32>
      %jit3A_507 = arith.constant -127 : i32
      %jit3A_508 = arith.constant 127 : i32
      %max3A = vector.broadcast %jit3A_507 : i32 to vector<16xi32>
      %max3A_509 = arith.maxsi %max3A, %add3A_506 : vector<16xi32>
      %min3A = vector.broadcast %jit3A_508 : i32 to vector<16xi32>
      %min3A_510 = arith.minsi %min3A, %max3A_509 : vector<16xi32>
      %add3A_511 = arith.constant 127 : i32
      %add3A_512 = vector.broadcast %add3A_511 : i32 to vector<16xi32>
      %add3A_513 = arith.addi %min3A_510, %add3A_512 : vector<16xi32>
      %gather3A = tpu.vector_load_idx %arg5[%add3A_513] : memref<256xf32, #tpu.memory_space<vmem>>[vector<16xi32>], vector<16xf32>,
      %mul3A_514 = arith.constant 16 : i32
      %mul3A_515 = arith.muli %scan3A_497, %mul3A_514 : i32
      %swap3A = arith.constant 7 : i32
      %swap3A_516 = arith.index_cast %swap3A : i32 to index
      %swap3A_517 = arith.index_cast %mul3A_515 : i32 to index
      %swap3A_518 = tpu.vector_load %arg7[%swap3A_516, %swap3A_517] {strides = array<i32>} : memref<8x3968xf32, #tpu.memory_space<vmem>>, vector<16xf32>,
      tpu.vector_store %arg7[%swap3A_516, %swap3A_517], %gather3A {strides = array<i32>} : memref<8x3968xf32, #tpu.memory_space<vmem>>, vector<16xf32>,
    }
    %scan3A_307 = arith.constant 248 : i32
    %scan3A_308 = arith.constant 0 : i32
    %scan3A_309 = arith.constant 16 : i32
    %scan3A_310 = arith.addi %scan3A_308, %scan3A_309 : i32
    %scan3A_311 = arith.constant 1 : i32
    scf.for %scan3A_497 = %scan3A_308 to %scan3A_310 step %scan3A_311  : i32 {
      %mul3A_498 = arith.constant 16 : i32
      %mul3A_499 = arith.muli %mul3A_498, %scan3A_497 : i32
      %add3A_500 = arith.addi %add3A_263, %mul3A_499 : i32
      %mul3A_501 = arith.constant 8 : i32
      %mul3A_502 = arith.muli %mul3A_501, %add3A_500 : i32
      %sub3A_503 = arith.constant 15 : i32
      %sub3A_504 = arith.subi %sub3A_503, %scan3A_497 : i32
      %mul3A_505 = arith.constant 128 : i32
      %mul3A_506 = arith.muli %mul3A_505, %sub3A_504 : i32
      %dma_start3A = arith.constant 0 : i32
      %dma_start3A_507 = tpu.memref_slice %arg7[%dma_start3A, %mul3A_506] : memref<8x3968xf32, #tpu.memory_space<vmem>> -> memref<8x2048xf32, #tpu.memory_space<vmem>>
      %dma_start3A_508 = arith.constant 0 : i32
      %dma_start3A_509 = tpu.memref_slice %arg4[%select_n3A, %mul3A_502, %dma_start3A_508] : memref<16x2048x2048xf32, #tpu.memory_space<hbm>> -> memref<1x8x2048xf32, #tpu.memory_space<hbm>>
      %dma_start3A_510 = tpu.memref_squeeze %dma_start3A_509 : memref<1x8x2048xf32, #tpu.memory_space<hbm>> -> memref<8x2048xf32, #tpu.memory_space<hbm>>
      %dma_start3A_511 = arith.constant 0 : i32
      %dma_start3A_512 = tpu.memref_slice %arg4[%select_n3A, %mul3A_502, %dma_start3A_511] : memref<16x2048x2048xf32, #tpu.memory_space<hbm>> -> memref<1x8x2048xf32, #tpu.memory_space<hbm>>
      %dma_start3A_513 = tpu.memref_squeeze %dma_start3A_512 : memref<1x8x2048xf32, #tpu.memory_space<hbm>> -> memref<8x2048xf32, #tpu.memory_space<hbm>>
      %dma_start3A_514 = arith.constant 0 : i32
      %dma_start3A_515 = tpu.memref_slice %arg7[%dma_start3A_514, %mul3A_506] : memref<8x3968xf32, #tpu.memory_space<vmem>> -> memref<8x2048xf32, #tpu.memory_space<vmem>>
      tpu.enqueue_dma source(%dma_start3A_515 : memref<8x2048xf32, #tpu.memory_space<vmem>>) target(%dma_start3A_513 : memref<8x2048xf32, #tpu.memory_space<hbm>>) target_semaphore(%arg9 : memref<!tpu.dma_semaphore, #tpu.memory_space<semaphore_mem>>)
    }
    %scan3A_312 = arith.constant 16 : i32
    %scan3A_313 = arith.constant 0 : i32
    %scan3A_314 = arith.constant 16 : i32
    %scan3A_315 = arith.addi %scan3A_313, %scan3A_314 : i32
    %scan3A_316 = arith.constant 1 : i32
    scf.for %scan3A_497 = %scan3A_313 to %scan3A_315 step %scan3A_316  : i32 {
      %dma_wait3A = arith.constant 0 : i32
      %dma_wait3A_498 = arith.constant 0 : i32
      %dma_wait3A_499 = tpu.memref_slice %arg8[%dma_wait3A, %dma_wait3A_498] : memref<8x3968xf32, #tpu.memory_space<vmem>> -> memref<8x2048xf32, #tpu.memory_space<vmem>>
      %dma_wait3A_500 = arith.constant 0 : i32
      %dma_wait3A_501 = arith.constant 0 : i32
      %dma_wait3A_502 = tpu.memref_slice %arg4[%select_n3A, %dma_wait3A_500, %dma_wait3A_501] : memref<16x2048x2048xf32, #tpu.memory_space<hbm>> -> memref<1x8x2048xf32, #tpu.memory_space<hbm>>
      %dma_wait3A_503 = tpu.memref_squeeze %dma_wait3A_502 : memref<1x8x2048xf32, #tpu.memory_space<hbm>> -> memref<8x2048xf32, #tpu.memory_space<hbm>>
      %dma_wait3A_504 = arith.constant 0 : i32
      %dma_wait3A_505 = arith.constant 0 : i32
      %dma_wait3A_506 = tpu.memref_slice %arg4[%select_n3A, %dma_wait3A_504, %dma_wait3A_505] : memref<16x2048x2048xf32, #tpu.memory_space<hbm>> -> memref<1x8x2048xf32, #tpu.memory_space<hbm>>
      %dma_wait3A_507 = tpu.memref_squeeze %dma_wait3A_506 : memref<1x8x2048xf32, #tpu.memory_space<hbm>> -> memref<8x2048xf32, #tpu.memory_space<hbm>>
      %dma_wait3A_508 = arith.constant 0 : i32
      %dma_wait3A_509 = arith.constant 0 : i32
      %dma_wait3A_510 = tpu.memref_slice %arg8[%dma_wait3A_508, %dma_wait3A_509] : memref<8x3968xf32, #tpu.memory_space<vmem>> -> memref<8x2048xf32, #tpu.memory_space<vmem>>
      tpu.wait_dma2 semaphore(%arg10 : memref<!tpu.dma_semaphore, #tpu.memory_space<semaphore_mem>>) src(%dma_wait3A_510 : memref<8x2048xf32, #tpu.memory_space<vmem>>) dst(%dma_wait3A_507 : memref<8x2048xf32, #tpu.memory_space<hbm>>)
    }
    %scan3A_317 = arith.constant 16 : i32
    %mul3A_318 = arith.constant 8 : i32
    %mul3A_319 = arith.muli %select_n3A_30, %mul3A_318 : i32
    %add3A_320 = arith.constant 5 : i32
    %add3A_321 = arith.addi %mul3A_319, %add3A_320 : i32
    %mul3A_322 = arith.constant 8 : i32
    %mul3A_323 = arith.muli %mul3A_322, %add3A_321 : i32
    %add3A_324 = arith.constant 1920 : i32
    %add3A_325 = arith.addi %add3A_324, %mul3A_323 : i32
    %scan3A_326 = arith.constant 0 : i32
    %scan3A_327 = arith.constant 248 : i32
    %scan3A_328 = arith.addi %scan3A_326, %scan3A_327 : i32
    %scan3A_329 = arith.constant 1 : i32
    scf.for %scan3A_497 = %scan3A_326 to %scan3A_328 step %scan3A_329  : i32 {
      %mul3A_498 = arith.constant 16 : i32
      %mul3A_499 = arith.muli %scan3A_497, %mul3A_498 : i32
      %add3A_500 = vector.broadcast %mul3A_499 : i32 to vector<16xi32>
      %add3A_501 = arith.addi %add3A_500, %iota3A : vector<16xi32>
      %add3A_502 = arith.constant 0 : i32
      %add3A_503 = arith.addi %add3A_325, %add3A_502 : i32
      %sub3A_504 = vector.broadcast %add3A_503 : i32 to vector<16xi32>
      %sub3A_505 = arith.subi %sub3A_504, %add3A_501 : vector<16xi32>
      %add3A_506 = arith.addi %sub3A_505, %get3A_33 : vector<16xi32>
      %jit3A_507 = arith.constant -127 : i32
      %jit3A_508 = arith.constant 127 : i32
      %max3A = vector.broadcast %jit3A_507 : i32 to vector<16xi32>
      %max3A_509 = arith.maxsi %max3A, %add3A_506 : vector<16xi32>
      %min3A = vector.broadcast %jit3A_508 : i32 to vector<16xi32>
      %min3A_510 = arith.minsi %min3A, %max3A_509 : vector<16xi32>
      %add3A_511 = arith.constant 127 : i32
      %add3A_512 = vector.broadcast %add3A_511 : i32 to vector<16xi32>
      %add3A_513 = arith.addi %min3A_510, %add3A_512 : vector<16xi32>
      %gather3A = tpu.vector_load_idx %arg5[%add3A_513] : memref<256xf32, #tpu.memory_space<vmem>>[vector<16xi32>], vector<16xf32>,
      %mul3A_514 = arith.constant 16 : i32
      %mul3A_515 = arith.muli %scan3A_497, %mul3A_514 : i32
      %swap3A = arith.constant 0 : i32
      %swap3A_516 = arith.index_cast %swap3A : i32 to index
      %swap3A_517 = arith.index_cast %mul3A_515 : i32 to index
      %swap3A_518 = tpu.vector_load %arg8[%swap3A_516, %swap3A_517] {strides = array<i32>} : memref<8x3968xf32, #tpu.memory_space<vmem>>, vector<16xf32>,
      tpu.vector_store %arg8[%swap3A_516, %swap3A_517], %gather3A {strides = array<i32>} : memref<8x3968xf32, #tpu.memory_space<vmem>>, vector<16xf32>,
    }
    %scan3A_330 = arith.constant 248 : i32
    %scan3A_331 = arith.constant 0 : i32
    %scan3A_332 = arith.constant 248 : i32
    %scan3A_333 = arith.addi %scan3A_331, %scan3A_332 : i32
    %scan3A_334 = arith.constant 1 : i32
    scf.for %scan3A_497 = %scan3A_331 to %scan3A_333 step %scan3A_334  : i32 {
      %mul3A_498 = arith.constant 16 : i32
      %mul3A_499 = arith.muli %scan3A_497, %mul3A_498 : i32
      %add3A_500 = vector.broadcast %mul3A_499 : i32 to vector<16xi32>
      %add3A_501 = arith.addi %add3A_500, %iota3A : vector<16xi32>
      %add3A_502 = arith.constant 1 : i32
      %add3A_503 = arith.addi %add3A_325, %add3A_502 : i32
      %sub3A_504 = vector.broadcast %add3A_503 : i32 to vector<16xi32>
      %sub3A_505 = arith.subi %sub3A_504, %add3A_501 : vector<16xi32>
      %add3A_506 = arith.addi %sub3A_505, %get3A_33 : vector<16xi32>
      %jit3A_507 = arith.constant -127 : i32
      %jit3A_508 = arith.constant 127 : i32
      %max3A = vector.broadcast %jit3A_507 : i32 to vector<16xi32>
      %max3A_509 = arith.maxsi %max3A, %add3A_506 : vector<16xi32>
      %min3A = vector.broadcast %jit3A_508 : i32 to vector<16xi32>
      %min3A_510 = arith.minsi %min3A, %max3A_509 : vector<16xi32>
      %add3A_511 = arith.constant 127 : i32
      %add3A_512 = vector.broadcast %add3A_511 : i32 to vector<16xi32>
      %add3A_513 = arith.addi %min3A_510, %add3A_512 : vector<16xi32>
      %gather3A = tpu.vector_load_idx %arg5[%add3A_513] : memref<256xf32, #tpu.memory_space<vmem>>[vector<16xi32>], vector<16xf32>,
      %mul3A_514 = arith.constant 16 : i32
      %mul3A_515 = arith.muli %scan3A_497, %mul3A_514 : i32
      %swap3A = arith.constant 1 : i32
      %swap3A_516 = arith.index_cast %swap3A : i32 to index
      %swap3A_517 = arith.index_cast %mul3A_515 : i32 to index
      %swap3A_518 = tpu.vector_load %arg8[%swap3A_516, %swap3A_517] {strides = array<i32>} : memref<8x3968xf32, #tpu.memory_space<vmem>>, vector<16xf32>,
      tpu.vector_store %arg8[%swap3A_516, %swap3A_517], %gather3A {strides = array<i32>} : memref<8x3968xf32, #tpu.memory_space<vmem>>, vector<16xf32>,
    }
    %scan3A_335 = arith.constant 248 : i32
    %scan3A_336 = arith.constant 0 : i32
    %scan3A_337 = arith.constant 248 : i32
    %scan3A_338 = arith.addi %scan3A_336, %scan3A_337 : i32
    %scan3A_339 = arith.constant 1 : i32
    scf.for %scan3A_497 = %scan3A_336 to %scan3A_338 step %scan3A_339  : i32 {
      %mul3A_498 = arith.constant 16 : i32
      %mul3A_499 = arith.muli %scan3A_497, %mul3A_498 : i32
      %add3A_500 = vector.broadcast %mul3A_499 : i32 to vector<16xi32>
      %add3A_501 = arith.addi %add3A_500, %iota3A : vector<16xi32>
      %add3A_502 = arith.constant 2 : i32
      %add3A_503 = arith.addi %add3A_325, %add3A_502 : i32
      %sub3A_504 = vector.broadcast %add3A_503 : i32 to vector<16xi32>
      %sub3A_505 = arith.subi %sub3A_504, %add3A_501 : vector<16xi32>
      %add3A_506 = arith.addi %sub3A_505, %get3A_33 : vector<16xi32>
      %jit3A_507 = arith.constant -127 : i32
      %jit3A_508 = arith.constant 127 : i32
      %max3A = vector.broadcast %jit3A_507 : i32 to vector<16xi32>
      %max3A_509 = arith.maxsi %max3A, %add3A_506 : vector<16xi32>
      %min3A = vector.broadcast %jit3A_508 : i32 to vector<16xi32>
      %min3A_510 = arith.minsi %min3A, %max3A_509 : vector<16xi32>
      %add3A_511 = arith.constant 127 : i32
      %add3A_512 = vector.broadcast %add3A_511 : i32 to vector<16xi32>
      %add3A_513 = arith.addi %min3A_510, %add3A_512 : vector<16xi32>
      %gather3A = tpu.vector_load_idx %arg5[%add3A_513] : memref<256xf32, #tpu.memory_space<vmem>>[vector<16xi32>], vector<16xf32>,
      %mul3A_514 = arith.constant 16 : i32
      %mul3A_515 = arith.muli %scan3A_497, %mul3A_514 : i32
      %swap3A = arith.constant 2 : i32
      %swap3A_516 = arith.index_cast %swap3A : i32 to index
      %swap3A_517 = arith.index_cast %mul3A_515 : i32 to index
      %swap3A_518 = tpu.vector_load %arg8[%swap3A_516, %swap3A_517] {strides = array<i32>} : memref<8x3968xf32, #tpu.memory_space<vmem>>, vector<16xf32>,
      tpu.vector_store %arg8[%swap3A_516, %swap3A_517], %gather3A {strides = array<i32>} : memref<8x3968xf32, #tpu.memory_space<vmem>>, vector<16xf32>,
    }
    %scan3A_340 = arith.constant 248 : i32
    %scan3A_341 = arith.constant 0 : i32
    %scan3A_342 = arith.constant 248 : i32
    %scan3A_343 = arith.addi %scan3A_341, %scan3A_342 : i32
    %scan3A_344 = arith.constant 1 : i32
    scf.for %scan3A_497 = %scan3A_341 to %scan3A_343 step %scan3A_344  : i32 {
      %mul3A_498 = arith.constant 16 : i32
      %mul3A_499 = arith.muli %scan3A_497, %mul3A_498 : i32
      %add3A_500 = vector.broadcast %mul3A_499 : i32 to vector<16xi32>
      %add3A_501 = arith.addi %add3A_500, %iota3A : vector<16xi32>
      %add3A_502 = arith.constant 3 : i32
      %add3A_503 = arith.addi %add3A_325, %add3A_502 : i32
      %sub3A_504 = vector.broadcast %add3A_503 : i32 to vector<16xi32>
      %sub3A_505 = arith.subi %sub3A_504, %add3A_501 : vector<16xi32>
      %add3A_506 = arith.addi %sub3A_505, %get3A_33 : vector<16xi32>
      %jit3A_507 = arith.constant -127 : i32
      %jit3A_508 = arith.constant 127 : i32
      %max3A = vector.broadcast %jit3A_507 : i32 to vector<16xi32>
      %max3A_509 = arith.maxsi %max3A, %add3A_506 : vector<16xi32>
      %min3A = vector.broadcast %jit3A_508 : i32 to vector<16xi32>
      %min3A_510 = arith.minsi %min3A, %max3A_509 : vector<16xi32>
      %add3A_511 = arith.constant 127 : i32
      %add3A_512 = vector.broadcast %add3A_511 : i32 to vector<16xi32>
      %add3A_513 = arith.addi %min3A_510, %add3A_512 : vector<16xi32>
      %gather3A = tpu.vector_load_idx %arg5[%add3A_513] : memref<256xf32, #tpu.memory_space<vmem>>[vector<16xi32>], vector<16xf32>,
      %mul3A_514 = arith.constant 16 : i32
      %mul3A_515 = arith.muli %scan3A_497, %mul3A_514 : i32
      %swap3A = arith.constant 3 : i32
      %swap3A_516 = arith.index_cast %swap3A : i32 to index
      %swap3A_517 = arith.index_cast %mul3A_515 : i32 to index
      %swap3A_518 = tpu.vector_load %arg8[%swap3A_516, %swap3A_517] {strides = array<i32>} : memref<8x3968xf32, #tpu.memory_space<vmem>>, vector<16xf32>,
      tpu.vector_store %arg8[%swap3A_516, %swap3A_517], %gather3A {strides = array<i32>} : memref<8x3968xf32, #tpu.memory_space<vmem>>, vector<16xf32>,
    }
    %scan3A_345 = arith.constant 248 : i32
    %scan3A_346 = arith.constant 0 : i32
    %scan3A_347 = arith.constant 248 : i32
    %scan3A_348 = arith.addi %scan3A_346, %scan3A_347 : i32
    %scan3A_349 = arith.constant 1 : i32
    scf.for %scan3A_497 = %scan3A_346 to %scan3A_348 step %scan3A_349  : i32 {
      %mul3A_498 = arith.constant 16 : i32
      %mul3A_499 = arith.muli %scan3A_497, %mul3A_498 : i32
      %add3A_500 = vector.broadcast %mul3A_499 : i32 to vector<16xi32>
      %add3A_501 = arith.addi %add3A_500, %iota3A : vector<16xi32>
      %add3A_502 = arith.constant 4 : i32
      %add3A_503 = arith.addi %add3A_325, %add3A_502 : i32
      %sub3A_504 = vector.broadcast %add3A_503 : i32 to vector<16xi32>
      %sub3A_505 = arith.subi %sub3A_504, %add3A_501 : vector<16xi32>
      %add3A_506 = arith.addi %sub3A_505, %get3A_33 : vector<16xi32>
      %jit3A_507 = arith.constant -127 : i32
      %jit3A_508 = arith.constant 127 : i32
      %max3A = vector.broadcast %jit3A_507 : i32 to vector<16xi32>
      %max3A_509 = arith.maxsi %max3A, %add3A_506 : vector<16xi32>
      %min3A = vector.broadcast %jit3A_508 : i32 to vector<16xi32>
      %min3A_510 = arith.minsi %min3A, %max3A_509 : vector<16xi32>
      %add3A_511 = arith.constant 127 : i32
      %add3A_512 = vector.broadcast %add3A_511 : i32 to vector<16xi32>
      %add3A_513 = arith.addi %min3A_510, %add3A_512 : vector<16xi32>
      %gather3A = tpu.vector_load_idx %arg5[%add3A_513] : memref<256xf32, #tpu.memory_space<vmem>>[vector<16xi32>], vector<16xf32>,
      %mul3A_514 = arith.constant 16 : i32
      %mul3A_515 = arith.muli %scan3A_497, %mul3A_514 : i32
      %swap3A = arith.constant 4 : i32
      %swap3A_516 = arith.index_cast %swap3A : i32 to index
      %swap3A_517 = arith.index_cast %mul3A_515 : i32 to index
      %swap3A_518 = tpu.vector_load %arg8[%swap3A_516, %swap3A_517] {strides = array<i32>} : memref<8x3968xf32, #tpu.memory_space<vmem>>, vector<16xf32>,
      tpu.vector_store %arg8[%swap3A_516, %swap3A_517], %gather3A {strides = array<i32>} : memref<8x3968xf32, #tpu.memory_space<vmem>>, vector<16xf32>,
    }
    %scan3A_350 = arith.constant 248 : i32
    %scan3A_351 = arith.constant 0 : i32
    %scan3A_352 = arith.constant 248 : i32
    %scan3A_353 = arith.addi %scan3A_351, %scan3A_352 : i32
    %scan3A_354 = arith.constant 1 : i32
    scf.for %scan3A_497 = %scan3A_351 to %scan3A_353 step %scan3A_354  : i32 {
      %mul3A_498 = arith.constant 16 : i32
      %mul3A_499 = arith.muli %scan3A_497, %mul3A_498 : i32
      %add3A_500 = vector.broadcast %mul3A_499 : i32 to vector<16xi32>
      %add3A_501 = arith.addi %add3A_500, %iota3A : vector<16xi32>
      %add3A_502 = arith.constant 5 : i32
      %add3A_503 = arith.addi %add3A_325, %add3A_502 : i32
      %sub3A_504 = vector.broadcast %add3A_503 : i32 to vector<16xi32>
      %sub3A_505 = arith.subi %sub3A_504, %add3A_501 : vector<16xi32>
      %add3A_506 = arith.addi %sub3A_505, %get3A_33 : vector<16xi32>
      %jit3A_507 = arith.constant -127 : i32
      %jit3A_508 = arith.constant 127 : i32
      %max3A = vector.broadcast %jit3A_507 : i32 to vector<16xi32>
      %max3A_509 = arith.maxsi %max3A, %add3A_506 : vector<16xi32>
      %min3A = vector.broadcast %jit3A_508 : i32 to vector<16xi32>
      %min3A_510 = arith.minsi %min3A, %max3A_509 : vector<16xi32>
      %add3A_511 = arith.constant 127 : i32
      %add3A_512 = vector.broadcast %add3A_511 : i32 to vector<16xi32>
      %add3A_513 = arith.addi %min3A_510, %add3A_512 : vector<16xi32>
      %gather3A = tpu.vector_load_idx %arg5[%add3A_513] : memref<256xf32, #tpu.memory_space<vmem>>[vector<16xi32>], vector<16xf32>,
      %mul3A_514 = arith.constant 16 : i32
      %mul3A_515 = arith.muli %scan3A_497, %mul3A_514 : i32
      %swap3A = arith.constant 5 : i32
      %swap3A_516 = arith.index_cast %swap3A : i32 to index
      %swap3A_517 = arith.index_cast %mul3A_515 : i32 to index
      %swap3A_518 = tpu.vector_load %arg8[%swap3A_516, %swap3A_517] {strides = array<i32>} : memref<8x3968xf32, #tpu.memory_space<vmem>>, vector<16xf32>,
      tpu.vector_store %arg8[%swap3A_516, %swap3A_517], %gather3A {strides = array<i32>} : memref<8x3968xf32, #tpu.memory_space<vmem>>, vector<16xf32>,
    }
    %scan3A_355 = arith.constant 248 : i32
    %scan3A_356 = arith.constant 0 : i32
    %scan3A_357 = arith.constant 248 : i32
    %scan3A_358 = arith.addi %scan3A_356, %scan3A_357 : i32
    %scan3A_359 = arith.constant 1 : i32
    scf.for %scan3A_497 = %scan3A_356 to %scan3A_358 step %scan3A_359  : i32 {
      %mul3A_498 = arith.constant 16 : i32
      %mul3A_499 = arith.muli %scan3A_497, %mul3A_498 : i32
      %add3A_500 = vector.broadcast %mul3A_499 : i32 to vector<16xi32>
      %add3A_501 = arith.addi %add3A_500, %iota3A : vector<16xi32>
      %add3A_502 = arith.constant 6 : i32
      %add3A_503 = arith.addi %add3A_325, %add3A_502 : i32
      %sub3A_504 = vector.broadcast %add3A_503 : i32 to vector<16xi32>
      %sub3A_505 = arith.subi %sub3A_504, %add3A_501 : vector<16xi32>
      %add3A_506 = arith.addi %sub3A_505, %get3A_33 : vector<16xi32>
      %jit3A_507 = arith.constant -127 : i32
      %jit3A_508 = arith.constant 127 : i32
      %max3A = vector.broadcast %jit3A_507 : i32 to vector<16xi32>
      %max3A_509 = arith.maxsi %max3A, %add3A_506 : vector<16xi32>
      %min3A = vector.broadcast %jit3A_508 : i32 to vector<16xi32>
      %min3A_510 = arith.minsi %min3A, %max3A_509 : vector<16xi32>
      %add3A_511 = arith.constant 127 : i32
      %add3A_512 = vector.broadcast %add3A_511 : i32 to vector<16xi32>
      %add3A_513 = arith.addi %min3A_510, %add3A_512 : vector<16xi32>
      %gather3A = tpu.vector_load_idx %arg5[%add3A_513] : memref<256xf32, #tpu.memory_space<vmem>>[vector<16xi32>], vector<16xf32>,
      %mul3A_514 = arith.constant 16 : i32
      %mul3A_515 = arith.muli %scan3A_497, %mul3A_514 : i32
      %swap3A = arith.constant 6 : i32
      %swap3A_516 = arith.index_cast %swap3A : i32 to index
      %swap3A_517 = arith.index_cast %mul3A_515 : i32 to index
      %swap3A_518 = tpu.vector_load %arg8[%swap3A_516, %swap3A_517] {strides = array<i32>} : memref<8x3968xf32, #tpu.memory_space<vmem>>, vector<16xf32>,
      tpu.vector_store %arg8[%swap3A_516, %swap3A_517], %gather3A {strides = array<i32>} : memref<8x3968xf32, #tpu.memory_space<vmem>>, vector<16xf32>,
    }
    %scan3A_360 = arith.constant 248 : i32
    %scan3A_361 = arith.constant 0 : i32
    %scan3A_362 = arith.constant 248 : i32
    %scan3A_363 = arith.addi %scan3A_361, %scan3A_362 : i32
    %scan3A_364 = arith.constant 1 : i32
    scf.for %scan3A_497 = %scan3A_361 to %scan3A_363 step %scan3A_364  : i32 {
      %mul3A_498 = arith.constant 16 : i32
      %mul3A_499 = arith.muli %scan3A_497, %mul3A_498 : i32
      %add3A_500 = vector.broadcast %mul3A_499 : i32 to vector<16xi32>
      %add3A_501 = arith.addi %add3A_500, %iota3A : vector<16xi32>
      %add3A_502 = arith.constant 7 : i32
      %add3A_503 = arith.addi %add3A_325, %add3A_502 : i32
      %sub3A_504 = vector.broadcast %add3A_503 : i32 to vector<16xi32>
      %sub3A_505 = arith.subi %sub3A_504, %add3A_501 : vector<16xi32>
      %add3A_506 = arith.addi %sub3A_505, %get3A_33 : vector<16xi32>
      %jit3A_507 = arith.constant -127 : i32
      %jit3A_508 = arith.constant 127 : i32
      %max3A = vector.broadcast %jit3A_507 : i32 to vector<16xi32>
      %max3A_509 = arith.maxsi %max3A, %add3A_506 : vector<16xi32>
      %min3A = vector.broadcast %jit3A_508 : i32 to vector<16xi32>
      %min3A_510 = arith.minsi %min3A, %max3A_509 : vector<16xi32>
      %add3A_511 = arith.constant 127 : i32
      %add3A_512 = vector.broadcast %add3A_511 : i32 to vector<16xi32>
      %add3A_513 = arith.addi %min3A_510, %add3A_512 : vector<16xi32>
      %gather3A = tpu.vector_load_idx %arg5[%add3A_513] : memref<256xf32, #tpu.memory_space<vmem>>[vector<16xi32>], vector<16xf32>,
      %mul3A_514 = arith.constant 16 : i32
      %mul3A_515 = arith.muli %scan3A_497, %mul3A_514 : i32
      %swap3A = arith.constant 7 : i32
      %swap3A_516 = arith.index_cast %swap3A : i32 to index
      %swap3A_517 = arith.index_cast %mul3A_515 : i32 to index
      %swap3A_518 = tpu.vector_load %arg8[%swap3A_516, %swap3A_517] {strides = array<i32>} : memref<8x3968xf32, #tpu.memory_space<vmem>>, vector<16xf32>,
      tpu.vector_store %arg8[%swap3A_516, %swap3A_517], %gather3A {strides = array<i32>} : memref<8x3968xf32, #tpu.memory_space<vmem>>, vector<16xf32>,
    }
    %scan3A_365 = arith.constant 248 : i32
    %scan3A_366 = arith.constant 0 : i32
    %scan3A_367 = arith.constant 16 : i32
    %scan3A_368 = arith.addi %scan3A_366, %scan3A_367 : i32
    %scan3A_369 = arith.constant 1 : i32
    scf.for %scan3A_497 = %scan3A_366 to %scan3A_368 step %scan3A_369  : i32 {
      %mul3A_498 = arith.constant 16 : i32
      %mul3A_499 = arith.muli %mul3A_498, %scan3A_497 : i32
      %add3A_500 = arith.addi %add3A_321, %mul3A_499 : i32
      %mul3A_501 = arith.constant 8 : i32
      %mul3A_502 = arith.muli %mul3A_501, %add3A_500 : i32
      %sub3A_503 = arith.constant 15 : i32
      %sub3A_504 = arith.subi %sub3A_503, %scan3A_497 : i32
      %mul3A_505 = arith.constant 128 : i32
      %mul3A_506 = arith.muli %mul3A_505, %sub3A_504 : i32
      %dma_start3A = arith.constant 0 : i32
      %dma_start3A_507 = tpu.memref_slice %arg8[%dma_start3A, %mul3A_506] : memref<8x3968xf32, #tpu.memory_space<vmem>> -> memref<8x2048xf32, #tpu.memory_space<vmem>>
      %dma_start3A_508 = arith.constant 0 : i32
      %dma_start3A_509 = tpu.memref_slice %arg4[%select_n3A, %mul3A_502, %dma_start3A_508] : memref<16x2048x2048xf32, #tpu.memory_space<hbm>> -> memref<1x8x2048xf32, #tpu.memory_space<hbm>>
      %dma_start3A_510 = tpu.memref_squeeze %dma_start3A_509 : memref<1x8x2048xf32, #tpu.memory_space<hbm>> -> memref<8x2048xf32, #tpu.memory_space<hbm>>
      %dma_start3A_511 = arith.constant 0 : i32
      %dma_start3A_512 = tpu.memref_slice %arg4[%select_n3A, %mul3A_502, %dma_start3A_511] : memref<16x2048x2048xf32, #tpu.memory_space<hbm>> -> memref<1x8x2048xf32, #tpu.memory_space<hbm>>
      %dma_start3A_513 = tpu.memref_squeeze %dma_start3A_512 : memref<1x8x2048xf32, #tpu.memory_space<hbm>> -> memref<8x2048xf32, #tpu.memory_space<hbm>>
      %dma_start3A_514 = arith.constant 0 : i32
      %dma_start3A_515 = tpu.memref_slice %arg8[%dma_start3A_514, %mul3A_506] : memref<8x3968xf32, #tpu.memory_space<vmem>> -> memref<8x2048xf32, #tpu.memory_space<vmem>>
      tpu.enqueue_dma source(%dma_start3A_515 : memref<8x2048xf32, #tpu.memory_space<vmem>>) target(%dma_start3A_513 : memref<8x2048xf32, #tpu.memory_space<hbm>>) target_semaphore(%arg10 : memref<!tpu.dma_semaphore, #tpu.memory_space<semaphore_mem>>)
    }
    %scan3A_370 = arith.constant 16 : i32
    %scan3A_371 = arith.constant 0 : i32
    %scan3A_372 = arith.constant 16 : i32
    %scan3A_373 = arith.addi %scan3A_371, %scan3A_372 : i32
    %scan3A_374 = arith.constant 1 : i32
    scf.for %scan3A_497 = %scan3A_371 to %scan3A_373 step %scan3A_374  : i32 {
      %dma_wait3A = arith.constant 0 : i32
      %dma_wait3A_498 = arith.constant 0 : i32
      %dma_wait3A_499 = tpu.memref_slice %arg7[%dma_wait3A, %dma_wait3A_498] : memref<8x3968xf32, #tpu.memory_space<vmem>> -> memref<8x2048xf32, #tpu.memory_space<vmem>>
      %dma_wait3A_500 = arith.constant 0 : i32
      %dma_wait3A_501 = arith.constant 0 : i32
      %dma_wait3A_502 = tpu.memref_slice %arg4[%select_n3A, %dma_wait3A_500, %dma_wait3A_501] : memref<16x2048x2048xf32, #tpu.memory_space<hbm>> -> memref<1x8x2048xf32, #tpu.memory_space<hbm>>
      %dma_wait3A_503 = tpu.memref_squeeze %dma_wait3A_502 : memref<1x8x2048xf32, #tpu.memory_space<hbm>> -> memref<8x2048xf32, #tpu.memory_space<hbm>>
      %dma_wait3A_504 = arith.constant 0 : i32
      %dma_wait3A_505 = arith.constant 0 : i32
      %dma_wait3A_506 = tpu.memref_slice %arg4[%select_n3A, %dma_wait3A_504, %dma_wait3A_505] : memref<16x2048x2048xf32, #tpu.memory_space<hbm>> -> memref<1x8x2048xf32, #tpu.memory_space<hbm>>
      %dma_wait3A_507 = tpu.memref_squeeze %dma_wait3A_506 : memref<1x8x2048xf32, #tpu.memory_space<hbm>> -> memref<8x2048xf32, #tpu.memory_space<hbm>>
      %dma_wait3A_508 = arith.constant 0 : i32
      %dma_wait3A_509 = arith.constant 0 : i32
      %dma_wait3A_510 = tpu.memref_slice %arg7[%dma_wait3A_508, %dma_wait3A_509] : memref<8x3968xf32, #tpu.memory_space<vmem>> -> memref<8x2048xf32, #tpu.memory_space<vmem>>
      tpu.wait_dma2 semaphore(%arg9 : memref<!tpu.dma_semaphore, #tpu.memory_space<semaphore_mem>>) src(%dma_wait3A_510 : memref<8x2048xf32, #tpu.memory_space<vmem>>) dst(%dma_wait3A_507 : memref<8x2048xf32, #tpu.memory_space<hbm>>)
    }
    %scan3A_375 = arith.constant 16 : i32
    %mul3A_376 = arith.constant 8 : i32
    %mul3A_377 = arith.muli %select_n3A_30, %mul3A_376 : i32
    %add3A_378 = arith.constant 6 : i32
    %add3A_379 = arith.addi %mul3A_377, %add3A_378 : i32
    %mul3A_380 = arith.constant 8 : i32
    %mul3A_381 = arith.muli %mul3A_380, %add3A_379 : i32
    %add3A_382 = arith.constant 1920 : i32
    %add3A_383 = arith.addi %add3A_382, %mul3A_381 : i32
    %scan3A_384 = arith.constant 0 : i32
    %scan3A_385 = arith.constant 248 : i32
    %scan3A_386 = arith.addi %scan3A_384, %scan3A_385 : i32
    %scan3A_387 = arith.constant 1 : i32
    scf.for %scan3A_497 = %scan3A_384 to %scan3A_386 step %scan3A_387  : i32 {
      %mul3A_498 = arith.constant 16 : i32
      %mul3A_499 = arith.muli %scan3A_497, %mul3A_498 : i32
      %add3A_500 = vector.broadcast %mul3A_499 : i32 to vector<16xi32>
      %add3A_501 = arith.addi %add3A_500, %iota3A : vector<16xi32>
      %add3A_502 = arith.constant 0 : i32
      %add3A_503 = arith.addi %add3A_383, %add3A_502 : i32
      %sub3A_504 = vector.broadcast %add3A_503 : i32 to vector<16xi32>
      %sub3A_505 = arith.subi %sub3A_504, %add3A_501 : vector<16xi32>
      %add3A_506 = arith.addi %sub3A_505, %get3A_33 : vector<16xi32>
      %jit3A_507 = arith.constant -127 : i32
      %jit3A_508 = arith.constant 127 : i32
      %max3A = vector.broadcast %jit3A_507 : i32 to vector<16xi32>
      %max3A_509 = arith.maxsi %max3A, %add3A_506 : vector<16xi32>
      %min3A = vector.broadcast %jit3A_508 : i32 to vector<16xi32>
      %min3A_510 = arith.minsi %min3A, %max3A_509 : vector<16xi32>
      %add3A_511 = arith.constant 127 : i32
      %add3A_512 = vector.broadcast %add3A_511 : i32 to vector<16xi32>
      %add3A_513 = arith.addi %min3A_510, %add3A_512 : vector<16xi32>
      %gather3A = tpu.vector_load_idx %arg5[%add3A_513] : memref<256xf32, #tpu.memory_space<vmem>>[vector<16xi32>], vector<16xf32>,
      %mul3A_514 = arith.constant 16 : i32
      %mul3A_515 = arith.muli %scan3A_497, %mul3A_514 : i32
      %swap3A = arith.constant 0 : i32
      %swap3A_516 = arith.index_cast %swap3A : i32 to index
      %swap3A_517 = arith.index_cast %mul3A_515 : i32 to index
      %swap3A_518 = tpu.vector_load %arg7[%swap3A_516, %swap3A_517] {strides = array<i32>} : memref<8x3968xf32, #tpu.memory_space<vmem>>, vector<16xf32>,
      tpu.vector_store %arg7[%swap3A_516, %swap3A_517], %gather3A {strides = array<i32>} : memref<8x3968xf32, #tpu.memory_space<vmem>>, vector<16xf32>,
    }
    %scan3A_388 = arith.constant 248 : i32
    %scan3A_389 = arith.constant 0 : i32
    %scan3A_390 = arith.constant 248 : i32
    %scan3A_391 = arith.addi %scan3A_389, %scan3A_390 : i32
    %scan3A_392 = arith.constant 1 : i32
    scf.for %scan3A_497 = %scan3A_389 to %scan3A_391 step %scan3A_392  : i32 {
      %mul3A_498 = arith.constant 16 : i32
      %mul3A_499 = arith.muli %scan3A_497, %mul3A_498 : i32
      %add3A_500 = vector.broadcast %mul3A_499 : i32 to vector<16xi32>
      %add3A_501 = arith.addi %add3A_500, %iota3A : vector<16xi32>
      %add3A_502 = arith.constant 1 : i32
      %add3A_503 = arith.addi %add3A_383, %add3A_502 : i32
      %sub3A_504 = vector.broadcast %add3A_503 : i32 to vector<16xi32>
      %sub3A_505 = arith.subi %sub3A_504, %add3A_501 : vector<16xi32>
      %add3A_506 = arith.addi %sub3A_505, %get3A_33 : vector<16xi32>
      %jit3A_507 = arith.constant -127 : i32
      %jit3A_508 = arith.constant 127 : i32
      %max3A = vector.broadcast %jit3A_507 : i32 to vector<16xi32>
      %max3A_509 = arith.maxsi %max3A, %add3A_506 : vector<16xi32>
      %min3A = vector.broadcast %jit3A_508 : i32 to vector<16xi32>
      %min3A_510 = arith.minsi %min3A, %max3A_509 : vector<16xi32>
      %add3A_511 = arith.constant 127 : i32
      %add3A_512 = vector.broadcast %add3A_511 : i32 to vector<16xi32>
      %add3A_513 = arith.addi %min3A_510, %add3A_512 : vector<16xi32>
      %gather3A = tpu.vector_load_idx %arg5[%add3A_513] : memref<256xf32, #tpu.memory_space<vmem>>[vector<16xi32>], vector<16xf32>,
      %mul3A_514 = arith.constant 16 : i32
      %mul3A_515 = arith.muli %scan3A_497, %mul3A_514 : i32
      %swap3A = arith.constant 1 : i32
      %swap3A_516 = arith.index_cast %swap3A : i32 to index
      %swap3A_517 = arith.index_cast %mul3A_515 : i32 to index
      %swap3A_518 = tpu.vector_load %arg7[%swap3A_516, %swap3A_517] {strides = array<i32>} : memref<8x3968xf32, #tpu.memory_space<vmem>>, vector<16xf32>,
      tpu.vector_store %arg7[%swap3A_516, %swap3A_517], %gather3A {strides = array<i32>} : memref<8x3968xf32, #tpu.memory_space<vmem>>, vector<16xf32>,
    }
    %scan3A_393 = arith.constant 248 : i32
    %scan3A_394 = arith.constant 0 : i32
    %scan3A_395 = arith.constant 248 : i32
    %scan3A_396 = arith.addi %scan3A_394, %scan3A_395 : i32
    %scan3A_397 = arith.constant 1 : i32
    scf.for %scan3A_497 = %scan3A_394 to %scan3A_396 step %scan3A_397  : i32 {
      %mul3A_498 = arith.constant 16 : i32
      %mul3A_499 = arith.muli %scan3A_497, %mul3A_498 : i32
      %add3A_500 = vector.broadcast %mul3A_499 : i32 to vector<16xi32>
      %add3A_501 = arith.addi %add3A_500, %iota3A : vector<16xi32>
      %add3A_502 = arith.constant 2 : i32
      %add3A_503 = arith.addi %add3A_383, %add3A_502 : i32
      %sub3A_504 = vector.broadcast %add3A_503 : i32 to vector<16xi32>
      %sub3A_505 = arith.subi %sub3A_504, %add3A_501 : vector<16xi32>
      %add3A_506 = arith.addi %sub3A_505, %get3A_33 : vector<16xi32>
      %jit3A_507 = arith.constant -127 : i32
      %jit3A_508 = arith.constant 127 : i32
      %max3A = vector.broadcast %jit3A_507 : i32 to vector<16xi32>
      %max3A_509 = arith.maxsi %max3A, %add3A_506 : vector<16xi32>
      %min3A = vector.broadcast %jit3A_508 : i32 to vector<16xi32>
      %min3A_510 = arith.minsi %min3A, %max3A_509 : vector<16xi32>
      %add3A_511 = arith.constant 127 : i32
      %add3A_512 = vector.broadcast %add3A_511 : i32 to vector<16xi32>
      %add3A_513 = arith.addi %min3A_510, %add3A_512 : vector<16xi32>
      %gather3A = tpu.vector_load_idx %arg5[%add3A_513] : memref<256xf32, #tpu.memory_space<vmem>>[vector<16xi32>], vector<16xf32>,
      %mul3A_514 = arith.constant 16 : i32
      %mul3A_515 = arith.muli %scan3A_497, %mul3A_514 : i32
      %swap3A = arith.constant 2 : i32
      %swap3A_516 = arith.index_cast %swap3A : i32 to index
      %swap3A_517 = arith.index_cast %mul3A_515 : i32 to index
      %swap3A_518 = tpu.vector_load %arg7[%swap3A_516, %swap3A_517] {strides = array<i32>} : memref<8x3968xf32, #tpu.memory_space<vmem>>, vector<16xf32>,
      tpu.vector_store %arg7[%swap3A_516, %swap3A_517], %gather3A {strides = array<i32>} : memref<8x3968xf32, #tpu.memory_space<vmem>>, vector<16xf32>,
    }
    %scan3A_398 = arith.constant 248 : i32
    %scan3A_399 = arith.constant 0 : i32
    %scan3A_400 = arith.constant 248 : i32
    %scan3A_401 = arith.addi %scan3A_399, %scan3A_400 : i32
    %scan3A_402 = arith.constant 1 : i32
    scf.for %scan3A_497 = %scan3A_399 to %scan3A_401 step %scan3A_402  : i32 {
      %mul3A_498 = arith.constant 16 : i32
      %mul3A_499 = arith.muli %scan3A_497, %mul3A_498 : i32
      %add3A_500 = vector.broadcast %mul3A_499 : i32 to vector<16xi32>
      %add3A_501 = arith.addi %add3A_500, %iota3A : vector<16xi32>
      %add3A_502 = arith.constant 3 : i32
      %add3A_503 = arith.addi %add3A_383, %add3A_502 : i32
      %sub3A_504 = vector.broadcast %add3A_503 : i32 to vector<16xi32>
      %sub3A_505 = arith.subi %sub3A_504, %add3A_501 : vector<16xi32>
      %add3A_506 = arith.addi %sub3A_505, %get3A_33 : vector<16xi32>
      %jit3A_507 = arith.constant -127 : i32
      %jit3A_508 = arith.constant 127 : i32
      %max3A = vector.broadcast %jit3A_507 : i32 to vector<16xi32>
      %max3A_509 = arith.maxsi %max3A, %add3A_506 : vector<16xi32>
      %min3A = vector.broadcast %jit3A_508 : i32 to vector<16xi32>
      %min3A_510 = arith.minsi %min3A, %max3A_509 : vector<16xi32>
      %add3A_511 = arith.constant 127 : i32
      %add3A_512 = vector.broadcast %add3A_511 : i32 to vector<16xi32>
      %add3A_513 = arith.addi %min3A_510, %add3A_512 : vector<16xi32>
      %gather3A = tpu.vector_load_idx %arg5[%add3A_513] : memref<256xf32, #tpu.memory_space<vmem>>[vector<16xi32>], vector<16xf32>,
      %mul3A_514 = arith.constant 16 : i32
      %mul3A_515 = arith.muli %scan3A_497, %mul3A_514 : i32
      %swap3A = arith.constant 3 : i32
      %swap3A_516 = arith.index_cast %swap3A : i32 to index
      %swap3A_517 = arith.index_cast %mul3A_515 : i32 to index
      %swap3A_518 = tpu.vector_load %arg7[%swap3A_516, %swap3A_517] {strides = array<i32>} : memref<8x3968xf32, #tpu.memory_space<vmem>>, vector<16xf32>,
      tpu.vector_store %arg7[%swap3A_516, %swap3A_517], %gather3A {strides = array<i32>} : memref<8x3968xf32, #tpu.memory_space<vmem>>, vector<16xf32>,
    }
    %scan3A_403 = arith.constant 248 : i32
    %scan3A_404 = arith.constant 0 : i32
    %scan3A_405 = arith.constant 248 : i32
    %scan3A_406 = arith.addi %scan3A_404, %scan3A_405 : i32
    %scan3A_407 = arith.constant 1 : i32
    scf.for %scan3A_497 = %scan3A_404 to %scan3A_406 step %scan3A_407  : i32 {
      %mul3A_498 = arith.constant 16 : i32
      %mul3A_499 = arith.muli %scan3A_497, %mul3A_498 : i32
      %add3A_500 = vector.broadcast %mul3A_499 : i32 to vector<16xi32>
      %add3A_501 = arith.addi %add3A_500, %iota3A : vector<16xi32>
      %add3A_502 = arith.constant 4 : i32
      %add3A_503 = arith.addi %add3A_383, %add3A_502 : i32
      %sub3A_504 = vector.broadcast %add3A_503 : i32 to vector<16xi32>
      %sub3A_505 = arith.subi %sub3A_504, %add3A_501 : vector<16xi32>
      %add3A_506 = arith.addi %sub3A_505, %get3A_33 : vector<16xi32>
      %jit3A_507 = arith.constant -127 : i32
      %jit3A_508 = arith.constant 127 : i32
      %max3A = vector.broadcast %jit3A_507 : i32 to vector<16xi32>
      %max3A_509 = arith.maxsi %max3A, %add3A_506 : vector<16xi32>
      %min3A = vector.broadcast %jit3A_508 : i32 to vector<16xi32>
      %min3A_510 = arith.minsi %min3A, %max3A_509 : vector<16xi32>
      %add3A_511 = arith.constant 127 : i32
      %add3A_512 = vector.broadcast %add3A_511 : i32 to vector<16xi32>
      %add3A_513 = arith.addi %min3A_510, %add3A_512 : vector<16xi32>
      %gather3A = tpu.vector_load_idx %arg5[%add3A_513] : memref<256xf32, #tpu.memory_space<vmem>>[vector<16xi32>], vector<16xf32>,
      %mul3A_514 = arith.constant 16 : i32
      %mul3A_515 = arith.muli %scan3A_497, %mul3A_514 : i32
      %swap3A = arith.constant 4 : i32
      %swap3A_516 = arith.index_cast %swap3A : i32 to index
      %swap3A_517 = arith.index_cast %mul3A_515 : i32 to index
      %swap3A_518 = tpu.vector_load %arg7[%swap3A_516, %swap3A_517] {strides = array<i32>} : memref<8x3968xf32, #tpu.memory_space<vmem>>, vector<16xf32>,
      tpu.vector_store %arg7[%swap3A_516, %swap3A_517], %gather3A {strides = array<i32>} : memref<8x3968xf32, #tpu.memory_space<vmem>>, vector<16xf32>,
    }
    %scan3A_408 = arith.constant 248 : i32
    %scan3A_409 = arith.constant 0 : i32
    %scan3A_410 = arith.constant 248 : i32
    %scan3A_411 = arith.addi %scan3A_409, %scan3A_410 : i32
    %scan3A_412 = arith.constant 1 : i32
    scf.for %scan3A_497 = %scan3A_409 to %scan3A_411 step %scan3A_412  : i32 {
      %mul3A_498 = arith.constant 16 : i32
      %mul3A_499 = arith.muli %scan3A_497, %mul3A_498 : i32
      %add3A_500 = vector.broadcast %mul3A_499 : i32 to vector<16xi32>
      %add3A_501 = arith.addi %add3A_500, %iota3A : vector<16xi32>
      %add3A_502 = arith.constant 5 : i32
      %add3A_503 = arith.addi %add3A_383, %add3A_502 : i32
      %sub3A_504 = vector.broadcast %add3A_503 : i32 to vector<16xi32>
      %sub3A_505 = arith.subi %sub3A_504, %add3A_501 : vector<16xi32>
      %add3A_506 = arith.addi %sub3A_505, %get3A_33 : vector<16xi32>
      %jit3A_507 = arith.constant -127 : i32
      %jit3A_508 = arith.constant 127 : i32
      %max3A = vector.broadcast %jit3A_507 : i32 to vector<16xi32>
      %max3A_509 = arith.maxsi %max3A, %add3A_506 : vector<16xi32>
      %min3A = vector.broadcast %jit3A_508 : i32 to vector<16xi32>
      %min3A_510 = arith.minsi %min3A, %max3A_509 : vector<16xi32>
      %add3A_511 = arith.constant 127 : i32
      %add3A_512 = vector.broadcast %add3A_511 : i32 to vector<16xi32>
      %add3A_513 = arith.addi %min3A_510, %add3A_512 : vector<16xi32>
      %gather3A = tpu.vector_load_idx %arg5[%add3A_513] : memref<256xf32, #tpu.memory_space<vmem>>[vector<16xi32>], vector<16xf32>,
      %mul3A_514 = arith.constant 16 : i32
      %mul3A_515 = arith.muli %scan3A_497, %mul3A_514 : i32
      %swap3A = arith.constant 5 : i32
      %swap3A_516 = arith.index_cast %swap3A : i32 to index
      %swap3A_517 = arith.index_cast %mul3A_515 : i32 to index
      %swap3A_518 = tpu.vector_load %arg7[%swap3A_516, %swap3A_517] {strides = array<i32>} : memref<8x3968xf32, #tpu.memory_space<vmem>>, vector<16xf32>,
      tpu.vector_store %arg7[%swap3A_516, %swap3A_517], %gather3A {strides = array<i32>} : memref<8x3968xf32, #tpu.memory_space<vmem>>, vector<16xf32>,
    }
    %scan3A_413 = arith.constant 248 : i32
    %scan3A_414 = arith.constant 0 : i32
    %scan3A_415 = arith.constant 248 : i32
    %scan3A_416 = arith.addi %scan3A_414, %scan3A_415 : i32
    %scan3A_417 = arith.constant 1 : i32
    scf.for %scan3A_497 = %scan3A_414 to %scan3A_416 step %scan3A_417  : i32 {
      %mul3A_498 = arith.constant 16 : i32
      %mul3A_499 = arith.muli %scan3A_497, %mul3A_498 : i32
      %add3A_500 = vector.broadcast %mul3A_499 : i32 to vector<16xi32>
      %add3A_501 = arith.addi %add3A_500, %iota3A : vector<16xi32>
      %add3A_502 = arith.constant 6 : i32
      %add3A_503 = arith.addi %add3A_383, %add3A_502 : i32
      %sub3A_504 = vector.broadcast %add3A_503 : i32 to vector<16xi32>
      %sub3A_505 = arith.subi %sub3A_504, %add3A_501 : vector<16xi32>
      %add3A_506 = arith.addi %sub3A_505, %get3A_33 : vector<16xi32>
      %jit3A_507 = arith.constant -127 : i32
      %jit3A_508 = arith.constant 127 : i32
      %max3A = vector.broadcast %jit3A_507 : i32 to vector<16xi32>
      %max3A_509 = arith.maxsi %max3A, %add3A_506 : vector<16xi32>
      %min3A = vector.broadcast %jit3A_508 : i32 to vector<16xi32>
      %min3A_510 = arith.minsi %min3A, %max3A_509 : vector<16xi32>
      %add3A_511 = arith.constant 127 : i32
      %add3A_512 = vector.broadcast %add3A_511 : i32 to vector<16xi32>
      %add3A_513 = arith.addi %min3A_510, %add3A_512 : vector<16xi32>
      %gather3A = tpu.vector_load_idx %arg5[%add3A_513] : memref<256xf32, #tpu.memory_space<vmem>>[vector<16xi32>], vector<16xf32>,
      %mul3A_514 = arith.constant 16 : i32
      %mul3A_515 = arith.muli %scan3A_497, %mul3A_514 : i32
      %swap3A = arith.constant 6 : i32
      %swap3A_516 = arith.index_cast %swap3A : i32 to index
      %swap3A_517 = arith.index_cast %mul3A_515 : i32 to index
      %swap3A_518 = tpu.vector_load %arg7[%swap3A_516, %swap3A_517] {strides = array<i32>} : memref<8x3968xf32, #tpu.memory_space<vmem>>, vector<16xf32>,
      tpu.vector_store %arg7[%swap3A_516, %swap3A_517], %gather3A {strides = array<i32>} : memref<8x3968xf32, #tpu.memory_space<vmem>>, vector<16xf32>,
    }
    %scan3A_418 = arith.constant 248 : i32
    %scan3A_419 = arith.constant 0 : i32
    %scan3A_420 = arith.constant 248 : i32
    %scan3A_421 = arith.addi %scan3A_419, %scan3A_420 : i32
    %scan3A_422 = arith.constant 1 : i32
    scf.for %scan3A_497 = %scan3A_419 to %scan3A_421 step %scan3A_422  : i32 {
      %mul3A_498 = arith.constant 16 : i32
      %mul3A_499 = arith.muli %scan3A_497, %mul3A_498 : i32
      %add3A_500 = vector.broadcast %mul3A_499 : i32 to vector<16xi32>
      %add3A_501 = arith.addi %add3A_500, %iota3A : vector<16xi32>
      %add3A_502 = arith.constant 7 : i32
      %add3A_503 = arith.addi %add3A_383, %add3A_502 : i32
      %sub3A_504 = vector.broadcast %add3A_503 : i32 to vector<16xi32>
      %sub3A_505 = arith.subi %sub3A_504, %add3A_501 : vector<16xi32>
      %add3A_506 = arith.addi %sub3A_505, %get3A_33 : vector<16xi32>
      %jit3A_507 = arith.constant -127 : i32
      %jit3A_508 = arith.constant 127 : i32
      %max3A = vector.broadcast %jit3A_507 : i32 to vector<16xi32>
      %max3A_509 = arith.maxsi %max3A, %add3A_506 : vector<16xi32>
      %min3A = vector.broadcast %jit3A_508 : i32 to vector<16xi32>
      %min3A_510 = arith.minsi %min3A, %max3A_509 : vector<16xi32>
      %add3A_511 = arith.constant 127 : i32
      %add3A_512 = vector.broadcast %add3A_511 : i32 to vector<16xi32>
      %add3A_513 = arith.addi %min3A_510, %add3A_512 : vector<16xi32>
      %gather3A = tpu.vector_load_idx %arg5[%add3A_513] : memref<256xf32, #tpu.memory_space<vmem>>[vector<16xi32>], vector<16xf32>,
      %mul3A_514 = arith.constant 16 : i32
      %mul3A_515 = arith.muli %scan3A_497, %mul3A_514 : i32
      %swap3A = arith.constant 7 : i32
      %swap3A_516 = arith.index_cast %swap3A : i32 to index
      %swap3A_517 = arith.index_cast %mul3A_515 : i32 to index
      %swap3A_518 = tpu.vector_load %arg7[%swap3A_516, %swap3A_517] {strides = array<i32>} : memref<8x3968xf32, #tpu.memory_space<vmem>>, vector<16xf32>,
      tpu.vector_store %arg7[%swap3A_516, %swap3A_517], %gather3A {strides = array<i32>} : memref<8x3968xf32, #tpu.memory_space<vmem>>, vector<16xf32>,
    }
    %scan3A_423 = arith.constant 248 : i32
    %scan3A_424 = arith.constant 0 : i32
    %scan3A_425 = arith.constant 16 : i32
    %scan3A_426 = arith.addi %scan3A_424, %scan3A_425 : i32
    %scan3A_427 = arith.constant 1 : i32
    scf.for %scan3A_497 = %scan3A_424 to %scan3A_426 step %scan3A_427  : i32 {
      %mul3A_498 = arith.constant 16 : i32
      %mul3A_499 = arith.muli %mul3A_498, %scan3A_497 : i32
      %add3A_500 = arith.addi %add3A_379, %mul3A_499 : i32
      %mul3A_501 = arith.constant 8 : i32
      %mul3A_502 = arith.muli %mul3A_501, %add3A_500 : i32
      %sub3A_503 = arith.constant 15 : i32
      %sub3A_504 = arith.subi %sub3A_503, %scan3A_497 : i32
      %mul3A_505 = arith.constant 128 : i32
      %mul3A_506 = arith.muli %mul3A_505, %sub3A_504 : i32
      %dma_start3A = arith.constant 0 : i32
      %dma_start3A_507 = tpu.memref_slice %arg7[%dma_start3A, %mul3A_506] : memref<8x3968xf32, #tpu.memory_space<vmem>> -> memref<8x2048xf32, #tpu.memory_space<vmem>>
      %dma_start3A_508 = arith.constant 0 : i32
      %dma_start3A_509 = tpu.memref_slice %arg4[%select_n3A, %mul3A_502, %dma_start3A_508] : memref<16x2048x2048xf32, #tpu.memory_space<hbm>> -> memref<1x8x2048xf32, #tpu.memory_space<hbm>>
      %dma_start3A_510 = tpu.memref_squeeze %dma_start3A_509 : memref<1x8x2048xf32, #tpu.memory_space<hbm>> -> memref<8x2048xf32, #tpu.memory_space<hbm>>
      %dma_start3A_511 = arith.constant 0 : i32
      %dma_start3A_512 = tpu.memref_slice %arg4[%select_n3A, %mul3A_502, %dma_start3A_511] : memref<16x2048x2048xf32, #tpu.memory_space<hbm>> -> memref<1x8x2048xf32, #tpu.memory_space<hbm>>
      %dma_start3A_513 = tpu.memref_squeeze %dma_start3A_512 : memref<1x8x2048xf32, #tpu.memory_space<hbm>> -> memref<8x2048xf32, #tpu.memory_space<hbm>>
      %dma_start3A_514 = arith.constant 0 : i32
      %dma_start3A_515 = tpu.memref_slice %arg7[%dma_start3A_514, %mul3A_506] : memref<8x3968xf32, #tpu.memory_space<vmem>> -> memref<8x2048xf32, #tpu.memory_space<vmem>>
      tpu.enqueue_dma source(%dma_start3A_515 : memref<8x2048xf32, #tpu.memory_space<vmem>>) target(%dma_start3A_513 : memref<8x2048xf32, #tpu.memory_space<hbm>>) target_semaphore(%arg9 : memref<!tpu.dma_semaphore, #tpu.memory_space<semaphore_mem>>)
    }
    %scan3A_428 = arith.constant 16 : i32
    %scan3A_429 = arith.constant 0 : i32
    %scan3A_430 = arith.constant 16 : i32
    %scan3A_431 = arith.addi %scan3A_429, %scan3A_430 : i32
    %scan3A_432 = arith.constant 1 : i32
    scf.for %scan3A_497 = %scan3A_429 to %scan3A_431 step %scan3A_432  : i32 {
      %dma_wait3A = arith.constant 0 : i32
      %dma_wait3A_498 = arith.constant 0 : i32
      %dma_wait3A_499 = tpu.memref_slice %arg8[%dma_wait3A, %dma_wait3A_498] : memref<8x3968xf32, #tpu.memory_space<vmem>> -> memref<8x2048xf32, #tpu.memory_space<vmem>>
      %dma_wait3A_500 = arith.constant 0 : i32
      %dma_wait3A_501 = arith.constant 0 : i32
      %dma_wait3A_502 = tpu.memref_slice %arg4[%select_n3A, %dma_wait3A_500, %dma_wait3A_501] : memref<16x2048x2048xf32, #tpu.memory_space<hbm>> -> memref<1x8x2048xf32, #tpu.memory_space<hbm>>
      %dma_wait3A_503 = tpu.memref_squeeze %dma_wait3A_502 : memref<1x8x2048xf32, #tpu.memory_space<hbm>> -> memref<8x2048xf32, #tpu.memory_space<hbm>>
      %dma_wait3A_504 = arith.constant 0 : i32
      %dma_wait3A_505 = arith.constant 0 : i32
      %dma_wait3A_506 = tpu.memref_slice %arg4[%select_n3A, %dma_wait3A_504, %dma_wait3A_505] : memref<16x2048x2048xf32, #tpu.memory_space<hbm>> -> memref<1x8x2048xf32, #tpu.memory_space<hbm>>
      %dma_wait3A_507 = tpu.memref_squeeze %dma_wait3A_506 : memref<1x8x2048xf32, #tpu.memory_space<hbm>> -> memref<8x2048xf32, #tpu.memory_space<hbm>>
      %dma_wait3A_508 = arith.constant 0 : i32
      %dma_wait3A_509 = arith.constant 0 : i32
      %dma_wait3A_510 = tpu.memref_slice %arg8[%dma_wait3A_508, %dma_wait3A_509] : memref<8x3968xf32, #tpu.memory_space<vmem>> -> memref<8x2048xf32, #tpu.memory_space<vmem>>
      tpu.wait_dma2 semaphore(%arg10 : memref<!tpu.dma_semaphore, #tpu.memory_space<semaphore_mem>>) src(%dma_wait3A_510 : memref<8x2048xf32, #tpu.memory_space<vmem>>) dst(%dma_wait3A_507 : memref<8x2048xf32, #tpu.memory_space<hbm>>)
    }
    %scan3A_433 = arith.constant 16 : i32
    %mul3A_434 = arith.constant 8 : i32
    %mul3A_435 = arith.muli %select_n3A_30, %mul3A_434 : i32
    %add3A_436 = arith.constant 7 : i32
    %add3A_437 = arith.addi %mul3A_435, %add3A_436 : i32
    %mul3A_438 = arith.constant 8 : i32
    %mul3A_439 = arith.muli %mul3A_438, %add3A_437 : i32
    %add3A_440 = arith.constant 1920 : i32
    %add3A_441 = arith.addi %add3A_440, %mul3A_439 : i32
    %scan3A_442 = arith.constant 0 : i32
    %scan3A_443 = arith.constant 248 : i32
    %scan3A_444 = arith.addi %scan3A_442, %scan3A_443 : i32
    %scan3A_445 = arith.constant 1 : i32
    scf.for %scan3A_497 = %scan3A_442 to %scan3A_444 step %scan3A_445  : i32 {
      %mul3A_498 = arith.constant 16 : i32
      %mul3A_499 = arith.muli %scan3A_497, %mul3A_498 : i32
      %add3A_500 = vector.broadcast %mul3A_499 : i32 to vector<16xi32>
      %add3A_501 = arith.addi %add3A_500, %iota3A : vector<16xi32>
      %add3A_502 = arith.constant 0 : i32
      %add3A_503 = arith.addi %add3A_441, %add3A_502 : i32
      %sub3A_504 = vector.broadcast %add3A_503 : i32 to vector<16xi32>
      %sub3A_505 = arith.subi %sub3A_504, %add3A_501 : vector<16xi32>
      %add3A_506 = arith.addi %sub3A_505, %get3A_33 : vector<16xi32>
      %jit3A_507 = arith.constant -127 : i32
      %jit3A_508 = arith.constant 127 : i32
      %max3A = vector.broadcast %jit3A_507 : i32 to vector<16xi32>
      %max3A_509 = arith.maxsi %max3A, %add3A_506 : vector<16xi32>
      %min3A = vector.broadcast %jit3A_508 : i32 to vector<16xi32>
      %min3A_510 = arith.minsi %min3A, %max3A_509 : vector<16xi32>
      %add3A_511 = arith.constant 127 : i32
      %add3A_512 = vector.broadcast %add3A_511 : i32 to vector<16xi32>
      %add3A_513 = arith.addi %min3A_510, %add3A_512 : vector<16xi32>
      %gather3A = tpu.vector_load_idx %arg5[%add3A_513] : memref<256xf32, #tpu.memory_space<vmem>>[vector<16xi32>], vector<16xf32>,
      %mul3A_514 = arith.constant 16 : i32
      %mul3A_515 = arith.muli %scan3A_497, %mul3A_514 : i32
      %swap3A = arith.constant 0 : i32
      %swap3A_516 = arith.index_cast %swap3A : i32 to index
      %swap3A_517 = arith.index_cast %mul3A_515 : i32 to index
      %swap3A_518 = tpu.vector_load %arg8[%swap3A_516, %swap3A_517] {strides = array<i32>} : memref<8x3968xf32, #tpu.memory_space<vmem>>, vector<16xf32>,
      tpu.vector_store %arg8[%swap3A_516, %swap3A_517], %gather3A {strides = array<i32>} : memref<8x3968xf32, #tpu.memory_space<vmem>>, vector<16xf32>,
    }
    %scan3A_446 = arith.constant 248 : i32
    %scan3A_447 = arith.constant 0 : i32
    %scan3A_448 = arith.constant 248 : i32
    %scan3A_449 = arith.addi %scan3A_447, %scan3A_448 : i32
    %scan3A_450 = arith.constant 1 : i32
    scf.for %scan3A_497 = %scan3A_447 to %scan3A_449 step %scan3A_450  : i32 {
      %mul3A_498 = arith.constant 16 : i32
      %mul3A_499 = arith.muli %scan3A_497, %mul3A_498 : i32
      %add3A_500 = vector.broadcast %mul3A_499 : i32 to vector<16xi32>
      %add3A_501 = arith.addi %add3A_500, %iota3A : vector<16xi32>
      %add3A_502 = arith.constant 1 : i32
      %add3A_503 = arith.addi %add3A_441, %add3A_502 : i32
      %sub3A_504 = vector.broadcast %add3A_503 : i32 to vector<16xi32>
      %sub3A_505 = arith.subi %sub3A_504, %add3A_501 : vector<16xi32>
      %add3A_506 = arith.addi %sub3A_505, %get3A_33 : vector<16xi32>
      %jit3A_507 = arith.constant -127 : i32
      %jit3A_508 = arith.constant 127 : i32
      %max3A = vector.broadcast %jit3A_507 : i32 to vector<16xi32>
      %max3A_509 = arith.maxsi %max3A, %add3A_506 : vector<16xi32>
      %min3A = vector.broadcast %jit3A_508 : i32 to vector<16xi32>
      %min3A_510 = arith.minsi %min3A, %max3A_509 : vector<16xi32>
      %add3A_511 = arith.constant 127 : i32
      %add3A_512 = vector.broadcast %add3A_511 : i32 to vector<16xi32>
      %add3A_513 = arith.addi %min3A_510, %add3A_512 : vector<16xi32>
      %gather3A = tpu.vector_load_idx %arg5[%add3A_513] : memref<256xf32, #tpu.memory_space<vmem>>[vector<16xi32>], vector<16xf32>,
      %mul3A_514 = arith.constant 16 : i32
      %mul3A_515 = arith.muli %scan3A_497, %mul3A_514 : i32
      %swap3A = arith.constant 1 : i32
      %swap3A_516 = arith.index_cast %swap3A : i32 to index
      %swap3A_517 = arith.index_cast %mul3A_515 : i32 to index
      %swap3A_518 = tpu.vector_load %arg8[%swap3A_516, %swap3A_517] {strides = array<i32>} : memref<8x3968xf32, #tpu.memory_space<vmem>>, vector<16xf32>,
      tpu.vector_store %arg8[%swap3A_516, %swap3A_517], %gather3A {strides = array<i32>} : memref<8x3968xf32, #tpu.memory_space<vmem>>, vector<16xf32>,
    }
    %scan3A_451 = arith.constant 248 : i32
    %scan3A_452 = arith.constant 0 : i32
    %scan3A_453 = arith.constant 248 : i32
    %scan3A_454 = arith.addi %scan3A_452, %scan3A_453 : i32
    %scan3A_455 = arith.constant 1 : i32
    scf.for %scan3A_497 = %scan3A_452 to %scan3A_454 step %scan3A_455  : i32 {
      %mul3A_498 = arith.constant 16 : i32
      %mul3A_499 = arith.muli %scan3A_497, %mul3A_498 : i32
      %add3A_500 = vector.broadcast %mul3A_499 : i32 to vector<16xi32>
      %add3A_501 = arith.addi %add3A_500, %iota3A : vector<16xi32>
      %add3A_502 = arith.constant 2 : i32
      %add3A_503 = arith.addi %add3A_441, %add3A_502 : i32
      %sub3A_504 = vector.broadcast %add3A_503 : i32 to vector<16xi32>
      %sub3A_505 = arith.subi %sub3A_504, %add3A_501 : vector<16xi32>
      %add3A_506 = arith.addi %sub3A_505, %get3A_33 : vector<16xi32>
      %jit3A_507 = arith.constant -127 : i32
      %jit3A_508 = arith.constant 127 : i32
      %max3A = vector.broadcast %jit3A_507 : i32 to vector<16xi32>
      %max3A_509 = arith.maxsi %max3A, %add3A_506 : vector<16xi32>
      %min3A = vector.broadcast %jit3A_508 : i32 to vector<16xi32>
      %min3A_510 = arith.minsi %min3A, %max3A_509 : vector<16xi32>
      %add3A_511 = arith.constant 127 : i32
      %add3A_512 = vector.broadcast %add3A_511 : i32 to vector<16xi32>
      %add3A_513 = arith.addi %min3A_510, %add3A_512 : vector<16xi32>
      %gather3A = tpu.vector_load_idx %arg5[%add3A_513] : memref<256xf32, #tpu.memory_space<vmem>>[vector<16xi32>], vector<16xf32>,
      %mul3A_514 = arith.constant 16 : i32
      %mul3A_515 = arith.muli %scan3A_497, %mul3A_514 : i32
      %swap3A = arith.constant 2 : i32
      %swap3A_516 = arith.index_cast %swap3A : i32 to index
      %swap3A_517 = arith.index_cast %mul3A_515 : i32 to index
      %swap3A_518 = tpu.vector_load %arg8[%swap3A_516, %swap3A_517] {strides = array<i32>} : memref<8x3968xf32, #tpu.memory_space<vmem>>, vector<16xf32>,
      tpu.vector_store %arg8[%swap3A_516, %swap3A_517], %gather3A {strides = array<i32>} : memref<8x3968xf32, #tpu.memory_space<vmem>>, vector<16xf32>,
    }
    %scan3A_456 = arith.constant 248 : i32
    %scan3A_457 = arith.constant 0 : i32
    %scan3A_458 = arith.constant 248 : i32
    %scan3A_459 = arith.addi %scan3A_457, %scan3A_458 : i32
    %scan3A_460 = arith.constant 1 : i32
    scf.for %scan3A_497 = %scan3A_457 to %scan3A_459 step %scan3A_460  : i32 {
      %mul3A_498 = arith.constant 16 : i32
      %mul3A_499 = arith.muli %scan3A_497, %mul3A_498 : i32
      %add3A_500 = vector.broadcast %mul3A_499 : i32 to vector<16xi32>
      %add3A_501 = arith.addi %add3A_500, %iota3A : vector<16xi32>
      %add3A_502 = arith.constant 3 : i32
      %add3A_503 = arith.addi %add3A_441, %add3A_502 : i32
      %sub3A_504 = vector.broadcast %add3A_503 : i32 to vector<16xi32>
      %sub3A_505 = arith.subi %sub3A_504, %add3A_501 : vector<16xi32>
      %add3A_506 = arith.addi %sub3A_505, %get3A_33 : vector<16xi32>
      %jit3A_507 = arith.constant -127 : i32
      %jit3A_508 = arith.constant 127 : i32
      %max3A = vector.broadcast %jit3A_507 : i32 to vector<16xi32>
      %max3A_509 = arith.maxsi %max3A, %add3A_506 : vector<16xi32>
      %min3A = vector.broadcast %jit3A_508 : i32 to vector<16xi32>
      %min3A_510 = arith.minsi %min3A, %max3A_509 : vector<16xi32>
      %add3A_511 = arith.constant 127 : i32
      %add3A_512 = vector.broadcast %add3A_511 : i32 to vector<16xi32>
      %add3A_513 = arith.addi %min3A_510, %add3A_512 : vector<16xi32>
      %gather3A = tpu.vector_load_idx %arg5[%add3A_513] : memref<256xf32, #tpu.memory_space<vmem>>[vector<16xi32>], vector<16xf32>,
      %mul3A_514 = arith.constant 16 : i32
      %mul3A_515 = arith.muli %scan3A_497, %mul3A_514 : i32
      %swap3A = arith.constant 3 : i32
      %swap3A_516 = arith.index_cast %swap3A : i32 to index
      %swap3A_517 = arith.index_cast %mul3A_515 : i32 to index
      %swap3A_518 = tpu.vector_load %arg8[%swap3A_516, %swap3A_517] {strides = array<i32>} : memref<8x3968xf32, #tpu.memory_space<vmem>>, vector<16xf32>,
      tpu.vector_store %arg8[%swap3A_516, %swap3A_517], %gather3A {strides = array<i32>} : memref<8x3968xf32, #tpu.memory_space<vmem>>, vector<16xf32>,
    }
    %scan3A_461 = arith.constant 248 : i32
    %scan3A_462 = arith.constant 0 : i32
    %scan3A_463 = arith.constant 248 : i32
    %scan3A_464 = arith.addi %scan3A_462, %scan3A_463 : i32
    %scan3A_465 = arith.constant 1 : i32
    scf.for %scan3A_497 = %scan3A_462 to %scan3A_464 step %scan3A_465  : i32 {
      %mul3A_498 = arith.constant 16 : i32
      %mul3A_499 = arith.muli %scan3A_497, %mul3A_498 : i32
      %add3A_500 = vector.broadcast %mul3A_499 : i32 to vector<16xi32>
      %add3A_501 = arith.addi %add3A_500, %iota3A : vector<16xi32>
      %add3A_502 = arith.constant 4 : i32
      %add3A_503 = arith.addi %add3A_441, %add3A_502 : i32
      %sub3A_504 = vector.broadcast %add3A_503 : i32 to vector<16xi32>
      %sub3A_505 = arith.subi %sub3A_504, %add3A_501 : vector<16xi32>
      %add3A_506 = arith.addi %sub3A_505, %get3A_33 : vector<16xi32>
      %jit3A_507 = arith.constant -127 : i32
      %jit3A_508 = arith.constant 127 : i32
      %max3A = vector.broadcast %jit3A_507 : i32 to vector<16xi32>
      %max3A_509 = arith.maxsi %max3A, %add3A_506 : vector<16xi32>
      %min3A = vector.broadcast %jit3A_508 : i32 to vector<16xi32>
      %min3A_510 = arith.minsi %min3A, %max3A_509 : vector<16xi32>
      %add3A_511 = arith.constant 127 : i32
      %add3A_512 = vector.broadcast %add3A_511 : i32 to vector<16xi32>
      %add3A_513 = arith.addi %min3A_510, %add3A_512 : vector<16xi32>
      %gather3A = tpu.vector_load_idx %arg5[%add3A_513] : memref<256xf32, #tpu.memory_space<vmem>>[vector<16xi32>], vector<16xf32>,
      %mul3A_514 = arith.constant 16 : i32
      %mul3A_515 = arith.muli %scan3A_497, %mul3A_514 : i32
      %swap3A = arith.constant 4 : i32
      %swap3A_516 = arith.index_cast %swap3A : i32 to index
      %swap3A_517 = arith.index_cast %mul3A_515 : i32 to index
      %swap3A_518 = tpu.vector_load %arg8[%swap3A_516, %swap3A_517] {strides = array<i32>} : memref<8x3968xf32, #tpu.memory_space<vmem>>, vector<16xf32>,
      tpu.vector_store %arg8[%swap3A_516, %swap3A_517], %gather3A {strides = array<i32>} : memref<8x3968xf32, #tpu.memory_space<vmem>>, vector<16xf32>,
    }
    %scan3A_466 = arith.constant 248 : i32
    %scan3A_467 = arith.constant 0 : i32
    %scan3A_468 = arith.constant 248 : i32
    %scan3A_469 = arith.addi %scan3A_467, %scan3A_468 : i32
    %scan3A_470 = arith.constant 1 : i32
    scf.for %scan3A_497 = %scan3A_467 to %scan3A_469 step %scan3A_470  : i32 {
      %mul3A_498 = arith.constant 16 : i32
      %mul3A_499 = arith.muli %scan3A_497, %mul3A_498 : i32
      %add3A_500 = vector.broadcast %mul3A_499 : i32 to vector<16xi32>
      %add3A_501 = arith.addi %add3A_500, %iota3A : vector<16xi32>
      %add3A_502 = arith.constant 5 : i32
      %add3A_503 = arith.addi %add3A_441, %add3A_502 : i32
      %sub3A_504 = vector.broadcast %add3A_503 : i32 to vector<16xi32>
      %sub3A_505 = arith.subi %sub3A_504, %add3A_501 : vector<16xi32>
      %add3A_506 = arith.addi %sub3A_505, %get3A_33 : vector<16xi32>
      %jit3A_507 = arith.constant -127 : i32
      %jit3A_508 = arith.constant 127 : i32
      %max3A = vector.broadcast %jit3A_507 : i32 to vector<16xi32>
      %max3A_509 = arith.maxsi %max3A, %add3A_506 : vector<16xi32>
      %min3A = vector.broadcast %jit3A_508 : i32 to vector<16xi32>
      %min3A_510 = arith.minsi %min3A, %max3A_509 : vector<16xi32>
      %add3A_511 = arith.constant 127 : i32
      %add3A_512 = vector.broadcast %add3A_511 : i32 to vector<16xi32>
      %add3A_513 = arith.addi %min3A_510, %add3A_512 : vector<16xi32>
      %gather3A = tpu.vector_load_idx %arg5[%add3A_513] : memref<256xf32, #tpu.memory_space<vmem>>[vector<16xi32>], vector<16xf32>,
      %mul3A_514 = arith.constant 16 : i32
      %mul3A_515 = arith.muli %scan3A_497, %mul3A_514 : i32
      %swap3A = arith.constant 5 : i32
      %swap3A_516 = arith.index_cast %swap3A : i32 to index
      %swap3A_517 = arith.index_cast %mul3A_515 : i32 to index
      %swap3A_518 = tpu.vector_load %arg8[%swap3A_516, %swap3A_517] {strides = array<i32>} : memref<8x3968xf32, #tpu.memory_space<vmem>>, vector<16xf32>,
      tpu.vector_store %arg8[%swap3A_516, %swap3A_517], %gather3A {strides = array<i32>} : memref<8x3968xf32, #tpu.memory_space<vmem>>, vector<16xf32>,
    }
    %scan3A_471 = arith.constant 248 : i32
    %scan3A_472 = arith.constant 0 : i32
    %scan3A_473 = arith.constant 248 : i32
    %scan3A_474 = arith.addi %scan3A_472, %scan3A_473 : i32
    %scan3A_475 = arith.constant 1 : i32
    scf.for %scan3A_497 = %scan3A_472 to %scan3A_474 step %scan3A_475  : i32 {
      %mul3A_498 = arith.constant 16 : i32
      %mul3A_499 = arith.muli %scan3A_497, %mul3A_498 : i32
      %add3A_500 = vector.broadcast %mul3A_499 : i32 to vector<16xi32>
      %add3A_501 = arith.addi %add3A_500, %iota3A : vector<16xi32>
      %add3A_502 = arith.constant 6 : i32
      %add3A_503 = arith.addi %add3A_441, %add3A_502 : i32
      %sub3A_504 = vector.broadcast %add3A_503 : i32 to vector<16xi32>
      %sub3A_505 = arith.subi %sub3A_504, %add3A_501 : vector<16xi32>
      %add3A_506 = arith.addi %sub3A_505, %get3A_33 : vector<16xi32>
      %jit3A_507 = arith.constant -127 : i32
      %jit3A_508 = arith.constant 127 : i32
      %max3A = vector.broadcast %jit3A_507 : i32 to vector<16xi32>
      %max3A_509 = arith.maxsi %max3A, %add3A_506 : vector<16xi32>
      %min3A = vector.broadcast %jit3A_508 : i32 to vector<16xi32>
      %min3A_510 = arith.minsi %min3A, %max3A_509 : vector<16xi32>
      %add3A_511 = arith.constant 127 : i32
      %add3A_512 = vector.broadcast %add3A_511 : i32 to vector<16xi32>
      %add3A_513 = arith.addi %min3A_510, %add3A_512 : vector<16xi32>
      %gather3A = tpu.vector_load_idx %arg5[%add3A_513] : memref<256xf32, #tpu.memory_space<vmem>>[vector<16xi32>], vector<16xf32>,
      %mul3A_514 = arith.constant 16 : i32
      %mul3A_515 = arith.muli %scan3A_497, %mul3A_514 : i32
      %swap3A = arith.constant 6 : i32
      %swap3A_516 = arith.index_cast %swap3A : i32 to index
      %swap3A_517 = arith.index_cast %mul3A_515 : i32 to index
      %swap3A_518 = tpu.vector_load %arg8[%swap3A_516, %swap3A_517] {strides = array<i32>} : memref<8x3968xf32, #tpu.memory_space<vmem>>, vector<16xf32>,
      tpu.vector_store %arg8[%swap3A_516, %swap3A_517], %gather3A {strides = array<i32>} : memref<8x3968xf32, #tpu.memory_space<vmem>>, vector<16xf32>,
    }
    %scan3A_476 = arith.constant 248 : i32
    %scan3A_477 = arith.constant 0 : i32
    %scan3A_478 = arith.constant 248 : i32
    %scan3A_479 = arith.addi %scan3A_477, %scan3A_478 : i32
    %scan3A_480 = arith.constant 1 : i32
    scf.for %scan3A_497 = %scan3A_477 to %scan3A_479 step %scan3A_480  : i32 {
      %mul3A_498 = arith.constant 16 : i32
      %mul3A_499 = arith.muli %scan3A_497, %mul3A_498 : i32
      %add3A_500 = vector.broadcast %mul3A_499 : i32 to vector<16xi32>
      %add3A_501 = arith.addi %add3A_500, %iota3A : vector<16xi32>
      %add3A_502 = arith.constant 7 : i32
      %add3A_503 = arith.addi %add3A_441, %add3A_502 : i32
      %sub3A_504 = vector.broadcast %add3A_503 : i32 to vector<16xi32>
      %sub3A_505 = arith.subi %sub3A_504, %add3A_501 : vector<16xi32>
      %add3A_506 = arith.addi %sub3A_505, %get3A_33 : vector<16xi32>
      %jit3A_507 = arith.constant -127 : i32
      %jit3A_508 = arith.constant 127 : i32
      %max3A = vector.broadcast %jit3A_507 : i32 to vector<16xi32>
      %max3A_509 = arith.maxsi %max3A, %add3A_506 : vector<16xi32>
      %min3A = vector.broadcast %jit3A_508 : i32 to vector<16xi32>
      %min3A_510 = arith.minsi %min3A, %max3A_509 : vector<16xi32>
      %add3A_511 = arith.constant 127 : i32
      %add3A_512 = vector.broadcast %add3A_511 : i32 to vector<16xi32>
      %add3A_513 = arith.addi %min3A_510, %add3A_512 : vector<16xi32>
      %gather3A = tpu.vector_load_idx %arg5[%add3A_513] : memref<256xf32, #tpu.memory_space<vmem>>[vector<16xi32>], vector<16xf32>,
      %mul3A_514 = arith.constant 16 : i32
      %mul3A_515 = arith.muli %scan3A_497, %mul3A_514 : i32
      %swap3A = arith.constant 7 : i32
      %swap3A_516 = arith.index_cast %swap3A : i32 to index
      %swap3A_517 = arith.index_cast %mul3A_515 : i32 to index
      %swap3A_518 = tpu.vector_load %arg8[%swap3A_516, %swap3A_517] {strides = array<i32>} : memref<8x3968xf32, #tpu.memory_space<vmem>>, vector<16xf32>,
      tpu.vector_store %arg8[%swap3A_516, %swap3A_517], %gather3A {strides = array<i32>} : memref<8x3968xf32, #tpu.memory_space<vmem>>, vector<16xf32>,
    }
    %scan3A_481 = arith.constant 248 : i32
    %scan3A_482 = arith.constant 0 : i32
    %scan3A_483 = arith.constant 16 : i32
    %scan3A_484 = arith.addi %scan3A_482, %scan3A_483 : i32
    %scan3A_485 = arith.constant 1 : i32
    scf.for %scan3A_497 = %scan3A_482 to %scan3A_484 step %scan3A_485  : i32 {
      %mul3A_498 = arith.constant 16 : i32
      %mul3A_499 = arith.muli %mul3A_498, %scan3A_497 : i32
      %add3A_500 = arith.addi %add3A_437, %mul3A_499 : i32
      %mul3A_501 = arith.constant 8 : i32
      %mul3A_502 = arith.muli %mul3A_501, %add3A_500 : i32
      %sub3A_503 = arith.constant 15 : i32
      %sub3A_504 = arith.subi %sub3A_503, %scan3A_497 : i32
      %mul3A_505 = arith.constant 128 : i32
      %mul3A_506 = arith.muli %mul3A_505, %sub3A_504 : i32
      %dma_start3A = arith.constant 0 : i32
      %dma_start3A_507 = tpu.memref_slice %arg8[%dma_start3A, %mul3A_506] : memref<8x3968xf32, #tpu.memory_space<vmem>> -> memref<8x2048xf32, #tpu.memory_space<vmem>>
      %dma_start3A_508 = arith.constant 0 : i32
      %dma_start3A_509 = tpu.memref_slice %arg4[%select_n3A, %mul3A_502, %dma_start3A_508] : memref<16x2048x2048xf32, #tpu.memory_space<hbm>> -> memref<1x8x2048xf32, #tpu.memory_space<hbm>>
      %dma_start3A_510 = tpu.memref_squeeze %dma_start3A_509 : memref<1x8x2048xf32, #tpu.memory_space<hbm>> -> memref<8x2048xf32, #tpu.memory_space<hbm>>
      %dma_start3A_511 = arith.constant 0 : i32
      %dma_start3A_512 = tpu.memref_slice %arg4[%select_n3A, %mul3A_502, %dma_start3A_511] : memref<16x2048x2048xf32, #tpu.memory_space<hbm>> -> memref<1x8x2048xf32, #tpu.memory_space<hbm>>
      %dma_start3A_513 = tpu.memref_squeeze %dma_start3A_512 : memref<1x8x2048xf32, #tpu.memory_space<hbm>> -> memref<8x2048xf32, #tpu.memory_space<hbm>>
      %dma_start3A_514 = arith.constant 0 : i32
      %dma_start3A_515 = tpu.memref_slice %arg8[%dma_start3A_514, %mul3A_506] : memref<8x3968xf32, #tpu.memory_space<vmem>> -> memref<8x2048xf32, #tpu.memory_space<vmem>>
      tpu.enqueue_dma source(%dma_start3A_515 : memref<8x2048xf32, #tpu.memory_space<vmem>>) target(%dma_start3A_513 : memref<8x2048xf32, #tpu.memory_space<hbm>>) target_semaphore(%arg10 : memref<!tpu.dma_semaphore, #tpu.memory_space<semaphore_mem>>)
    }
    %scan3A_486 = arith.constant 16 : i32
    %scan3A_487 = arith.constant 0 : i32
    %scan3A_488 = arith.constant 16 : i32
    %scan3A_489 = arith.addi %scan3A_487, %scan3A_488 : i32
    %scan3A_490 = arith.constant 1 : i32
    scf.for %scan3A_497 = %scan3A_487 to %scan3A_489 step %scan3A_490  : i32 {
      %dma_wait3A = arith.constant 0 : i32
      %dma_wait3A_498 = arith.constant 0 : i32
      %dma_wait3A_499 = tpu.memref_slice %arg7[%dma_wait3A, %dma_wait3A_498] : memref<8x3968xf32, #tpu.memory_space<vmem>> -> memref<8x2048xf32, #tpu.memory_space<vmem>>
      %dma_wait3A_500 = arith.constant 0 : i32
      %dma_wait3A_501 = arith.constant 0 : i32
      %dma_wait3A_502 = tpu.memref_slice %arg4[%select_n3A, %dma_wait3A_500, %dma_wait3A_501] : memref<16x2048x2048xf32, #tpu.memory_space<hbm>> -> memref<1x8x2048xf32, #tpu.memory_space<hbm>>
      %dma_wait3A_503 = tpu.memref_squeeze %dma_wait3A_502 : memref<1x8x2048xf32, #tpu.memory_space<hbm>> -> memref<8x2048xf32, #tpu.memory_space<hbm>>
      %dma_wait3A_504 = arith.constant 0 : i32
      %dma_wait3A_505 = arith.constant 0 : i32
      %dma_wait3A_506 = tpu.memref_slice %arg4[%select_n3A, %dma_wait3A_504, %dma_wait3A_505] : memref<16x2048x2048xf32, #tpu.memory_space<hbm>> -> memref<1x8x2048xf32, #tpu.memory_space<hbm>>
      %dma_wait3A_507 = tpu.memref_squeeze %dma_wait3A_506 : memref<1x8x2048xf32, #tpu.memory_space<hbm>> -> memref<8x2048xf32, #tpu.memory_space<hbm>>
      %dma_wait3A_508 = arith.constant 0 : i32
      %dma_wait3A_509 = arith.constant 0 : i32
      %dma_wait3A_510 = tpu.memref_slice %arg7[%dma_wait3A_508, %dma_wait3A_509] : memref<8x3968xf32, #tpu.memory_space<vmem>> -> memref<8x2048xf32, #tpu.memory_space<vmem>>
      tpu.wait_dma2 semaphore(%arg9 : memref<!tpu.dma_semaphore, #tpu.memory_space<semaphore_mem>>) src(%dma_wait3A_510 : memref<8x2048xf32, #tpu.memory_space<vmem>>) dst(%dma_wait3A_507 : memref<8x2048xf32, #tpu.memory_space<hbm>>)
    }
    %scan3A_491 = arith.constant 16 : i32
    %scan3A_492 = arith.constant 0 : i32
    %scan3A_493 = arith.constant 16 : i32
    %scan3A_494 = arith.addi %scan3A_492, %scan3A_493 : i32
    %scan3A_495 = arith.constant 1 : i32
    scf.for %scan3A_497 = %scan3A_492 to %scan3A_494 step %scan3A_495  : i32 {
      %dma_wait3A = arith.constant 0 : i32
      %dma_wait3A_498 = arith.constant 0 : i32
      %dma_wait3A_499 = tpu.memref_slice %arg8[%dma_wait3A, %dma_wait3A_498] : memref<8x3968xf32, #tpu.memory_space<vmem>> -> memref<8x2048xf32, #tpu.memory_space<vmem>>
      %dma_wait3A_500 = arith.constant 0 : i32
      %dma_wait3A_501 = arith.constant 0 : i32
      %dma_wait3A_502 = tpu.memref_slice %arg4[%select_n3A, %dma_wait3A_500, %dma_wait3A_501] : memref<16x2048x2048xf32, #tpu.memory_space<hbm>> -> memref<1x8x2048xf32, #tpu.memory_space<hbm>>
      %dma_wait3A_503 = tpu.memref_squeeze %dma_wait3A_502 : memref<1x8x2048xf32, #tpu.memory_space<hbm>> -> memref<8x2048xf32, #tpu.memory_space<hbm>>
      %dma_wait3A_504 = arith.constant 0 : i32
      %dma_wait3A_505 = arith.constant 0 : i32
      %dma_wait3A_506 = tpu.memref_slice %arg4[%select_n3A, %dma_wait3A_504, %dma_wait3A_505] : memref<16x2048x2048xf32, #tpu.memory_space<hbm>> -> memref<1x8x2048xf32, #tpu.memory_space<hbm>>
      %dma_wait3A_507 = tpu.memref_squeeze %dma_wait3A_506 : memref<1x8x2048xf32, #tpu.memory_space<hbm>> -> memref<8x2048xf32, #tpu.memory_space<hbm>>
      %dma_wait3A_508 = arith.constant 0 : i32
      %dma_wait3A_509 = arith.constant 0 : i32
      %dma_wait3A_510 = tpu.memref_slice %arg8[%dma_wait3A_508, %dma_wait3A_509] : memref<8x3968xf32, #tpu.memory_space<vmem>> -> memref<8x2048xf32, #tpu.memory_space<vmem>>
      tpu.wait_dma2 semaphore(%arg10 : memref<!tpu.dma_semaphore, #tpu.memory_space<semaphore_mem>>) src(%dma_wait3A_510 : memref<8x2048xf32, #tpu.memory_space<vmem>>) dst(%dma_wait3A_507 : memref<8x2048xf32, #tpu.memory_space<hbm>>)
    }
    %scan3A_496 = arith.constant 16 : i32
    return
  }
}

</mosaic_0001>

<sc_bundles>
// kernel: kernel.3.cloned.1.call-start
scs
__scs_entry_jumppad:
0x0: {  	(pc) =	sbr.rel $0x88, $3  }
0x1: {  	(tag) =	ssettag $0x0;
	lr =	simm.s32 $0x1  }
0x2: {  	[smem:$0x3F9E] =	sst lr;
	_ =	strace $0xD0000000  }
0x3: {  	_ = 	snop  }
0x4: {  	_ = 	snop  }
0x5: {  	_ = 	snop  }
0x6: {  	_ = 	snop  }
0x7: {  	_ = 	snop  }
__scs_overlays_trampoline_lowered:
0x8: {  	[smem:$0x3FAD] =	sst s0  }
0x9: {  	[smem:$0x3FAE] =	sst s1  }
0xa: {  	[smem:$0x3FAF] =	sst s2  }
0xb: {  	[smem:$0x3FB0] =	sst s3  }
0xc: {  	[smem:$0x3FB1] =	sst s4  }
0xd: {  	[smem:$0x3FB2] =	sst s5  }
0xe: {  	[smem:$0x3FB3] =	sst s6  }
0xf: {  	[smem:$0x3FB4] =	sst s7  }
0x10: {  	[smem:$0x3FB5] =	sst s8  }
0x11: {  	[smem:$0x3FB6] =	sst s9;
	s0 =	simm.s32 @!p0 $0x0  }
0x12: {  	s1 =	sld [smem:$0x3F9C];
	s0 =	simm.s32 @p0 $0x1  }
0x13: {  	[smem:$0x3FB7] =	sst s0;
	s0 =	simm.s32 @!p1 $0x0  }
0x14: {  	s2 =	sld [smem:$0x3F9B];
	s0 =	simm.s32 @p1 $0x1  }
0x15: {  	[smem:$0x3FB8] =	sst s0;
	s0 =	simm.s32 @!p2 $0x0  }
0x16: {  	s3 =	sld [smem:$0x3FDB];
	s0 =	simm.s32 @p2 $0x1  }
0x17: {  	s4 =	simm.s32 $0x1BF5;
	[smem:$0x3FBA] =	sst s0  }
0x18: {  	s0 =	sld [smem:$0x3F9D];
	_ =	swait.ge [sflag:s4], $0x0  }
0x19: {  	s7 =	sld [smem:$0x3F9E]  }
0x1a: {  	s8 =	sadd.s32 $0xFFFFE003, lr  }
0x1b: {  	s9 =	sadd.s32 $0xFFFFFEF7, lr;
	s5 =	simm.s32 $0xFFFFFFFF;
	p2 =	slt.u32 s8, $0xFFFFF086  }
0x1c: {  	p1 =	slt.u32 s9, $0xF7A;
	s5 =	simm.s32 @!p2 $0x0  }
0x1d: {  	s5 =	simm.s32 @p1 $0x1;
	p0 =	seq.s32 s7, s2  }
0x1e: {  	s7 =	smul.u32 @!p0 $0xF7A, s2;
	p2 =	seq.s32 @!p0 s5, $0x0  }
0x1f: {  	s9 =	smul.u32 $0xF7A, s1;
	s8 =	simm.s32 @!p0 $0x1BF5;
	p2 =	por !p2, p0  }
0x20: {  	[sflag:s8] =	ssyncset.s32 @!p0 $0xFFFFF086;
	s6 =	sadd.s32 @!p0 s3, s7;
	s7 =	simm.s32 @!p0 $0x108  }
0x21: {  	s3 =	sadd.s32 s3, s9;
	s6 =	sadd.s32 @!p0 $0x88, s6;
	s7 =	simm.s32 @p2 $0x1082  }
0x22: {  	[simem:s7], [sflag:s8] =	dma.local @!p0 [hbm:s6], $0xF7A  }
0x23: {  	s9 =	sor.u32 $0xD0000000, s2;
	s6 =	simm.s32 $0x108;
	_ =	swait.ge @!p0 [sflag:s8], $0x0  }
0x24: {  	s3 =	sadd.s32 $0x88, s3;
	s6 =	simm.s32 @!p1 $0x1082;
	[sflag:s4] =	ssyncset.s32 $0xFFFFF086  }
0x25: {  	[simem:s6], [sflag:s4] =	dma.local [hbm:s3], $0xF7A  }
0x26: {  	[smem:$0x3F9E] =	sst s1;
	(tag) =	ssettag s2;
	_ =	strace s9  }
0x27: {  	s1 =	sld [smem:$0x3FAE]  }
0x28: {  	s2 =	sld [smem:$0x3FAF]  }
0x29: {  	s4 =	sld [smem:$0x3FB1]  }
0x2a: {  	p0 =	seq.s32 s5, $0x0;
	s5 =	sld [smem:$0x3FB2]  }
0x2b: {  	s6 =	sld [smem:$0x3FB3]  }
0x2c: {  	s7 =	sld [smem:$0x3FB4]  }
0x2d: {  	s3 =	simm.s32 $0x108;
	s8 =	sld [smem:$0x3FB5]  }
0x2e: {  	s3 =	simm.s32 @!p0 $0x1082;
	s9 =	sld [smem:$0x3FB6]  }
0x2f: {  	lr =	sadd.s32 s0, s3;
	s0 =	sld [smem:$0x3FAD]  }
0x30: {  	s3 =	sld [smem:$0x3FB0]  }
0x31: {  	[smem:$0x3FB9] =	sst s10  }
0x32: {  	s10 =	sld [smem:$0x3FB7];
	_ =	sdelay $0x3  }
0x33: {  	p0 =	seq.s32 s10, $0x1;
	s10 =	sld [smem:$0x3FB9];
	_ =	sdelay $0x3  }
0x34: {  	[smem:$0x3FB9] =	sst s10  }
0x35: {  	s10 =	sld [smem:$0x3FB8];
	_ =	sdelay $0x3  }
0x36: {  	p1 =	seq.s32 s10, $0x1;
	s10 =	sld [smem:$0x3FB9];
	_ =	sdelay $0x3  }
0x37: {  	[smem:$0x3FB9] =	sst s10  }
0x38: {  	s10 =	sld [smem:$0x3FBA]  }
0x39: {  	_ = 	snop;
	(pc) =	sbr.ind lr, $3  }
0x3a: {  	_ = 	snop  }
0x3b: {  	_ = 	snop  }
0x3c: {  	p2 =	seq.s32 s10, $0x1;
	s10 =	sld [smem:$0x3FB9]  }
0x3d: {  	_ =	shalt  }
0x3e: {  	_ =	shalt  }
0x3f: {  	_ =	shalt  }
0x40: {  	_ =	shalt  }
0x41: {  	_ =	shalt  }
0x42: {  	_ =	shalt  }
0x43: {  	_ =	shalt  }
0x44: {  	_ =	shalt  }
0x45: {  	_ =	shalt  }
0x46: {  	_ =	shalt  }
0x47: {  	_ =	shalt  }
0x48: {  	_ =	shalt  }
0x49: {  	_ =	shalt  }
0x4a: {  	_ =	shalt  }
0x4b: {  	_ =	shalt  }
0x4c: {  	_ =	shalt  }
0x4d: {  	_ =	shalt  }
0x4e: {  	_ =	shalt  }
0x4f: {  	_ =	shalt  }
0x50: {  	_ =	shalt  }
0x51: {  	_ =	shalt  }
0x52: {  	_ =	shalt  }
0x53: {  	_ =	shalt  }
0x54: {  	_ =	shalt  }
0x55: {  	_ =	shalt  }
0x56: {  	_ =	shalt  }
0x57: {  	_ =	shalt  }
0x58: {  	_ =	shalt  }
0x59: {  	_ =	shalt  }
0x5a: {  	_ =	shalt  }
0x5b: {  	_ =	shalt  }
0x5c: {  	_ =	shalt  }
0x5d: {  	_ =	shalt  }
0x5e: {  	_ =	shalt  }
0x5f: {  	_ =	shalt  }
0x60: {  	_ =	shalt  }
0x61: {  	_ =	shalt  }
0x62: {  	_ =	shalt  }
0x63: {  	_ =	shalt  }
0x64: {  	_ =	shalt  }
0x65: {  	_ =	shalt  }
0x66: {  	_ =	shalt  }
0x67: {  	_ =	shalt  }
0x68: {  	_ =	shalt  }
0x69: {  	_ =	shalt  }
0x6a: {  	_ =	shalt  }
0x6b: {  	_ =	shalt  }
0x6c: {  	_ =	shalt  }
0x6d: {  	_ =	shalt  }
0x6e: {  	_ =	shalt  }
0x6f: {  	_ =	shalt  }
0x70: {  	_ =	shalt  }
0x71: {  	_ =	shalt  }
0x72: {  	_ =	shalt  }
0x73: {  	_ =	shalt  }
0x74: {  	_ =	shalt  }
0x75: {  	_ =	shalt  }
0x76: {  	_ =	shalt  }
0x77: {  	_ =	shalt  }
0x78: {  	_ =	shalt  }
0x79: {  	_ =	shalt  }
0x7a: {  	_ =	shalt  }
0x7b: {  	_ =	shalt  }
0x7c: {  	_ =	shalt  }
0x7d: {  	_ =	shalt  }
0x7e: {  	_ =	shalt  }
0x7f: {  	_ =	shalt  }
0x80: {  	_ =	shalt  }
0x81: {  	_ =	shalt  }
0x82: {  	_ =	shalt  }
0x83: {  	_ =	shalt  }
0x84: {  	_ =	shalt  }
0x85: {  	_ =	shalt  }
0x86: {  	_ =	shalt  }
0x87: {  	_ =	shalt  }
.Lfunc_end0:
.L_simem_size_0:
called_computation_lowered:
.L_overlay_start_0:
0x88: {  	s2 =	sld [smem:$0x3FD9]  }
0x89: {  	s3 =	sld [smem:$0x3FFE];
	_ =	sdelay $0x1  }
0x8a: {  	s1 =	srdreg.scid  }
0x8b: {  	s0 =	sand.u32 $0x1, s1  }
0x8c: {  	s17 =	sshll.u32 s0, $0xA;
	s2 =	sadd.s32 s3, s2  }
0x8d: {  	s2 =	sadd.s32 s2, s17  }
0x8e: {  	[smem:$0x3FC5] =	sst s2  }
0x8f: {  	_ = 	snop  }
0x90: {  	s2 =	sld [smem:$0x3FD0];
	(tm) =	ssettm $0x1  }
0x91: {  	s18 =	sld [smem:$0x3FFB];
	_ =	sdelay $0x3  }
0x92: {  	_ =	strace s18  }
0x93: {  	s3 =	sld [smem:$0x3FFC];
	_ =	sdelay $0x3  }
0x94: {  	_ =	strace s3  }
0x95: {  	s3 =	sld [smem:$0x3FFD];
	_ =	sdelay $0x3  }
0x96: {  	_ =	strace s3  }
0x97: {  	_ =	strace $0x8FFFFFFF  }
0x98: {  	s19 =	sld [smem:$0x3FDB];
	_ =	sdelay $0x1  }
0x99: {  	s4 =	simm.s32 $_scs_section_size  }
0x9a: {  	s5 =	simm.s32 $_size__tile_overlayer_lowered;
	s6 =	simm.s32 $_tile_overlayer_lowered  }
0x9b: {  	s22 =	simm.s32 $0x1BFF;
	s21 =	sshll.u32 s6, $0x1;
	s3 =	sadd.s32 s4, s19  }
0x9c: {  	s7 =	simm.s32 $0x0;
	s20 =	sshll.u32 s5, $0x1;
	s5 =	sadd.s32 s21, s3  }
0x9d: {  	[timem:s7], [sflag:s22] =	dma.local [hbm:s5], s20  }
0x9e: {  	_ =	swait.ge [sflag:s22], s20  }
0x9f: {  	s4 =	ssub.s32 $0x0, s20;
	[sflag:s22] =	ssyncset.done $0x0  }
0xa0: {  	[sflag:s22] =	ssyncadd.s32 s4;
	_ =	sdelay $0x1  }
0xa1: {  	s23 =	simm.s32 $0x1B8B  }
0xa2: {  	_ =	swait.ge [sflag:s23], $0x1  }
0xa3: {  	[sflag:s23] =	ssyncset.done $0x0  }
0xa4: {  	s25 =	simm.s32 $0x1B8E;
	s24 =	sld [smem:$0x3FFE];
	[sflag:s23] =	ssyncadd.s32 $0xFFFFFFFF  }
0xa5: {  	s26 =	simm.s32 $execute0_lowered;
	[smem:$0x3FD2] =	sst s25  }
0xa6: {  	s5 =	sshll.u32 s26, $0x1;
	_ =	strace $0x80000046;
	[dreg:$0x1] =	wrdreg $0xFFFFFFFF  }
0xa7: {  	s28 =	simm.s32 $_size_execute0_lowered;
	s3 =	sadd.s32 s3, s5;
	[dreg:$0x0] =	wrdreg $0x0  }
0xa8: {  	s5 =	sshll.u32 s28, $0x1;
	[dreg:$0x2] =	wrdreg s3  }
0xa9: {  	[dreg:$0x3] =	wrdreg s5  }
0xaa: {  	[dreg:$0x4] =	wrdreg $0xC0  }
0xab: {  	_ =	task [dreg:s7], $0x5FFFF  }
0xac: {  	[dreg:$0x1] =	wrdreg $0xFFFFFFFF  }
0xad: {  	[dreg:$0x0] =	wrdreg $0x60  }
0xae: {  	[dreg:$0x2] =	wrdreg s24  }
0xaf: {  	[dreg:$0x3] =	wrdreg s2  }
0xb0: {  	[dreg:$0x4] =	wrdreg $0x9  }
0xb1: {  	_ =	task.clear_ibuf [dreg:s7], $0x5FFFF;
	_ =	strace $0x90000046  }
0xb2: {  	s29 =	simm.s32 $0x9;
	_ =	strace $0x80000048  }
0xb3: {  	_ =	swait.ge [sflag:s29], $0x1  }
0xb4: {  	[sflag:s29] =	ssyncadd.s32 $0xFFFFFFFF  }
0xb5: {  	_ =	strace $0x90000048  }
0xb6: {  	_ =	sfence  }
0xb7: {  	s30 =	sld [smem:$0x0];
	_ =	sdelay $0x2  }
0xb8: {  	s31 =	sshll.u32 s1, $0xD;
	s1 =	sshrl.u32 s1, $0x2  }
0xb9: {  	s3 =	sand.u32 $0x4000, s31;
	s1 =	sadd.s32 s1, s30  }
0xba: {  	s0 =	sor.u32 s3, s0;
	s1 =	sshll.u32 s1, $0x11  }
0xbb: {  	s0 =	sor.u32 s1, s0  }
0xbc: {  	s0 =	sadd.s32 $0x8F2B, s0  }
0xbd: {  	[sflag:s0] =	ssyncadd.remote.s32 $0x1  }
0xbe: {  	_ =	sfence.sel $0xFFFF  }
0xbf: {  	[dreg:$0x0] =	wrdreg $0xFFFFFFFF;
	(pc) =	sbr.abs _section_cstart, $3  }
0xc0: {  	[dreg:$0x1] =	wrdreg $0xFFFFFFFF  }
0xc1: {  	_ =	task.clear_ibuf [dreg:s7], $0x2FFFF;
	_ =	strace $0x9FFFFFFF  }
0xc2: {  	(tm) =	ssettm $0x7FFFFFFF  }
0xc3: {  	_ =	shalt  }
tec
execute0_lowered:
.L_overlay_start_1:
0x0: {  	(tag) =	ssettag $0x1  }
0x1: {  	s1 =	srdreg.scid  }
0x2: {  	s0 =	stileid.u32;
	s3 =	rddreg [dreg:$0x0]  }
0x3: {  	s4 =	simm.s32 $0x1;
	s2 =	simm.s32 $0x0;
	s7 =	sand.u32 $0x1, s1  }
0x4: {  	[smem:$0x7FF] =	sst s2;
	s11 =	sadd.s32 $0x600, s3;
	s1 =	sor.u32 s7, s0  }
0x5: {  	p1 =	seq.s32 s7, $0x1;
	_ =	strace $0x80000047;
	s5 =	ssub.s32 $0x2, s7  }
0x6: {  	[dreg:$0x3] =	wrdreg s11;
	p0 =	seq.s32 s1, $0x0;
	s6 =	sshrl.u32 s5, $0x1  }
0x7: {  	p0 =	por !p0, !p1;
	s12 =	ssub.s32 s5, s6;
	s6 =	sshll.u32 s7, $0x6  }
0x8: {  	s7 =	sshll.u32 s7, $0x11;
	p0 =	por !p0, !p0;
	[dreg:$0x5] =	wrdreg s12  }
0x9: {  	s9 =	sor.u32 $0x780, s6;
	s10 =	sor.u32 $0x781, s6;
	s11 =	sor.u32 $0x782, s6  }
0xa: {  	s15 =	sor.u32 $0x784, s6;
	s16 =	sor.u32 $0x785, s6;
	s17 =	sor.u32 $0x786, s6  }
0xb: {  	s18 =	sor.u32 $0x787, s6;
	s19 =	sor.u32 $0x788, s6;
	s20 =	sor.u32 $0x789, s6  }
0xc: {  	s21 =	sor.u32 $0x78A, s6;
	s22 =	sor.u32 $0x78B, s6;
	s23 =	sor.u32 $0x78C, s6  }
0xd: {  	v0 =	vlaneseq.u32;
	s24 =	sor.u32 $0x78D, s6;
	s25 =	sor.u32 $0x78E, s6;
	s26 =	sor.u32 $0x78F, s6  }
0xe: {  	v0 =	vmul.u32 $0xFFFFFFFF, v0;
	s28 =	sor.u32 $0x792, s6;
	s29 =	sor.u32 $0x793, s6;
	s30 =	sor.u32 $0x794, s6  }
0xf: {  	s31 =	sor.u32 $0x795, s6;
	s1 =	sor.u32 $0x796, s6;
	s5 =	sor.u32 $0x79A, s6  }
0x10: {  	s14 =	sor.u32 $0x79C, s6;
	s4 =	simm.s32 @!p0 $0x0;
	v1 =	vadd.s32 s9, v0;
	s9 =	sor.u32 $0x79B, s6  }
0x11: {  	[dreg:$0x7] =	wrdreg s14;
	s14 =	sor.u32 $0x79D, s6;
	v59 =	vadd.s32 s10, v0;
	s10 =	sor.u32 $0x79E, s6  }
0x12: {  	v60 =	vadd.s32 s11, v0;
	s11 =	sor.u32 $0x79F, s6;
	v62 =	vadd.s32 s15, v0;
	v63 =	vadd.s32 s16, v0;
	s15 =	sor.u32 $0x7A1, s6;
	s16 =	sor.u32 $0x7A2, s6  }
0x13: {  	v6 =	vadd.s32 s17, v0;
	s17 =	sor.u32 $0x7A3, s6;
	v7 =	vadd.s32 s18, v0;
	v8 =	vadd.s32 s19, v0;
	s18 =	sor.u32 $0x7A4, s6;
	s19 =	sor.u32 $0x7A5, s6  }
0x14: {  	v9 =	vadd.s32 s20, v0;
	s20 =	sor.u32 $0x7A6, s6;
	v10 =	vadd.s32 s21, v0;
	v11 =	vadd.s32 s22, v0;
	s21 =	sor.u32 $0x7A7, s6;
	s22 =	sor.u32 $0x7A8, s6  }
0x15: {  	v12 =	vadd.s32 s23, v0;
	s23 =	sor.u32 $0x7A9, s6;
	v13 =	vadd.s32 s24, v0;
	v14 =	vadd.s32 s25, v0;
	s24 =	sor.u32 $0x7AA, s6;
	s25 =	sor.u32 $0x7AB, s6  }
0x16: {  	v15 =	vadd.s32 s26, v0;
	s26 =	sor.u32 $0x7AC, s6;
	v18 =	vadd.s32 s28, v0;
	s28 =	sor.u32 $0x7AE, s6;
	v19 =	vadd.s32 s29, v0;
	s29 =	sor.u32 $0x7B0, s6  }
0x17: {  	v20 =	vadd.s32 s30, v0;
	v21 =	vadd.s32 s31, v0;
	s30 =	sor.u32 $0x7B1, s6;
	s31 =	sor.u32 $0x7B2, s6;
	v22 =	vadd.s32 s1, v0;
	s1 =	sor.u32 $0x7B3, s6  }
0x18: {  	v26 =	vadd.s32 s5, v0;
	s5 =	sor.u32 $0x7B6, s6;
	s8 =	ssub.s32 s0, s4;
	[dreg:$0x6] =	wrdreg s14  }
0x19: {  	s0 =	sor.u32 $0x797, s6;
	s14 =	sor.u32 $0x7B8, s6;
	v36 =	vadd.s32 s18, v0;
	s18 =	rddreg [dreg:$0x5]  }
0x1a: {  	v27 =	vadd.s32 s9, v0;
	v30 =	vadd.s32 s10, v0;
	s10 =	sor.u32 $0x7BA, s6;
	s9 =	sor.u32 $0x7BB, s6;
	v37 =	vadd.s32 s19, v0;
	s19 =	rddreg [dreg:$0x1]  }
0x1b: {  	v31 =	vadd.s32 s11, v0;
	v33 =	vadd.s32 s15, v0;
	s11 =	sor.u32 $0x7BD, s6;
	s15 =	sor.u32 $0x7BE, s6;
	[dreg:$0x8] =	wrdreg s14  }
0x1c: {  	v35 =	vadd.s32 s17, v0;
	s17 =	sor.u32 $0x7BF, s6;
	s4 =	sshll.u32 s8, $0x5;
	s14 =	rddreg [dreg:$0x7]  }
0x1d: {  	s8 =	sshll.u32 s8, $0x16;
	v23 =	vadd.s32 s0, v0;
	s0 =	sor.u32 $0x7B5, s6;
	[dreg:$0x9] =	wrdreg s9  }
0x1e: {  	[tilespmem:$0x1FFF0] =	vst v63;
	v34 =	vadd.s32 s16, v0;
	s16 =	smax.u32 s18, $0x1;
	v63 =	vadd.s32 s17, v0;
	s17 =	simm.s32 $0x2;
	v28 =	vadd.s32 s14, v0;
	s14 =	rddreg [dreg:$0x6]  }
0x1f: {  	v46 =	vadd.s32 s28, v0;
	s4 =	sand.u32 $0x1FFFFFE0, s4;
	s12 =	sor.u32 s7, s8;
	s28 =	rddreg [dreg:$0x8]  }
0x20: {  	v50 =	vadd.s32 s31, v0;
	s7 =	sor.u32 $0x790, s6;
	s8 =	sor.u32 $0x791, s6;
	s31 =	rddreg [dreg:$0x9]  }
0x21: {  	v53 =	vadd.s32 s0, v0;
	s0 =	simm.s32 $0x100;
	s4 =	sadd.s32 s4, s3;
	s3 =	sor.u32 $0x798, s6  }
0x22: {  	v16 =	vadd.s32 s7, v0;
	v17 =	vadd.s32 s8, v0;
	s8 =	sor.u32 $0x7AD, s6;
	s7 =	sor.u32 $0x7AF, s6;
	v29 =	vadd.s32 s14, v0;
	s14 =	sor.u32 $0x7B9, s6  }
0x23: {  	v38 =	vadd.s32 s20, v0;
	v39 =	vadd.s32 s21, v0;
	s9 =	sor.u32 $0x4000, s12;
	s20 =	sshrl.u32 s12, $0x3;
	s21 =	sor.u32 $0x8000, s12  }
0x24: {  	v40 =	vadd.s32 s22, v0;
	v43 =	vadd.s32 s25, v0;
	v44 =	vadd.s32 s26, v0;
	s22 =	sor.u32 $0x14000, s12;
	s25 =	sor.u32 $0x18000, s12;
	s26 =	sor.u32 $0x1C000, s12  }
0x25: {  	s13 =	sadd.s32 $0x400, s4;
	s4 =	sor.u32 $0x799, s6;
	v24 =	vadd.s32 s3, v0;
	s3 =	sor.u32 $0x7B4, s6  }
0x26: {  	v41 =	vadd.s32 s23, v0;
	s18 =	sshrl.u32 s9, $0x3;
	s23 =	sshrl.u32 s21, $0x3;
	s9 =	simm.s32 $0x1  }
0x27: {  	v48 =	vadd.s32 s29, v0;
	v49 =	vadd.s32 s30, v0;
	s29 =	sshrl.u32 s25, $0x3;
	s30 =	sshrl.u32 s26, $0x3;
	[dreg:$0x4] =	wrdreg s13  }
0x28: {  	v42 =	vadd.s32 s24, v0;
	s13 =	sor.u32 $0x783, s6;
	v25 =	vadd.s32 s4, v0;
	s4 =	sor.u32 $0x7B7, s6;
	s24 =	sadd.s32 s18, s19  }
0x29: {  	v45 =	vadd.s32 s8, v0;
	s8 =	sadd.s32 s23, s19;
	s18 =	sor.u32 $0xC000, s12;
	s23 =	sshrl.u32 s22, $0x3  }
0x2a: {  	[tilespmem:$0x1FFA0] =	vst v1;
	v57 =	vadd.s32 s14, v0;
	v52 =	vadd.s32 s3, v0;
	s14 =	sadd.s32 s30, s19;
	s3 =	simm.s32 $0x3;
	v61 =	vadd.s32 s13, v0;
	s13 =	sor.u32 $0x7A0, s6  }
0x2b: {  	[tilespmem:$0x1FFE0] =	vst v62;
	v62 =	vadd.s32 s15, v0;
	s21 =	sshrl.u32 s18, $0x3;
	s15 =	rddreg [dreg:$0x4];
	v32 =	vadd.s32 s13, v0;
	s13 =	sor.u32 $0x7BC, s6  }
0x2c: {  	[tilespmem:$0x1FFB0] =	vst v59;
	v51 =	vadd.s32 s1, v0;
	v54 =	vadd.s32 s5, v0;
	v58 =	vadd.s32 s10, v0;
	s6 =	sadd.s32 s20, s19;
	s20 =	sor.u32 $0x10000, s12;
	s1 =	sadd.s32 s21, s19  }
0x2d: {  	v56 =	vadd.s32 s28, v0;
	v59 =	vadd.s32 s31, v0;
	[tilespmem:$0x1FFD0] =	vst v61;
	s12 =	sadd.s32 s23, s19;
	v61 =	vadd.s32 s11, v0;
	s11 =	rddreg [dreg:$0x3];
	s18 =	sshrl.u32 s20, $0x3  }
0x2e: {  	[tilespmem:$0x1FFC0] =	vst v60;
	v47 =	vadd.s32 s7, v0;
	v55 =	vadd.s32 s4, v0;
	v60 =	vadd.s32 s13, v0;
	s13 =	sadd.s32 s29, s19;
	s7 =	sadd.s32 s18, s19;
	s18 =	simm.s32 $0x0  }
.LBB2_1:
0x2f: {  	[tilespmem:s2], [sflag:$0x3] =	stream.linear.gather [hbm4b:s15+s2], $0x100, $0x38;
	[tilespmem:$0xF980] =	vst v63  }
0x30: {  	_ =	swait.ge [sflag:s3], $0x100  }
0x31: {  	[sflag:s3] =	ssyncset.done $0x0  }
0x32: {  	[sflag:s3] =	ssyncadd.s32 $0xFFFFFF00  }
0x33: {  	[tilespmem:s0], [sflag:$0x3] =	stream.linear.gather [hbm4b:s11+s2], $0x80, $0x38;
	[tilespmem:$0xF980] =	vst v63  }
0x34: {  	_ =	swait.ge [sflag:s3], $0x80  }
0x35: {  	[sflag:s3] =	ssyncset.done $0x0  }
0x36: {  	v1 =	vld [tilespmem:$0x1FFA0];
	[sflag:s3] =	ssyncadd.s32 $0xFFFFFF80  }
0x37: {  	v0 =	vld [tilespmem:$0x100];
	_ =	sdelay $0x1  }
0x38: {  	v2 =	vmov s2  }
0x39: {  	v2 =	vsub.s32 $0x0, v2  }
0x3a: {  	v2 =	vbroadcast v2, $0x0  }
0x3b: {  	v1 =	vadd.s32 v0, v1  }
0x3c: {  	v2 =	vadd.s32 v2, v1  }
0x3d: {  	s19 =	simm.s32 $0x10;
	vm0 =	vgt.s32 v2, $0xFFFFFF81  }
0x3e: {  	v3 =	vmov s19;
	v2 =	vnsel vm0, $0xFFFFFF81, v2  }
0x3f: {  	v3 =	vsub.s32 $0x0, v3;
	vm0 =	vlt.s32 v2, $0x7F  }
0x40: {  	v3 =	vbroadcast v3, $0x0;
	v2 =	vnsel vm0, $0x7F, v2  }
0x41: {  	v2 =	vadd.s32 $0x7F, v2  }
0x42: {  	v3 =	vadd.s32 v3, v1  }
0x43: {  	vm0 =	vgt.s32 v3, $0xFFFFFF81  }
0x44: {  	s20 =	simm.s32 $0x20;
	v3 =	vnsel vm0, $0xFFFFFF81, v3  }
0x45: {  	v4 =	vmov s20;
	vm0 =	vlt.s32 v3, $0x7F  }
0x46: {  	v4 =	vsub.s32 $0x0, v4;
	v3 =	vnsel vm0, $0x7F, v3;
	v2 =	vld.idx.msk [tilespmem:v2+s2+$0x0], $0xffff  }
0x47: {  	v4 =	vbroadcast v4, $0x0;
	v5 =	vadd.s32 $0x7F, v3;
	_ =	sdelay $0x1  }
0x48: {  	s4 =	sand.u32 $0x70, s2;
	s5 =	sand.u32 $0x7C00, s2;
	v3 =	vadd.s32 v4, v1  }
0x49: {  	s4 =	sor.u32 s4, s5;
	vm0 =	vgt.s32 v3, $0xFFFFFF81  }
0x4a: {  	s21 =	simm.s32 $0x30;
	v3 =	vnsel vm0, $0xFFFFFF81, v3;
	[tilespmem:s4+$0x180] =	vst v2  }
0x4b: {  	s23 =	simm.s32 $0x40;
	s22 =	simm.s32 $0x0;
	v4 =	vmov s21;
	vm0 =	vlt.s32 v3, $0x7F;
	v2 =	vld.idx.msk [tilespmem:v5+s2+$0x0], $0xffff  }
.LBB2_2:
0x4c: {  	p0 =	seq.s32 s23, $0xF70;
	v4 =	vsub.s32 $0x0, v4;
	v3 =	vnsel vm0, $0x7F, v3  }
0x4d: {  	v4 =	vbroadcast v4, $0x0;
	v5 =	vadd.s32 $0x7F, v3  }
.Ltmp0:
0x4e: {  	s22 =	sadd.s32 $0x80, s22;
	(pc) =	sbr.rel @!p0 .LBB2_2-.Ltmp0, $4  }
0x4f: {  	s4 =	sand.u32 $0x70, s19;
	s19 =	smov.u32 s20;
	s5 =	sand.u32 $0x7C00, s22;
	v3 =	vadd.s32 v4, v1  }
0x50: {  	s20 =	smov.u32 s21;
	s21 =	smov.u32 s23;
	s4 =	sor.u32 s4, s5;
	vm0 =	vgt.s32 v3, $0xFFFFFF81  }
0x51: {  	v3 =	vnsel vm0, $0xFFFFFF81, v3;
	[tilespmem:s4+$0x180] =	vst v2  }
0x52: {  	s23 =	sadd.s32 $0x10, s23;
	v4 =	vmov s21;
	vm0 =	vlt.s32 v3, $0x7F;
	v2 =	vld.idx.msk [tilespmem:v5+s2+$0x0], $0xffff  }
0x53: {  	v4 =	vsub.s32 $0x0, v4  }
0x54: {  	v3 =	vnsel vm0, $0x7F, v3;
	v4 =	vbroadcast v4, $0x0  }
0x55: {  	v3 =	vadd.s32 $0x7F, v3  }
0x56: {  	s4 =	sadd.s32 $0x80, s22;
	v1 =	vadd.s32 v4, v1  }
0x57: {  	s5 =	sand.u32 $0x70, s19;
	s10 =	sand.u32 $0x7C00, s4;
	vm0 =	vgt.s32 v1, $0xFFFFFF81  }
0x58: {  	s5 =	sor.u32 s5, s10;
	v1 =	vnsel vm0, $0xFFFFFF81, v1  }
0x59: {  	[tilespmem:s5+$0x180] =	vst v2;
	vm0 =	vlt.s32 v1, $0x7F  }
0x5a: {  	v2 =	vld.idx.msk [tilespmem:v3+s2+$0x0], $0xffff;
	v1 =	vnsel vm0, $0x7F, v1  }
0x5b: {  	v1 =	vadd.s32 $0x7F, v1  }
0x5c: {  	s4 =	sadd.s32 $0x80, s4  }
0x5d: {  	s26 =	sand.u32 $0x70, s20;
	s28 =	sand.u32 $0x7C00, s4  }
0x5e: {  	s5 =	sor.u32 s26, s28  }
0x5f: {  	[tilespmem:s5+$0x180] =	vst v2  }
0x60: {  	v1 =	vld.idx.msk [tilespmem:v1+s2+$0x0], $0xffff;
	_ =	sdelay $0x1  }
0x61: {  	s4 =	sadd.s32 $0x80, s4  }
0x62: {  	s29 =	sand.u32 $0x70, s21;
	s4 =	sand.u32 $0x7C00, s4  }
0x63: {  	s4 =	sor.u32 s29, s4  }
0x64: {  	[tilespmem:s4+$0x180] =	vst v1;
	v1 =	vld [tilespmem:$0x1FFB0]  }
0x65: {  	s19 =	simm.s32 $0x0  }
0x66: {  	v2 =	vmov s19  }
0x67: {  	v2 =	vsub.s32 $0x0, v2  }
0x68: {  	v2 =	vbroadcast v2, $0x0  }
0x69: {  	v1 =	vadd.s32 v0, v1  }
0x6a: {  	v2 =	vadd.s32 v2, v1  }
0x6b: {  	s20 =	simm.s32 $0x10;
	vm0 =	vgt.s32 v2, $0xFFFFFF81  }
0x6c: {  	v3 =	vmov s20;
	v2 =	vnsel vm0, $0xFFFFFF81, v2  }
0x6d: {  	v3 =	vsub.s32 $0x0, v3;
	vm0 =	vlt.s32 v2, $0x7F  }
0x6e: {  	v3 =	vbroadcast v3, $0x0;
	v2 =	vnsel vm0, $0x7F, v2  }
0x6f: {  	v2 =	vadd.s32 $0x7F, v2  }
0x70: {  	v3 =	vadd.s32 v3, v1  }
0x71: {  	vm0 =	vgt.s32 v3, $0xFFFFFF81  }
0x72: {  	s21 =	simm.s32 $0x20;
	v3 =	vnsel vm0, $0xFFFFFF81, v3  }
0x73: {  	v4 =	vmov s21;
	vm0 =	vlt.s32 v3, $0x7F  }
0x74: {  	v4 =	vsub.s32 $0x0, v4;
	v3 =	vnsel vm0, $0x7F, v3;
	v2 =	vld.idx.msk [tilespmem:v2+s2+$0x0], $0xffff  }
0x75: {  	v4 =	vbroadcast v4, $0x0;
	v5 =	vadd.s32 $0x7F, v3;
	_ =	sdelay $0x1  }
0x76: {  	s30 =	sand.u32 $0x70, s19;
	s31 =	sand.u32 $0x7C00, s19;
	v3 =	vadd.s32 v4, v1  }
0x77: {  	s4 =	sor.u32 s30, s31;
	vm0 =	vgt.s32 v3, $0xFFFFFF81  }
0x78: {  	s22 =	simm.s32 $0x30;
	v3 =	vnsel vm0, $0xFFFFFF81, v3;
	[tilespmem:s4+$0x200] =	vst v2  }
0x79: {  	s23 =	simm.s32 $0x40;
	v4 =	vmov s22;
	vm0 =	vlt.s32 v3, $0x7F;
	v2 =	vld.idx.msk [tilespmem:v5+s2+$0x0], $0xffff  }
.LBB2_4:
0x7a: {  	p0 =	seq.s32 s23, $0xF70;
	v4 =	vsub.s32 $0x0, v4;
	v3 =	vnsel vm0, $0x7F, v3  }
0x7b: {  	v4 =	vbroadcast v4, $0x0;
	v5 =	vadd.s32 $0x7F, v3  }
.Ltmp1:
0x7c: {  	s19 =	sadd.s32 $0x80, s19;
	(pc) =	sbr.rel @!p0 .LBB2_4-.Ltmp1, $4  }
0x7d: {  	s4 =	sand.u32 $0x70, s20;
	s20 =	smov.u32 s21;
	s5 =	sand.u32 $0x7C00, s19;
	v3 =	vadd.s32 v4, v1  }
0x7e: {  	s21 =	smov.u32 s22;
	s22 =	smov.u32 s23;
	s4 =	sor.u32 s4, s5;
	vm0 =	vgt.s32 v3, $0xFFFFFF81  }
0x7f: {  	v3 =	vnsel vm0, $0xFFFFFF81, v3;
	[tilespmem:s4+$0x200] =	vst v2  }
0x80: {  	s23 =	sadd.s32 $0x10, s23;
	v4 =	vmov s22;
	vm0 =	vlt.s32 v3, $0x7F;
	v2 =	vld.idx.msk [tilespmem:v5+s2+$0x0], $0xffff  }
0x81: {  	v4 =	vsub.s32 $0x0, v4  }
0x82: {  	v3 =	vnsel vm0, $0x7F, v3;
	v4 =	vbroadcast v4, $0x0  }
0x83: {  	v3 =	vadd.s32 $0x7F, v3  }
0x84: {  	s4 =	sadd.s32 $0x80, s19;
	v1 =	vadd.s32 v4, v1  }
0x85: {  	s5 =	sand.u32 $0x70, s20;
	s10 =	sand.u32 $0x7C00, s4;
	vm0 =	vgt.s32 v1, $0xFFFFFF81  }
0x86: {  	s5 =	sor.u32 s5, s10;
	v1 =	vnsel vm0, $0xFFFFFF81, v1  }
0x87: {  	[tilespmem:s5+$0x200] =	vst v2;
	vm0 =	vlt.s32 v1, $0x7F  }
0x88: {  	v2 =	vld.idx.msk [tilespmem:v3+s2+$0x0], $0xffff;
	v1 =	vnsel vm0, $0x7F, v1  }
0x89: {  	v1 =	vadd.s32 $0x7F, v1  }
0x8a: {  	s4 =	sadd.s32 $0x80, s4  }
0x8b: {  	s26 =	sand.u32 $0x70, s21;
	s28 =	sand.u32 $0x7C00, s4  }
0x8c: {  	s5 =	sor.u32 s26, s28  }
0x8d: {  	[tilespmem:s5+$0x200] =	vst v2  }
0x8e: {  	v1 =	vld.idx.msk [tilespmem:v1+s2+$0x0], $0xffff;
	_ =	sdelay $0x1  }
0x8f: {  	s4 =	sadd.s32 $0x80, s4  }
0x90: {  	s29 =	sand.u32 $0x70, s22;
	s4 =	sand.u32 $0x7C00, s4  }
0x91: {  	s4 =	sor.u32 s29, s4  }
0x92: {  	[tilespmem:s4+$0x200] =	vst v1;
	v1 =	vld [tilespmem:$0x1FFC0]  }
0x93: {  	s19 =	simm.s32 $0x0  }
0x94: {  	v2 =	vmov s19  }
0x95: {  	v2 =	vsub.s32 $0x0, v2  }
0x96: {  	v2 =	vbroadcast v2, $0x0  }
0x97: {  	v1 =	vadd.s32 v0, v1  }
0x98: {  	v2 =	vadd.s32 v2, v1  }
0x99: {  	s20 =	simm.s32 $0x10;
	vm0 =	vgt.s32 v2, $0xFFFFFF81  }
0x9a: {  	v3 =	vmov s20;
	v2 =	vnsel vm0, $0xFFFFFF81, v2  }
0x9b: {  	v3 =	vsub.s32 $0x0, v3;
	vm0 =	vlt.s32 v2, $0x7F  }
0x9c: {  	v3 =	vbroadcast v3, $0x0;
	v2 =	vnsel vm0, $0x7F, v2  }
0x9d: {  	v2 =	vadd.s32 $0x7F, v2  }
0x9e: {  	v3 =	vadd.s32 v3, v1  }
0x9f: {  	vm0 =	vgt.s32 v3, $0xFFFFFF81  }
0xa0: {  	s21 =	simm.s32 $0x20;
	v3 =	vnsel vm0, $0xFFFFFF81, v3  }
0xa1: {  	v4 =	vmov s21;
	vm0 =	vlt.s32 v3, $0x7F  }
0xa2: {  	v4 =	vsub.s32 $0x0, v4;
	v3 =	vnsel vm0, $0x7F, v3;
	v2 =	vld.idx.msk [tilespmem:v2+s2+$0x0], $0xffff  }
0xa3: {  	v4 =	vbroadcast v4, $0x0;
	v5 =	vadd.s32 $0x7F, v3;
	_ =	sdelay $0x1  }
0xa4: {  	s30 =	sand.u32 $0x70, s19;
	s31 =	sand.u32 $0x7C00, s19;
	v3 =	vadd.s32 v4, v1  }
0xa5: {  	s4 =	sor.u32 s30, s31;
	vm0 =	vgt.s32 v3, $0xFFFFFF81  }
0xa6: {  	s22 =	simm.s32 $0x30;
	v3 =	vnsel vm0, $0xFFFFFF81, v3;
	[tilespmem:s4+$0x280] =	vst v2  }
0xa7: {  	s23 =	simm.s32 $0x40;
	v4 =	vmov s22;
	vm0 =	vlt.s32 v3, $0x7F;
	v2 =	vld.idx.msk [tilespmem:v5+s2+$0x0], $0xffff  }
.LBB2_6:
0xa8: {  	p0 =	seq.s32 s23, $0xF70;
	v4 =	vsub.s32 $0x0, v4;
	v3 =	vnsel vm0, $0x7F, v3  }
0xa9: {  	v4 =	vbroadcast v4, $0x0;
	v5 =	vadd.s32 $0x7F, v3  }
.Ltmp2:
0xaa: {  	s19 =	sadd.s32 $0x80, s19;
	(pc) =	sbr.rel @!p0 .LBB2_6-.Ltmp2, $4  }
0xab: {  	s4 =	sand.u32 $0x70, s20;
	s20 =	smov.u32 s21;
	s5 =	sand.u32 $0x7C00, s19;
	v3 =	vadd.s32 v4, v1  }
0xac: {  	s21 =	smov.u32 s22;
	s22 =	smov.u32 s23;
	s4 =	sor.u32 s4, s5;
	vm0 =	vgt.s32 v3, $0xFFFFFF81  }
0xad: {  	v3 =	vnsel vm0, $0xFFFFFF81, v3;
	[tilespmem:s4+$0x280] =	vst v2  }
0xae: {  	s23 =	sadd.s32 $0x10, s23;
	v4 =	vmov s22;
	vm0 =	vlt.s32 v3, $0x7F;
	v2 =	vld.idx.msk [tilespmem:v5+s2+$0x0], $0xffff  }
0xaf: {  	v4 =	vsub.s32 $0x0, v4  }
0xb0: {  	v3 =	vnsel vm0, $0x7F, v3;
	v4 =	vbroadcast v4, $0x0  }
0xb1: {  	v3 =	vadd.s32 $0x7F, v3  }
0xb2: {  	s4 =	sadd.s32 $0x80, s19;
	v1 =	vadd.s32 v4, v1  }
0xb3: {  	s5 =	sand.u32 $0x70, s20;
	s10 =	sand.u32 $0x7C00, s4;
	vm0 =	vgt.s32 v1, $0xFFFFFF81  }
0xb4: {  	s5 =	sor.u32 s5, s10;
	v1 =	vnsel vm0, $0xFFFFFF81, v1  }
0xb5: {  	[tilespmem:s5+$0x280] =	vst v2;
	vm0 =	vlt.s32 v1, $0x7F  }
0xb6: {  	v2 =	vld.idx.msk [tilespmem:v3+s2+$0x0], $0xffff;
	v1 =	vnsel vm0, $0x7F, v1  }
0xb7: {  	v1 =	vadd.s32 $0x7F, v1  }
0xb8: {  	s4 =	sadd.s32 $0x80, s4  }
0xb9: {  	s26 =	sand.u32 $0x70, s21;
	s28 =	sand.u32 $0x7C00, s4  }
0xba: {  	s5 =	sor.u32 s26, s28  }
0xbb: {  	[tilespmem:s5+$0x280] =	vst v2  }
0xbc: {  	v1 =	vld.idx.msk [tilespmem:v1+s2+$0x0], $0xffff;
	_ =	sdelay $0x1  }
0xbd: {  	s4 =	sadd.s32 $0x80, s4  }
0xbe: {  	s29 =	sand.u32 $0x70, s22;
	s4 =	sand.u32 $0x7C00, s4  }
0xbf: {  	s4 =	sor.u32 s29, s4  }
0xc0: {  	[tilespmem:s4+$0x280] =	vst v1;
	v1 =	vld [tilespmem:$0x1FFD0]  }
0xc1: {  	s19 =	simm.s32 $0x0  }
0xc2: {  	v2 =	vmov s19  }
0xc3: {  	v2 =	vsub.s32 $0x0, v2  }
0xc4: {  	v2 =	vbroadcast v2, $0x0  }
0xc5: {  	v1 =	vadd.s32 v0, v1  }
0xc6: {  	v2 =	vadd.s32 v2, v1  }
0xc7: {  	s20 =	simm.s32 $0x10;
	vm0 =	vgt.s32 v2, $0xFFFFFF81  }
0xc8: {  	v3 =	vmov s20;
	v2 =	vnsel vm0, $0xFFFFFF81, v2  }
0xc9: {  	v3 =	vsub.s32 $0x0, v3;
	vm0 =	vlt.s32 v2, $0x7F  }
0xca: {  	v3 =	vbroadcast v3, $0x0;
	v2 =	vnsel vm0, $0x7F, v2  }
0xcb: {  	v2 =	vadd.s32 $0x7F, v2  }
0xcc: {  	v3 =	vadd.s32 v3, v1  }
0xcd: {  	vm0 =	vgt.s32 v3, $0xFFFFFF81  }
0xce: {  	s21 =	simm.s32 $0x20;
	v3 =	vnsel vm0, $0xFFFFFF81, v3  }
0xcf: {  	v4 =	vmov s21;
	vm0 =	vlt.s32 v3, $0x7F  }
0xd0: {  	v4 =	vsub.s32 $0x0, v4;
	v3 =	vnsel vm0, $0x7F, v3;
	v2 =	vld.idx.msk [tilespmem:v2+s2+$0x0], $0xffff  }
0xd1: {  	v4 =	vbroadcast v4, $0x0;
	v5 =	vadd.s32 $0x7F, v3;
	_ =	sdelay $0x1  }
0xd2: {  	s30 =	sand.u32 $0x70, s19;
	s31 =	sand.u32 $0x7C00, s19;
	v3 =	vadd.s32 v4, v1  }
0xd3: {  	s4 =	sor.u32 s30, s31;
	vm0 =	vgt.s32 v3, $0xFFFFFF81  }
0xd4: {  	s22 =	simm.s32 $0x30;
	v3 =	vnsel vm0, $0xFFFFFF81, v3;
	[tilespmem:s4+$0x300] =	vst v2  }
0xd5: {  	s23 =	simm.s32 $0x40;
	v4 =	vmov s22;
	vm0 =	vlt.s32 v3, $0x7F;
	v2 =	vld.idx.msk [tilespmem:v5+s2+$0x0], $0xffff  }
.LBB2_8:
0xd6: {  	p0 =	seq.s32 s23, $0xF70;
	v4 =	vsub.s32 $0x0, v4;
	v3 =	vnsel vm0, $0x7F, v3  }
0xd7: {  	v4 =	vbroadcast v4, $0x0;
	v5 =	vadd.s32 $0x7F, v3  }
.Ltmp3:
0xd8: {  	s19 =	sadd.s32 $0x80, s19;
	(pc) =	sbr.rel @!p0 .LBB2_8-.Ltmp3, $4  }
0xd9: {  	s4 =	sand.u32 $0x70, s20;
	s20 =	smov.u32 s21;
	s5 =	sand.u32 $0x7C00, s19;
	v3 =	vadd.s32 v4, v1  }
0xda: {  	s21 =	smov.u32 s22;
	s22 =	smov.u32 s23;
	s4 =	sor.u32 s4, s5;
	vm0 =	vgt.s32 v3, $0xFFFFFF81  }
0xdb: {  	v3 =	vnsel vm0, $0xFFFFFF81, v3;
	[tilespmem:s4+$0x300] =	vst v2  }
0xdc: {  	s23 =	sadd.s32 $0x10, s23;
	v4 =	vmov s22;
	vm0 =	vlt.s32 v3, $0x7F;
	v2 =	vld.idx.msk [tilespmem:v5+s2+$0x0], $0xffff  }
0xdd: {  	v4 =	vsub.s32 $0x0, v4  }
0xde: {  	v3 =	vnsel vm0, $0x7F, v3;
	v4 =	vbroadcast v4, $0x0  }
0xdf: {  	v3 =	vadd.s32 $0x7F, v3  }
0xe0: {  	s4 =	sadd.s32 $0x80, s19;
	v1 =	vadd.s32 v4, v1  }
0xe1: {  	s5 =	sand.u32 $0x70, s20;
	s10 =	sand.u32 $0x7C00, s4;
	vm0 =	vgt.s32 v1, $0xFFFFFF81  }
0xe2: {  	s5 =	sor.u32 s5, s10;
	v1 =	vnsel vm0, $0xFFFFFF81, v1  }
0xe3: {  	[tilespmem:s5+$0x300] =	vst v2;
	vm0 =	vlt.s32 v1, $0x7F  }
0xe4: {  	v2 =	vld.idx.msk [tilespmem:v3+s2+$0x0], $0xffff;
	v1 =	vnsel vm0, $0x7F, v1  }
0xe5: {  	v1 =	vadd.s32 $0x7F, v1  }
0xe6: {  	s4 =	sadd.s32 $0x80, s4  }
0xe7: {  	s26 =	sand.u32 $0x70, s21;
	s28 =	sand.u32 $0x7C00, s4  }
0xe8: {  	s5 =	sor.u32 s26, s28  }
0xe9: {  	[tilespmem:s5+$0x300] =	vst v2  }
0xea: {  	v1 =	vld.idx.msk [tilespmem:v1+s2+$0x0], $0xffff;
	_ =	sdelay $0x1  }
0xeb: {  	s4 =	sadd.s32 $0x80, s4  }
0xec: {  	s29 =	sand.u32 $0x70, s22;
	s4 =	sand.u32 $0x7C00, s4  }
0xed: {  	s4 =	sor.u32 s29, s4  }
0xee: {  	[tilespmem:s4+$0x300] =	vst v1;
	v1 =	vld [tilespmem:$0x1FFE0]  }
0xef: {  	s19 =	simm.s32 $0x0  }
0xf0: {  	v2 =	vmov s19  }
0xf1: {  	v2 =	vsub.s32 $0x0, v2  }
0xf2: {  	v2 =	vbroadcast v2, $0x0  }
0xf3: {  	v1 =	vadd.s32 v0, v1  }
0xf4: {  	v2 =	vadd.s32 v2, v1  }
0xf5: {  	s20 =	simm.s32 $0x10;
	vm0 =	vgt.s32 v2, $0xFFFFFF81  }
0xf6: {  	v3 =	vmov s20;
	v2 =	vnsel vm0, $0xFFFFFF81, v2  }
0xf7: {  	v3 =	vsub.s32 $0x0, v3;
	vm0 =	vlt.s32 v2, $0x7F  }
0xf8: {  	v3 =	vbroadcast v3, $0x0;
	v2 =	vnsel vm0, $0x7F, v2  }
0xf9: {  	v2 =	vadd.s32 $0x7F, v2  }
0xfa: {  	v3 =	vadd.s32 v3, v1  }
0xfb: {  	vm0 =	vgt.s32 v3, $0xFFFFFF81  }
0xfc: {  	s21 =	simm.s32 $0x20;
	v3 =	vnsel vm0, $0xFFFFFF81, v3  }
0xfd: {  	v4 =	vmov s21;
	vm0 =	vlt.s32 v3, $0x7F  }
0xfe: {  	v4 =	vsub.s32 $0x0, v4;
	v3 =	vnsel vm0, $0x7F, v3;
	v2 =	vld.idx.msk [tilespmem:v2+s2+$0x0], $0xffff  }
0xff: {  	v4 =	vbroadcast v4, $0x0;
	v5 =	vadd.s32 $0x7F, v3;
	_ =	sdelay $0x1  }
0x100: {  	s30 =	sand.u32 $0x70, s19;
	s31 =	sand.u32 $0x7C00, s19;
	v3 =	vadd.s32 v4, v1  }
0x101: {  	s4 =	sor.u32 s30, s31;
	vm0 =	vgt.s32 v3, $0xFFFFFF81  }
0x102: {  	s22 =	simm.s32 $0x30;
	v3 =	vnsel vm0, $0xFFFFFF81, v3;
	[tilespmem:s4+$0x380] =	vst v2  }
0x103: {  	s23 =	simm.s32 $0x40;
	v4 =	vmov s22;
	vm0 =	vlt.s32 v3, $0x7F;
	v2 =	vld.idx.msk [tilespmem:v5+s2+$0x0], $0xffff  }
.LBB2_10:
0x104: {  	p0 =	seq.s32 s23, $0xF70;
	v4 =	vsub.s32 $0x0, v4;
	v3 =	vnsel vm0, $0x7F, v3  }
0x105: {  	v4 =	vbroadcast v4, $0x0;
	v5 =	vadd.s32 $0x7F, v3  }
.Ltmp4:
0x106: {  	s19 =	sadd.s32 $0x80, s19;
	(pc) =	sbr.rel @!p0 .LBB2_10-.Ltmp4, $4  }
0x107: {  	s4 =	sand.u32 $0x70, s20;
	s20 =	smov.u32 s21;
	s5 =	sand.u32 $0x7C00, s19;
	v3 =	vadd.s32 v4, v1  }
0x108: {  	s21 =	smov.u32 s22;
	s22 =	smov.u32 s23;
	s4 =	sor.u32 s4, s5;
	vm0 =	vgt.s32 v3, $0xFFFFFF81  }
0x109: {  	v3 =	vnsel vm0, $0xFFFFFF81, v3;
	[tilespmem:s4+$0x380] =	vst v2  }
0x10a: {  	s23 =	sadd.s32 $0x10, s23;
	v4 =	vmov s22;
	vm0 =	vlt.s32 v3, $0x7F;
	v2 =	vld.idx.msk [tilespmem:v5+s2+$0x0], $0xffff  }
0x10b: {  	v4 =	vsub.s32 $0x0, v4  }
0x10c: {  	v3 =	vnsel vm0, $0x7F, v3;
	v4 =	vbroadcast v4, $0x0  }
0x10d: {  	v3 =	vadd.s32 $0x7F, v3  }
0x10e: {  	s4 =	sadd.s32 $0x80, s19;
	v1 =	vadd.s32 v4, v1  }
0x10f: {  	s5 =	sand.u32 $0x70, s20;
	s10 =	sand.u32 $0x7C00, s4;
	vm0 =	vgt.s32 v1, $0xFFFFFF81  }
0x110: {  	s5 =	sor.u32 s5, s10;
	v1 =	vnsel vm0, $0xFFFFFF81, v1  }
0x111: {  	[tilespmem:s5+$0x380] =	vst v2;
	vm0 =	vlt.s32 v1, $0x7F  }
0x112: {  	v2 =	vld.idx.msk [tilespmem:v3+s2+$0x0], $0xffff;
	v1 =	vnsel vm0, $0x7F, v1  }
0x113: {  	v1 =	vadd.s32 $0x7F, v1  }
0x114: {  	s4 =	sadd.s32 $0x80, s4  }
0x115: {  	s26 =	sand.u32 $0x70, s21;
	s28 =	sand.u32 $0x7C00, s4  }
0x116: {  	s5 =	sor.u32 s26, s28  }
0x117: {  	[tilespmem:s5+$0x380] =	vst v2  }
0x118: {  	v1 =	vld.idx.msk [tilespmem:v1+s2+$0x0], $0xffff;
	_ =	sdelay $0x1  }
0x119: {  	s4 =	sadd.s32 $0x80, s4  }
0x11a: {  	s29 =	sand.u32 $0x70, s22;
	s4 =	sand.u32 $0x7C00, s4  }
0x11b: {  	s4 =	sor.u32 s29, s4  }
0x11c: {  	[tilespmem:s4+$0x380] =	vst v1;
	v1 =	vld [tilespmem:$0x1FFF0]  }
0x11d: {  	s19 =	simm.s32 $0x0  }
0x11e: {  	v2 =	vmov s19  }
0x11f: {  	v2 =	vsub.s32 $0x0, v2  }
0x120: {  	v2 =	vbroadcast v2, $0x0  }
0x121: {  	v1 =	vadd.s32 v0, v1  }
0x122: {  	v2 =	vadd.s32 v2, v1  }
0x123: {  	s20 =	simm.s32 $0x10;
	vm0 =	vgt.s32 v2, $0xFFFFFF81  }
0x124: {  	v3 =	vmov s20;
	v2 =	vnsel vm0, $0xFFFFFF81, v2  }
0x125: {  	v3 =	vsub.s32 $0x0, v3;
	vm0 =	vlt.s32 v2, $0x7F  }
0x126: {  	v3 =	vbroadcast v3, $0x0;
	v2 =	vnsel vm0, $0x7F, v2  }
0x127: {  	v2 =	vadd.s32 $0x7F, v2  }
0x128: {  	v3 =	vadd.s32 v3, v1  }
0x129: {  	vm0 =	vgt.s32 v3, $0xFFFFFF81  }
0x12a: {  	s21 =	simm.s32 $0x20;
	v3 =	vnsel vm0, $0xFFFFFF81, v3  }
0x12b: {  	v4 =	vmov s21;
	vm0 =	vlt.s32 v3, $0x7F  }
0x12c: {  	v4 =	vsub.s32 $0x0, v4;
	v3 =	vnsel vm0, $0x7F, v3;
	v2 =	vld.idx.msk [tilespmem:v2+s2+$0x0], $0xffff  }
0x12d: {  	v4 =	vbroadcast v4, $0x0;
	v5 =	vadd.s32 $0x7F, v3;
	_ =	sdelay $0x1  }
0x12e: {  	s30 =	sand.u32 $0x70, s19;
	s31 =	sand.u32 $0x7C00, s19;
	v3 =	vadd.s32 v4, v1  }
0x12f: {  	s4 =	sor.u32 s30, s31;
	vm0 =	vgt.s32 v3, $0xFFFFFF81  }
0x130: {  	s22 =	simm.s32 $0x30;
	v3 =	vnsel vm0, $0xFFFFFF81, v3;
	[tilespmem:s4+$0x400] =	vst v2  }
0x131: {  	s23 =	simm.s32 $0x40;
	v4 =	vmov s22;
	vm0 =	vlt.s32 v3, $0x7F;
	v2 =	vld.idx.msk [tilespmem:v5+s2+$0x0], $0xffff  }
.LBB2_12:
0x132: {  	p0 =	seq.s32 s23, $0xF70;
	v4 =	vsub.s32 $0x0, v4;
	v3 =	vnsel vm0, $0x7F, v3  }
0x133: {  	v4 =	vbroadcast v4, $0x0;
	v5 =	vadd.s32 $0x7F, v3  }
.Ltmp5:
0x134: {  	s19 =	sadd.s32 $0x80, s19;
	(pc) =	sbr.rel @!p0 .LBB2_12-.Ltmp5, $4  }
0x135: {  	s4 =	sand.u32 $0x70, s20;
	s20 =	smov.u32 s21;
	s5 =	sand.u32 $0x7C00, s19;
	v3 =	vadd.s32 v4, v1  }
0x136: {  	s21 =	smov.u32 s22;
	s22 =	smov.u32 s23;
	s4 =	sor.u32 s4, s5;
	vm0 =	vgt.s32 v3, $0xFFFFFF81  }
0x137: {  	v3 =	vnsel vm0, $0xFFFFFF81, v3;
	[tilespmem:s4+$0x400] =	vst v2  }
0x138: {  	s23 =	sadd.s32 $0x10, s23;
	v4 =	vmov s22;
	vm0 =	vlt.s32 v3, $0x7F;
	v2 =	vld.idx.msk [tilespmem:v5+s2+$0x0], $0xffff  }
0x139: {  	v4 =	vsub.s32 $0x0, v4  }
0x13a: {  	v3 =	vnsel vm0, $0x7F, v3;
	v4 =	vbroadcast v4, $0x0  }
0x13b: {  	v3 =	vadd.s32 $0x7F, v3  }
0x13c: {  	s4 =	sadd.s32 $0x80, s19;
	v1 =	vadd.s32 v4, v1  }
0x13d: {  	s5 =	sand.u32 $0x70, s20;
	s10 =	sand.u32 $0x7C00, s4;
	vm0 =	vgt.s32 v1, $0xFFFFFF81  }
0x13e: {  	s5 =	sor.u32 s5, s10;
	v1 =	vnsel vm0, $0xFFFFFF81, v1  }
0x13f: {  	[tilespmem:s5+$0x400] =	vst v2;
	vm0 =	vlt.s32 v1, $0x7F  }
0x140: {  	v2 =	vld.idx.msk [tilespmem:v3+s2+$0x0], $0xffff;
	v1 =	vnsel vm0, $0x7F, v1  }
0x141: {  	v1 =	vadd.s32 $0x7F, v1  }
0x142: {  	s4 =	sadd.s32 $0x80, s4  }
0x143: {  	s26 =	sand.u32 $0x70, s21;
	s28 =	sand.u32 $0x7C00, s4  }
0x144: {  	s5 =	sor.u32 s26, s28  }
0x145: {  	[tilespmem:s5+$0x400] =	vst v2  }
0x146: {  	v1 =	vld.idx.msk [tilespmem:v1+s2+$0x0], $0xffff  }
0x147: {  	s19 =	simm.s32 $0x0  }
0x148: {  	s4 =	sadd.s32 $0x80, s4;
	v2 =	vmov s19  }
0x149: {  	s29 =	sand.u32 $0x70, s22;
	s4 =	sand.u32 $0x7C00, s4;
	v2 =	vsub.s32 $0x0, v2  }
0x14a: {  	s4 =	sor.u32 s29, s4;
	v2 =	vbroadcast v2, $0x0  }
0x14b: {  	[tilespmem:s4+$0x400] =	vst v1;
	v1 =	vadd.s32 v0, v6  }
0x14c: {  	v2 =	vadd.s32 v2, v1  }
0x14d: {  	s20 =	simm.s32 $0x10;
	vm0 =	vgt.s32 v2, $0xFFFFFF81  }
0x14e: {  	v3 =	vmov s20;
	v2 =	vnsel vm0, $0xFFFFFF81, v2  }
0x14f: {  	v3 =	vsub.s32 $0x0, v3;
	vm0 =	vlt.s32 v2, $0x7F  }
0x150: {  	v3 =	vbroadcast v3, $0x0;
	v2 =	vnsel vm0, $0x7F, v2  }
0x151: {  	v2 =	vadd.s32 $0x7F, v2  }
0x152: {  	v3 =	vadd.s32 v3, v1  }
0x153: {  	vm0 =	vgt.s32 v3, $0xFFFFFF81  }
0x154: {  	s21 =	simm.s32 $0x20;
	v3 =	vnsel vm0, $0xFFFFFF81, v3  }
0x155: {  	v4 =	vmov s21;
	vm0 =	vlt.s32 v3, $0x7F  }
0x156: {  	v4 =	vsub.s32 $0x0, v4;
	v3 =	vnsel vm0, $0x7F, v3;
	v2 =	vld.idx.msk [tilespmem:v2+s2+$0x0], $0xffff  }
0x157: {  	v4 =	vbroadcast v4, $0x0;
	v5 =	vadd.s32 $0x7F, v3;
	_ =	sdelay $0x1  }
0x158: {  	s30 =	sand.u32 $0x70, s19;
	s31 =	sand.u32 $0x7C00, s19;
	v3 =	vadd.s32 v4, v1  }
0x159: {  	s4 =	sor.u32 s30, s31;
	vm0 =	vgt.s32 v3, $0xFFFFFF81  }
0x15a: {  	s22 =	simm.s32 $0x30;
	v3 =	vnsel vm0, $0xFFFFFF81, v3;
	[tilespmem:s4+$0x480] =	vst v2  }
0x15b: {  	s23 =	simm.s32 $0x40;
	v4 =	vmov s22;
	vm0 =	vlt.s32 v3, $0x7F;
	v2 =	vld.idx.msk [tilespmem:v5+s2+$0x0], $0xffff  }
.LBB2_14:
0x15c: {  	p0 =	seq.s32 s23, $0xF70;
	v4 =	vsub.s32 $0x0, v4;
	v3 =	vnsel vm0, $0x7F, v3  }
0x15d: {  	v4 =	vbroadcast v4, $0x0;
	v5 =	vadd.s32 $0x7F, v3  }
.Ltmp6:
0x15e: {  	s19 =	sadd.s32 $0x80, s19;
	(pc) =	sbr.rel @!p0 .LBB2_14-.Ltmp6, $4  }
0x15f: {  	s4 =	sand.u32 $0x70, s20;
	s20 =	smov.u32 s21;
	s5 =	sand.u32 $0x7C00, s19;
	v3 =	vadd.s32 v4, v1  }
0x160: {  	s21 =	smov.u32 s22;
	s22 =	smov.u32 s23;
	s4 =	sor.u32 s4, s5;
	vm0 =	vgt.s32 v3, $0xFFFFFF81  }
0x161: {  	v3 =	vnsel vm0, $0xFFFFFF81, v3;
	[tilespmem:s4+$0x480] =	vst v2  }
0x162: {  	s23 =	sadd.s32 $0x10, s23;
	v4 =	vmov s22;
	vm0 =	vlt.s32 v3, $0x7F;
	v2 =	vld.idx.msk [tilespmem:v5+s2+$0x0], $0xffff  }
0x163: {  	v4 =	vsub.s32 $0x0, v4  }
0x164: {  	v3 =	vnsel vm0, $0x7F, v3;
	v4 =	vbroadcast v4, $0x0  }
0x165: {  	v3 =	vadd.s32 $0x7F, v3  }
0x166: {  	s4 =	sadd.s32 $0x80, s19;
	v1 =	vadd.s32 v4, v1  }
0x167: {  	s5 =	sand.u32 $0x70, s20;
	s10 =	sand.u32 $0x7C00, s4;
	vm0 =	vgt.s32 v1, $0xFFFFFF81  }
0x168: {  	s5 =	sor.u32 s5, s10;
	v1 =	vnsel vm0, $0xFFFFFF81, v1  }
0x169: {  	[tilespmem:s5+$0x480] =	vst v2;
	vm0 =	vlt.s32 v1, $0x7F  }
0x16a: {  	v2 =	vld.idx.msk [tilespmem:v3+s2+$0x0], $0xffff;
	v1 =	vnsel vm0, $0x7F, v1  }
0x16b: {  	v1 =	vadd.s32 $0x7F, v1  }
0x16c: {  	s4 =	sadd.s32 $0x80, s4  }
0x16d: {  	s23 =	sand.u32 $0x70, s21;
	s25 =	sand.u32 $0x7C00, s4  }
0x16e: {  	s5 =	sor.u32 s23, s25  }
0x16f: {  	[tilespmem:s5+$0x480] =	vst v2  }
0x170: {  	v1 =	vld.idx.msk [tilespmem:v1+s2+$0x0], $0xffff  }
0x171: {  	s19 =	simm.s32 $0x0  }
0x172: {  	s4 =	sadd.s32 $0x80, s4;
	v2 =	vmov s19  }
0x173: {  	s26 =	sand.u32 $0x70, s22;
	s4 =	sand.u32 $0x7C00, s4;
	v2 =	vsub.s32 $0x0, v2  }
0x174: {  	s4 =	sor.u32 s26, s4;
	v2 =	vbroadcast v2, $0x0  }
0x175: {  	[tilespmem:s4+$0x480] =	vst v1;
	v1 =	vadd.s32 v0, v7  }
0x176: {  	v2 =	vadd.s32 v2, v1  }
0x177: {  	s28 =	simm.s32 $0x10;
	vm0 =	vgt.s32 v2, $0xFFFFFF81  }
0x178: {  	v3 =	vmov s28;
	v2 =	vnsel vm0, $0xFFFFFF81, v2  }
0x179: {  	v3 =	vsub.s32 $0x0, v3;
	vm0 =	vlt.s32 v2, $0x7F  }
0x17a: {  	v3 =	vbroadcast v3, $0x0;
	v2 =	vnsel vm0, $0x7F, v2  }
0x17b: {  	v2 =	vadd.s32 $0x7F, v2  }
0x17c: {  	v3 =	vadd.s32 v3, v1  }
0x17d: {  	vm0 =	vgt.s32 v3, $0xFFFFFF81  }
0x17e: {  	s29 =	simm.s32 $0x20;
	v3 =	vnsel vm0, $0xFFFFFF81, v3  }
0x17f: {  	v4 =	vmov s29;
	vm0 =	vlt.s32 v3, $0x7F  }
0x180: {  	v4 =	vsub.s32 $0x0, v4;
	v3 =	vnsel vm0, $0x7F, v3;
	v2 =	vld.idx.msk [tilespmem:v2+s2+$0x0], $0xffff  }
0x181: {  	s30 =	sand.u32 $0x7, s19;
	v4 =	vbroadcast v4, $0x0;
	v5 =	vadd.s32 $0x7F, v3  }
0x182: {  	s4 =	sshll.u32 s30, $0x4  }
0x183: {  	s4 =	sadd.s32 $0x0, s4;
	v3 =	vadd.s32 v4, v1  }
0x184: {  	s4 =	sor.u32 $0x380, s4;
	vm0 =	vgt.s32 v3, $0xFFFFFF81  }
0x185: {  	s31 =	simm.s32 $0x30;
	v3 =	vnsel vm0, $0xFFFFFF81, v3;
	[tilespmem:s4+$0x180] =	vst v2  }
0x186: {  	s21 =	simm.s32 $0x40;
	s20 =	simm.s32 $0x0;
	v4 =	vmov s31;
	vm0 =	vlt.s32 v3, $0x7F;
	v2 =	vld.idx.msk [tilespmem:v5+s2+$0x0], $0xffff  }
.LBB2_16:
0x187: {  	p0 =	sne.s32 s21, $0xF70;
	v4 =	vsub.s32 $0x0, v4;
	v3 =	vnsel vm0, $0x7F, v3;
	s19 =	sadd.s32 $0x1, s19  }
0x188: {  	v4 =	vbroadcast v4, $0x0;
	v5 =	vadd.s32 $0x7F, v3;
	s4 =	sand.u32 $0x7, s19  }
.Ltmp7:
0x189: {  	s20 =	sadd.s32 $0x80, s20;
	s4 =	sshll.u32 s4, $0x4;
	(pc) =	sbr.rel @p0 .LBB2_16-.Ltmp7, $4  }
0x18a: {  	v3 =	vadd.s32 v4, v1;
	s4 =	sadd.s32 s4, s20  }
0x18b: {  	vm0 =	vgt.s32 v3, $0xFFFFFF81;
	s4 =	sor.u32 $0x380, s4  }
0x18c: {  	v3 =	vnsel vm0, $0xFFFFFF81, v3;
	[tilespmem:s4+$0x180] =	vst v2  }
0x18d: {  	v4 =	vmov s21;
	s21 =	sadd.s32 $0x10, s21;
	vm0 =	vlt.s32 v3, $0x7F;
	v2 =	vld.idx.msk [tilespmem:v5+s2+$0x0], $0xffff  }
0x18e: {  	v4 =	vsub.s32 $0x0, v4  }
0x18f: {  	v3 =	vnsel vm0, $0x7F, v3;
	s4 =	sadd.s32 $0x1, s19;
	v4 =	vbroadcast v4, $0x0  }
0x190: {  	v3 =	vadd.s32 $0x7F, v3;
	s5 =	sand.u32 $0x7, s4  }
0x191: {  	s10 =	sadd.s32 $0x80, s20;
	s5 =	sshll.u32 s5, $0x4;
	v1 =	vadd.s32 v4, v1  }
0x192: {  	s5 =	sadd.s32 s5, s10;
	vm15 =	vgt.s32 v1, $0xFFFFFF81  }
0x193: {  	s5 =	sor.u32 $0x380, s5;
	v1 =	vnsel vm15, $0xFFFFFF81, v1  }
0x194: {  	[tilespmem:s5+$0x180] =	vst v2;
	vm0 =	vlt.s32 v1, $0x7F  }
0x195: {  	s4 =	sadd.s32 $0x1, s4;
	v2 =	vld.idx.msk [tilespmem:v3+s2+$0x0], $0xffff;
	v1 =	vnsel vm0, $0x7F, v1  }
0x196: {  	s29 =	sand.u32 $0x7, s4;
	v1 =	vadd.s32 $0x7F, v1  }
0x197: {  	s10 =	sadd.s32 $0x80, s10;
	s5 =	sshll.u32 s29, $0x4  }
0x198: {  	s5 =	sadd.s32 s5, s10  }
0x199: {  	s5 =	sor.u32 $0x380, s5  }
0x19a: {  	[tilespmem:s5+$0x180] =	vst v2  }
0x19b: {  	s4 =	sadd.s32 $0x1, s4;
	v1 =	vld.idx.msk [tilespmem:v1+s2+$0x0], $0xffff  }
0x19c: {  	s4 =	sand.u32 $0x7, s4  }
0x19d: {  	s4 =	sshll.u32 s4, $0x4;
	s30 =	sadd.s32 $0x80, s10  }
0x19e: {  	s4 =	sadd.s32 s4, s30  }
0x19f: {  	s4 =	sor.u32 $0x380, s4  }
0x1a0: {  	s31 =	simm.s32 $0x3D80;
	s19 =	simm.s32 $0xE000;
	s20 =	smov.u32 s6;
	[tilespmem:s4+$0x180] =	vst v1  }
0x1a1: {  	[hbm4b:s6+s2] =	stream.linear.scatter [tilespmem:s31], [sflag:$0x1], $0x4000, $0x38;
	[tilespmem:$0xF980] =	vst v63  }
.LBB2_18:
0x1a2: {  	p0 =	sne.s32 s19, $0x0  }
.Ltmp8:
0x1a3: {  	_ = 	snop;
	(pc) =	sbr.rel @p0 .LBB2_18-.Ltmp8, $4  }
0x1a4: {  	_ = 	snop  }
0x1a5: {  	s4 =	sshra.s32 s19, $0x2;
	s19 =	sadd.s32 $0xFFFFF000, s19  }
0x1a6: {  	s20 =	sadd.s32 $0x8000, s20;
	s4 =	sadd.s32 $0x180, s4  }
0x1a7: {  	[hbm4b:s20+s2] =	stream.linear.scatter [tilespmem:s4], [sflag:$0x1], $0x4000, $0x38;
	[tilespmem:$0xF980] =	vst v63  }
0x1a8: {  	s19 =	simm.s32 $0x0  }
0x1a9: {  	v2 =	vmov s19  }
0x1aa: {  	v2 =	vsub.s32 $0x0, v2  }
0x1ab: {  	v2 =	vbroadcast v2, $0x0  }
0x1ac: {  	v1 =	vadd.s32 v0, v8  }
0x1ad: {  	v2 =	vadd.s32 v2, v1  }
0x1ae: {  	s20 =	simm.s32 $0x10;
	vm0 =	vgt.s32 v2, $0xFFFFFF81  }
0x1af: {  	v3 =	vmov s20;
	v2 =	vnsel vm0, $0xFFFFFF81, v2  }
0x1b0: {  	v3 =	vsub.s32 $0x0, v3;
	vm0 =	vlt.s32 v2, $0x7F  }
0x1b1: {  	v3 =	vbroadcast v3, $0x0;
	v2 =	vnsel vm0, $0x7F, v2  }
0x1b2: {  	v2 =	vadd.s32 $0x7F, v2  }
0x1b3: {  	v3 =	vadd.s32 v3, v1  }
0x1b4: {  	vm0 =	vgt.s32 v3, $0xFFFFFF81  }
0x1b5: {  	s21 =	simm.s32 $0x20;
	v3 =	vnsel vm0, $0xFFFFFF81, v3  }
0x1b6: {  	v4 =	vmov s21;
	vm0 =	vlt.s32 v3, $0x7F  }
0x1b7: {  	v4 =	vsub.s32 $0x0, v4;
	v3 =	vnsel vm0, $0x7F, v3;
	v2 =	vld.idx.msk [tilespmem:v2+s2+$0x0], $0xffff  }
0x1b8: {  	v4 =	vbroadcast v4, $0x0;
	v5 =	vadd.s32 $0x7F, v3;
	_ =	sdelay $0x1  }
0x1b9: {  	s4 =	sand.u32 $0x70, s19;
	s5 =	sand.u32 $0x7C00, s19;
	v3 =	vadd.s32 v4, v1  }
0x1ba: {  	s4 =	sor.u32 s4, s5;
	vm0 =	vgt.s32 v3, $0xFFFFFF81  }
0x1bb: {  	s22 =	simm.s32 $0x30;
	v3 =	vnsel vm0, $0xFFFFFF81, v3;
	[tilespmem:s4+$0x7D80] =	vst v2  }
0x1bc: {  	s23 =	simm.s32 $0x40;
	v4 =	vmov s22;
	vm0 =	vlt.s32 v3, $0x7F;
	v2 =	vld.idx.msk [tilespmem:v5+s2+$0x0], $0xffff  }
.LBB2_20:
0x1bd: {  	p0 =	seq.s32 s23, $0xF70;
	v4 =	vsub.s32 $0x0, v4;
	v3 =	vnsel vm0, $0x7F, v3  }
0x1be: {  	v4 =	vbroadcast v4, $0x0;
	v5 =	vadd.s32 $0x7F, v3  }
.Ltmp9:
0x1bf: {  	s19 =	sadd.s32 $0x80, s19;
	(pc) =	sbr.rel @!p0 .LBB2_20-.Ltmp9, $4  }
0x1c0: {  	s4 =	sand.u32 $0x70, s20;
	s20 =	smov.u32 s21;
	s5 =	sand.u32 $0x7C00, s19;
	v3 =	vadd.s32 v4, v1  }
0x1c1: {  	s21 =	smov.u32 s22;
	s22 =	smov.u32 s23;
	s4 =	sor.u32 s4, s5;
	vm0 =	vgt.s32 v3, $0xFFFFFF81  }
0x1c2: {  	v3 =	vnsel vm0, $0xFFFFFF81, v3;
	[tilespmem:s4+$0x7D80] =	vst v2  }
0x1c3: {  	s23 =	sadd.s32 $0x10, s23;
	v4 =	vmov s22;
	vm0 =	vlt.s32 v3, $0x7F;
	v2 =	vld.idx.msk [tilespmem:v5+s2+$0x0], $0xffff  }
0x1c4: {  	v4 =	vsub.s32 $0x0, v4  }
0x1c5: {  	v3 =	vnsel vm0, $0x7F, v3;
	v4 =	vbroadcast v4, $0x0  }
0x1c6: {  	v3 =	vadd.s32 $0x7F, v3  }
0x1c7: {  	s4 =	sadd.s32 $0x80, s19;
	v1 =	vadd.s32 v4, v1  }
0x1c8: {  	s5 =	sand.u32 $0x70, s20;
	s10 =	sand.u32 $0x7C00, s4;
	vm0 =	vgt.s32 v1, $0xFFFFFF81  }
0x1c9: {  	s5 =	sor.u32 s5, s10;
	v1 =	vnsel vm0, $0xFFFFFF81, v1  }
0x1ca: {  	[tilespmem:s5+$0x7D80] =	vst v2;
	vm0 =	vlt.s32 v1, $0x7F  }
0x1cb: {  	v2 =	vld.idx.msk [tilespmem:v3+s2+$0x0], $0xffff;
	v1 =	vnsel vm0, $0x7F, v1  }
0x1cc: {  	v1 =	vadd.s32 $0x7F, v1  }
0x1cd: {  	s4 =	sadd.s32 $0x80, s4  }
0x1ce: {  	s26 =	sand.u32 $0x70, s21;
	s28 =	sand.u32 $0x7C00, s4  }
0x1cf: {  	s5 =	sor.u32 s26, s28  }
0x1d0: {  	[tilespmem:s5+$0x7D80] =	vst v2  }
0x1d1: {  	v1 =	vld.idx.msk [tilespmem:v1+s2+$0x0], $0xffff  }
0x1d2: {  	s19 =	simm.s32 $0x0  }
0x1d3: {  	s4 =	sadd.s32 $0x80, s4;
	v2 =	vmov s19  }
0x1d4: {  	s29 =	sand.u32 $0x70, s22;
	s4 =	sand.u32 $0x7C00, s4;
	v2 =	vsub.s32 $0x0, v2  }
0x1d5: {  	s4 =	sor.u32 s29, s4;
	v2 =	vbroadcast v2, $0x0  }
0x1d6: {  	[tilespmem:s4+$0x7D80] =	vst v1;
	v1 =	vadd.s32 v0, v9  }
0x1d7: {  	v2 =	vadd.s32 v2, v1  }
0x1d8: {  	s20 =	simm.s32 $0x10;
	vm0 =	vgt.s32 v2, $0xFFFFFF81  }
0x1d9: {  	v3 =	vmov s20;
	v2 =	vnsel vm0, $0xFFFFFF81, v2  }
0x1da: {  	v3 =	vsub.s32 $0x0, v3;
	vm0 =	vlt.s32 v2, $0x7F  }
0x1db: {  	v3 =	vbroadcast v3, $0x0;
	v2 =	vnsel vm0, $0x7F, v2  }
0x1dc: {  	v2 =	vadd.s32 $0x7F, v2  }
0x1dd: {  	v3 =	vadd.s32 v3, v1  }
0x1de: {  	vm0 =	vgt.s32 v3, $0xFFFFFF81  }
0x1df: {  	s21 =	simm.s32 $0x20;
	v3 =	vnsel vm0, $0xFFFFFF81, v3  }
0x1e0: {  	v4 =	vmov s21;
	vm0 =	vlt.s32 v3, $0x7F  }
0x1e1: {  	v4 =	vsub.s32 $0x0, v4;
	v3 =	vnsel vm0, $0x7F, v3;
	v2 =	vld.idx.msk [tilespmem:v2+s2+$0x0], $0xffff  }
0x1e2: {  	v4 =	vbroadcast v4, $0x0;
	v5 =	vadd.s32 $0x7F, v3;
	_ =	sdelay $0x1  }
0x1e3: {  	s30 =	sand.u32 $0x70, s19;
	s31 =	sand.u32 $0x7C00, s19;
	v3 =	vadd.s32 v4, v1  }
0x1e4: {  	s4 =	sor.u32 s30, s31;
	vm0 =	vgt.s32 v3, $0xFFFFFF81  }
0x1e5: {  	s22 =	simm.s32 $0x30;
	v3 =	vnsel vm0, $0xFFFFFF81, v3;
	[tilespmem:s4+$0x7E00] =	vst v2  }
0x1e6: {  	s23 =	simm.s32 $0x40;
	v4 =	vmov s22;
	vm0 =	vlt.s32 v3, $0x7F;
	v2 =	vld.idx.msk [tilespmem:v5+s2+$0x0], $0xffff  }
.LBB2_22:
0x1e7: {  	p0 =	seq.s32 s23, $0xF70;
	v4 =	vsub.s32 $0x0, v4;
	v3 =	vnsel vm0, $0x7F, v3  }
0x1e8: {  	v4 =	vbroadcast v4, $0x0;
	v5 =	vadd.s32 $0x7F, v3  }
.Ltmp10:
0x1e9: {  	s19 =	sadd.s32 $0x80, s19;
	(pc) =	sbr.rel @!p0 .LBB2_22-.Ltmp10, $4  }
0x1ea: {  	s4 =	sand.u32 $0x70, s20;
	s20 =	smov.u32 s21;
	s5 =	sand.u32 $0x7C00, s19;
	v3 =	vadd.s32 v4, v1  }
0x1eb: {  	s21 =	smov.u32 s22;
	s22 =	smov.u32 s23;
	s4 =	sor.u32 s4, s5;
	vm0 =	vgt.s32 v3, $0xFFFFFF81  }
0x1ec: {  	v3 =	vnsel vm0, $0xFFFFFF81, v3;
	[tilespmem:s4+$0x7E00] =	vst v2  }
0x1ed: {  	s23 =	sadd.s32 $0x10, s23;
	v4 =	vmov s22;
	vm0 =	vlt.s32 v3, $0x7F;
	v2 =	vld.idx.msk [tilespmem:v5+s2+$0x0], $0xffff  }
0x1ee: {  	v4 =	vsub.s32 $0x0, v4  }
0x1ef: {  	v3 =	vnsel vm0, $0x7F, v3;
	v4 =	vbroadcast v4, $0x0  }
0x1f0: {  	v3 =	vadd.s32 $0x7F, v3  }
0x1f1: {  	s4 =	sadd.s32 $0x80, s19;
	v1 =	vadd.s32 v4, v1  }
0x1f2: {  	s5 =	sand.u32 $0x70, s20;
	s10 =	sand.u32 $0x7C00, s4;
	vm0 =	vgt.s32 v1, $0xFFFFFF81  }
0x1f3: {  	s5 =	sor.u32 s5, s10;
	v1 =	vnsel vm0, $0xFFFFFF81, v1  }
0x1f4: {  	[tilespmem:s5+$0x7E00] =	vst v2;
	vm0 =	vlt.s32 v1, $0x7F  }
0x1f5: {  	v2 =	vld.idx.msk [tilespmem:v3+s2+$0x0], $0xffff;
	v1 =	vnsel vm0, $0x7F, v1  }
0x1f6: {  	v1 =	vadd.s32 $0x7F, v1  }
0x1f7: {  	s4 =	sadd.s32 $0x80, s4  }
0x1f8: {  	s26 =	sand.u32 $0x70, s21;
	s28 =	sand.u32 $0x7C00, s4  }
0x1f9: {  	s5 =	sor.u32 s26, s28  }
0x1fa: {  	[tilespmem:s5+$0x7E00] =	vst v2  }
0x1fb: {  	v1 =	vld.idx.msk [tilespmem:v1+s2+$0x0], $0xffff  }
0x1fc: {  	s19 =	simm.s32 $0x0  }
0x1fd: {  	s4 =	sadd.s32 $0x80, s4;
	v2 =	vmov s19  }
0x1fe: {  	s29 =	sand.u32 $0x70, s22;
	s4 =	sand.u32 $0x7C00, s4;
	v2 =	vsub.s32 $0x0, v2  }
0x1ff: {  	s4 =	sor.u32 s29, s4;
	v2 =	vbroadcast v2, $0x0  }
0x200: {  	[tilespmem:s4+$0x7E00] =	vst v1;
	v1 =	vadd.s32 v0, v10  }
0x201: {  	v2 =	vadd.s32 v2, v1  }
0x202: {  	s20 =	simm.s32 $0x10;
	vm0 =	vgt.s32 v2, $0xFFFFFF81  }
0x203: {  	v3 =	vmov s20;
	v2 =	vnsel vm0, $0xFFFFFF81, v2  }
0x204: {  	v3 =	vsub.s32 $0x0, v3;
	vm0 =	vlt.s32 v2, $0x7F  }
0x205: {  	v3 =	vbroadcast v3, $0x0;
	v2 =	vnsel vm0, $0x7F, v2  }
0x206: {  	v2 =	vadd.s32 $0x7F, v2  }
0x207: {  	v3 =	vadd.s32 v3, v1  }
0x208: {  	vm0 =	vgt.s32 v3, $0xFFFFFF81  }
0x209: {  	s21 =	simm.s32 $0x20;
	v3 =	vnsel vm0, $0xFFFFFF81, v3  }
0x20a: {  	v4 =	vmov s21;
	vm0 =	vlt.s32 v3, $0x7F  }
0x20b: {  	v4 =	vsub.s32 $0x0, v4;
	v3 =	vnsel vm0, $0x7F, v3;
	v2 =	vld.idx.msk [tilespmem:v2+s2+$0x0], $0xffff  }
0x20c: {  	v4 =	vbroadcast v4, $0x0;
	v5 =	vadd.s32 $0x7F, v3;
	_ =	sdelay $0x1  }
0x20d: {  	s30 =	sand.u32 $0x70, s19;
	s31 =	sand.u32 $0x7C00, s19;
	v3 =	vadd.s32 v4, v1  }
0x20e: {  	s4 =	sor.u32 s30, s31;
	vm0 =	vgt.s32 v3, $0xFFFFFF81  }
0x20f: {  	s22 =	simm.s32 $0x30;
	v3 =	vnsel vm0, $0xFFFFFF81, v3;
	[tilespmem:s4+$0x7E80] =	vst v2  }
0x210: {  	s23 =	simm.s32 $0x40;
	v4 =	vmov s22;
	vm0 =	vlt.s32 v3, $0x7F;
	v2 =	vld.idx.msk [tilespmem:v5+s2+$0x0], $0xffff  }
.LBB2_24:
0x211: {  	p0 =	seq.s32 s23, $0xF70;
	v4 =	vsub.s32 $0x0, v4;
	v3 =	vnsel vm0, $0x7F, v3  }
0x212: {  	v4 =	vbroadcast v4, $0x0;
	v5 =	vadd.s32 $0x7F, v3  }
.Ltmp11:
0x213: {  	s19 =	sadd.s32 $0x80, s19;
	(pc) =	sbr.rel @!p0 .LBB2_24-.Ltmp11, $4  }
0x214: {  	s4 =	sand.u32 $0x70, s20;
	s20 =	smov.u32 s21;
	s5 =	sand.u32 $0x7C00, s19;
	v3 =	vadd.s32 v4, v1  }
0x215: {  	s21 =	smov.u32 s22;
	s22 =	smov.u32 s23;
	s4 =	sor.u32 s4, s5;
	vm0 =	vgt.s32 v3, $0xFFFFFF81  }
0x216: {  	v3 =	vnsel vm0, $0xFFFFFF81, v3;
	[tilespmem:s4+$0x7E80] =	vst v2  }
0x217: {  	s23 =	sadd.s32 $0x10, s23;
	v4 =	vmov s22;
	vm0 =	vlt.s32 v3, $0x7F;
	v2 =	vld.idx.msk [tilespmem:v5+s2+$0x0], $0xffff  }
0x218: {  	v4 =	vsub.s32 $0x0, v4  }
0x219: {  	v3 =	vnsel vm0, $0x7F, v3;
	v4 =	vbroadcast v4, $0x0  }
0x21a: {  	v3 =	vadd.s32 $0x7F, v3  }
0x21b: {  	s4 =	sadd.s32 $0x80, s19;
	v1 =	vadd.s32 v4, v1  }
0x21c: {  	s5 =	sand.u32 $0x70, s20;
	s10 =	sand.u32 $0x7C00, s4;
	vm0 =	vgt.s32 v1, $0xFFFFFF81  }
0x21d: {  	s5 =	sor.u32 s5, s10;
	v1 =	vnsel vm0, $0xFFFFFF81, v1  }
0x21e: {  	[tilespmem:s5+$0x7E80] =	vst v2;
	vm0 =	vlt.s32 v1, $0x7F  }
0x21f: {  	v2 =	vld.idx.msk [tilespmem:v3+s2+$0x0], $0xffff;
	v1 =	vnsel vm0, $0x7F, v1  }
0x220: {  	v1 =	vadd.s32 $0x7F, v1  }
0x221: {  	s4 =	sadd.s32 $0x80, s4  }
0x222: {  	s26 =	sand.u32 $0x70, s21;
	s28 =	sand.u32 $0x7C00, s4  }
0x223: {  	s5 =	sor.u32 s26, s28  }
0x224: {  	[tilespmem:s5+$0x7E80] =	vst v2  }
0x225: {  	v1 =	vld.idx.msk [tilespmem:v1+s2+$0x0], $0xffff  }
0x226: {  	s19 =	simm.s32 $0x0  }
0x227: {  	s4 =	sadd.s32 $0x80, s4;
	v2 =	vmov s19  }
0x228: {  	s29 =	sand.u32 $0x70, s22;
	s4 =	sand.u32 $0x7C00, s4;
	v2 =	vsub.s32 $0x0, v2  }
0x229: {  	s4 =	sor.u32 s29, s4;
	v2 =	vbroadcast v2, $0x0  }
0x22a: {  	[tilespmem:s4+$0x7E80] =	vst v1;
	v1 =	vadd.s32 v0, v11  }
0x22b: {  	v2 =	vadd.s32 v2, v1  }
0x22c: {  	s20 =	simm.s32 $0x10;
	vm0 =	vgt.s32 v2, $0xFFFFFF81  }
0x22d: {  	v3 =	vmov s20;
	v2 =	vnsel vm0, $0xFFFFFF81, v2  }
0x22e: {  	v3 =	vsub.s32 $0x0, v3;
	vm0 =	vlt.s32 v2, $0x7F  }
0x22f: {  	v3 =	vbroadcast v3, $0x0;
	v2 =	vnsel vm0, $0x7F, v2  }
0x230: {  	v2 =	vadd.s32 $0x7F, v2  }
0x231: {  	v3 =	vadd.s32 v3, v1  }
0x232: {  	vm0 =	vgt.s32 v3, $0xFFFFFF81  }
0x233: {  	s21 =	simm.s32 $0x20;
	v3 =	vnsel vm0, $0xFFFFFF81, v3  }
0x234: {  	v4 =	vmov s21;
	vm0 =	vlt.s32 v3, $0x7F  }
0x235: {  	v4 =	vsub.s32 $0x0, v4;
	v3 =	vnsel vm0, $0x7F, v3;
	v2 =	vld.idx.msk [tilespmem:v2+s2+$0x0], $0xffff  }
0x236: {  	v4 =	vbroadcast v4, $0x0;
	v5 =	vadd.s32 $0x7F, v3;
	_ =	sdelay $0x1  }
0x237: {  	s30 =	sand.u32 $0x70, s19;
	s31 =	sand.u32 $0x7C00, s19;
	v3 =	vadd.s32 v4, v1  }
0x238: {  	s4 =	sor.u32 s30, s31;
	vm0 =	vgt.s32 v3, $0xFFFFFF81  }
0x239: {  	s22 =	simm.s32 $0x30;
	v3 =	vnsel vm0, $0xFFFFFF81, v3;
	[tilespmem:s4+$0x7F00] =	vst v2  }
0x23a: {  	s23 =	simm.s32 $0x40;
	v4 =	vmov s22;
	vm0 =	vlt.s32 v3, $0x7F;
	v2 =	vld.idx.msk [tilespmem:v5+s2+$0x0], $0xffff  }
.LBB2_26:
0x23b: {  	p0 =	seq.s32 s23, $0xF70;
	v4 =	vsub.s32 $0x0, v4;
	v3 =	vnsel vm0, $0x7F, v3  }
0x23c: {  	v4 =	vbroadcast v4, $0x0;
	v5 =	vadd.s32 $0x7F, v3  }
.Ltmp12:
0x23d: {  	s19 =	sadd.s32 $0x80, s19;
	(pc) =	sbr.rel @!p0 .LBB2_26-.Ltmp12, $4  }
0x23e: {  	s4 =	sand.u32 $0x70, s20;
	s20 =	smov.u32 s21;
	s5 =	sand.u32 $0x7C00, s19;
	v3 =	vadd.s32 v4, v1  }
0x23f: {  	s21 =	smov.u32 s22;
	s22 =	smov.u32 s23;
	s4 =	sor.u32 s4, s5;
	vm0 =	vgt.s32 v3, $0xFFFFFF81  }
0x240: {  	v3 =	vnsel vm0, $0xFFFFFF81, v3;
	[tilespmem:s4+$0x7F00] =	vst v2  }
0x241: {  	s23 =	sadd.s32 $0x10, s23;
	v4 =	vmov s22;
	vm0 =	vlt.s32 v3, $0x7F;
	v2 =	vld.idx.msk [tilespmem:v5+s2+$0x0], $0xffff  }
0x242: {  	v4 =	vsub.s32 $0x0, v4  }
0x243: {  	v3 =	vnsel vm0, $0x7F, v3;
	v4 =	vbroadcast v4, $0x0  }
0x244: {  	v3 =	vadd.s32 $0x7F, v3  }
0x245: {  	s4 =	sadd.s32 $0x80, s19;
	v1 =	vadd.s32 v4, v1  }
0x246: {  	s5 =	sand.u32 $0x70, s20;
	s10 =	sand.u32 $0x7C00, s4;
	vm0 =	vgt.s32 v1, $0xFFFFFF81  }
0x247: {  	s5 =	sor.u32 s5, s10;
	v1 =	vnsel vm0, $0xFFFFFF81, v1  }
0x248: {  	[tilespmem:s5+$0x7F00] =	vst v2;
	vm0 =	vlt.s32 v1, $0x7F  }
0x249: {  	v2 =	vld.idx.msk [tilespmem:v3+s2+$0x0], $0xffff;
	v1 =	vnsel vm0, $0x7F, v1  }
0x24a: {  	v1 =	vadd.s32 $0x7F, v1  }
0x24b: {  	s4 =	sadd.s32 $0x80, s4  }
0x24c: {  	s26 =	sand.u32 $0x70, s21;
	s28 =	sand.u32 $0x7C00, s4  }
0x24d: {  	s5 =	sor.u32 s26, s28  }
0x24e: {  	[tilespmem:s5+$0x7F00] =	vst v2  }
0x24f: {  	v1 =	vld.idx.msk [tilespmem:v1+s2+$0x0], $0xffff  }
0x250: {  	s19 =	simm.s32 $0x0  }
0x251: {  	s4 =	sadd.s32 $0x80, s4;
	v2 =	vmov s19  }
0x252: {  	s29 =	sand.u32 $0x70, s22;
	s4 =	sand.u32 $0x7C00, s4;
	v2 =	vsub.s32 $0x0, v2  }
0x253: {  	s4 =	sor.u32 s29, s4;
	v2 =	vbroadcast v2, $0x0  }
0x254: {  	[tilespmem:s4+$0x7F00] =	vst v1;
	v1 =	vadd.s32 v0, v12  }
0x255: {  	v2 =	vadd.s32 v2, v1  }
0x256: {  	s20 =	simm.s32 $0x10;
	vm0 =	vgt.s32 v2, $0xFFFFFF81  }
0x257: {  	v3 =	vmov s20;
	v2 =	vnsel vm0, $0xFFFFFF81, v2  }
0x258: {  	v3 =	vsub.s32 $0x0, v3;
	vm0 =	vlt.s32 v2, $0x7F  }
0x259: {  	v3 =	vbroadcast v3, $0x0;
	v2 =	vnsel vm0, $0x7F, v2  }
0x25a: {  	v2 =	vadd.s32 $0x7F, v2  }
0x25b: {  	v3 =	vadd.s32 v3, v1  }
0x25c: {  	vm0 =	vgt.s32 v3, $0xFFFFFF81  }
0x25d: {  	s21 =	simm.s32 $0x20;
	v3 =	vnsel vm0, $0xFFFFFF81, v3  }
0x25e: {  	v4 =	vmov s21;
	vm0 =	vlt.s32 v3, $0x7F  }
0x25f: {  	v4 =	vsub.s32 $0x0, v4;
	v3 =	vnsel vm0, $0x7F, v3;
	v2 =	vld.idx.msk [tilespmem:v2+s2+$0x0], $0xffff  }
0x260: {  	v4 =	vbroadcast v4, $0x0;
	v5 =	vadd.s32 $0x7F, v3;
	_ =	sdelay $0x1  }
0x261: {  	s30 =	sand.u32 $0x70, s19;
	s31 =	sand.u32 $0x7C00, s19;
	v3 =	vadd.s32 v4, v1  }
0x262: {  	s4 =	sor.u32 s30, s31;
	vm0 =	vgt.s32 v3, $0xFFFFFF81  }
0x263: {  	s22 =	simm.s32 $0x30;
	v3 =	vnsel vm0, $0xFFFFFF81, v3;
	[tilespmem:s4+$0x7F80] =	vst v2  }
0x264: {  	s23 =	simm.s32 $0x40;
	v4 =	vmov s22;
	vm0 =	vlt.s32 v3, $0x7F;
	v2 =	vld.idx.msk [tilespmem:v5+s2+$0x0], $0xffff  }
.LBB2_28:
0x265: {  	p0 =	seq.s32 s23, $0xF70;
	v4 =	vsub.s32 $0x0, v4;
	v3 =	vnsel vm0, $0x7F, v3  }
0x266: {  	v4 =	vbroadcast v4, $0x0;
	v5 =	vadd.s32 $0x7F, v3  }
.Ltmp13:
0x267: {  	s19 =	sadd.s32 $0x80, s19;
	(pc) =	sbr.rel @!p0 .LBB2_28-.Ltmp13, $4  }
0x268: {  	s4 =	sand.u32 $0x70, s20;
	s20 =	smov.u32 s21;
	s5 =	sand.u32 $0x7C00, s19;
	v3 =	vadd.s32 v4, v1  }
0x269: {  	s21 =	smov.u32 s22;
	s22 =	smov.u32 s23;
	s4 =	sor.u32 s4, s5;
	vm0 =	vgt.s32 v3, $0xFFFFFF81  }
0x26a: {  	v3 =	vnsel vm0, $0xFFFFFF81, v3;
	[tilespmem:s4+$0x7F80] =	vst v2  }
0x26b: {  	s23 =	sadd.s32 $0x10, s23;
	v4 =	vmov s22;
	vm0 =	vlt.s32 v3, $0x7F;
	v2 =	vld.idx.msk [tilespmem:v5+s2+$0x0], $0xffff  }
0x26c: {  	v4 =	vsub.s32 $0x0, v4  }
0x26d: {  	v3 =	vnsel vm0, $0x7F, v3;
	v4 =	vbroadcast v4, $0x0  }
0x26e: {  	v3 =	vadd.s32 $0x7F, v3  }
0x26f: {  	s4 =	sadd.s32 $0x80, s19;
	v1 =	vadd.s32 v4, v1  }
0x270: {  	s5 =	sand.u32 $0x70, s20;
	s10 =	sand.u32 $0x7C00, s4;
	vm0 =	vgt.s32 v1, $0xFFFFFF81  }
0x271: {  	s5 =	sor.u32 s5, s10;
	v1 =	vnsel vm0, $0xFFFFFF81, v1  }
0x272: {  	[tilespmem:s5+$0x7F80] =	vst v2;
	vm0 =	vlt.s32 v1, $0x7F  }
0x273: {  	v2 =	vld.idx.msk [tilespmem:v3+s2+$0x0], $0xffff;
	v1 =	vnsel vm0, $0x7F, v1  }
0x274: {  	v1 =	vadd.s32 $0x7F, v1  }
0x275: {  	s4 =	sadd.s32 $0x80, s4  }
0x276: {  	s26 =	sand.u32 $0x70, s21;
	s28 =	sand.u32 $0x7C00, s4  }
0x277: {  	s5 =	sor.u32 s26, s28  }
0x278: {  	[tilespmem:s5+$0x7F80] =	vst v2  }
0x279: {  	v1 =	vld.idx.msk [tilespmem:v1+s2+$0x0], $0xffff  }
0x27a: {  	s19 =	simm.s32 $0x0  }
0x27b: {  	s4 =	sadd.s32 $0x80, s4;
	v2 =	vmov s19  }
0x27c: {  	s29 =	sand.u32 $0x70, s22;
	s4 =	sand.u32 $0x7C00, s4;
	v2 =	vsub.s32 $0x0, v2  }
0x27d: {  	s4 =	sor.u32 s29, s4;
	v2 =	vbroadcast v2, $0x0  }
0x27e: {  	[tilespmem:s4+$0x7F80] =	vst v1;
	v1 =	vadd.s32 v0, v13  }
0x27f: {  	v2 =	vadd.s32 v2, v1  }
0x280: {  	s20 =	simm.s32 $0x10;
	vm0 =	vgt.s32 v2, $0xFFFFFF81  }
0x281: {  	v3 =	vmov s20;
	v2 =	vnsel vm0, $0xFFFFFF81, v2  }
0x282: {  	v3 =	vsub.s32 $0x0, v3;
	vm0 =	vlt.s32 v2, $0x7F  }
0x283: {  	v3 =	vbroadcast v3, $0x0;
	v2 =	vnsel vm0, $0x7F, v2  }
0x284: {  	v2 =	vadd.s32 $0x7F, v2  }
0x285: {  	v3 =	vadd.s32 v3, v1  }
0x286: {  	vm0 =	vgt.s32 v3, $0xFFFFFF81  }
0x287: {  	s21 =	simm.s32 $0x20;
	v3 =	vnsel vm0, $0xFFFFFF81, v3  }
0x288: {  	v4 =	vmov s21;
	vm0 =	vlt.s32 v3, $0x7F  }
0x289: {  	v4 =	vsub.s32 $0x0, v4;
	v3 =	vnsel vm0, $0x7F, v3;
	v2 =	vld.idx.msk [tilespmem:v2+s2+$0x0], $0xffff  }
0x28a: {  	v4 =	vbroadcast v4, $0x0;
	v5 =	vadd.s32 $0x7F, v3;
	_ =	sdelay $0x1  }
0x28b: {  	s30 =	sand.u32 $0x70, s19;
	s31 =	sand.u32 $0x7C00, s19;
	v3 =	vadd.s32 v4, v1  }
0x28c: {  	s4 =	sor.u32 s30, s31;
	vm0 =	vgt.s32 v3, $0xFFFFFF81  }
0x28d: {  	s22 =	simm.s32 $0x30;
	v3 =	vnsel vm0, $0xFFFFFF81, v3;
	[tilespmem:s4+$0x8000] =	vst v2  }
0x28e: {  	s23 =	simm.s32 $0x40;
	v4 =	vmov s22;
	vm0 =	vlt.s32 v3, $0x7F;
	v2 =	vld.idx.msk [tilespmem:v5+s2+$0x0], $0xffff  }
.LBB2_30:
0x28f: {  	p0 =	seq.s32 s23, $0xF70;
	v4 =	vsub.s32 $0x0, v4;
	v3 =	vnsel vm0, $0x7F, v3  }
0x290: {  	v4 =	vbroadcast v4, $0x0;
	v5 =	vadd.s32 $0x7F, v3  }
.Ltmp14:
0x291: {  	s19 =	sadd.s32 $0x80, s19;
	(pc) =	sbr.rel @!p0 .LBB2_30-.Ltmp14, $4  }
0x292: {  	s4 =	sand.u32 $0x70, s20;
	s20 =	smov.u32 s21;
	s5 =	sand.u32 $0x7C00, s19;
	v3 =	vadd.s32 v4, v1  }
0x293: {  	s21 =	smov.u32 s22;
	s22 =	smov.u32 s23;
	s4 =	sor.u32 s4, s5;
	vm0 =	vgt.s32 v3, $0xFFFFFF81  }
0x294: {  	v3 =	vnsel vm0, $0xFFFFFF81, v3;
	[tilespmem:s4+$0x8000] =	vst v2  }
0x295: {  	s23 =	sadd.s32 $0x10, s23;
	v4 =	vmov s22;
	vm0 =	vlt.s32 v3, $0x7F;
	v2 =	vld.idx.msk [tilespmem:v5+s2+$0x0], $0xffff  }
0x296: {  	v4 =	vsub.s32 $0x0, v4  }
0x297: {  	v3 =	vnsel vm0, $0x7F, v3;
	v4 =	vbroadcast v4, $0x0  }
0x298: {  	v3 =	vadd.s32 $0x7F, v3  }
0x299: {  	s4 =	sadd.s32 $0x80, s19;
	v1 =	vadd.s32 v4, v1  }
0x29a: {  	s5 =	sand.u32 $0x70, s20;
	s10 =	sand.u32 $0x7C00, s4;
	vm0 =	vgt.s32 v1, $0xFFFFFF81  }
0x29b: {  	s5 =	sor.u32 s5, s10;
	v1 =	vnsel vm0, $0xFFFFFF81, v1  }
0x29c: {  	[tilespmem:s5+$0x8000] =	vst v2;
	vm0 =	vlt.s32 v1, $0x7F  }
0x29d: {  	v2 =	vld.idx.msk [tilespmem:v3+s2+$0x0], $0xffff;
	v1 =	vnsel vm0, $0x7F, v1  }
0x29e: {  	v1 =	vadd.s32 $0x7F, v1  }
0x29f: {  	s4 =	sadd.s32 $0x80, s4  }
0x2a0: {  	s26 =	sand.u32 $0x70, s21;
	s28 =	sand.u32 $0x7C00, s4  }
0x2a1: {  	s5 =	sor.u32 s26, s28  }
0x2a2: {  	[tilespmem:s5+$0x8000] =	vst v2  }
0x2a3: {  	v1 =	vld.idx.msk [tilespmem:v1+s2+$0x0], $0xffff  }
0x2a4: {  	s19 =	simm.s32 $0x0  }
0x2a5: {  	s4 =	sadd.s32 $0x80, s4;
	v2 =	vmov s19  }
0x2a6: {  	s29 =	sand.u32 $0x70, s22;
	s4 =	sand.u32 $0x7C00, s4;
	v2 =	vsub.s32 $0x0, v2  }
0x2a7: {  	s4 =	sor.u32 s29, s4;
	v2 =	vbroadcast v2, $0x0  }
0x2a8: {  	[tilespmem:s4+$0x8000] =	vst v1;
	v1 =	vadd.s32 v0, v14  }
0x2a9: {  	v2 =	vadd.s32 v2, v1  }
0x2aa: {  	s20 =	simm.s32 $0x10;
	vm0 =	vgt.s32 v2, $0xFFFFFF81  }
0x2ab: {  	v3 =	vmov s20;
	v2 =	vnsel vm0, $0xFFFFFF81, v2  }
0x2ac: {  	v3 =	vsub.s32 $0x0, v3;
	vm0 =	vlt.s32 v2, $0x7F  }
0x2ad: {  	v3 =	vbroadcast v3, $0x0;
	v2 =	vnsel vm0, $0x7F, v2  }
0x2ae: {  	v2 =	vadd.s32 $0x7F, v2  }
0x2af: {  	v3 =	vadd.s32 v3, v1  }
0x2b0: {  	vm0 =	vgt.s32 v3, $0xFFFFFF81  }
0x2b1: {  	s21 =	simm.s32 $0x20;
	v3 =	vnsel vm0, $0xFFFFFF81, v3  }
0x2b2: {  	v4 =	vmov s21;
	vm0 =	vlt.s32 v3, $0x7F  }
0x2b3: {  	v4 =	vsub.s32 $0x0, v4;
	v3 =	vnsel vm0, $0x7F, v3;
	v2 =	vld.idx.msk [tilespmem:v2+s2+$0x0], $0xffff  }
0x2b4: {  	v4 =	vbroadcast v4, $0x0;
	v5 =	vadd.s32 $0x7F, v3;
	_ =	sdelay $0x1  }
0x2b5: {  	s30 =	sand.u32 $0x70, s19;
	s31 =	sand.u32 $0x7C00, s19;
	v3 =	vadd.s32 v4, v1  }
0x2b6: {  	s4 =	sor.u32 s30, s31;
	vm0 =	vgt.s32 v3, $0xFFFFFF81  }
0x2b7: {  	s22 =	simm.s32 $0x30;
	v3 =	vnsel vm0, $0xFFFFFF81, v3;
	[tilespmem:s4+$0x8080] =	vst v2  }
0x2b8: {  	s23 =	simm.s32 $0x40;
	v4 =	vmov s22;
	vm0 =	vlt.s32 v3, $0x7F;
	v2 =	vld.idx.msk [tilespmem:v5+s2+$0x0], $0xffff  }
.LBB2_32:
0x2b9: {  	p0 =	seq.s32 s23, $0xF70;
	v4 =	vsub.s32 $0x0, v4;
	v3 =	vnsel vm0, $0x7F, v3  }
0x2ba: {  	v4 =	vbroadcast v4, $0x0;
	v5 =	vadd.s32 $0x7F, v3  }
.Ltmp15:
0x2bb: {  	s19 =	sadd.s32 $0x80, s19;
	(pc) =	sbr.rel @!p0 .LBB2_32-.Ltmp15, $4  }
0x2bc: {  	s4 =	sand.u32 $0x70, s20;
	s20 =	smov.u32 s21;
	s5 =	sand.u32 $0x7C00, s19;
	v3 =	vadd.s32 v4, v1  }
0x2bd: {  	s21 =	smov.u32 s22;
	s22 =	smov.u32 s23;
	s4 =	sor.u32 s4, s5;
	vm0 =	vgt.s32 v3, $0xFFFFFF81  }
0x2be: {  	v3 =	vnsel vm0, $0xFFFFFF81, v3;
	[tilespmem:s4+$0x8080] =	vst v2  }
0x2bf: {  	s23 =	sadd.s32 $0x10, s23;
	v4 =	vmov s22;
	vm0 =	vlt.s32 v3, $0x7F;
	v2 =	vld.idx.msk [tilespmem:v5+s2+$0x0], $0xffff  }
0x2c0: {  	v4 =	vsub.s32 $0x0, v4  }
0x2c1: {  	v3 =	vnsel vm0, $0x7F, v3;
	v4 =	vbroadcast v4, $0x0  }
0x2c2: {  	v3 =	vadd.s32 $0x7F, v3  }
0x2c3: {  	s4 =	sadd.s32 $0x80, s19;
	v1 =	vadd.s32 v4, v1  }
0x2c4: {  	s5 =	sand.u32 $0x70, s20;
	s10 =	sand.u32 $0x7C00, s4;
	vm0 =	vgt.s32 v1, $0xFFFFFF81  }
0x2c5: {  	s5 =	sor.u32 s5, s10;
	v1 =	vnsel vm0, $0xFFFFFF81, v1  }
0x2c6: {  	[tilespmem:s5+$0x8080] =	vst v2;
	vm0 =	vlt.s32 v1, $0x7F  }
0x2c7: {  	v2 =	vld.idx.msk [tilespmem:v3+s2+$0x0], $0xffff;
	v1 =	vnsel vm0, $0x7F, v1  }
0x2c8: {  	v1 =	vadd.s32 $0x7F, v1  }
0x2c9: {  	s4 =	sadd.s32 $0x80, s4  }
0x2ca: {  	s23 =	sand.u32 $0x70, s21;
	s25 =	sand.u32 $0x7C00, s4  }
0x2cb: {  	s5 =	sor.u32 s23, s25  }
0x2cc: {  	[tilespmem:s5+$0x8080] =	vst v2  }
0x2cd: {  	v1 =	vld.idx.msk [tilespmem:v1+s2+$0x0], $0xffff  }
0x2ce: {  	s19 =	simm.s32 $0x0  }
0x2cf: {  	s4 =	sadd.s32 $0x80, s4;
	v2 =	vmov s19  }
0x2d0: {  	s26 =	sand.u32 $0x70, s22;
	s4 =	sand.u32 $0x7C00, s4;
	v2 =	vsub.s32 $0x0, v2  }
0x2d1: {  	s4 =	sor.u32 s26, s4;
	v2 =	vbroadcast v2, $0x0  }
0x2d2: {  	[tilespmem:s4+$0x8080] =	vst v1;
	v1 =	vadd.s32 v0, v15  }
0x2d3: {  	v2 =	vadd.s32 v2, v1  }
0x2d4: {  	s28 =	simm.s32 $0x10;
	vm0 =	vgt.s32 v2, $0xFFFFFF81  }
0x2d5: {  	v3 =	vmov s28;
	v2 =	vnsel vm0, $0xFFFFFF81, v2  }
0x2d6: {  	v3 =	vsub.s32 $0x0, v3;
	vm0 =	vlt.s32 v2, $0x7F  }
0x2d7: {  	v3 =	vbroadcast v3, $0x0;
	v2 =	vnsel vm0, $0x7F, v2  }
0x2d8: {  	v2 =	vadd.s32 $0x7F, v2  }
0x2d9: {  	v3 =	vadd.s32 v3, v1  }
0x2da: {  	vm0 =	vgt.s32 v3, $0xFFFFFF81  }
0x2db: {  	s29 =	simm.s32 $0x20;
	v3 =	vnsel vm0, $0xFFFFFF81, v3  }
0x2dc: {  	v4 =	vmov s29;
	vm0 =	vlt.s32 v3, $0x7F  }
0x2dd: {  	v4 =	vsub.s32 $0x0, v4;
	v3 =	vnsel vm0, $0x7F, v3;
	v2 =	vld.idx.msk [tilespmem:v2+s2+$0x0], $0xffff  }
0x2de: {  	s30 =	sand.u32 $0x7, s19;
	v4 =	vbroadcast v4, $0x0;
	v5 =	vadd.s32 $0x7F, v3  }
0x2df: {  	s4 =	sshll.u32 s30, $0x4  }
0x2e0: {  	s4 =	sadd.s32 $0x0, s4;
	v3 =	vadd.s32 v4, v1  }
0x2e1: {  	s4 =	sor.u32 $0x380, s4;
	vm0 =	vgt.s32 v3, $0xFFFFFF81  }
0x2e2: {  	s31 =	simm.s32 $0x30;
	v3 =	vnsel vm0, $0xFFFFFF81, v3;
	[tilespmem:s4+$0x7D80] =	vst v2  }
0x2e3: {  	s21 =	simm.s32 $0x40;
	s20 =	simm.s32 $0x0;
	v4 =	vmov s31;
	vm0 =	vlt.s32 v3, $0x7F;
	v2 =	vld.idx.msk [tilespmem:v5+s2+$0x0], $0xffff  }
.LBB2_34:
0x2e4: {  	p0 =	sne.s32 s21, $0xF70;
	v4 =	vsub.s32 $0x0, v4;
	v3 =	vnsel vm0, $0x7F, v3;
	s19 =	sadd.s32 $0x1, s19  }
0x2e5: {  	v4 =	vbroadcast v4, $0x0;
	v5 =	vadd.s32 $0x7F, v3;
	s4 =	sand.u32 $0x7, s19  }
.Ltmp16:
0x2e6: {  	s20 =	sadd.s32 $0x80, s20;
	s4 =	sshll.u32 s4, $0x4;
	(pc) =	sbr.rel @p0 .LBB2_34-.Ltmp16, $4  }
0x2e7: {  	v3 =	vadd.s32 v4, v1;
	s4 =	sadd.s32 s4, s20  }
0x2e8: {  	vm0 =	vgt.s32 v3, $0xFFFFFF81;
	s4 =	sor.u32 $0x380, s4  }
0x2e9: {  	v3 =	vnsel vm0, $0xFFFFFF81, v3;
	[tilespmem:s4+$0x7D80] =	vst v2  }
0x2ea: {  	v4 =	vmov s21;
	s21 =	sadd.s32 $0x10, s21;
	vm0 =	vlt.s32 v3, $0x7F;
	v2 =	vld.idx.msk [tilespmem:v5+s2+$0x0], $0xffff  }
0x2eb: {  	v4 =	vsub.s32 $0x0, v4  }
0x2ec: {  	v3 =	vnsel vm0, $0x7F, v3;
	s4 =	sadd.s32 $0x1, s19;
	v4 =	vbroadcast v4, $0x0  }
0x2ed: {  	v3 =	vadd.s32 $0x7F, v3;
	s5 =	sand.u32 $0x7, s4  }
0x2ee: {  	s10 =	sadd.s32 $0x80, s20;
	s5 =	sshll.u32 s5, $0x4;
	v1 =	vadd.s32 v4, v1  }
0x2ef: {  	s5 =	sadd.s32 s5, s10;
	vm15 =	vgt.s32 v1, $0xFFFFFF81  }
0x2f0: {  	s5 =	sor.u32 $0x380, s5;
	v1 =	vnsel vm15, $0xFFFFFF81, v1  }
0x2f1: {  	[tilespmem:s5+$0x7D80] =	vst v2;
	vm0 =	vlt.s32 v1, $0x7F  }
0x2f2: {  	s4 =	sadd.s32 $0x1, s4;
	v2 =	vld.idx.msk [tilespmem:v3+s2+$0x0], $0xffff;
	v1 =	vnsel vm0, $0x7F, v1  }
0x2f3: {  	s29 =	sand.u32 $0x7, s4;
	v1 =	vadd.s32 $0x7F, v1  }
0x2f4: {  	s10 =	sadd.s32 $0x80, s10;
	s5 =	sshll.u32 s29, $0x4  }
0x2f5: {  	s5 =	sadd.s32 s5, s10  }
0x2f6: {  	s5 =	sor.u32 $0x380, s5  }
0x2f7: {  	[tilespmem:s5+$0x7D80] =	vst v2  }
0x2f8: {  	s4 =	sadd.s32 $0x1, s4;
	v1 =	vld.idx.msk [tilespmem:v1+s2+$0x0], $0xffff  }
0x2f9: {  	s4 =	sand.u32 $0x7, s4  }
0x2fa: {  	s4 =	sshll.u32 s4, $0x4;
	s30 =	sadd.s32 $0x80, s10  }
0x2fb: {  	s4 =	sadd.s32 s4, s30  }
0x2fc: {  	s4 =	sor.u32 $0x380, s4  }
0x2fd: {  	s31 =	simm.s32 $0xB980;
	s19 =	simm.s32 $0xE000;
	s20 =	smov.u32 s24;
	[tilespmem:s4+$0x7D80] =	vst v1  }
0x2fe: {  	[hbm4b:s24+s2] =	stream.linear.scatter [tilespmem:s31], [sflag:$0x2], $0x4000, $0x38;
	[tilespmem:$0xF980] =	vst v63  }
.LBB2_36:
0x2ff: {  	p0 =	sne.s32 s19, $0x0  }
.Ltmp17:
0x300: {  	_ = 	snop;
	(pc) =	sbr.rel @p0 .LBB2_36-.Ltmp17, $4  }
0x301: {  	_ = 	snop  }
0x302: {  	s4 =	sshra.s32 s19, $0x2;
	s19 =	sadd.s32 $0xFFFFF000, s19  }
0x303: {  	s20 =	sadd.s32 $0x8000, s20;
	s4 =	sadd.s32 $0x7D80, s4  }
0x304: {  	[hbm4b:s20+s2] =	stream.linear.scatter [tilespmem:s4], [sflag:$0x2], $0x4000, $0x38;
	[tilespmem:$0xF980] =	vst v63  }
0x305: {  	_ =	swait.ge [sflag:s9], $0x4000  }
0x306: {  	[sflag:s9] =	ssyncset.done $0x0  }
0x307: {  	[sflag:s9] =	ssyncadd.s32 $0xFFFFC000  }
0x308: {  	_ =	swait.ge [sflag:s9], $0x4000  }
0x309: {  	[sflag:s9] =	ssyncset.done $0x0  }
0x30a: {  	[sflag:s9] =	ssyncadd.s32 $0xFFFFC000  }
0x30b: {  	_ =	swait.ge [sflag:s9], $0x4000  }
0x30c: {  	[sflag:s9] =	ssyncset.done $0x0  }
0x30d: {  	[sflag:s9] =	ssyncadd.s32 $0xFFFFC000  }
0x30e: {  	_ =	swait.ge [sflag:s9], $0x4000  }
0x30f: {  	[sflag:s9] =	ssyncset.done $0x0  }
0x310: {  	[sflag:s9] =	ssyncadd.s32 $0xFFFFC000  }
0x311: {  	_ =	swait.ge [sflag:s9], $0x4000  }
0x312: {  	[sflag:s9] =	ssyncset.done $0x0  }
0x313: {  	[sflag:s9] =	ssyncadd.s32 $0xFFFFC000  }
0x314: {  	_ =	swait.ge [sflag:s9], $0x4000  }
0x315: {  	[sflag:s9] =	ssyncset.done $0x0  }
0x316: {  	[sflag:s9] =	ssyncadd.s32 $0xFFFFC000  }
0x317: {  	_ =	swait.ge [sflag:s9], $0x4000  }
0x318: {  	[sflag:s9] =	ssyncset.done $0x0  }
0x319: {  	[sflag:s9] =	ssyncadd.s32 $0xFFFFC000  }
0x31a: {  	_ =	swait.ge [sflag:s9], $0x4000  }
0x31b: {  	[sflag:s9] =	ssyncset.done $0x0  }
0x31c: {  	[sflag:s9] =	ssyncadd.s32 $0xFFFFC000  }
0x31d: {  	_ =	swait.ge [sflag:s9], $0x4000  }
0x31e: {  	[sflag:s9] =	ssyncset.done $0x0  }
0x31f: {  	[sflag:s9] =	ssyncadd.s32 $0xFFFFC000  }
0x320: {  	_ =	swait.ge [sflag:s9], $0x4000  }
0x321: {  	[sflag:s9] =	ssyncset.done $0x0  }
0x322: {  	[sflag:s9] =	ssyncadd.s32 $0xFFFFC000  }
0x323: {  	_ =	swait.ge [sflag:s9], $0x4000  }
0x324: {  	[sflag:s9] =	ssyncset.done $0x0  }
0x325: {  	[sflag:s9] =	ssyncadd.s32 $0xFFFFC000  }
0x326: {  	s19 =	simm.s32 $0x0;
	_ =	swait.ge [sflag:s9], $0x4000  }
0x327: {  	v2 =	vmov s19;
	[sflag:s9] =	ssyncset.done $0x0  }
0x328: {  	v2 =	vsub.s32 $0x0, v2;
	[sflag:s9] =	ssyncadd.s32 $0xFFFFC000  }
0x329: {  	v2 =	vbroadcast v2, $0x0;
	_ =	swait.ge [sflag:s9], $0x4000  }
0x32a: {  	v1 =	vadd.s32 v0, v16;
	[sflag:s9] =	ssyncset.done $0x0  }
0x32b: {  	v2 =	vadd.s32 v2, v1;
	[sflag:s9] =	ssyncadd.s32 $0xFFFFC000  }
0x32c: {  	s20 =	simm.s32 $0x10;
	vm0 =	vgt.s32 v2, $0xFFFFFF81;
	_ =	swait.ge [sflag:s9], $0x4000  }
0x32d: {  	v3 =	vmov s20;
	v2 =	vnsel vm0, $0xFFFFFF81, v2;
	[sflag:s9] =	ssyncset.done $0x0  }
0x32e: {  	v3 =	vsub.s32 $0x0, v3;
	vm0 =	vlt.s32 v2, $0x7F;
	[sflag:s9] =	ssyncadd.s32 $0xFFFFC000  }
0x32f: {  	v3 =	vbroadcast v3, $0x0;
	v2 =	vnsel vm0, $0x7F, v2;
	_ =	swait.ge [sflag:s9], $0x4000  }
0x330: {  	v2 =	vadd.s32 $0x7F, v2;
	[sflag:s9] =	ssyncset.done $0x0  }
0x331: {  	v3 =	vadd.s32 v3, v1;
	[sflag:s9] =	ssyncadd.s32 $0xFFFFC000  }
0x332: {  	vm0 =	vgt.s32 v3, $0xFFFFFF81;
	_ =	swait.ge [sflag:s9], $0x4000  }
0x333: {  	s21 =	simm.s32 $0x20;
	v3 =	vnsel vm0, $0xFFFFFF81, v3;
	[sflag:s9] =	ssyncset.done $0x0  }
0x334: {  	v4 =	vmov s21;
	vm0 =	vlt.s32 v3, $0x7F;
	[sflag:s9] =	ssyncadd.s32 $0xFFFFC000  }
0x335: {  	v4 =	vsub.s32 $0x0, v4;
	v3 =	vnsel vm0, $0x7F, v3;
	v2 =	vld.idx.msk [tilespmem:v2+s2+$0x0], $0xffff  }
0x336: {  	v4 =	vbroadcast v4, $0x0;
	v5 =	vadd.s32 $0x7F, v3;
	_ =	sdelay $0x1  }
0x337: {  	s4 =	sand.u32 $0x70, s19;
	s5 =	sand.u32 $0x7C00, s19;
	v3 =	vadd.s32 v4, v1  }
0x338: {  	s4 =	sor.u32 s4, s5;
	vm0 =	vgt.s32 v3, $0xFFFFFF81  }
0x339: {  	s22 =	simm.s32 $0x30;
	v3 =	vnsel vm0, $0xFFFFFF81, v3;
	[tilespmem:s4+$0x180] =	vst v2  }
0x33a: {  	s23 =	simm.s32 $0x40;
	v4 =	vmov s22;
	vm0 =	vlt.s32 v3, $0x7F;
	v2 =	vld.idx.msk [tilespmem:v5+s2+$0x0], $0xffff  }
.LBB2_38:
0x33b: {  	p0 =	seq.s32 s23, $0xF70;
	v4 =	vsub.s32 $0x0, v4;
	v3 =	vnsel vm0, $0x7F, v3  }
0x33c: {  	v4 =	vbroadcast v4, $0x0;
	v5 =	vadd.s32 $0x7F, v3  }
.Ltmp18:
0x33d: {  	s19 =	sadd.s32 $0x80, s19;
	(pc) =	sbr.rel @!p0 .LBB2_38-.Ltmp18, $4  }
0x33e: {  	s4 =	sand.u32 $0x70, s20;
	s20 =	smov.u32 s21;
	s5 =	sand.u32 $0x7C00, s19;
	v3 =	vadd.s32 v4, v1  }
0x33f: {  	s21 =	smov.u32 s22;
	s22 =	smov.u32 s23;
	s4 =	sor.u32 s4, s5;
	vm0 =	vgt.s32 v3, $0xFFFFFF81  }
0x340: {  	v3 =	vnsel vm0, $0xFFFFFF81, v3;
	[tilespmem:s4+$0x180] =	vst v2  }
0x341: {  	s23 =	sadd.s32 $0x10, s23;
	v4 =	vmov s22;
	vm0 =	vlt.s32 v3, $0x7F;
	v2 =	vld.idx.msk [tilespmem:v5+s2+$0x0], $0xffff  }
0x342: {  	v4 =	vsub.s32 $0x0, v4  }
0x343: {  	v3 =	vnsel vm0, $0x7F, v3;
	v4 =	vbroadcast v4, $0x0  }
0x344: {  	v3 =	vadd.s32 $0x7F, v3  }
0x345: {  	s4 =	sadd.s32 $0x80, s19;
	v1 =	vadd.s32 v4, v1  }
0x346: {  	s5 =	sand.u32 $0x70, s20;
	s10 =	sand.u32 $0x7C00, s4;
	vm0 =	vgt.s32 v1, $0xFFFFFF81  }
0x347: {  	s5 =	sor.u32 s5, s10;
	v1 =	vnsel vm0, $0xFFFFFF81, v1  }
0x348: {  	[tilespmem:s5+$0x180] =	vst v2;
	vm0 =	vlt.s32 v1, $0x7F  }
0x349: {  	v2 =	vld.idx.msk [tilespmem:v3+s2+$0x0], $0xffff;
	v1 =	vnsel vm0, $0x7F, v1  }
0x34a: {  	v1 =	vadd.s32 $0x7F, v1  }
0x34b: {  	s4 =	sadd.s32 $0x80, s4  }
0x34c: {  	s26 =	sand.u32 $0x70, s21;
	s28 =	sand.u32 $0x7C00, s4  }
0x34d: {  	s5 =	sor.u32 s26, s28  }
0x34e: {  	[tilespmem:s5+$0x180] =	vst v2  }
0x34f: {  	v1 =	vld.idx.msk [tilespmem:v1+s2+$0x0], $0xffff  }
0x350: {  	s19 =	simm.s32 $0x0  }
0x351: {  	s4 =	sadd.s32 $0x80, s4;
	v2 =	vmov s19  }
0x352: {  	s29 =	sand.u32 $0x70, s22;
	s4 =	sand.u32 $0x7C00, s4;
	v2 =	vsub.s32 $0x0, v2  }
0x353: {  	s4 =	sor.u32 s29, s4;
	v2 =	vbroadcast v2, $0x0  }
0x354: {  	[tilespmem:s4+$0x180] =	vst v1;
	v1 =	vadd.s32 v0, v17  }
0x355: {  	v2 =	vadd.s32 v2, v1  }
0x356: {  	s20 =	simm.s32 $0x10;
	vm0 =	vgt.s32 v2, $0xFFFFFF81  }
0x357: {  	v3 =	vmov s20;
	v2 =	vnsel vm0, $0xFFFFFF81, v2  }
0x358: {  	v3 =	vsub.s32 $0x0, v3;
	vm0 =	vlt.s32 v2, $0x7F  }
0x359: {  	v3 =	vbroadcast v3, $0x0;
	v2 =	vnsel vm0, $0x7F, v2  }
0x35a: {  	v2 =	vadd.s32 $0x7F, v2  }
0x35b: {  	v3 =	vadd.s32 v3, v1  }
0x35c: {  	vm0 =	vgt.s32 v3, $0xFFFFFF81  }
0x35d: {  	s21 =	simm.s32 $0x20;
	v3 =	vnsel vm0, $0xFFFFFF81, v3  }
0x35e: {  	v4 =	vmov s21;
	vm0 =	vlt.s32 v3, $0x7F  }
0x35f: {  	v4 =	vsub.s32 $0x0, v4;
	v3 =	vnsel vm0, $0x7F, v3;
	v2 =	vld.idx.msk [tilespmem:v2+s2+$0x0], $0xffff  }
0x360: {  	v4 =	vbroadcast v4, $0x0;
	v5 =	vadd.s32 $0x7F, v3;
	_ =	sdelay $0x1  }
0x361: {  	s30 =	sand.u32 $0x70, s19;
	s31 =	sand.u32 $0x7C00, s19;
	v3 =	vadd.s32 v4, v1  }
0x362: {  	s4 =	sor.u32 s30, s31;
	vm0 =	vgt.s32 v3, $0xFFFFFF81  }
0x363: {  	s22 =	simm.s32 $0x30;
	v3 =	vnsel vm0, $0xFFFFFF81, v3;
	[tilespmem:s4+$0x200] =	vst v2  }
0x364: {  	s23 =	simm.s32 $0x40;
	v4 =	vmov s22;
	vm0 =	vlt.s32 v3, $0x7F;
	v2 =	vld.idx.msk [tilespmem:v5+s2+$0x0], $0xffff  }
.LBB2_40:
0x365: {  	p0 =	seq.s32 s23, $0xF70;
	v4 =	vsub.s32 $0x0, v4;
	v3 =	vnsel vm0, $0x7F, v3  }
0x366: {  	v4 =	vbroadcast v4, $0x0;
	v5 =	vadd.s32 $0x7F, v3  }
.Ltmp19:
0x367: {  	s19 =	sadd.s32 $0x80, s19;
	(pc) =	sbr.rel @!p0 .LBB2_40-.Ltmp19, $4  }
0x368: {  	s4 =	sand.u32 $0x70, s20;
	s20 =	smov.u32 s21;
	s5 =	sand.u32 $0x7C00, s19;
	v3 =	vadd.s32 v4, v1  }
0x369: {  	s21 =	smov.u32 s22;
	s22 =	smov.u32 s23;
	s4 =	sor.u32 s4, s5;
	vm0 =	vgt.s32 v3, $0xFFFFFF81  }
0x36a: {  	v3 =	vnsel vm0, $0xFFFFFF81, v3;
	[tilespmem:s4+$0x200] =	vst v2  }
0x36b: {  	s23 =	sadd.s32 $0x10, s23;
	v4 =	vmov s22;
	vm0 =	vlt.s32 v3, $0x7F;
	v2 =	vld.idx.msk [tilespmem:v5+s2+$0x0], $0xffff  }
0x36c: {  	v4 =	vsub.s32 $0x0, v4  }
0x36d: {  	v3 =	vnsel vm0, $0x7F, v3;
	v4 =	vbroadcast v4, $0x0  }
0x36e: {  	v3 =	vadd.s32 $0x7F, v3  }
0x36f: {  	s4 =	sadd.s32 $0x80, s19;
	v1 =	vadd.s32 v4, v1  }
0x370: {  	s5 =	sand.u32 $0x70, s20;
	s10 =	sand.u32 $0x7C00, s4;
	vm0 =	vgt.s32 v1, $0xFFFFFF81  }
0x371: {  	s5 =	sor.u32 s5, s10;
	v1 =	vnsel vm0, $0xFFFFFF81, v1  }
0x372: {  	[tilespmem:s5+$0x200] =	vst v2;
	vm0 =	vlt.s32 v1, $0x7F  }
0x373: {  	v2 =	vld.idx.msk [tilespmem:v3+s2+$0x0], $0xffff;
	v1 =	vnsel vm0, $0x7F, v1  }
0x374: {  	v1 =	vadd.s32 $0x7F, v1  }
0x375: {  	s4 =	sadd.s32 $0x80, s4  }
0x376: {  	s26 =	sand.u32 $0x70, s21;
	s28 =	sand.u32 $0x7C00, s4  }
0x377: {  	s5 =	sor.u32 s26, s28  }
0x378: {  	[tilespmem:s5+$0x200] =	vst v2  }
0x379: {  	v1 =	vld.idx.msk [tilespmem:v1+s2+$0x0], $0xffff  }
0x37a: {  	s19 =	simm.s32 $0x0  }
0x37b: {  	s4 =	sadd.s32 $0x80, s4;
	v2 =	vmov s19  }
0x37c: {  	s29 =	sand.u32 $0x70, s22;
	s4 =	sand.u32 $0x7C00, s4;
	v2 =	vsub.s32 $0x0, v2  }
0x37d: {  	s4 =	sor.u32 s29, s4;
	v2 =	vbroadcast v2, $0x0  }
0x37e: {  	[tilespmem:s4+$0x200] =	vst v1;
	v1 =	vadd.s32 v0, v18  }
0x37f: {  	v2 =	vadd.s32 v2, v1  }
0x380: {  	s20 =	simm.s32 $0x10;
	vm0 =	vgt.s32 v2, $0xFFFFFF81  }
0x381: {  	v3 =	vmov s20;
	v2 =	vnsel vm0, $0xFFFFFF81, v2  }
0x382: {  	v3 =	vsub.s32 $0x0, v3;
	vm0 =	vlt.s32 v2, $0x7F  }
0x383: {  	v3 =	vbroadcast v3, $0x0;
	v2 =	vnsel vm0, $0x7F, v2  }
0x384: {  	v2 =	vadd.s32 $0x7F, v2  }
0x385: {  	v3 =	vadd.s32 v3, v1  }
0x386: {  	vm0 =	vgt.s32 v3, $0xFFFFFF81  }
0x387: {  	s21 =	simm.s32 $0x20;
	v3 =	vnsel vm0, $0xFFFFFF81, v3  }
0x388: {  	v4 =	vmov s21;
	vm0 =	vlt.s32 v3, $0x7F  }
0x389: {  	v4 =	vsub.s32 $0x0, v4;
	v3 =	vnsel vm0, $0x7F, v3;
	v2 =	vld.idx.msk [tilespmem:v2+s2+$0x0], $0xffff  }
0x38a: {  	v4 =	vbroadcast v4, $0x0;
	v5 =	vadd.s32 $0x7F, v3;
	_ =	sdelay $0x1  }
0x38b: {  	s30 =	sand.u32 $0x70, s19;
	s31 =	sand.u32 $0x7C00, s19;
	v3 =	vadd.s32 v4, v1  }
0x38c: {  	s4 =	sor.u32 s30, s31;
	vm0 =	vgt.s32 v3, $0xFFFFFF81  }
0x38d: {  	s22 =	simm.s32 $0x30;
	v3 =	vnsel vm0, $0xFFFFFF81, v3;
	[tilespmem:s4+$0x280] =	vst v2  }
0x38e: {  	s23 =	simm.s32 $0x40;
	v4 =	vmov s22;
	vm0 =	vlt.s32 v3, $0x7F;
	v2 =	vld.idx.msk [tilespmem:v5+s2+$0x0], $0xffff  }
.LBB2_42:
0x38f: {  	p0 =	seq.s32 s23, $0xF70;
	v4 =	vsub.s32 $0x0, v4;
	v3 =	vnsel vm0, $0x7F, v3  }
0x390: {  	v4 =	vbroadcast v4, $0x0;
	v5 =	vadd.s32 $0x7F, v3  }
.Ltmp20:
0x391: {  	s19 =	sadd.s32 $0x80, s19;
	(pc) =	sbr.rel @!p0 .LBB2_42-.Ltmp20, $4  }
0x392: {  	s4 =	sand.u32 $0x70, s20;
	s20 =	smov.u32 s21;
	s5 =	sand.u32 $0x7C00, s19;
	v3 =	vadd.s32 v4, v1  }
0x393: {  	s21 =	smov.u32 s22;
	s22 =	smov.u32 s23;
	s4 =	sor.u32 s4, s5;
	vm0 =	vgt.s32 v3, $0xFFFFFF81  }
0x394: {  	v3 =	vnsel vm0, $0xFFFFFF81, v3;
	[tilespmem:s4+$0x280] =	vst v2  }
0x395: {  	s23 =	sadd.s32 $0x10, s23;
	v4 =	vmov s22;
	vm0 =	vlt.s32 v3, $0x7F;
	v2 =	vld.idx.msk [tilespmem:v5+s2+$0x0], $0xffff  }
0x396: {  	v4 =	vsub.s32 $0x0, v4  }
0x397: {  	v3 =	vnsel vm0, $0x7F, v3;
	v4 =	vbroadcast v4, $0x0  }
0x398: {  	v3 =	vadd.s32 $0x7F, v3  }
0x399: {  	s4 =	sadd.s32 $0x80, s19;
	v1 =	vadd.s32 v4, v1  }
0x39a: {  	s5 =	sand.u32 $0x70, s20;
	s10 =	sand.u32 $0x7C00, s4;
	vm0 =	vgt.s32 v1, $0xFFFFFF81  }
0x39b: {  	s5 =	sor.u32 s5, s10;
	v1 =	vnsel vm0, $0xFFFFFF81, v1  }
0x39c: {  	[tilespmem:s5+$0x280] =	vst v2;
	vm0 =	vlt.s32 v1, $0x7F  }
0x39d: {  	v2 =	vld.idx.msk [tilespmem:v3+s2+$0x0], $0xffff;
	v1 =	vnsel vm0, $0x7F, v1  }
0x39e: {  	v1 =	vadd.s32 $0x7F, v1  }
0x39f: {  	s4 =	sadd.s32 $0x80, s4  }
0x3a0: {  	s26 =	sand.u32 $0x70, s21;
	s28 =	sand.u32 $0x7C00, s4  }
0x3a1: {  	s5 =	sor.u32 s26, s28  }
0x3a2: {  	[tilespmem:s5+$0x280] =	vst v2  }
0x3a3: {  	v1 =	vld.idx.msk [tilespmem:v1+s2+$0x0], $0xffff  }
0x3a4: {  	s19 =	simm.s32 $0x0  }
0x3a5: {  	s4 =	sadd.s32 $0x80, s4;
	v2 =	vmov s19  }
0x3a6: {  	s29 =	sand.u32 $0x70, s22;
	s4 =	sand.u32 $0x7C00, s4;
	v2 =	vsub.s32 $0x0, v2  }
0x3a7: {  	s4 =	sor.u32 s29, s4;
	v2 =	vbroadcast v2, $0x0  }
0x3a8: {  	[tilespmem:s4+$0x280] =	vst v1;
	v1 =	vadd.s32 v0, v19  }
0x3a9: {  	v2 =	vadd.s32 v2, v1  }
0x3aa: {  	s20 =	simm.s32 $0x10;
	vm0 =	vgt.s32 v2, $0xFFFFFF81  }
0x3ab: {  	v3 =	vmov s20;
	v2 =	vnsel vm0, $0xFFFFFF81, v2  }
0x3ac: {  	v3 =	vsub.s32 $0x0, v3;
	vm0 =	vlt.s32 v2, $0x7F  }
0x3ad: {  	v3 =	vbroadcast v3, $0x0;
	v2 =	vnsel vm0, $0x7F, v2  }
0x3ae: {  	v2 =	vadd.s32 $0x7F, v2  }
0x3af: {  	v3 =	vadd.s32 v3, v1  }
0x3b0: {  	vm0 =	vgt.s32 v3, $0xFFFFFF81  }
0x3b1: {  	s21 =	simm.s32 $0x20;
	v3 =	vnsel vm0, $0xFFFFFF81, v3  }
0x3b2: {  	v4 =	vmov s21;
	vm0 =	vlt.s32 v3, $0x7F  }
0x3b3: {  	v4 =	vsub.s32 $0x0, v4;
	v3 =	vnsel vm0, $0x7F, v3;
	v2 =	vld.idx.msk [tilespmem:v2+s2+$0x0], $0xffff  }
0x3b4: {  	v4 =	vbroadcast v4, $0x0;
	v5 =	vadd.s32 $0x7F, v3;
	_ =	sdelay $0x1  }
0x3b5: {  	s30 =	sand.u32 $0x70, s19;
	s31 =	sand.u32 $0x7C00, s19;
	v3 =	vadd.s32 v4, v1  }
0x3b6: {  	s4 =	sor.u32 s30, s31;
	vm0 =	vgt.s32 v3, $0xFFFFFF81  }
0x3b7: {  	s22 =	simm.s32 $0x30;
	v3 =	vnsel vm0, $0xFFFFFF81, v3;
	[tilespmem:s4+$0x300] =	vst v2  }
0x3b8: {  	s23 =	simm.s32 $0x40;
	v4 =	vmov s22;
	vm0 =	vlt.s32 v3, $0x7F;
	v2 =	vld.idx.msk [tilespmem:v5+s2+$0x0], $0xffff  }
.LBB2_44:
0x3b9: {  	p0 =	seq.s32 s23, $0xF70;
	v4 =	vsub.s32 $0x0, v4;
	v3 =	vnsel vm0, $0x7F, v3  }
0x3ba: {  	v4 =	vbroadcast v4, $0x0;
	v5 =	vadd.s32 $0x7F, v3  }
.Ltmp21:
0x3bb: {  	s19 =	sadd.s32 $0x80, s19;
	(pc) =	sbr.rel @!p0 .LBB2_44-.Ltmp21, $4  }
0x3bc: {  	s4 =	sand.u32 $0x70, s20;
	s20 =	smov.u32 s21;
	s5 =	sand.u32 $0x7C00, s19;
	v3 =	vadd.s32 v4, v1  }
0x3bd: {  	s21 =	smov.u32 s22;
	s22 =	smov.u32 s23;
	s4 =	sor.u32 s4, s5;
	vm0 =	vgt.s32 v3, $0xFFFFFF81  }
0x3be: {  	v3 =	vnsel vm0, $0xFFFFFF81, v3;
	[tilespmem:s4+$0x300] =	vst v2  }
0x3bf: {  	s23 =	sadd.s32 $0x10, s23;
	v4 =	vmov s22;
	vm0 =	vlt.s32 v3, $0x7F;
	v2 =	vld.idx.msk [tilespmem:v5+s2+$0x0], $0xffff  }
0x3c0: {  	v4 =	vsub.s32 $0x0, v4  }
0x3c1: {  	v3 =	vnsel vm0, $0x7F, v3;
	v4 =	vbroadcast v4, $0x0  }
0x3c2: {  	v3 =	vadd.s32 $0x7F, v3  }
0x3c3: {  	s4 =	sadd.s32 $0x80, s19;
	v1 =	vadd.s32 v4, v1  }
0x3c4: {  	s5 =	sand.u32 $0x70, s20;
	s10 =	sand.u32 $0x7C00, s4;
	vm0 =	vgt.s32 v1, $0xFFFFFF81  }
0x3c5: {  	s5 =	sor.u32 s5, s10;
	v1 =	vnsel vm0, $0xFFFFFF81, v1  }
0x3c6: {  	[tilespmem:s5+$0x300] =	vst v2;
	vm0 =	vlt.s32 v1, $0x7F  }
0x3c7: {  	v2 =	vld.idx.msk [tilespmem:v3+s2+$0x0], $0xffff;
	v1 =	vnsel vm0, $0x7F, v1  }
0x3c8: {  	v1 =	vadd.s32 $0x7F, v1  }
0x3c9: {  	s4 =	sadd.s32 $0x80, s4  }
0x3ca: {  	s26 =	sand.u32 $0x70, s21;
	s28 =	sand.u32 $0x7C00, s4  }
0x3cb: {  	s5 =	sor.u32 s26, s28  }
0x3cc: {  	[tilespmem:s5+$0x300] =	vst v2  }
0x3cd: {  	v1 =	vld.idx.msk [tilespmem:v1+s2+$0x0], $0xffff  }
0x3ce: {  	s19 =	simm.s32 $0x0  }
0x3cf: {  	s4 =	sadd.s32 $0x80, s4;
	v2 =	vmov s19  }
0x3d0: {  	s29 =	sand.u32 $0x70, s22;
	s4 =	sand.u32 $0x7C00, s4;
	v2 =	vsub.s32 $0x0, v2  }
0x3d1: {  	s4 =	sor.u32 s29, s4;
	v2 =	vbroadcast v2, $0x0  }
0x3d2: {  	[tilespmem:s4+$0x300] =	vst v1;
	v1 =	vadd.s32 v0, v20  }
0x3d3: {  	v2 =	vadd.s32 v2, v1  }
0x3d4: {  	s20 =	simm.s32 $0x10;
	vm0 =	vgt.s32 v2, $0xFFFFFF81  }
0x3d5: {  	v3 =	vmov s20;
	v2 =	vnsel vm0, $0xFFFFFF81, v2  }
0x3d6: {  	v3 =	vsub.s32 $0x0, v3;
	vm0 =	vlt.s32 v2, $0x7F  }
0x3d7: {  	v3 =	vbroadcast v3, $0x0;
	v2 =	vnsel vm0, $0x7F, v2  }
0x3d8: {  	v2 =	vadd.s32 $0x7F, v2  }
0x3d9: {  	v3 =	vadd.s32 v3, v1  }
0x3da: {  	vm0 =	vgt.s32 v3, $0xFFFFFF81  }
0x3db: {  	s21 =	simm.s32 $0x20;
	v3 =	vnsel vm0, $0xFFFFFF81, v3  }
0x3dc: {  	v4 =	vmov s21;
	vm0 =	vlt.s32 v3, $0x7F  }
0x3dd: {  	v4 =	vsub.s32 $0x0, v4;
	v3 =	vnsel vm0, $0x7F, v3;
	v2 =	vld.idx.msk [tilespmem:v2+s2+$0x0], $0xffff  }
0x3de: {  	v4 =	vbroadcast v4, $0x0;
	v5 =	vadd.s32 $0x7F, v3;
	_ =	sdelay $0x1  }
0x3df: {  	s30 =	sand.u32 $0x70, s19;
	s31 =	sand.u32 $0x7C00, s19;
	v3 =	vadd.s32 v4, v1  }
0x3e0: {  	s4 =	sor.u32 s30, s31;
	vm0 =	vgt.s32 v3, $0xFFFFFF81  }
0x3e1: {  	s22 =	simm.s32 $0x30;
	v3 =	vnsel vm0, $0xFFFFFF81, v3;
	[tilespmem:s4+$0x380] =	vst v2  }
0x3e2: {  	s23 =	simm.s32 $0x40;
	v4 =	vmov s22;
	vm0 =	vlt.s32 v3, $0x7F;
	v2 =	vld.idx.msk [tilespmem:v5+s2+$0x0], $0xffff  }
.LBB2_46:
0x3e3: {  	p0 =	seq.s32 s23, $0xF70;
	v4 =	vsub.s32 $0x0, v4;
	v3 =	vnsel vm0, $0x7F, v3  }
0x3e4: {  	v4 =	vbroadcast v4, $0x0;
	v5 =	vadd.s32 $0x7F, v3  }
.Ltmp22:
0x3e5: {  	s19 =	sadd.s32 $0x80, s19;
	(pc) =	sbr.rel @!p0 .LBB2_46-.Ltmp22, $4  }
0x3e6: {  	s4 =	sand.u32 $0x70, s20;
	s20 =	smov.u32 s21;
	s5 =	sand.u32 $0x7C00, s19;
	v3 =	vadd.s32 v4, v1  }
0x3e7: {  	s21 =	smov.u32 s22;
	s22 =	smov.u32 s23;
	s4 =	sor.u32 s4, s5;
	vm0 =	vgt.s32 v3, $0xFFFFFF81  }
0x3e8: {  	v3 =	vnsel vm0, $0xFFFFFF81, v3;
	[tilespmem:s4+$0x380] =	vst v2  }
0x3e9: {  	s23 =	sadd.s32 $0x10, s23;
	v4 =	vmov s22;
	vm0 =	vlt.s32 v3, $0x7F;
	v2 =	vld.idx.msk [tilespmem:v5+s2+$0x0], $0xffff  }
0x3ea: {  	v4 =	vsub.s32 $0x0, v4  }
0x3eb: {  	v3 =	vnsel vm0, $0x7F, v3;
	v4 =	vbroadcast v4, $0x0  }
0x3ec: {  	v3 =	vadd.s32 $0x7F, v3  }
0x3ed: {  	s4 =	sadd.s32 $0x80, s19;
	v1 =	vadd.s32 v4, v1  }
0x3ee: {  	s5 =	sand.u32 $0x70, s20;
	s10 =	sand.u32 $0x7C00, s4;
	vm0 =	vgt.s32 v1, $0xFFFFFF81  }
0x3ef: {  	s5 =	sor.u32 s5, s10;
	v1 =	vnsel vm0, $0xFFFFFF81, v1  }
0x3f0: {  	[tilespmem:s5+$0x380] =	vst v2;
	vm0 =	vlt.s32 v1, $0x7F  }
0x3f1: {  	v2 =	vld.idx.msk [tilespmem:v3+s2+$0x0], $0xffff;
	v1 =	vnsel vm0, $0x7F, v1  }
0x3f2: {  	v1 =	vadd.s32 $0x7F, v1  }
0x3f3: {  	s4 =	sadd.s32 $0x80, s4  }
0x3f4: {  	s26 =	sand.u32 $0x70, s21;
	s28 =	sand.u32 $0x7C00, s4  }
0x3f5: {  	s5 =	sor.u32 s26, s28  }
0x3f6: {  	[tilespmem:s5+$0x380] =	vst v2  }
0x3f7: {  	v1 =	vld.idx.msk [tilespmem:v1+s2+$0x0], $0xffff  }
0x3f8: {  	s19 =	simm.s32 $0x0  }
0x3f9: {  	s4 =	sadd.s32 $0x80, s4;
	v2 =	vmov s19  }
0x3fa: {  	s29 =	sand.u32 $0x70, s22;
	s4 =	sand.u32 $0x7C00, s4;
	v2 =	vsub.s32 $0x0, v2  }
0x3fb: {  	s4 =	sor.u32 s29, s4;
	v2 =	vbroadcast v2, $0x0  }
0x3fc: {  	[tilespmem:s4+$0x380] =	vst v1;
	v1 =	vadd.s32 v0, v21  }
0x3fd: {  	v2 =	vadd.s32 v2, v1  }
0x3fe: {  	s20 =	simm.s32 $0x10;
	vm0 =	vgt.s32 v2, $0xFFFFFF81  }
0x3ff: {  	v3 =	vmov s20;
	v2 =	vnsel vm0, $0xFFFFFF81, v2  }
0x400: {  	v3 =	vsub.s32 $0x0, v3;
	vm0 =	vlt.s32 v2, $0x7F  }
0x401: {  	v3 =	vbroadcast v3, $0x0;
	v2 =	vnsel vm0, $0x7F, v2  }
0x402: {  	v2 =	vadd.s32 $0x7F, v2  }
0x403: {  	v3 =	vadd.s32 v3, v1  }
0x404: {  	vm0 =	vgt.s32 v3, $0xFFFFFF81  }
0x405: {  	s21 =	simm.s32 $0x20;
	v3 =	vnsel vm0, $0xFFFFFF81, v3  }
0x406: {  	v4 =	vmov s21;
	vm0 =	vlt.s32 v3, $0x7F  }
0x407: {  	v4 =	vsub.s32 $0x0, v4;
	v3 =	vnsel vm0, $0x7F, v3;
	v2 =	vld.idx.msk [tilespmem:v2+s2+$0x0], $0xffff  }
0x408: {  	v4 =	vbroadcast v4, $0x0;
	v5 =	vadd.s32 $0x7F, v3;
	_ =	sdelay $0x1  }
0x409: {  	s30 =	sand.u32 $0x70, s19;
	s31 =	sand.u32 $0x7C00, s19;
	v3 =	vadd.s32 v4, v1  }
0x40a: {  	s4 =	sor.u32 s30, s31;
	vm0 =	vgt.s32 v3, $0xFFFFFF81  }
0x40b: {  	s22 =	simm.s32 $0x30;
	v3 =	vnsel vm0, $0xFFFFFF81, v3;
	[tilespmem:s4+$0x400] =	vst v2  }
0x40c: {  	s23 =	simm.s32 $0x40;
	v4 =	vmov s22;
	vm0 =	vlt.s32 v3, $0x7F;
	v2 =	vld.idx.msk [tilespmem:v5+s2+$0x0], $0xffff  }
.LBB2_48:
0x40d: {  	p0 =	seq.s32 s23, $0xF70;
	v4 =	vsub.s32 $0x0, v4;
	v3 =	vnsel vm0, $0x7F, v3  }
0x40e: {  	v4 =	vbroadcast v4, $0x0;
	v5 =	vadd.s32 $0x7F, v3  }
.Ltmp23:
0x40f: {  	s19 =	sadd.s32 $0x80, s19;
	(pc) =	sbr.rel @!p0 .LBB2_48-.Ltmp23, $4  }
0x410: {  	s4 =	sand.u32 $0x70, s20;
	s20 =	smov.u32 s21;
	s5 =	sand.u32 $0x7C00, s19;
	v3 =	vadd.s32 v4, v1  }
0x411: {  	s21 =	smov.u32 s22;
	s22 =	smov.u32 s23;
	s4 =	sor.u32 s4, s5;
	vm0 =	vgt.s32 v3, $0xFFFFFF81  }
0x412: {  	v3 =	vnsel vm0, $0xFFFFFF81, v3;
	[tilespmem:s4+$0x400] =	vst v2  }
0x413: {  	s23 =	sadd.s32 $0x10, s23;
	v4 =	vmov s22;
	vm0 =	vlt.s32 v3, $0x7F;
	v2 =	vld.idx.msk [tilespmem:v5+s2+$0x0], $0xffff  }
0x414: {  	v4 =	vsub.s32 $0x0, v4  }
0x415: {  	v3 =	vnsel vm0, $0x7F, v3;
	v4 =	vbroadcast v4, $0x0  }
0x416: {  	v3 =	vadd.s32 $0x7F, v3  }
0x417: {  	s4 =	sadd.s32 $0x80, s19;
	v1 =	vadd.s32 v4, v1  }
0x418: {  	s5 =	sand.u32 $0x70, s20;
	s10 =	sand.u32 $0x7C00, s4;
	vm0 =	vgt.s32 v1, $0xFFFFFF81  }
0x419: {  	s5 =	sor.u32 s5, s10;
	v1 =	vnsel vm0, $0xFFFFFF81, v1  }
0x41a: {  	[tilespmem:s5+$0x400] =	vst v2;
	vm0 =	vlt.s32 v1, $0x7F  }
0x41b: {  	v2 =	vld.idx.msk [tilespmem:v3+s2+$0x0], $0xffff;
	v1 =	vnsel vm0, $0x7F, v1  }
0x41c: {  	v1 =	vadd.s32 $0x7F, v1  }
0x41d: {  	s4 =	sadd.s32 $0x80, s4  }
0x41e: {  	s26 =	sand.u32 $0x70, s21;
	s28 =	sand.u32 $0x7C00, s4  }
0x41f: {  	s5 =	sor.u32 s26, s28  }
0x420: {  	[tilespmem:s5+$0x400] =	vst v2  }
0x421: {  	v1 =	vld.idx.msk [tilespmem:v1+s2+$0x0], $0xffff  }
0x422: {  	s19 =	simm.s32 $0x0  }
0x423: {  	s4 =	sadd.s32 $0x80, s4;
	v2 =	vmov s19  }
0x424: {  	s29 =	sand.u32 $0x70, s22;
	s4 =	sand.u32 $0x7C00, s4;
	v2 =	vsub.s32 $0x0, v2  }
0x425: {  	s4 =	sor.u32 s29, s4;
	v2 =	vbroadcast v2, $0x0  }
0x426: {  	[tilespmem:s4+$0x400] =	vst v1;
	v1 =	vadd.s32 v0, v22  }
0x427: {  	v2 =	vadd.s32 v2, v1  }
0x428: {  	s20 =	simm.s32 $0x10;
	vm0 =	vgt.s32 v2, $0xFFFFFF81  }
0x429: {  	v3 =	vmov s20;
	v2 =	vnsel vm0, $0xFFFFFF81, v2  }
0x42a: {  	v3 =	vsub.s32 $0x0, v3;
	vm0 =	vlt.s32 v2, $0x7F  }
0x42b: {  	v3 =	vbroadcast v3, $0x0;
	v2 =	vnsel vm0, $0x7F, v2  }
0x42c: {  	v2 =	vadd.s32 $0x7F, v2  }
0x42d: {  	v3 =	vadd.s32 v3, v1  }
0x42e: {  	vm0 =	vgt.s32 v3, $0xFFFFFF81  }
0x42f: {  	s21 =	simm.s32 $0x20;
	v3 =	vnsel vm0, $0xFFFFFF81, v3  }
0x430: {  	v4 =	vmov s21;
	vm0 =	vlt.s32 v3, $0x7F  }
0x431: {  	v4 =	vsub.s32 $0x0, v4;
	v3 =	vnsel vm0, $0x7F, v3;
	v2 =	vld.idx.msk [tilespmem:v2+s2+$0x0], $0xffff  }
0x432: {  	v4 =	vbroadcast v4, $0x0;
	v5 =	vadd.s32 $0x7F, v3;
	_ =	sdelay $0x1  }
0x433: {  	s30 =	sand.u32 $0x70, s19;
	s31 =	sand.u32 $0x7C00, s19;
	v3 =	vadd.s32 v4, v1  }
0x434: {  	s4 =	sor.u32 s30, s31;
	vm0 =	vgt.s32 v3, $0xFFFFFF81  }
0x435: {  	s22 =	simm.s32 $0x30;
	v3 =	vnsel vm0, $0xFFFFFF81, v3;
	[tilespmem:s4+$0x480] =	vst v2  }
0x436: {  	s23 =	simm.s32 $0x40;
	v4 =	vmov s22;
	vm0 =	vlt.s32 v3, $0x7F;
	v2 =	vld.idx.msk [tilespmem:v5+s2+$0x0], $0xffff  }
.LBB2_50:
0x437: {  	p0 =	seq.s32 s23, $0xF70;
	v4 =	vsub.s32 $0x0, v4;
	v3 =	vnsel vm0, $0x7F, v3  }
0x438: {  	v4 =	vbroadcast v4, $0x0;
	v5 =	vadd.s32 $0x7F, v3  }
.Ltmp24:
0x439: {  	s19 =	sadd.s32 $0x80, s19;
	(pc) =	sbr.rel @!p0 .LBB2_50-.Ltmp24, $4  }
0x43a: {  	s4 =	sand.u32 $0x70, s20;
	s20 =	smov.u32 s21;
	s5 =	sand.u32 $0x7C00, s19;
	v3 =	vadd.s32 v4, v1  }
0x43b: {  	s21 =	smov.u32 s22;
	s22 =	smov.u32 s23;
	s4 =	sor.u32 s4, s5;
	vm0 =	vgt.s32 v3, $0xFFFFFF81  }
0x43c: {  	v3 =	vnsel vm0, $0xFFFFFF81, v3;
	[tilespmem:s4+$0x480] =	vst v2  }
0x43d: {  	s23 =	sadd.s32 $0x10, s23;
	v4 =	vmov s22;
	vm0 =	vlt.s32 v3, $0x7F;
	v2 =	vld.idx.msk [tilespmem:v5+s2+$0x0], $0xffff  }
0x43e: {  	v4 =	vsub.s32 $0x0, v4  }
0x43f: {  	v3 =	vnsel vm0, $0x7F, v3;
	v4 =	vbroadcast v4, $0x0  }
0x440: {  	v3 =	vadd.s32 $0x7F, v3  }
0x441: {  	s4 =	sadd.s32 $0x80, s19;
	v1 =	vadd.s32 v4, v1  }
0x442: {  	s5 =	sand.u32 $0x70, s20;
	s10 =	sand.u32 $0x7C00, s4;
	vm0 =	vgt.s32 v1, $0xFFFFFF81  }
0x443: {  	s5 =	sor.u32 s5, s10;
	v1 =	vnsel vm0, $0xFFFFFF81, v1  }
0x444: {  	[tilespmem:s5+$0x480] =	vst v2;
	vm0 =	vlt.s32 v1, $0x7F  }
0x445: {  	v2 =	vld.idx.msk [tilespmem:v3+s2+$0x0], $0xffff;
	v1 =	vnsel vm0, $0x7F, v1  }
0x446: {  	v1 =	vadd.s32 $0x7F, v1  }
0x447: {  	s4 =	sadd.s32 $0x80, s4  }
0x448: {  	s23 =	sand.u32 $0x70, s21;
	s25 =	sand.u32 $0x7C00, s4  }
0x449: {  	s5 =	sor.u32 s23, s25  }
0x44a: {  	[tilespmem:s5+$0x480] =	vst v2  }
0x44b: {  	v1 =	vld.idx.msk [tilespmem:v1+s2+$0x0], $0xffff  }
0x44c: {  	s19 =	simm.s32 $0x0  }
0x44d: {  	s4 =	sadd.s32 $0x80, s4;
	v2 =	vmov s19  }
0x44e: {  	s26 =	sand.u32 $0x70, s22;
	s4 =	sand.u32 $0x7C00, s4;
	v2 =	vsub.s32 $0x0, v2  }
0x44f: {  	s4 =	sor.u32 s26, s4;
	v2 =	vbroadcast v2, $0x0  }
0x450: {  	[tilespmem:s4+$0x480] =	vst v1;
	v1 =	vadd.s32 v0, v23  }
0x451: {  	v2 =	vadd.s32 v2, v1  }
0x452: {  	s28 =	simm.s32 $0x10;
	vm0 =	vgt.s32 v2, $0xFFFFFF81  }
0x453: {  	v3 =	vmov s28;
	v2 =	vnsel vm0, $0xFFFFFF81, v2  }
0x454: {  	v3 =	vsub.s32 $0x0, v3;
	vm0 =	vlt.s32 v2, $0x7F  }
0x455: {  	v3 =	vbroadcast v3, $0x0;
	v2 =	vnsel vm0, $0x7F, v2  }
0x456: {  	v2 =	vadd.s32 $0x7F, v2  }
0x457: {  	v3 =	vadd.s32 v3, v1  }
0x458: {  	vm0 =	vgt.s32 v3, $0xFFFFFF81  }
0x459: {  	s29 =	simm.s32 $0x20;
	v3 =	vnsel vm0, $0xFFFFFF81, v3  }
0x45a: {  	v4 =	vmov s29;
	vm0 =	vlt.s32 v3, $0x7F  }
0x45b: {  	v4 =	vsub.s32 $0x0, v4;
	v3 =	vnsel vm0, $0x7F, v3;
	v2 =	vld.idx.msk [tilespmem:v2+s2+$0x0], $0xffff  }
0x45c: {  	s30 =	sand.u32 $0x7, s19;
	v4 =	vbroadcast v4, $0x0;
	v5 =	vadd.s32 $0x7F, v3  }
0x45d: {  	s4 =	sshll.u32 s30, $0x4  }
0x45e: {  	s4 =	sadd.s32 $0x0, s4;
	v3 =	vadd.s32 v4, v1  }
0x45f: {  	s4 =	sor.u32 $0x380, s4;
	vm0 =	vgt.s32 v3, $0xFFFFFF81  }
0x460: {  	s31 =	simm.s32 $0x30;
	v3 =	vnsel vm0, $0xFFFFFF81, v3;
	[tilespmem:s4+$0x180] =	vst v2  }
0x461: {  	s21 =	simm.s32 $0x40;
	s20 =	simm.s32 $0x0;
	v4 =	vmov s31;
	vm0 =	vlt.s32 v3, $0x7F;
	v2 =	vld.idx.msk [tilespmem:v5+s2+$0x0], $0xffff  }
.LBB2_52:
0x462: {  	p0 =	sne.s32 s21, $0xF70;
	v4 =	vsub.s32 $0x0, v4;
	v3 =	vnsel vm0, $0x7F, v3;
	s19 =	sadd.s32 $0x1, s19  }
0x463: {  	v4 =	vbroadcast v4, $0x0;
	v5 =	vadd.s32 $0x7F, v3;
	s4 =	sand.u32 $0x7, s19  }
.Ltmp25:
0x464: {  	s20 =	sadd.s32 $0x80, s20;
	s4 =	sshll.u32 s4, $0x4;
	(pc) =	sbr.rel @p0 .LBB2_52-.Ltmp25, $4  }
0x465: {  	v3 =	vadd.s32 v4, v1;
	s4 =	sadd.s32 s4, s20  }
0x466: {  	vm0 =	vgt.s32 v3, $0xFFFFFF81;
	s4 =	sor.u32 $0x380, s4  }
0x467: {  	v3 =	vnsel vm0, $0xFFFFFF81, v3;
	[tilespmem:s4+$0x180] =	vst v2  }
0x468: {  	v4 =	vmov s21;
	s21 =	sadd.s32 $0x10, s21;
	vm0 =	vlt.s32 v3, $0x7F;
	v2 =	vld.idx.msk [tilespmem:v5+s2+$0x0], $0xffff  }
0x469: {  	v4 =	vsub.s32 $0x0, v4  }
0x46a: {  	v3 =	vnsel vm0, $0x7F, v3;
	s4 =	sadd.s32 $0x1, s19;
	v4 =	vbroadcast v4, $0x0  }
0x46b: {  	v3 =	vadd.s32 $0x7F, v3;
	s5 =	sand.u32 $0x7, s4  }
0x46c: {  	s10 =	sadd.s32 $0x80, s20;
	s5 =	sshll.u32 s5, $0x4;
	v1 =	vadd.s32 v4, v1  }
0x46d: {  	s5 =	sadd.s32 s5, s10;
	vm15 =	vgt.s32 v1, $0xFFFFFF81  }
0x46e: {  	s5 =	sor.u32 $0x380, s5;
	v1 =	vnsel vm15, $0xFFFFFF81, v1  }
0x46f: {  	[tilespmem:s5+$0x180] =	vst v2;
	vm0 =	vlt.s32 v1, $0x7F  }
0x470: {  	s4 =	sadd.s32 $0x1, s4;
	v2 =	vld.idx.msk [tilespmem:v3+s2+$0x0], $0xffff;
	v1 =	vnsel vm0, $0x7F, v1  }
0x471: {  	s29 =	sand.u32 $0x7, s4;
	v1 =	vadd.s32 $0x7F, v1  }
0x472: {  	s10 =	sadd.s32 $0x80, s10;
	s5 =	sshll.u32 s29, $0x4  }
0x473: {  	s5 =	sadd.s32 s5, s10  }
0x474: {  	s5 =	sor.u32 $0x380, s5  }
0x475: {  	[tilespmem:s5+$0x180] =	vst v2  }
0x476: {  	s4 =	sadd.s32 $0x1, s4;
	v1 =	vld.idx.msk [tilespmem:v1+s2+$0x0], $0xffff  }
0x477: {  	s4 =	sand.u32 $0x7, s4  }
0x478: {  	s4 =	sshll.u32 s4, $0x4;
	s30 =	sadd.s32 $0x80, s10  }
0x479: {  	s4 =	sadd.s32 s4, s30  }
0x47a: {  	s4 =	sor.u32 $0x380, s4  }
0x47b: {  	s31 =	simm.s32 $0x3D80;
	s19 =	simm.s32 $0xE000;
	s20 =	smov.u32 s8;
	[tilespmem:s4+$0x180] =	vst v1  }
0x47c: {  	[hbm4b:s8+s2] =	stream.linear.scatter [tilespmem:s31], [sflag:$0x1], $0x4000, $0x38;
	[tilespmem:$0xF980] =	vst v63  }
.LBB2_54:
0x47d: {  	p0 =	sne.s32 s19, $0x0  }
.Ltmp26:
0x47e: {  	_ = 	snop;
	(pc) =	sbr.rel @p0 .LBB2_54-.Ltmp26, $4  }
0x47f: {  	_ = 	snop  }
0x480: {  	s4 =	sshra.s32 s19, $0x2;
	s19 =	sadd.s32 $0xFFFFF000, s19  }
0x481: {  	s20 =	sadd.s32 $0x8000, s20;
	s4 =	sadd.s32 $0x180, s4  }
0x482: {  	[hbm4b:s20+s2] =	stream.linear.scatter [tilespmem:s4], [sflag:$0x1], $0x4000, $0x38;
	[tilespmem:$0xF980] =	vst v63  }
0x483: {  	_ =	swait.ge [sflag:s17], $0x4000  }
0x484: {  	[sflag:s17] =	ssyncset.done $0x0  }
0x485: {  	[sflag:s17] =	ssyncadd.s32 $0xFFFFC000  }
0x486: {  	_ =	swait.ge [sflag:s17], $0x4000  }
0x487: {  	[sflag:s17] =	ssyncset.done $0x0  }
0x488: {  	[sflag:s17] =	ssyncadd.s32 $0xFFFFC000  }
0x489: {  	_ =	swait.ge [sflag:s17], $0x4000  }
0x48a: {  	[sflag:s17] =	ssyncset.done $0x0  }
0x48b: {  	[sflag:s17] =	ssyncadd.s32 $0xFFFFC000  }
0x48c: {  	_ =	swait.ge [sflag:s17], $0x4000  }
0x48d: {  	[sflag:s17] =	ssyncset.done $0x0  }
0x48e: {  	[sflag:s17] =	ssyncadd.s32 $0xFFFFC000  }
0x48f: {  	_ =	swait.ge [sflag:s17], $0x4000  }
0x490: {  	[sflag:s17] =	ssyncset.done $0x0  }
0x491: {  	[sflag:s17] =	ssyncadd.s32 $0xFFFFC000  }
0x492: {  	_ =	swait.ge [sflag:s17], $0x4000  }
0x493: {  	[sflag:s17] =	ssyncset.done $0x0  }
0x494: {  	[sflag:s17] =	ssyncadd.s32 $0xFFFFC000  }
0x495: {  	_ =	swait.ge [sflag:s17], $0x4000  }
0x496: {  	[sflag:s17] =	ssyncset.done $0x0  }
0x497: {  	[sflag:s17] =	ssyncadd.s32 $0xFFFFC000  }
0x498: {  	_ =	swait.ge [sflag:s17], $0x4000  }
0x499: {  	[sflag:s17] =	ssyncset.done $0x0  }
0x49a: {  	[sflag:s17] =	ssyncadd.s32 $0xFFFFC000  }
0x49b: {  	_ =	swait.ge [sflag:s17], $0x4000  }
0x49c: {  	[sflag:s17] =	ssyncset.done $0x0  }
0x49d: {  	[sflag:s17] =	ssyncadd.s32 $0xFFFFC000  }
0x49e: {  	_ =	swait.ge [sflag:s17], $0x4000  }
0x49f: {  	[sflag:s17] =	ssyncset.done $0x0  }
0x4a0: {  	[sflag:s17] =	ssyncadd.s32 $0xFFFFC000  }
0x4a1: {  	_ =	swait.ge [sflag:s17], $0x4000  }
0x4a2: {  	[sflag:s17] =	ssyncset.done $0x0  }
0x4a3: {  	[sflag:s17] =	ssyncadd.s32 $0xFFFFC000  }
0x4a4: {  	s19 =	simm.s32 $0x0;
	_ =	swait.ge [sflag:s17], $0x4000  }
0x4a5: {  	v2 =	vmov s19;
	[sflag:s17] =	ssyncset.done $0x0  }
0x4a6: {  	v2 =	vsub.s32 $0x0, v2;
	[sflag:s17] =	ssyncadd.s32 $0xFFFFC000  }
0x4a7: {  	v2 =	vbroadcast v2, $0x0;
	_ =	swait.ge [sflag:s17], $0x4000  }
0x4a8: {  	v1 =	vadd.s32 v0, v24;
	[sflag:s17] =	ssyncset.done $0x0  }
0x4a9: {  	v2 =	vadd.s32 v2, v1;
	[sflag:s17] =	ssyncadd.s32 $0xFFFFC000  }
0x4aa: {  	s20 =	simm.s32 $0x10;
	vm0 =	vgt.s32 v2, $0xFFFFFF81;
	_ =	swait.ge [sflag:s17], $0x4000  }
0x4ab: {  	v3 =	vmov s20;
	v2 =	vnsel vm0, $0xFFFFFF81, v2;
	[sflag:s17] =	ssyncset.done $0x0  }
0x4ac: {  	v3 =	vsub.s32 $0x0, v3;
	vm0 =	vlt.s32 v2, $0x7F;
	[sflag:s17] =	ssyncadd.s32 $0xFFFFC000  }
0x4ad: {  	v3 =	vbroadcast v3, $0x0;
	v2 =	vnsel vm0, $0x7F, v2;
	_ =	swait.ge [sflag:s17], $0x4000  }
0x4ae: {  	v2 =	vadd.s32 $0x7F, v2;
	[sflag:s17] =	ssyncset.done $0x0  }
0x4af: {  	v3 =	vadd.s32 v3, v1;
	[sflag:s17] =	ssyncadd.s32 $0xFFFFC000  }
0x4b0: {  	vm0 =	vgt.s32 v3, $0xFFFFFF81;
	_ =	swait.ge [sflag:s17], $0x4000  }
0x4b1: {  	s21 =	simm.s32 $0x20;
	v3 =	vnsel vm0, $0xFFFFFF81, v3;
	[sflag:s17] =	ssyncset.done $0x0  }
0x4b2: {  	v4 =	vmov s21;
	vm0 =	vlt.s32 v3, $0x7F;
	[sflag:s17] =	ssyncadd.s32 $0xFFFFC000  }
0x4b3: {  	v4 =	vsub.s32 $0x0, v4;
	v3 =	vnsel vm0, $0x7F, v3;
	v2 =	vld.idx.msk [tilespmem:v2+s2+$0x0], $0xffff  }
0x4b4: {  	v4 =	vbroadcast v4, $0x0;
	v5 =	vadd.s32 $0x7F, v3;
	_ =	sdelay $0x1  }
0x4b5: {  	s4 =	sand.u32 $0x70, s19;
	s5 =	sand.u32 $0x7C00, s19;
	v3 =	vadd.s32 v4, v1  }
0x4b6: {  	s4 =	sor.u32 s4, s5;
	vm0 =	vgt.s32 v3, $0xFFFFFF81  }
0x4b7: {  	s22 =	simm.s32 $0x30;
	v3 =	vnsel vm0, $0xFFFFFF81, v3;
	[tilespmem:s4+$0x7D80] =	vst v2  }
0x4b8: {  	s23 =	simm.s32 $0x40;
	v4 =	vmov s22;
	vm0 =	vlt.s32 v3, $0x7F;
	v2 =	vld.idx.msk [tilespmem:v5+s2+$0x0], $0xffff  }
.LBB2_56:
0x4b9: {  	p0 =	seq.s32 s23, $0xF70;
	v4 =	vsub.s32 $0x0, v4;
	v3 =	vnsel vm0, $0x7F, v3  }
0x4ba: {  	v4 =	vbroadcast v4, $0x0;
	v5 =	vadd.s32 $0x7F, v3  }
.Ltmp27:
0x4bb: {  	s19 =	sadd.s32 $0x80, s19;
	(pc) =	sbr.rel @!p0 .LBB2_56-.Ltmp27, $4  }
0x4bc: {  	s4 =	sand.u32 $0x70, s20;
	s20 =	smov.u32 s21;
	s5 =	sand.u32 $0x7C00, s19;
	v3 =	vadd.s32 v4, v1  }
0x4bd: {  	s21 =	smov.u32 s22;
	s22 =	smov.u32 s23;
	s4 =	sor.u32 s4, s5;
	vm0 =	vgt.s32 v3, $0xFFFFFF81  }
0x4be: {  	v3 =	vnsel vm0, $0xFFFFFF81, v3;
	[tilespmem:s4+$0x7D80] =	vst v2  }
0x4bf: {  	s23 =	sadd.s32 $0x10, s23;
	v4 =	vmov s22;
	vm0 =	vlt.s32 v3, $0x7F;
	v2 =	vld.idx.msk [tilespmem:v5+s2+$0x0], $0xffff  }
0x4c0: {  	v4 =	vsub.s32 $0x0, v4  }
0x4c1: {  	v3 =	vnsel vm0, $0x7F, v3;
	v4 =	vbroadcast v4, $0x0  }
0x4c2: {  	v3 =	vadd.s32 $0x7F, v3  }
0x4c3: {  	s4 =	sadd.s32 $0x80, s19;
	v1 =	vadd.s32 v4, v1  }
0x4c4: {  	s5 =	sand.u32 $0x70, s20;
	s10 =	sand.u32 $0x7C00, s4;
	vm0 =	vgt.s32 v1, $0xFFFFFF81  }
0x4c5: {  	s5 =	sor.u32 s5, s10;
	v1 =	vnsel vm0, $0xFFFFFF81, v1  }
0x4c6: {  	[tilespmem:s5+$0x7D80] =	vst v2;
	vm0 =	vlt.s32 v1, $0x7F  }
0x4c7: {  	v2 =	vld.idx.msk [tilespmem:v3+s2+$0x0], $0xffff;
	v1 =	vnsel vm0, $0x7F, v1  }
0x4c8: {  	v1 =	vadd.s32 $0x7F, v1  }
0x4c9: {  	s4 =	sadd.s32 $0x80, s4  }
0x4ca: {  	s26 =	sand.u32 $0x70, s21;
	s28 =	sand.u32 $0x7C00, s4  }
0x4cb: {  	s5 =	sor.u32 s26, s28  }
0x4cc: {  	[tilespmem:s5+$0x7D80] =	vst v2  }
0x4cd: {  	v1 =	vld.idx.msk [tilespmem:v1+s2+$0x0], $0xffff  }
0x4ce: {  	s19 =	simm.s32 $0x0  }
0x4cf: {  	s4 =	sadd.s32 $0x80, s4;
	v2 =	vmov s19  }
0x4d0: {  	s29 =	sand.u32 $0x70, s22;
	s4 =	sand.u32 $0x7C00, s4;
	v2 =	vsub.s32 $0x0, v2  }
0x4d1: {  	s4 =	sor.u32 s29, s4;
	v2 =	vbroadcast v2, $0x0  }
0x4d2: {  	[tilespmem:s4+$0x7D80] =	vst v1;
	v1 =	vadd.s32 v0, v25  }
0x4d3: {  	v2 =	vadd.s32 v2, v1  }
0x4d4: {  	s20 =	simm.s32 $0x10;
	vm0 =	vgt.s32 v2, $0xFFFFFF81  }
0x4d5: {  	v3 =	vmov s20;
	v2 =	vnsel vm0, $0xFFFFFF81, v2  }
0x4d6: {  	v3 =	vsub.s32 $0x0, v3;
	vm0 =	vlt.s32 v2, $0x7F  }
0x4d7: {  	v3 =	vbroadcast v3, $0x0;
	v2 =	vnsel vm0, $0x7F, v2  }
0x4d8: {  	v2 =	vadd.s32 $0x7F, v2  }
0x4d9: {  	v3 =	vadd.s32 v3, v1  }
0x4da: {  	vm0 =	vgt.s32 v3, $0xFFFFFF81  }
0x4db: {  	s21 =	simm.s32 $0x20;
	v3 =	vnsel vm0, $0xFFFFFF81, v3  }
0x4dc: {  	v4 =	vmov s21;
	vm0 =	vlt.s32 v3, $0x7F  }
0x4dd: {  	v4 =	vsub.s32 $0x0, v4;
	v3 =	vnsel vm0, $0x7F, v3;
	v2 =	vld.idx.msk [tilespmem:v2+s2+$0x0], $0xffff  }
0x4de: {  	v4 =	vbroadcast v4, $0x0;
	v5 =	vadd.s32 $0x7F, v3;
	_ =	sdelay $0x1  }
0x4df: {  	s30 =	sand.u32 $0x70, s19;
	s31 =	sand.u32 $0x7C00, s19;
	v3 =	vadd.s32 v4, v1  }
0x4e0: {  	s4 =	sor.u32 s30, s31;
	vm0 =	vgt.s32 v3, $0xFFFFFF81  }
0x4e1: {  	s22 =	simm.s32 $0x30;
	v3 =	vnsel vm0, $0xFFFFFF81, v3;
	[tilespmem:s4+$0x7E00] =	vst v2  }
0x4e2: {  	s23 =	simm.s32 $0x40;
	v4 =	vmov s22;
	vm0 =	vlt.s32 v3, $0x7F;
	v2 =	vld.idx.msk [tilespmem:v5+s2+$0x0], $0xffff  }
.LBB2_58:
0x4e3: {  	p0 =	seq.s32 s23, $0xF70;
	v4 =	vsub.s32 $0x0, v4;
	v3 =	vnsel vm0, $0x7F, v3  }
0x4e4: {  	v4 =	vbroadcast v4, $0x0;
	v5 =	vadd.s32 $0x7F, v3  }
.Ltmp28:
0x4e5: {  	s19 =	sadd.s32 $0x80, s19;
	(pc) =	sbr.rel @!p0 .LBB2_58-.Ltmp28, $4  }
0x4e6: {  	s4 =	sand.u32 $0x70, s20;
	s20 =	smov.u32 s21;
	s5 =	sand.u32 $0x7C00, s19;
	v3 =	vadd.s32 v4, v1  }
0x4e7: {  	s21 =	smov.u32 s22;
	s22 =	smov.u32 s23;
	s4 =	sor.u32 s4, s5;
	vm0 =	vgt.s32 v3, $0xFFFFFF81  }
0x4e8: {  	v3 =	vnsel vm0, $0xFFFFFF81, v3;
	[tilespmem:s4+$0x7E00] =	vst v2  }
0x4e9: {  	s23 =	sadd.s32 $0x10, s23;
	v4 =	vmov s22;
	vm0 =	vlt.s32 v3, $0x7F;
	v2 =	vld.idx.msk [tilespmem:v5+s2+$0x0], $0xffff  }
0x4ea: {  	v4 =	vsub.s32 $0x0, v4  }
0x4eb: {  	v3 =	vnsel vm0, $0x7F, v3;
	v4 =	vbroadcast v4, $0x0  }
0x4ec: {  	v3 =	vadd.s32 $0x7F, v3  }
0x4ed: {  	s4 =	sadd.s32 $0x80, s19;
	v1 =	vadd.s32 v4, v1  }
0x4ee: {  	s5 =	sand.u32 $0x70, s20;
	s10 =	sand.u32 $0x7C00, s4;
	vm0 =	vgt.s32 v1, $0xFFFFFF81  }
0x4ef: {  	s5 =	sor.u32 s5, s10;
	v1 =	vnsel vm0, $0xFFFFFF81, v1  }
0x4f0: {  	[tilespmem:s5+$0x7E00] =	vst v2;
	vm0 =	vlt.s32 v1, $0x7F  }
0x4f1: {  	v2 =	vld.idx.msk [tilespmem:v3+s2+$0x0], $0xffff;
	v1 =	vnsel vm0, $0x7F, v1  }
0x4f2: {  	v1 =	vadd.s32 $0x7F, v1  }
0x4f3: {  	s4 =	sadd.s32 $0x80, s4  }
0x4f4: {  	s26 =	sand.u32 $0x70, s21;
	s28 =	sand.u32 $0x7C00, s4  }
0x4f5: {  	s5 =	sor.u32 s26, s28  }
0x4f6: {  	[tilespmem:s5+$0x7E00] =	vst v2  }
0x4f7: {  	v1 =	vld.idx.msk [tilespmem:v1+s2+$0x0], $0xffff  }
0x4f8: {  	s19 =	simm.s32 $0x0  }
0x4f9: {  	s4 =	sadd.s32 $0x80, s4;
	v2 =	vmov s19  }
0x4fa: {  	s29 =	sand.u32 $0x70, s22;
	s4 =	sand.u32 $0x7C00, s4;
	v2 =	vsub.s32 $0x0, v2  }
0x4fb: {  	s4 =	sor.u32 s29, s4;
	v2 =	vbroadcast v2, $0x0  }
0x4fc: {  	[tilespmem:s4+$0x7E00] =	vst v1;
	v1 =	vadd.s32 v0, v26  }
0x4fd: {  	v2 =	vadd.s32 v2, v1  }
0x4fe: {  	s20 =	simm.s32 $0x10;
	vm0 =	vgt.s32 v2, $0xFFFFFF81  }
0x4ff: {  	v3 =	vmov s20;
	v2 =	vnsel vm0, $0xFFFFFF81, v2  }
0x500: {  	v3 =	vsub.s32 $0x0, v3;
	vm0 =	vlt.s32 v2, $0x7F  }
0x501: {  	v3 =	vbroadcast v3, $0x0;
	v2 =	vnsel vm0, $0x7F, v2  }
0x502: {  	v2 =	vadd.s32 $0x7F, v2  }
0x503: {  	v3 =	vadd.s32 v3, v1  }
0x504: {  	vm0 =	vgt.s32 v3, $0xFFFFFF81  }
0x505: {  	s21 =	simm.s32 $0x20;
	v3 =	vnsel vm0, $0xFFFFFF81, v3  }
0x506: {  	v4 =	vmov s21;
	vm0 =	vlt.s32 v3, $0x7F  }
0x507: {  	v4 =	vsub.s32 $0x0, v4;
	v3 =	vnsel vm0, $0x7F, v3;
	v2 =	vld.idx.msk [tilespmem:v2+s2+$0x0], $0xffff  }
0x508: {  	v4 =	vbroadcast v4, $0x0;
	v5 =	vadd.s32 $0x7F, v3;
	_ =	sdelay $0x1  }
0x509: {  	s30 =	sand.u32 $0x70, s19;
	s31 =	sand.u32 $0x7C00, s19;
	v3 =	vadd.s32 v4, v1  }
0x50a: {  	s4 =	sor.u32 s30, s31;
	vm0 =	vgt.s32 v3, $0xFFFFFF81  }
0x50b: {  	s22 =	simm.s32 $0x30;
	v3 =	vnsel vm0, $0xFFFFFF81, v3;
	[tilespmem:s4+$0x7E80] =	vst v2  }
0x50c: {  	s23 =	simm.s32 $0x40;
	v4 =	vmov s22;
	vm0 =	vlt.s32 v3, $0x7F;
	v2 =	vld.idx.msk [tilespmem:v5+s2+$0x0], $0xffff  }
.LBB2_60:
0x50d: {  	p0 =	seq.s32 s23, $0xF70;
	v4 =	vsub.s32 $0x0, v4;
	v3 =	vnsel vm0, $0x7F, v3  }
0x50e: {  	v4 =	vbroadcast v4, $0x0;
	v5 =	vadd.s32 $0x7F, v3  }
.Ltmp29:
0x50f: {  	s19 =	sadd.s32 $0x80, s19;
	(pc) =	sbr.rel @!p0 .LBB2_60-.Ltmp29, $4  }
0x510: {  	s4 =	sand.u32 $0x70, s20;
	s20 =	smov.u32 s21;
	s5 =	sand.u32 $0x7C00, s19;
	v3 =	vadd.s32 v4, v1  }
0x511: {  	s21 =	smov.u32 s22;
	s22 =	smov.u32 s23;
	s4 =	sor.u32 s4, s5;
	vm0 =	vgt.s32 v3, $0xFFFFFF81  }
0x512: {  	v3 =	vnsel vm0, $0xFFFFFF81, v3;
	[tilespmem:s4+$0x7E80] =	vst v2  }
0x513: {  	s23 =	sadd.s32 $0x10, s23;
	v4 =	vmov s22;
	vm0 =	vlt.s32 v3, $0x7F;
	v2 =	vld.idx.msk [tilespmem:v5+s2+$0x0], $0xffff  }
0x514: {  	v4 =	vsub.s32 $0x0, v4  }
0x515: {  	v3 =	vnsel vm0, $0x7F, v3;
	v4 =	vbroadcast v4, $0x0  }
0x516: {  	v3 =	vadd.s32 $0x7F, v3  }
0x517: {  	s4 =	sadd.s32 $0x80, s19;
	v1 =	vadd.s32 v4, v1  }
0x518: {  	s5 =	sand.u32 $0x70, s20;
	s10 =	sand.u32 $0x7C00, s4;
	vm0 =	vgt.s32 v1, $0xFFFFFF81  }
0x519: {  	s5 =	sor.u32 s5, s10;
	v1 =	vnsel vm0, $0xFFFFFF81, v1  }
0x51a: {  	[tilespmem:s5+$0x7E80] =	vst v2;
	vm0 =	vlt.s32 v1, $0x7F  }
0x51b: {  	v2 =	vld.idx.msk [tilespmem:v3+s2+$0x0], $0xffff;
	v1 =	vnsel vm0, $0x7F, v1  }
0x51c: {  	v1 =	vadd.s32 $0x7F, v1  }
0x51d: {  	s4 =	sadd.s32 $0x80, s4  }
0x51e: {  	s26 =	sand.u32 $0x70, s21;
	s28 =	sand.u32 $0x7C00, s4  }
0x51f: {  	s5 =	sor.u32 s26, s28  }
0x520: {  	[tilespmem:s5+$0x7E80] =	vst v2  }
0x521: {  	v1 =	vld.idx.msk [tilespmem:v1+s2+$0x0], $0xffff  }
0x522: {  	s19 =	simm.s32 $0x0  }
0x523: {  	s4 =	sadd.s32 $0x80, s4;
	v2 =	vmov s19  }
0x524: {  	s29 =	sand.u32 $0x70, s22;
	s4 =	sand.u32 $0x7C00, s4;
	v2 =	vsub.s32 $0x0, v2  }
0x525: {  	s4 =	sor.u32 s29, s4;
	v2 =	vbroadcast v2, $0x0  }
0x526: {  	[tilespmem:s4+$0x7E80] =	vst v1;
	v1 =	vadd.s32 v0, v27  }
0x527: {  	v2 =	vadd.s32 v2, v1  }
0x528: {  	s20 =	simm.s32 $0x10;
	vm0 =	vgt.s32 v2, $0xFFFFFF81  }
0x529: {  	v3 =	vmov s20;
	v2 =	vnsel vm0, $0xFFFFFF81, v2  }
0x52a: {  	v3 =	vsub.s32 $0x0, v3;
	vm0 =	vlt.s32 v2, $0x7F  }
0x52b: {  	v3 =	vbroadcast v3, $0x0;
	v2 =	vnsel vm0, $0x7F, v2  }
0x52c: {  	v2 =	vadd.s32 $0x7F, v2  }
0x52d: {  	v3 =	vadd.s32 v3, v1  }
0x52e: {  	vm0 =	vgt.s32 v3, $0xFFFFFF81  }
0x52f: {  	s21 =	simm.s32 $0x20;
	v3 =	vnsel vm0, $0xFFFFFF81, v3  }
0x530: {  	v4 =	vmov s21;
	vm0 =	vlt.s32 v3, $0x7F  }
0x531: {  	v4 =	vsub.s32 $0x0, v4;
	v3 =	vnsel vm0, $0x7F, v3;
	v2 =	vld.idx.msk [tilespmem:v2+s2+$0x0], $0xffff  }
0x532: {  	v4 =	vbroadcast v4, $0x0;
	v5 =	vadd.s32 $0x7F, v3;
	_ =	sdelay $0x1  }
0x533: {  	s30 =	sand.u32 $0x70, s19;
	s31 =	sand.u32 $0x7C00, s19;
	v3 =	vadd.s32 v4, v1  }
0x534: {  	s4 =	sor.u32 s30, s31;
	vm0 =	vgt.s32 v3, $0xFFFFFF81  }
0x535: {  	s22 =	simm.s32 $0x30;
	v3 =	vnsel vm0, $0xFFFFFF81, v3;
	[tilespmem:s4+$0x7F00] =	vst v2  }
0x536: {  	s23 =	simm.s32 $0x40;
	v4 =	vmov s22;
	vm0 =	vlt.s32 v3, $0x7F;
	v2 =	vld.idx.msk [tilespmem:v5+s2+$0x0], $0xffff  }
.LBB2_62:
0x537: {  	p0 =	seq.s32 s23, $0xF70;
	v4 =	vsub.s32 $0x0, v4;
	v3 =	vnsel vm0, $0x7F, v3  }
0x538: {  	v4 =	vbroadcast v4, $0x0;
	v5 =	vadd.s32 $0x7F, v3  }
.Ltmp30:
0x539: {  	s19 =	sadd.s32 $0x80, s19;
	(pc) =	sbr.rel @!p0 .LBB2_62-.Ltmp30, $4  }
0x53a: {  	s4 =	sand.u32 $0x70, s20;
	s20 =	smov.u32 s21;
	s5 =	sand.u32 $0x7C00, s19;
	v3 =	vadd.s32 v4, v1  }
0x53b: {  	s21 =	smov.u32 s22;
	s22 =	smov.u32 s23;
	s4 =	sor.u32 s4, s5;
	vm0 =	vgt.s32 v3, $0xFFFFFF81  }
0x53c: {  	v3 =	vnsel vm0, $0xFFFFFF81, v3;
	[tilespmem:s4+$0x7F00] =	vst v2  }
0x53d: {  	s23 =	sadd.s32 $0x10, s23;
	v4 =	vmov s22;
	vm0 =	vlt.s32 v3, $0x7F;
	v2 =	vld.idx.msk [tilespmem:v5+s2+$0x0], $0xffff  }
0x53e: {  	v4 =	vsub.s32 $0x0, v4  }
0x53f: {  	v3 =	vnsel vm0, $0x7F, v3;
	v4 =	vbroadcast v4, $0x0  }
0x540: {  	v3 =	vadd.s32 $0x7F, v3  }
0x541: {  	s4 =	sadd.s32 $0x80, s19;
	v1 =	vadd.s32 v4, v1  }
0x542: {  	s5 =	sand.u32 $0x70, s20;
	s10 =	sand.u32 $0x7C00, s4;
	vm0 =	vgt.s32 v1, $0xFFFFFF81  }
0x543: {  	s5 =	sor.u32 s5, s10;
	v1 =	vnsel vm0, $0xFFFFFF81, v1  }
0x544: {  	[tilespmem:s5+$0x7F00] =	vst v2;
	vm0 =	vlt.s32 v1, $0x7F  }
0x545: {  	v2 =	vld.idx.msk [tilespmem:v3+s2+$0x0], $0xffff;
	v1 =	vnsel vm0, $0x7F, v1  }
0x546: {  	v1 =	vadd.s32 $0x7F, v1  }
0x547: {  	s4 =	sadd.s32 $0x80, s4  }
0x548: {  	s26 =	sand.u32 $0x70, s21;
	s28 =	sand.u32 $0x7C00, s4  }
0x549: {  	s5 =	sor.u32 s26, s28  }
0x54a: {  	[tilespmem:s5+$0x7F00] =	vst v2  }
0x54b: {  	v1 =	vld.idx.msk [tilespmem:v1+s2+$0x0], $0xffff  }
0x54c: {  	s19 =	simm.s32 $0x0  }
0x54d: {  	s4 =	sadd.s32 $0x80, s4;
	v2 =	vmov s19  }
0x54e: {  	s29 =	sand.u32 $0x70, s22;
	s4 =	sand.u32 $0x7C00, s4;
	v2 =	vsub.s32 $0x0, v2  }
0x54f: {  	s4 =	sor.u32 s29, s4;
	v2 =	vbroadcast v2, $0x0  }
0x550: {  	[tilespmem:s4+$0x7F00] =	vst v1;
	v1 =	vadd.s32 v0, v28  }
0x551: {  	v2 =	vadd.s32 v2, v1  }
0x552: {  	s20 =	simm.s32 $0x10;
	vm0 =	vgt.s32 v2, $0xFFFFFF81  }
0x553: {  	v3 =	vmov s20;
	v2 =	vnsel vm0, $0xFFFFFF81, v2  }
0x554: {  	v3 =	vsub.s32 $0x0, v3;
	vm0 =	vlt.s32 v2, $0x7F  }
0x555: {  	v3 =	vbroadcast v3, $0x0;
	v2 =	vnsel vm0, $0x7F, v2  }
0x556: {  	v2 =	vadd.s32 $0x7F, v2  }
0x557: {  	v3 =	vadd.s32 v3, v1  }
0x558: {  	vm0 =	vgt.s32 v3, $0xFFFFFF81  }
0x559: {  	s21 =	simm.s32 $0x20;
	v3 =	vnsel vm0, $0xFFFFFF81, v3  }
0x55a: {  	v4 =	vmov s21;
	vm0 =	vlt.s32 v3, $0x7F  }
0x55b: {  	v4 =	vsub.s32 $0x0, v4;
	v3 =	vnsel vm0, $0x7F, v3;
	v2 =	vld.idx.msk [tilespmem:v2+s2+$0x0], $0xffff  }
0x55c: {  	v4 =	vbroadcast v4, $0x0;
	v5 =	vadd.s32 $0x7F, v3;
	_ =	sdelay $0x1  }
0x55d: {  	s30 =	sand.u32 $0x70, s19;
	s31 =	sand.u32 $0x7C00, s19;
	v3 =	vadd.s32 v4, v1  }
0x55e: {  	s4 =	sor.u32 s30, s31;
	vm0 =	vgt.s32 v3, $0xFFFFFF81  }
0x55f: {  	s22 =	simm.s32 $0x30;
	v3 =	vnsel vm0, $0xFFFFFF81, v3;
	[tilespmem:s4+$0x7F80] =	vst v2  }
0x560: {  	s23 =	simm.s32 $0x40;
	v4 =	vmov s22;
	vm0 =	vlt.s32 v3, $0x7F;
	v2 =	vld.idx.msk [tilespmem:v5+s2+$0x0], $0xffff  }
.LBB2_64:
0x561: {  	p0 =	seq.s32 s23, $0xF70;
	v4 =	vsub.s32 $0x0, v4;
	v3 =	vnsel vm0, $0x7F, v3  }
0x562: {  	v4 =	vbroadcast v4, $0x0;
	v5 =	vadd.s32 $0x7F, v3  }
.Ltmp31:
0x563: {  	s19 =	sadd.s32 $0x80, s19;
	(pc) =	sbr.rel @!p0 .LBB2_64-.Ltmp31, $4  }
0x564: {  	s4 =	sand.u32 $0x70, s20;
	s20 =	smov.u32 s21;
	s5 =	sand.u32 $0x7C00, s19;
	v3 =	vadd.s32 v4, v1  }
0x565: {  	s21 =	smov.u32 s22;
	s22 =	smov.u32 s23;
	s4 =	sor.u32 s4, s5;
	vm0 =	vgt.s32 v3, $0xFFFFFF81  }
0x566: {  	v3 =	vnsel vm0, $0xFFFFFF81, v3;
	[tilespmem:s4+$0x7F80] =	vst v2  }
0x567: {  	s23 =	sadd.s32 $0x10, s23;
	v4 =	vmov s22;
	vm0 =	vlt.s32 v3, $0x7F;
	v2 =	vld.idx.msk [tilespmem:v5+s2+$0x0], $0xffff  }
0x568: {  	v4 =	vsub.s32 $0x0, v4  }
0x569: {  	v3 =	vnsel vm0, $0x7F, v3;
	v4 =	vbroadcast v4, $0x0  }
0x56a: {  	v3 =	vadd.s32 $0x7F, v3  }
0x56b: {  	s4 =	sadd.s32 $0x80, s19;
	v1 =	vadd.s32 v4, v1  }
0x56c: {  	s5 =	sand.u32 $0x70, s20;
	s10 =	sand.u32 $0x7C00, s4;
	vm0 =	vgt.s32 v1, $0xFFFFFF81  }
0x56d: {  	s5 =	sor.u32 s5, s10;
	v1 =	vnsel vm0, $0xFFFFFF81, v1  }
0x56e: {  	[tilespmem:s5+$0x7F80] =	vst v2;
	vm0 =	vlt.s32 v1, $0x7F  }
0x56f: {  	v2 =	vld.idx.msk [tilespmem:v3+s2+$0x0], $0xffff;
	v1 =	vnsel vm0, $0x7F, v1  }
0x570: {  	v1 =	vadd.s32 $0x7F, v1  }
0x571: {  	s4 =	sadd.s32 $0x80, s4  }
0x572: {  	s26 =	sand.u32 $0x70, s21;
	s28 =	sand.u32 $0x7C00, s4  }
0x573: {  	s5 =	sor.u32 s26, s28  }
0x574: {  	[tilespmem:s5+$0x7F80] =	vst v2  }
0x575: {  	v1 =	vld.idx.msk [tilespmem:v1+s2+$0x0], $0xffff  }
0x576: {  	s19 =	simm.s32 $0x0  }
0x577: {  	s4 =	sadd.s32 $0x80, s4;
	v2 =	vmov s19  }
0x578: {  	s29 =	sand.u32 $0x70, s22;
	s4 =	sand.u32 $0x7C00, s4;
	v2 =	vsub.s32 $0x0, v2  }
0x579: {  	s4 =	sor.u32 s29, s4;
	v2 =	vbroadcast v2, $0x0  }
0x57a: {  	[tilespmem:s4+$0x7F80] =	vst v1;
	v1 =	vadd.s32 v0, v29  }
0x57b: {  	v2 =	vadd.s32 v2, v1  }
0x57c: {  	s20 =	simm.s32 $0x10;
	vm0 =	vgt.s32 v2, $0xFFFFFF81  }
0x57d: {  	v3 =	vmov s20;
	v2 =	vnsel vm0, $0xFFFFFF81, v2  }
0x57e: {  	v3 =	vsub.s32 $0x0, v3;
	vm0 =	vlt.s32 v2, $0x7F  }
0x57f: {  	v3 =	vbroadcast v3, $0x0;
	v2 =	vnsel vm0, $0x7F, v2  }
0x580: {  	v2 =	vadd.s32 $0x7F, v2  }
0x581: {  	v3 =	vadd.s32 v3, v1  }
0x582: {  	vm0 =	vgt.s32 v3, $0xFFFFFF81  }
0x583: {  	s21 =	simm.s32 $0x20;
	v3 =	vnsel vm0, $0xFFFFFF81, v3  }
0x584: {  	v4 =	vmov s21;
	vm0 =	vlt.s32 v3, $0x7F  }
0x585: {  	v4 =	vsub.s32 $0x0, v4;
	v3 =	vnsel vm0, $0x7F, v3;
	v2 =	vld.idx.msk [tilespmem:v2+s2+$0x0], $0xffff  }
0x586: {  	v4 =	vbroadcast v4, $0x0;
	v5 =	vadd.s32 $0x7F, v3;
	_ =	sdelay $0x1  }
0x587: {  	s30 =	sand.u32 $0x70, s19;
	s31 =	sand.u32 $0x7C00, s19;
	v3 =	vadd.s32 v4, v1  }
0x588: {  	s4 =	sor.u32 s30, s31;
	vm0 =	vgt.s32 v3, $0xFFFFFF81  }
0x589: {  	s22 =	simm.s32 $0x30;
	v3 =	vnsel vm0, $0xFFFFFF81, v3;
	[tilespmem:s4+$0x8000] =	vst v2  }
0x58a: {  	s23 =	simm.s32 $0x40;
	v4 =	vmov s22;
	vm0 =	vlt.s32 v3, $0x7F;
	v2 =	vld.idx.msk [tilespmem:v5+s2+$0x0], $0xffff  }
.LBB2_66:
0x58b: {  	p0 =	seq.s32 s23, $0xF70;
	v4 =	vsub.s32 $0x0, v4;
	v3 =	vnsel vm0, $0x7F, v3  }
0x58c: {  	v4 =	vbroadcast v4, $0x0;
	v5 =	vadd.s32 $0x7F, v3  }
.Ltmp32:
0x58d: {  	s19 =	sadd.s32 $0x80, s19;
	(pc) =	sbr.rel @!p0 .LBB2_66-.Ltmp32, $4  }
0x58e: {  	s4 =	sand.u32 $0x70, s20;
	s20 =	smov.u32 s21;
	s5 =	sand.u32 $0x7C00, s19;
	v3 =	vadd.s32 v4, v1  }
0x58f: {  	s21 =	smov.u32 s22;
	s22 =	smov.u32 s23;
	s4 =	sor.u32 s4, s5;
	vm0 =	vgt.s32 v3, $0xFFFFFF81  }
0x590: {  	v3 =	vnsel vm0, $0xFFFFFF81, v3;
	[tilespmem:s4+$0x8000] =	vst v2  }
0x591: {  	s23 =	sadd.s32 $0x10, s23;
	v4 =	vmov s22;
	vm0 =	vlt.s32 v3, $0x7F;
	v2 =	vld.idx.msk [tilespmem:v5+s2+$0x0], $0xffff  }
0x592: {  	v4 =	vsub.s32 $0x0, v4  }
0x593: {  	v3 =	vnsel vm0, $0x7F, v3;
	v4 =	vbroadcast v4, $0x0  }
0x594: {  	v3 =	vadd.s32 $0x7F, v3  }
0x595: {  	s4 =	sadd.s32 $0x80, s19;
	v1 =	vadd.s32 v4, v1  }
0x596: {  	s5 =	sand.u32 $0x70, s20;
	s10 =	sand.u32 $0x7C00, s4;
	vm0 =	vgt.s32 v1, $0xFFFFFF81  }
0x597: {  	s5 =	sor.u32 s5, s10;
	v1 =	vnsel vm0, $0xFFFFFF81, v1  }
0x598: {  	[tilespmem:s5+$0x8000] =	vst v2;
	vm0 =	vlt.s32 v1, $0x7F  }
0x599: {  	v2 =	vld.idx.msk [tilespmem:v3+s2+$0x0], $0xffff;
	v1 =	vnsel vm0, $0x7F, v1  }
0x59a: {  	v1 =	vadd.s32 $0x7F, v1  }
0x59b: {  	s4 =	sadd.s32 $0x80, s4  }
0x59c: {  	s26 =	sand.u32 $0x70, s21;
	s28 =	sand.u32 $0x7C00, s4  }
0x59d: {  	s5 =	sor.u32 s26, s28  }
0x59e: {  	[tilespmem:s5+$0x8000] =	vst v2  }
0x59f: {  	v1 =	vld.idx.msk [tilespmem:v1+s2+$0x0], $0xffff  }
0x5a0: {  	s19 =	simm.s32 $0x0  }
0x5a1: {  	s4 =	sadd.s32 $0x80, s4;
	v2 =	vmov s19  }
0x5a2: {  	s29 =	sand.u32 $0x70, s22;
	s4 =	sand.u32 $0x7C00, s4;
	v2 =	vsub.s32 $0x0, v2  }
0x5a3: {  	s4 =	sor.u32 s29, s4;
	v2 =	vbroadcast v2, $0x0  }
0x5a4: {  	[tilespmem:s4+$0x8000] =	vst v1;
	v1 =	vadd.s32 v0, v30  }
0x5a5: {  	v2 =	vadd.s32 v2, v1  }
0x5a6: {  	s20 =	simm.s32 $0x10;
	vm0 =	vgt.s32 v2, $0xFFFFFF81  }
0x5a7: {  	v3 =	vmov s20;
	v2 =	vnsel vm0, $0xFFFFFF81, v2  }
0x5a8: {  	v3 =	vsub.s32 $0x0, v3;
	vm0 =	vlt.s32 v2, $0x7F  }
0x5a9: {  	v3 =	vbroadcast v3, $0x0;
	v2 =	vnsel vm0, $0x7F, v2  }
0x5aa: {  	v2 =	vadd.s32 $0x7F, v2  }
0x5ab: {  	v3 =	vadd.s32 v3, v1  }
0x5ac: {  	vm0 =	vgt.s32 v3, $0xFFFFFF81  }
0x5ad: {  	s21 =	simm.s32 $0x20;
	v3 =	vnsel vm0, $0xFFFFFF81, v3  }
0x5ae: {  	v4 =	vmov s21;
	vm0 =	vlt.s32 v3, $0x7F  }
0x5af: {  	v4 =	vsub.s32 $0x0, v4;
	v3 =	vnsel vm0, $0x7F, v3;
	v2 =	vld.idx.msk [tilespmem:v2+s2+$0x0], $0xffff  }
0x5b0: {  	v4 =	vbroadcast v4, $0x0;
	v5 =	vadd.s32 $0x7F, v3;
	_ =	sdelay $0x1  }
0x5b1: {  	s30 =	sand.u32 $0x70, s19;
	s31 =	sand.u32 $0x7C00, s19;
	v3 =	vadd.s32 v4, v1  }
0x5b2: {  	s4 =	sor.u32 s30, s31;
	vm0 =	vgt.s32 v3, $0xFFFFFF81  }
0x5b3: {  	s22 =	simm.s32 $0x30;
	v3 =	vnsel vm0, $0xFFFFFF81, v3;
	[tilespmem:s4+$0x8080] =	vst v2  }
0x5b4: {  	s23 =	simm.s32 $0x40;
	v4 =	vmov s22;
	vm0 =	vlt.s32 v3, $0x7F;
	v2 =	vld.idx.msk [tilespmem:v5+s2+$0x0], $0xffff  }
.LBB2_68:
0x5b5: {  	p0 =	seq.s32 s23, $0xF70;
	v4 =	vsub.s32 $0x0, v4;
	v3 =	vnsel vm0, $0x7F, v3  }
0x5b6: {  	v4 =	vbroadcast v4, $0x0;
	v5 =	vadd.s32 $0x7F, v3  }
.Ltmp33:
0x5b7: {  	s19 =	sadd.s32 $0x80, s19;
	(pc) =	sbr.rel @!p0 .LBB2_68-.Ltmp33, $4  }
0x5b8: {  	s4 =	sand.u32 $0x70, s20;
	s20 =	smov.u32 s21;
	s5 =	sand.u32 $0x7C00, s19;
	v3 =	vadd.s32 v4, v1  }
0x5b9: {  	s21 =	smov.u32 s22;
	s22 =	smov.u32 s23;
	s4 =	sor.u32 s4, s5;
	vm0 =	vgt.s32 v3, $0xFFFFFF81  }
0x5ba: {  	v3 =	vnsel vm0, $0xFFFFFF81, v3;
	[tilespmem:s4+$0x8080] =	vst v2  }
0x5bb: {  	s23 =	sadd.s32 $0x10, s23;
	v4 =	vmov s22;
	vm0 =	vlt.s32 v3, $0x7F;
	v2 =	vld.idx.msk [tilespmem:v5+s2+$0x0], $0xffff  }
0x5bc: {  	v4 =	vsub.s32 $0x0, v4  }
0x5bd: {  	v3 =	vnsel vm0, $0x7F, v3;
	v4 =	vbroadcast v4, $0x0  }
0x5be: {  	v3 =	vadd.s32 $0x7F, v3  }
0x5bf: {  	s4 =	sadd.s32 $0x80, s19;
	v1 =	vadd.s32 v4, v1  }
0x5c0: {  	s5 =	sand.u32 $0x70, s20;
	s10 =	sand.u32 $0x7C00, s4;
	vm0 =	vgt.s32 v1, $0xFFFFFF81  }
0x5c1: {  	s5 =	sor.u32 s5, s10;
	v1 =	vnsel vm0, $0xFFFFFF81, v1  }
0x5c2: {  	[tilespmem:s5+$0x8080] =	vst v2;
	vm0 =	vlt.s32 v1, $0x7F  }
0x5c3: {  	v2 =	vld.idx.msk [tilespmem:v3+s2+$0x0], $0xffff;
	v1 =	vnsel vm0, $0x7F, v1  }
0x5c4: {  	v1 =	vadd.s32 $0x7F, v1  }
0x5c5: {  	s4 =	sadd.s32 $0x80, s4  }
0x5c6: {  	s23 =	sand.u32 $0x70, s21;
	s25 =	sand.u32 $0x7C00, s4  }
0x5c7: {  	s5 =	sor.u32 s23, s25  }
0x5c8: {  	[tilespmem:s5+$0x8080] =	vst v2  }
0x5c9: {  	v1 =	vld.idx.msk [tilespmem:v1+s2+$0x0], $0xffff  }
0x5ca: {  	s19 =	simm.s32 $0x0  }
0x5cb: {  	s4 =	sadd.s32 $0x80, s4;
	v2 =	vmov s19  }
0x5cc: {  	s26 =	sand.u32 $0x70, s22;
	s4 =	sand.u32 $0x7C00, s4;
	v2 =	vsub.s32 $0x0, v2  }
0x5cd: {  	s4 =	sor.u32 s26, s4;
	v2 =	vbroadcast v2, $0x0  }
0x5ce: {  	[tilespmem:s4+$0x8080] =	vst v1;
	v1 =	vadd.s32 v0, v31  }
0x5cf: {  	v2 =	vadd.s32 v2, v1  }
0x5d0: {  	s28 =	simm.s32 $0x10;
	vm0 =	vgt.s32 v2, $0xFFFFFF81  }
0x5d1: {  	v3 =	vmov s28;
	v2 =	vnsel vm0, $0xFFFFFF81, v2  }
0x5d2: {  	v3 =	vsub.s32 $0x0, v3;
	vm0 =	vlt.s32 v2, $0x7F  }
0x5d3: {  	v3 =	vbroadcast v3, $0x0;
	v2 =	vnsel vm0, $0x7F, v2  }
0x5d4: {  	v2 =	vadd.s32 $0x7F, v2  }
0x5d5: {  	v3 =	vadd.s32 v3, v1  }
0x5d6: {  	vm0 =	vgt.s32 v3, $0xFFFFFF81  }
0x5d7: {  	s29 =	simm.s32 $0x20;
	v3 =	vnsel vm0, $0xFFFFFF81, v3  }
0x5d8: {  	v4 =	vmov s29;
	vm0 =	vlt.s32 v3, $0x7F  }
0x5d9: {  	v4 =	vsub.s32 $0x0, v4;
	v3 =	vnsel vm0, $0x7F, v3;
	v2 =	vld.idx.msk [tilespmem:v2+s2+$0x0], $0xffff  }
0x5da: {  	s30 =	sand.u32 $0x7, s19;
	v4 =	vbroadcast v4, $0x0;
	v5 =	vadd.s32 $0x7F, v3  }
0x5db: {  	s4 =	sshll.u32 s30, $0x4  }
0x5dc: {  	s4 =	sadd.s32 $0x0, s4;
	v3 =	vadd.s32 v4, v1  }
0x5dd: {  	s4 =	sor.u32 $0x380, s4;
	vm0 =	vgt.s32 v3, $0xFFFFFF81  }
0x5de: {  	s31 =	simm.s32 $0x30;
	v3 =	vnsel vm0, $0xFFFFFF81, v3;
	[tilespmem:s4+$0x7D80] =	vst v2  }
0x5df: {  	s21 =	simm.s32 $0x40;
	s20 =	simm.s32 $0x0;
	v4 =	vmov s31;
	vm0 =	vlt.s32 v3, $0x7F;
	v2 =	vld.idx.msk [tilespmem:v5+s2+$0x0], $0xffff  }
.LBB2_70:
0x5e0: {  	p0 =	sne.s32 s21, $0xF70;
	v4 =	vsub.s32 $0x0, v4;
	v3 =	vnsel vm0, $0x7F, v3;
	s19 =	sadd.s32 $0x1, s19  }
0x5e1: {  	v4 =	vbroadcast v4, $0x0;
	v5 =	vadd.s32 $0x7F, v3;
	s4 =	sand.u32 $0x7, s19  }
.Ltmp34:
0x5e2: {  	s20 =	sadd.s32 $0x80, s20;
	s4 =	sshll.u32 s4, $0x4;
	(pc) =	sbr.rel @p0 .LBB2_70-.Ltmp34, $4  }
0x5e3: {  	v3 =	vadd.s32 v4, v1;
	s4 =	sadd.s32 s4, s20  }
0x5e4: {  	vm0 =	vgt.s32 v3, $0xFFFFFF81;
	s4 =	sor.u32 $0x380, s4  }
0x5e5: {  	v3 =	vnsel vm0, $0xFFFFFF81, v3;
	[tilespmem:s4+$0x7D80] =	vst v2  }
0x5e6: {  	v4 =	vmov s21;
	s21 =	sadd.s32 $0x10, s21;
	vm0 =	vlt.s32 v3, $0x7F;
	v2 =	vld.idx.msk [tilespmem:v5+s2+$0x0], $0xffff  }
0x5e7: {  	v4 =	vsub.s32 $0x0, v4  }
0x5e8: {  	v3 =	vnsel vm0, $0x7F, v3;
	s4 =	sadd.s32 $0x1, s19;
	v4 =	vbroadcast v4, $0x0  }
0x5e9: {  	v3 =	vadd.s32 $0x7F, v3;
	s5 =	sand.u32 $0x7, s4  }
0x5ea: {  	s10 =	sadd.s32 $0x80, s20;
	s5 =	sshll.u32 s5, $0x4;
	v1 =	vadd.s32 v4, v1  }
0x5eb: {  	s5 =	sadd.s32 s5, s10;
	vm15 =	vgt.s32 v1, $0xFFFFFF81  }
0x5ec: {  	s5 =	sor.u32 $0x380, s5;
	v1 =	vnsel vm15, $0xFFFFFF81, v1  }
0x5ed: {  	[tilespmem:s5+$0x7D80] =	vst v2;
	vm0 =	vlt.s32 v1, $0x7F  }
0x5ee: {  	s4 =	sadd.s32 $0x1, s4;
	v2 =	vld.idx.msk [tilespmem:v3+s2+$0x0], $0xffff;
	v1 =	vnsel vm0, $0x7F, v1  }
0x5ef: {  	s29 =	sand.u32 $0x7, s4;
	v1 =	vadd.s32 $0x7F, v1  }
0x5f0: {  	s10 =	sadd.s32 $0x80, s10;
	s5 =	sshll.u32 s29, $0x4  }
0x5f1: {  	s5 =	sadd.s32 s5, s10  }
0x5f2: {  	s5 =	sor.u32 $0x380, s5  }
0x5f3: {  	[tilespmem:s5+$0x7D80] =	vst v2  }
0x5f4: {  	s4 =	sadd.s32 $0x1, s4;
	v1 =	vld.idx.msk [tilespmem:v1+s2+$0x0], $0xffff  }
0x5f5: {  	s4 =	sand.u32 $0x7, s4  }
0x5f6: {  	s4 =	sshll.u32 s4, $0x4;
	s30 =	sadd.s32 $0x80, s10  }
0x5f7: {  	s4 =	sadd.s32 s4, s30  }
0x5f8: {  	s4 =	sor.u32 $0x380, s4  }
0x5f9: {  	s31 =	simm.s32 $0xB980;
	s19 =	simm.s32 $0xE000;
	s20 =	smov.u32 s1;
	[tilespmem:s4+$0x7D80] =	vst v1  }
0x5fa: {  	[hbm4b:s1+s2] =	stream.linear.scatter [tilespmem:s31], [sflag:$0x2], $0x4000, $0x38;
	[tilespmem:$0xF980] =	vst v63  }
.LBB2_72:
0x5fb: {  	p0 =	sne.s32 s19, $0x0  }
.Ltmp35:
0x5fc: {  	_ = 	snop;
	(pc) =	sbr.rel @p0 .LBB2_72-.Ltmp35, $4  }
0x5fd: {  	_ = 	snop  }
0x5fe: {  	s4 =	sshra.s32 s19, $0x2;
	s19 =	sadd.s32 $0xFFFFF000, s19  }
0x5ff: {  	s20 =	sadd.s32 $0x8000, s20;
	s4 =	sadd.s32 $0x7D80, s4  }
0x600: {  	[hbm4b:s20+s2] =	stream.linear.scatter [tilespmem:s4], [sflag:$0x2], $0x4000, $0x38;
	[tilespmem:$0xF980] =	vst v63  }
0x601: {  	_ =	swait.ge [sflag:s9], $0x4000  }
0x602: {  	[sflag:s9] =	ssyncset.done $0x0  }
0x603: {  	[sflag:s9] =	ssyncadd.s32 $0xFFFFC000  }
0x604: {  	_ =	swait.ge [sflag:s9], $0x4000  }
0x605: {  	[sflag:s9] =	ssyncset.done $0x0  }
0x606: {  	[sflag:s9] =	ssyncadd.s32 $0xFFFFC000  }
0x607: {  	_ =	swait.ge [sflag:s9], $0x4000  }
0x608: {  	[sflag:s9] =	ssyncset.done $0x0  }
0x609: {  	[sflag:s9] =	ssyncadd.s32 $0xFFFFC000  }
0x60a: {  	_ =	swait.ge [sflag:s9], $0x4000  }
0x60b: {  	[sflag:s9] =	ssyncset.done $0x0  }
0x60c: {  	[sflag:s9] =	ssyncadd.s32 $0xFFFFC000  }
0x60d: {  	_ =	swait.ge [sflag:s9], $0x4000  }
0x60e: {  	[sflag:s9] =	ssyncset.done $0x0  }
0x60f: {  	[sflag:s9] =	ssyncadd.s32 $0xFFFFC000  }
0x610: {  	_ =	swait.ge [sflag:s9], $0x4000  }
0x611: {  	[sflag:s9] =	ssyncset.done $0x0  }
0x612: {  	[sflag:s9] =	ssyncadd.s32 $0xFFFFC000  }
0x613: {  	_ =	swait.ge [sflag:s9], $0x4000  }
0x614: {  	[sflag:s9] =	ssyncset.done $0x0  }
0x615: {  	[sflag:s9] =	ssyncadd.s32 $0xFFFFC000  }
0x616: {  	_ =	swait.ge [sflag:s9], $0x4000  }
0x617: {  	[sflag:s9] =	ssyncset.done $0x0  }
0x618: {  	[sflag:s9] =	ssyncadd.s32 $0xFFFFC000  }
0x619: {  	_ =	swait.ge [sflag:s9], $0x4000  }
0x61a: {  	[sflag:s9] =	ssyncset.done $0x0  }
0x61b: {  	[sflag:s9] =	ssyncadd.s32 $0xFFFFC000  }
0x61c: {  	_ =	swait.ge [sflag:s9], $0x4000  }
0x61d: {  	[sflag:s9] =	ssyncset.done $0x0  }
0x61e: {  	[sflag:s9] =	ssyncadd.s32 $0xFFFFC000  }
0x61f: {  	_ =	swait.ge [sflag:s9], $0x4000  }
0x620: {  	[sflag:s9] =	ssyncset.done $0x0  }
0x621: {  	[sflag:s9] =	ssyncadd.s32 $0xFFFFC000  }
0x622: {  	s19 =	simm.s32 $0x0;
	_ =	swait.ge [sflag:s9], $0x4000  }
0x623: {  	v2 =	vmov s19;
	[sflag:s9] =	ssyncset.done $0x0  }
0x624: {  	v2 =	vsub.s32 $0x0, v2;
	[sflag:s9] =	ssyncadd.s32 $0xFFFFC000  }
0x625: {  	v2 =	vbroadcast v2, $0x0;
	_ =	swait.ge [sflag:s9], $0x4000  }
0x626: {  	v1 =	vadd.s32 v0, v32;
	[sflag:s9] =	ssyncset.done $0x0  }
0x627: {  	v2 =	vadd.s32 v2, v1;
	[sflag:s9] =	ssyncadd.s32 $0xFFFFC000  }
0x628: {  	s20 =	simm.s32 $0x10;
	vm0 =	vgt.s32 v2, $0xFFFFFF81;
	_ =	swait.ge [sflag:s9], $0x4000  }
0x629: {  	v3 =	vmov s20;
	v2 =	vnsel vm0, $0xFFFFFF81, v2;
	[sflag:s9] =	ssyncset.done $0x0  }
0x62a: {  	v3 =	vsub.s32 $0x0, v3;
	vm0 =	vlt.s32 v2, $0x7F;
	[sflag:s9] =	ssyncadd.s32 $0xFFFFC000  }
0x62b: {  	v3 =	vbroadcast v3, $0x0;
	v2 =	vnsel vm0, $0x7F, v2;
	_ =	swait.ge [sflag:s9], $0x4000  }
0x62c: {  	v2 =	vadd.s32 $0x7F, v2;
	[sflag:s9] =	ssyncset.done $0x0  }
0x62d: {  	v3 =	vadd.s32 v3, v1;
	[sflag:s9] =	ssyncadd.s32 $0xFFFFC000  }
0x62e: {  	vm0 =	vgt.s32 v3, $0xFFFFFF81;
	_ =	swait.ge [sflag:s9], $0x4000  }
0x62f: {  	s21 =	simm.s32 $0x20;
	v3 =	vnsel vm0, $0xFFFFFF81, v3;
	[sflag:s9] =	ssyncset.done $0x0  }
0x630: {  	v4 =	vmov s21;
	vm0 =	vlt.s32 v3, $0x7F;
	[sflag:s9] =	ssyncadd.s32 $0xFFFFC000  }
0x631: {  	v4 =	vsub.s32 $0x0, v4;
	v3 =	vnsel vm0, $0x7F, v3;
	v2 =	vld.idx.msk [tilespmem:v2+s2+$0x0], $0xffff  }
0x632: {  	v4 =	vbroadcast v4, $0x0;
	v5 =	vadd.s32 $0x7F, v3;
	_ =	sdelay $0x1  }
0x633: {  	s4 =	sand.u32 $0x70, s19;
	s5 =	sand.u32 $0x7C00, s19;
	v3 =	vadd.s32 v4, v1  }
0x634: {  	s4 =	sor.u32 s4, s5;
	vm0 =	vgt.s32 v3, $0xFFFFFF81  }
0x635: {  	s22 =	simm.s32 $0x30;
	v3 =	vnsel vm0, $0xFFFFFF81, v3;
	[tilespmem:s4+$0x180] =	vst v2  }
0x636: {  	s23 =	simm.s32 $0x40;
	v4 =	vmov s22;
	vm0 =	vlt.s32 v3, $0x7F;
	v2 =	vld.idx.msk [tilespmem:v5+s2+$0x0], $0xffff  }
.LBB2_74:
0x637: {  	p0 =	seq.s32 s23, $0xF70;
	v4 =	vsub.s32 $0x0, v4;
	v3 =	vnsel vm0, $0x7F, v3  }
0x638: {  	v4 =	vbroadcast v4, $0x0;
	v5 =	vadd.s32 $0x7F, v3  }
.Ltmp36:
0x639: {  	s19 =	sadd.s32 $0x80, s19;
	(pc) =	sbr.rel @!p0 .LBB2_74-.Ltmp36, $4  }
0x63a: {  	s4 =	sand.u32 $0x70, s20;
	s20 =	smov.u32 s21;
	s5 =	sand.u32 $0x7C00, s19;
	v3 =	vadd.s32 v4, v1  }
0x63b: {  	s21 =	smov.u32 s22;
	s22 =	smov.u32 s23;
	s4 =	sor.u32 s4, s5;
	vm0 =	vgt.s32 v3, $0xFFFFFF81  }
0x63c: {  	v3 =	vnsel vm0, $0xFFFFFF81, v3;
	[tilespmem:s4+$0x180] =	vst v2  }
0x63d: {  	s23 =	sadd.s32 $0x10, s23;
	v4 =	vmov s22;
	vm0 =	vlt.s32 v3, $0x7F;
	v2 =	vld.idx.msk [tilespmem:v5+s2+$0x0], $0xffff  }
0x63e: {  	v4 =	vsub.s32 $0x0, v4  }
0x63f: {  	v3 =	vnsel vm0, $0x7F, v3;
	v4 =	vbroadcast v4, $0x0  }
0x640: {  	v3 =	vadd.s32 $0x7F, v3  }
0x641: {  	s4 =	sadd.s32 $0x80, s19;
	v1 =	vadd.s32 v4, v1  }
0x642: {  	s5 =	sand.u32 $0x70, s20;
	s10 =	sand.u32 $0x7C00, s4;
	vm0 =	vgt.s32 v1, $0xFFFFFF81  }
0x643: {  	s5 =	sor.u32 s5, s10;
	v1 =	vnsel vm0, $0xFFFFFF81, v1  }
0x644: {  	[tilespmem:s5+$0x180] =	vst v2;
	vm0 =	vlt.s32 v1, $0x7F  }
0x645: {  	v2 =	vld.idx.msk [tilespmem:v3+s2+$0x0], $0xffff;
	v1 =	vnsel vm0, $0x7F, v1  }
0x646: {  	v1 =	vadd.s32 $0x7F, v1  }
0x647: {  	s4 =	sadd.s32 $0x80, s4  }
0x648: {  	s26 =	sand.u32 $0x70, s21;
	s28 =	sand.u32 $0x7C00, s4  }
0x649: {  	s5 =	sor.u32 s26, s28  }
0x64a: {  	[tilespmem:s5+$0x180] =	vst v2  }
0x64b: {  	v1 =	vld.idx.msk [tilespmem:v1+s2+$0x0], $0xffff  }
0x64c: {  	s19 =	simm.s32 $0x0  }
0x64d: {  	s4 =	sadd.s32 $0x80, s4;
	v2 =	vmov s19  }
0x64e: {  	s29 =	sand.u32 $0x70, s22;
	s4 =	sand.u32 $0x7C00, s4;
	v2 =	vsub.s32 $0x0, v2  }
0x64f: {  	s4 =	sor.u32 s29, s4;
	v2 =	vbroadcast v2, $0x0  }
0x650: {  	[tilespmem:s4+$0x180] =	vst v1;
	v1 =	vadd.s32 v0, v33  }
0x651: {  	v2 =	vadd.s32 v2, v1  }
0x652: {  	s20 =	simm.s32 $0x10;
	vm0 =	vgt.s32 v2, $0xFFFFFF81  }
0x653: {  	v3 =	vmov s20;
	v2 =	vnsel vm0, $0xFFFFFF81, v2  }
0x654: {  	v3 =	vsub.s32 $0x0, v3;
	vm0 =	vlt.s32 v2, $0x7F  }
0x655: {  	v3 =	vbroadcast v3, $0x0;
	v2 =	vnsel vm0, $0x7F, v2  }
0x656: {  	v2 =	vadd.s32 $0x7F, v2  }
0x657: {  	v3 =	vadd.s32 v3, v1  }
0x658: {  	vm0 =	vgt.s32 v3, $0xFFFFFF81  }
0x659: {  	s21 =	simm.s32 $0x20;
	v3 =	vnsel vm0, $0xFFFFFF81, v3  }
0x65a: {  	v4 =	vmov s21;
	vm0 =	vlt.s32 v3, $0x7F  }
0x65b: {  	v4 =	vsub.s32 $0x0, v4;
	v3 =	vnsel vm0, $0x7F, v3;
	v2 =	vld.idx.msk [tilespmem:v2+s2+$0x0], $0xffff  }
0x65c: {  	v4 =	vbroadcast v4, $0x0;
	v5 =	vadd.s32 $0x7F, v3;
	_ =	sdelay $0x1  }
0x65d: {  	s30 =	sand.u32 $0x70, s19;
	s31 =	sand.u32 $0x7C00, s19;
	v3 =	vadd.s32 v4, v1  }
0x65e: {  	s4 =	sor.u32 s30, s31;
	vm0 =	vgt.s32 v3, $0xFFFFFF81  }
0x65f: {  	s22 =	simm.s32 $0x30;
	v3 =	vnsel vm0, $0xFFFFFF81, v3;
	[tilespmem:s4+$0x200] =	vst v2  }
0x660: {  	s23 =	simm.s32 $0x40;
	v4 =	vmov s22;
	vm0 =	vlt.s32 v3, $0x7F;
	v2 =	vld.idx.msk [tilespmem:v5+s2+$0x0], $0xffff  }
.LBB2_76:
0x661: {  	p0 =	seq.s32 s23, $0xF70;
	v4 =	vsub.s32 $0x0, v4;
	v3 =	vnsel vm0, $0x7F, v3  }
0x662: {  	v4 =	vbroadcast v4, $0x0;
	v5 =	vadd.s32 $0x7F, v3  }
.Ltmp37:
0x663: {  	s19 =	sadd.s32 $0x80, s19;
	(pc) =	sbr.rel @!p0 .LBB2_76-.Ltmp37, $4  }
0x664: {  	s4 =	sand.u32 $0x70, s20;
	s20 =	smov.u32 s21;
	s5 =	sand.u32 $0x7C00, s19;
	v3 =	vadd.s32 v4, v1  }
0x665: {  	s21 =	smov.u32 s22;
	s22 =	smov.u32 s23;
	s4 =	sor.u32 s4, s5;
	vm0 =	vgt.s32 v3, $0xFFFFFF81  }
0x666: {  	v3 =	vnsel vm0, $0xFFFFFF81, v3;
	[tilespmem:s4+$0x200] =	vst v2  }
0x667: {  	s23 =	sadd.s32 $0x10, s23;
	v4 =	vmov s22;
	vm0 =	vlt.s32 v3, $0x7F;
	v2 =	vld.idx.msk [tilespmem:v5+s2+$0x0], $0xffff  }
0x668: {  	v4 =	vsub.s32 $0x0, v4  }
0x669: {  	v3 =	vnsel vm0, $0x7F, v3;
	v4 =	vbroadcast v4, $0x0  }
0x66a: {  	v3 =	vadd.s32 $0x7F, v3  }
0x66b: {  	s4 =	sadd.s32 $0x80, s19;
	v1 =	vadd.s32 v4, v1  }
0x66c: {  	s5 =	sand.u32 $0x70, s20;
	s10 =	sand.u32 $0x7C00, s4;
	vm0 =	vgt.s32 v1, $0xFFFFFF81  }
0x66d: {  	s5 =	sor.u32 s5, s10;
	v1 =	vnsel vm0, $0xFFFFFF81, v1  }
0x66e: {  	[tilespmem:s5+$0x200] =	vst v2;
	vm0 =	vlt.s32 v1, $0x7F  }
0x66f: {  	v2 =	vld.idx.msk [tilespmem:v3+s2+$0x0], $0xffff;
	v1 =	vnsel vm0, $0x7F, v1  }
0x670: {  	v1 =	vadd.s32 $0x7F, v1  }
0x671: {  	s4 =	sadd.s32 $0x80, s4  }
0x672: {  	s26 =	sand.u32 $0x70, s21;
	s28 =	sand.u32 $0x7C00, s4  }
0x673: {  	s5 =	sor.u32 s26, s28  }
0x674: {  	[tilespmem:s5+$0x200] =	vst v2  }
0x675: {  	v1 =	vld.idx.msk [tilespmem:v1+s2+$0x0], $0xffff  }
0x676: {  	s19 =	simm.s32 $0x0  }
0x677: {  	s4 =	sadd.s32 $0x80, s4;
	v2 =	vmov s19  }
0x678: {  	s29 =	sand.u32 $0x70, s22;
	s4 =	sand.u32 $0x7C00, s4;
	v2 =	vsub.s32 $0x0, v2  }
0x679: {  	s4 =	sor.u32 s29, s4;
	v2 =	vbroadcast v2, $0x0  }
0x67a: {  	[tilespmem:s4+$0x200] =	vst v1;
	v1 =	vadd.s32 v0, v34  }
0x67b: {  	v2 =	vadd.s32 v2, v1  }
0x67c: {  	s20 =	simm.s32 $0x10;
	vm0 =	vgt.s32 v2, $0xFFFFFF81  }
0x67d: {  	v3 =	vmov s20;
	v2 =	vnsel vm0, $0xFFFFFF81, v2  }
0x67e: {  	v3 =	vsub.s32 $0x0, v3;
	vm0 =	vlt.s32 v2, $0x7F  }
0x67f: {  	v3 =	vbroadcast v3, $0x0;
	v2 =	vnsel vm0, $0x7F, v2  }
0x680: {  	v2 =	vadd.s32 $0x7F, v2  }
0x681: {  	v3 =	vadd.s32 v3, v1  }
0x682: {  	vm0 =	vgt.s32 v3, $0xFFFFFF81  }
0x683: {  	s21 =	simm.s32 $0x20;
	v3 =	vnsel vm0, $0xFFFFFF81, v3  }
0x684: {  	v4 =	vmov s21;
	vm0 =	vlt.s32 v3, $0x7F  }
0x685: {  	v4 =	vsub.s32 $0x0, v4;
	v3 =	vnsel vm0, $0x7F, v3;
	v2 =	vld.idx.msk [tilespmem:v2+s2+$0x0], $0xffff  }
0x686: {  	v4 =	vbroadcast v4, $0x0;
	v5 =	vadd.s32 $0x7F, v3;
	_ =	sdelay $0x1  }
0x687: {  	s30 =	sand.u32 $0x70, s19;
	s31 =	sand.u32 $0x7C00, s19;
	v3 =	vadd.s32 v4, v1  }
0x688: {  	s4 =	sor.u32 s30, s31;
	vm0 =	vgt.s32 v3, $0xFFFFFF81  }
0x689: {  	s22 =	simm.s32 $0x30;
	v3 =	vnsel vm0, $0xFFFFFF81, v3;
	[tilespmem:s4+$0x280] =	vst v2  }
0x68a: {  	s23 =	simm.s32 $0x40;
	v4 =	vmov s22;
	vm0 =	vlt.s32 v3, $0x7F;
	v2 =	vld.idx.msk [tilespmem:v5+s2+$0x0], $0xffff  }
.LBB2_78:
0x68b: {  	p0 =	seq.s32 s23, $0xF70;
	v4 =	vsub.s32 $0x0, v4;
	v3 =	vnsel vm0, $0x7F, v3  }
0x68c: {  	v4 =	vbroadcast v4, $0x0;
	v5 =	vadd.s32 $0x7F, v3  }
.Ltmp38:
0x68d: {  	s19 =	sadd.s32 $0x80, s19;
	(pc) =	sbr.rel @!p0 .LBB2_78-.Ltmp38, $4  }
0x68e: {  	s4 =	sand.u32 $0x70, s20;
	s20 =	smov.u32 s21;
	s5 =	sand.u32 $0x7C00, s19;
	v3 =	vadd.s32 v4, v1  }
0x68f: {  	s21 =	smov.u32 s22;
	s22 =	smov.u32 s23;
	s4 =	sor.u32 s4, s5;
	vm0 =	vgt.s32 v3, $0xFFFFFF81  }
0x690: {  	v3 =	vnsel vm0, $0xFFFFFF81, v3;
	[tilespmem:s4+$0x280] =	vst v2  }
0x691: {  	s23 =	sadd.s32 $0x10, s23;
	v4 =	vmov s22;
	vm0 =	vlt.s32 v3, $0x7F;
	v2 =	vld.idx.msk [tilespmem:v5+s2+$0x0], $0xffff  }
0x692: {  	v4 =	vsub.s32 $0x0, v4  }
0x693: {  	v3 =	vnsel vm0, $0x7F, v3;
	v4 =	vbroadcast v4, $0x0  }
0x694: {  	v3 =	vadd.s32 $0x7F, v3  }
0x695: {  	s4 =	sadd.s32 $0x80, s19;
	v1 =	vadd.s32 v4, v1  }
0x696: {  	s5 =	sand.u32 $0x70, s20;
	s10 =	sand.u32 $0x7C00, s4;
	vm0 =	vgt.s32 v1, $0xFFFFFF81  }
0x697: {  	s5 =	sor.u32 s5, s10;
	v1 =	vnsel vm0, $0xFFFFFF81, v1  }
0x698: {  	[tilespmem:s5+$0x280] =	vst v2;
	vm0 =	vlt.s32 v1, $0x7F  }
0x699: {  	v2 =	vld.idx.msk [tilespmem:v3+s2+$0x0], $0xffff;
	v1 =	vnsel vm0, $0x7F, v1  }
0x69a: {  	v1 =	vadd.s32 $0x7F, v1  }
0x69b: {  	s4 =	sadd.s32 $0x80, s4  }
0x69c: {  	s26 =	sand.u32 $0x70, s21;
	s28 =	sand.u32 $0x7C00, s4  }
0x69d: {  	s5 =	sor.u32 s26, s28  }
0x69e: {  	[tilespmem:s5+$0x280] =	vst v2  }
0x69f: {  	v1 =	vld.idx.msk [tilespmem:v1+s2+$0x0], $0xffff  }
0x6a0: {  	s19 =	simm.s32 $0x0  }
0x6a1: {  	s4 =	sadd.s32 $0x80, s4;
	v2 =	vmov s19  }
0x6a2: {  	s29 =	sand.u32 $0x70, s22;
	s4 =	sand.u32 $0x7C00, s4;
	v2 =	vsub.s32 $0x0, v2  }
0x6a3: {  	s4 =	sor.u32 s29, s4;
	v2 =	vbroadcast v2, $0x0  }
0x6a4: {  	[tilespmem:s4+$0x280] =	vst v1;
	v1 =	vadd.s32 v0, v35  }
0x6a5: {  	v2 =	vadd.s32 v2, v1  }
0x6a6: {  	s20 =	simm.s32 $0x10;
	vm0 =	vgt.s32 v2, $0xFFFFFF81  }
0x6a7: {  	v3 =	vmov s20;
	v2 =	vnsel vm0, $0xFFFFFF81, v2  }
0x6a8: {  	v3 =	vsub.s32 $0x0, v3;
	vm0 =	vlt.s32 v2, $0x7F  }
0x6a9: {  	v3 =	vbroadcast v3, $0x0;
	v2 =	vnsel vm0, $0x7F, v2  }
0x6aa: {  	v2 =	vadd.s32 $0x7F, v2  }
0x6ab: {  	v3 =	vadd.s32 v3, v1  }
0x6ac: {  	vm0 =	vgt.s32 v3, $0xFFFFFF81  }
0x6ad: {  	s21 =	simm.s32 $0x20;
	v3 =	vnsel vm0, $0xFFFFFF81, v3  }
0x6ae: {  	v4 =	vmov s21;
	vm0 =	vlt.s32 v3, $0x7F  }
0x6af: {  	v4 =	vsub.s32 $0x0, v4;
	v3 =	vnsel vm0, $0x7F, v3;
	v2 =	vld.idx.msk [tilespmem:v2+s2+$0x0], $0xffff  }
0x6b0: {  	v4 =	vbroadcast v4, $0x0;
	v5 =	vadd.s32 $0x7F, v3;
	_ =	sdelay $0x1  }
0x6b1: {  	s30 =	sand.u32 $0x70, s19;
	s31 =	sand.u32 $0x7C00, s19;
	v3 =	vadd.s32 v4, v1  }
0x6b2: {  	s4 =	sor.u32 s30, s31;
	vm0 =	vgt.s32 v3, $0xFFFFFF81  }
0x6b3: {  	s22 =	simm.s32 $0x30;
	v3 =	vnsel vm0, $0xFFFFFF81, v3;
	[tilespmem:s4+$0x300] =	vst v2  }
0x6b4: {  	s23 =	simm.s32 $0x40;
	v4 =	vmov s22;
	vm0 =	vlt.s32 v3, $0x7F;
	v2 =	vld.idx.msk [tilespmem:v5+s2+$0x0], $0xffff  }
.LBB2_80:
0x6b5: {  	p0 =	seq.s32 s23, $0xF70;
	v4 =	vsub.s32 $0x0, v4;
	v3 =	vnsel vm0, $0x7F, v3  }
0x6b6: {  	v4 =	vbroadcast v4, $0x0;
	v5 =	vadd.s32 $0x7F, v3  }
.Ltmp39:
0x6b7: {  	s19 =	sadd.s32 $0x80, s19;
	(pc) =	sbr.rel @!p0 .LBB2_80-.Ltmp39, $4  }
0x6b8: {  	s4 =	sand.u32 $0x70, s20;
	s20 =	smov.u32 s21;
	s5 =	sand.u32 $0x7C00, s19;
	v3 =	vadd.s32 v4, v1  }
0x6b9: {  	s21 =	smov.u32 s22;
	s22 =	smov.u32 s23;
	s4 =	sor.u32 s4, s5;
	vm0 =	vgt.s32 v3, $0xFFFFFF81  }
0x6ba: {  	v3 =	vnsel vm0, $0xFFFFFF81, v3;
	[tilespmem:s4+$0x300] =	vst v2  }
0x6bb: {  	s23 =	sadd.s32 $0x10, s23;
	v4 =	vmov s22;
	vm0 =	vlt.s32 v3, $0x7F;
	v2 =	vld.idx.msk [tilespmem:v5+s2+$0x0], $0xffff  }
0x6bc: {  	v4 =	vsub.s32 $0x0, v4  }
0x6bd: {  	v3 =	vnsel vm0, $0x7F, v3;
	v4 =	vbroadcast v4, $0x0  }
0x6be: {  	v3 =	vadd.s32 $0x7F, v3  }
0x6bf: {  	s4 =	sadd.s32 $0x80, s19;
	v1 =	vadd.s32 v4, v1  }
0x6c0: {  	s5 =	sand.u32 $0x70, s20;
	s10 =	sand.u32 $0x7C00, s4;
	vm0 =	vgt.s32 v1, $0xFFFFFF81  }
0x6c1: {  	s5 =	sor.u32 s5, s10;
	v1 =	vnsel vm0, $0xFFFFFF81, v1  }
0x6c2: {  	[tilespmem:s5+$0x300] =	vst v2;
	vm0 =	vlt.s32 v1, $0x7F  }
0x6c3: {  	v2 =	vld.idx.msk [tilespmem:v3+s2+$0x0], $0xffff;
	v1 =	vnsel vm0, $0x7F, v1  }
0x6c4: {  	v1 =	vadd.s32 $0x7F, v1  }
0x6c5: {  	s4 =	sadd.s32 $0x80, s4  }
0x6c6: {  	s26 =	sand.u32 $0x70, s21;
	s28 =	sand.u32 $0x7C00, s4  }
0x6c7: {  	s5 =	sor.u32 s26, s28  }
0x6c8: {  	[tilespmem:s5+$0x300] =	vst v2  }
0x6c9: {  	v1 =	vld.idx.msk [tilespmem:v1+s2+$0x0], $0xffff  }
0x6ca: {  	s19 =	simm.s32 $0x0  }
0x6cb: {  	s4 =	sadd.s32 $0x80, s4;
	v2 =	vmov s19  }
0x6cc: {  	s29 =	sand.u32 $0x70, s22;
	s4 =	sand.u32 $0x7C00, s4;
	v2 =	vsub.s32 $0x0, v2  }
0x6cd: {  	s4 =	sor.u32 s29, s4;
	v2 =	vbroadcast v2, $0x0  }
0x6ce: {  	[tilespmem:s4+$0x300] =	vst v1;
	v1 =	vadd.s32 v0, v36  }
0x6cf: {  	v2 =	vadd.s32 v2, v1  }
0x6d0: {  	s20 =	simm.s32 $0x10;
	vm0 =	vgt.s32 v2, $0xFFFFFF81  }
0x6d1: {  	v3 =	vmov s20;
	v2 =	vnsel vm0, $0xFFFFFF81, v2  }
0x6d2: {  	v3 =	vsub.s32 $0x0, v3;
	vm0 =	vlt.s32 v2, $0x7F  }
0x6d3: {  	v3 =	vbroadcast v3, $0x0;
	v2 =	vnsel vm0, $0x7F, v2  }
0x6d4: {  	v2 =	vadd.s32 $0x7F, v2  }
0x6d5: {  	v3 =	vadd.s32 v3, v1  }
0x6d6: {  	vm0 =	vgt.s32 v3, $0xFFFFFF81  }
0x6d7: {  	s21 =	simm.s32 $0x20;
	v3 =	vnsel vm0, $0xFFFFFF81, v3  }
0x6d8: {  	v4 =	vmov s21;
	vm0 =	vlt.s32 v3, $0x7F  }
0x6d9: {  	v4 =	vsub.s32 $0x0, v4;
	v3 =	vnsel vm0, $0x7F, v3;
	v2 =	vld.idx.msk [tilespmem:v2+s2+$0x0], $0xffff  }
0x6da: {  	v4 =	vbroadcast v4, $0x0;
	v5 =	vadd.s32 $0x7F, v3;
	_ =	sdelay $0x1  }
0x6db: {  	s30 =	sand.u32 $0x70, s19;
	s31 =	sand.u32 $0x7C00, s19;
	v3 =	vadd.s32 v4, v1  }
0x6dc: {  	s4 =	sor.u32 s30, s31;
	vm0 =	vgt.s32 v3, $0xFFFFFF81  }
0x6dd: {  	s22 =	simm.s32 $0x30;
	v3 =	vnsel vm0, $0xFFFFFF81, v3;
	[tilespmem:s4+$0x380] =	vst v2  }
0x6de: {  	s23 =	simm.s32 $0x40;
	v4 =	vmov s22;
	vm0 =	vlt.s32 v3, $0x7F;
	v2 =	vld.idx.msk [tilespmem:v5+s2+$0x0], $0xffff  }
.LBB2_82:
0x6df: {  	p0 =	seq.s32 s23, $0xF70;
	v4 =	vsub.s32 $0x0, v4;
	v3 =	vnsel vm0, $0x7F, v3  }
0x6e0: {  	v4 =	vbroadcast v4, $0x0;
	v5 =	vadd.s32 $0x7F, v3  }
.Ltmp40:
0x6e1: {  	s19 =	sadd.s32 $0x80, s19;
	(pc) =	sbr.rel @!p0 .LBB2_82-.Ltmp40, $4  }
0x6e2: {  	s4 =	sand.u32 $0x70, s20;
	s20 =	smov.u32 s21;
	s5 =	sand.u32 $0x7C00, s19;
	v3 =	vadd.s32 v4, v1  }
0x6e3: {  	s21 =	smov.u32 s22;
	s22 =	smov.u32 s23;
	s4 =	sor.u32 s4, s5;
	vm0 =	vgt.s32 v3, $0xFFFFFF81  }
0x6e4: {  	v3 =	vnsel vm0, $0xFFFFFF81, v3;
	[tilespmem:s4+$0x380] =	vst v2  }
0x6e5: {  	s23 =	sadd.s32 $0x10, s23;
	v4 =	vmov s22;
	vm0 =	vlt.s32 v3, $0x7F;
	v2 =	vld.idx.msk [tilespmem:v5+s2+$0x0], $0xffff  }
0x6e6: {  	v4 =	vsub.s32 $0x0, v4  }
0x6e7: {  	v3 =	vnsel vm0, $0x7F, v3;
	v4 =	vbroadcast v4, $0x0  }
0x6e8: {  	v3 =	vadd.s32 $0x7F, v3  }
0x6e9: {  	s4 =	sadd.s32 $0x80, s19;
	v1 =	vadd.s32 v4, v1  }
0x6ea: {  	s5 =	sand.u32 $0x70, s20;
	s10 =	sand.u32 $0x7C00, s4;
	vm0 =	vgt.s32 v1, $0xFFFFFF81  }
0x6eb: {  	s5 =	sor.u32 s5, s10;
	v1 =	vnsel vm0, $0xFFFFFF81, v1  }
0x6ec: {  	[tilespmem:s5+$0x380] =	vst v2;
	vm0 =	vlt.s32 v1, $0x7F  }
0x6ed: {  	v2 =	vld.idx.msk [tilespmem:v3+s2+$0x0], $0xffff;
	v1 =	vnsel vm0, $0x7F, v1  }
0x6ee: {  	v1 =	vadd.s32 $0x7F, v1  }
0x6ef: {  	s4 =	sadd.s32 $0x80, s4  }
0x6f0: {  	s26 =	sand.u32 $0x70, s21;
	s28 =	sand.u32 $0x7C00, s4  }
0x6f1: {  	s5 =	sor.u32 s26, s28  }
0x6f2: {  	[tilespmem:s5+$0x380] =	vst v2  }
0x6f3: {  	v1 =	vld.idx.msk [tilespmem:v1+s2+$0x0], $0xffff  }
0x6f4: {  	s19 =	simm.s32 $0x0  }
0x6f5: {  	s4 =	sadd.s32 $0x80, s4;
	v2 =	vmov s19  }
0x6f6: {  	s29 =	sand.u32 $0x70, s22;
	s4 =	sand.u32 $0x7C00, s4;
	v2 =	vsub.s32 $0x0, v2  }
0x6f7: {  	s4 =	sor.u32 s29, s4;
	v2 =	vbroadcast v2, $0x0  }
0x6f8: {  	[tilespmem:s4+$0x380] =	vst v1;
	v1 =	vadd.s32 v0, v37  }
0x6f9: {  	v2 =	vadd.s32 v2, v1  }
0x6fa: {  	s20 =	simm.s32 $0x10;
	vm0 =	vgt.s32 v2, $0xFFFFFF81  }
0x6fb: {  	v3 =	vmov s20;
	v2 =	vnsel vm0, $0xFFFFFF81, v2  }
0x6fc: {  	v3 =	vsub.s32 $0x0, v3;
	vm0 =	vlt.s32 v2, $0x7F  }
0x6fd: {  	v3 =	vbroadcast v3, $0x0;
	v2 =	vnsel vm0, $0x7F, v2  }
0x6fe: {  	v2 =	vadd.s32 $0x7F, v2  }
0x6ff: {  	v3 =	vadd.s32 v3, v1  }
0x700: {  	vm0 =	vgt.s32 v3, $0xFFFFFF81  }
0x701: {  	s21 =	simm.s32 $0x20;
	v3 =	vnsel vm0, $0xFFFFFF81, v3  }
0x702: {  	v4 =	vmov s21;
	vm0 =	vlt.s32 v3, $0x7F  }
0x703: {  	v4 =	vsub.s32 $0x0, v4;
	v3 =	vnsel vm0, $0x7F, v3;
	v2 =	vld.idx.msk [tilespmem:v2+s2+$0x0], $0xffff  }
0x704: {  	v4 =	vbroadcast v4, $0x0;
	v5 =	vadd.s32 $0x7F, v3;
	_ =	sdelay $0x1  }
0x705: {  	s30 =	sand.u32 $0x70, s19;
	s31 =	sand.u32 $0x7C00, s19;
	v3 =	vadd.s32 v4, v1  }
0x706: {  	s4 =	sor.u32 s30, s31;
	vm0 =	vgt.s32 v3, $0xFFFFFF81  }
0x707: {  	s22 =	simm.s32 $0x30;
	v3 =	vnsel vm0, $0xFFFFFF81, v3;
	[tilespmem:s4+$0x400] =	vst v2  }
0x708: {  	s23 =	simm.s32 $0x40;
	v4 =	vmov s22;
	vm0 =	vlt.s32 v3, $0x7F;
	v2 =	vld.idx.msk [tilespmem:v5+s2+$0x0], $0xffff  }
.LBB2_84:
0x709: {  	p0 =	seq.s32 s23, $0xF70;
	v4 =	vsub.s32 $0x0, v4;
	v3 =	vnsel vm0, $0x7F, v3  }
0x70a: {  	v4 =	vbroadcast v4, $0x0;
	v5 =	vadd.s32 $0x7F, v3  }
.Ltmp41:
0x70b: {  	s19 =	sadd.s32 $0x80, s19;
	(pc) =	sbr.rel @!p0 .LBB2_84-.Ltmp41, $4  }
0x70c: {  	s4 =	sand.u32 $0x70, s20;
	s20 =	smov.u32 s21;
	s5 =	sand.u32 $0x7C00, s19;
	v3 =	vadd.s32 v4, v1  }
0x70d: {  	s21 =	smov.u32 s22;
	s22 =	smov.u32 s23;
	s4 =	sor.u32 s4, s5;
	vm0 =	vgt.s32 v3, $0xFFFFFF81  }
0x70e: {  	v3 =	vnsel vm0, $0xFFFFFF81, v3;
	[tilespmem:s4+$0x400] =	vst v2  }
0x70f: {  	s23 =	sadd.s32 $0x10, s23;
	v4 =	vmov s22;
	vm0 =	vlt.s32 v3, $0x7F;
	v2 =	vld.idx.msk [tilespmem:v5+s2+$0x0], $0xffff  }
0x710: {  	v4 =	vsub.s32 $0x0, v4  }
0x711: {  	v3 =	vnsel vm0, $0x7F, v3;
	v4 =	vbroadcast v4, $0x0  }
0x712: {  	v3 =	vadd.s32 $0x7F, v3  }
0x713: {  	s4 =	sadd.s32 $0x80, s19;
	v1 =	vadd.s32 v4, v1  }
0x714: {  	s5 =	sand.u32 $0x70, s20;
	s10 =	sand.u32 $0x7C00, s4;
	vm0 =	vgt.s32 v1, $0xFFFFFF81  }
0x715: {  	s5 =	sor.u32 s5, s10;
	v1 =	vnsel vm0, $0xFFFFFF81, v1  }
0x716: {  	[tilespmem:s5+$0x400] =	vst v2;
	vm0 =	vlt.s32 v1, $0x7F  }
0x717: {  	v2 =	vld.idx.msk [tilespmem:v3+s2+$0x0], $0xffff;
	v1 =	vnsel vm0, $0x7F, v1  }
0x718: {  	v1 =	vadd.s32 $0x7F, v1  }
0x719: {  	s4 =	sadd.s32 $0x80, s4  }
0x71a: {  	s26 =	sand.u32 $0x70, s21;
	s28 =	sand.u32 $0x7C00, s4  }
0x71b: {  	s5 =	sor.u32 s26, s28  }
0x71c: {  	[tilespmem:s5+$0x400] =	vst v2  }
0x71d: {  	v1 =	vld.idx.msk [tilespmem:v1+s2+$0x0], $0xffff  }
0x71e: {  	s19 =	simm.s32 $0x0  }
0x71f: {  	s4 =	sadd.s32 $0x80, s4;
	v2 =	vmov s19  }
0x720: {  	s29 =	sand.u32 $0x70, s22;
	s4 =	sand.u32 $0x7C00, s4;
	v2 =	vsub.s32 $0x0, v2  }
0x721: {  	s4 =	sor.u32 s29, s4;
	v2 =	vbroadcast v2, $0x0  }
0x722: {  	[tilespmem:s4+$0x400] =	vst v1;
	v1 =	vadd.s32 v0, v38  }
0x723: {  	v2 =	vadd.s32 v2, v1  }
0x724: {  	s20 =	simm.s32 $0x10;
	vm0 =	vgt.s32 v2, $0xFFFFFF81  }
0x725: {  	v3 =	vmov s20;
	v2 =	vnsel vm0, $0xFFFFFF81, v2  }
0x726: {  	v3 =	vsub.s32 $0x0, v3;
	vm0 =	vlt.s32 v2, $0x7F  }
0x727: {  	v3 =	vbroadcast v3, $0x0;
	v2 =	vnsel vm0, $0x7F, v2  }
0x728: {  	v2 =	vadd.s32 $0x7F, v2  }
0x729: {  	v3 =	vadd.s32 v3, v1  }
0x72a: {  	vm0 =	vgt.s32 v3, $0xFFFFFF81  }
0x72b: {  	s21 =	simm.s32 $0x20;
	v3 =	vnsel vm0, $0xFFFFFF81, v3  }
0x72c: {  	v4 =	vmov s21;
	vm0 =	vlt.s32 v3, $0x7F  }
0x72d: {  	v4 =	vsub.s32 $0x0, v4;
	v3 =	vnsel vm0, $0x7F, v3;
	v2 =	vld.idx.msk [tilespmem:v2+s2+$0x0], $0xffff  }
0x72e: {  	v4 =	vbroadcast v4, $0x0;
	v5 =	vadd.s32 $0x7F, v3;
	_ =	sdelay $0x1  }
0x72f: {  	s30 =	sand.u32 $0x70, s19;
	s31 =	sand.u32 $0x7C00, s19;
	v3 =	vadd.s32 v4, v1  }
0x730: {  	s4 =	sor.u32 s30, s31;
	vm0 =	vgt.s32 v3, $0xFFFFFF81  }
0x731: {  	s22 =	simm.s32 $0x30;
	v3 =	vnsel vm0, $0xFFFFFF81, v3;
	[tilespmem:s4+$0x480] =	vst v2  }
0x732: {  	s23 =	simm.s32 $0x40;
	v4 =	vmov s22;
	vm0 =	vlt.s32 v3, $0x7F;
	v2 =	vld.idx.msk [tilespmem:v5+s2+$0x0], $0xffff  }
.LBB2_86:
0x733: {  	p0 =	seq.s32 s23, $0xF70;
	v4 =	vsub.s32 $0x0, v4;
	v3 =	vnsel vm0, $0x7F, v3  }
0x734: {  	v4 =	vbroadcast v4, $0x0;
	v5 =	vadd.s32 $0x7F, v3  }
.Ltmp42:
0x735: {  	s19 =	sadd.s32 $0x80, s19;
	(pc) =	sbr.rel @!p0 .LBB2_86-.Ltmp42, $4  }
0x736: {  	s4 =	sand.u32 $0x70, s20;
	s20 =	smov.u32 s21;
	s5 =	sand.u32 $0x7C00, s19;
	v3 =	vadd.s32 v4, v1  }
0x737: {  	s21 =	smov.u32 s22;
	s22 =	smov.u32 s23;
	s4 =	sor.u32 s4, s5;
	vm0 =	vgt.s32 v3, $0xFFFFFF81  }
0x738: {  	v3 =	vnsel vm0, $0xFFFFFF81, v3;
	[tilespmem:s4+$0x480] =	vst v2  }
0x739: {  	s23 =	sadd.s32 $0x10, s23;
	v4 =	vmov s22;
	vm0 =	vlt.s32 v3, $0x7F;
	v2 =	vld.idx.msk [tilespmem:v5+s2+$0x0], $0xffff  }
0x73a: {  	v4 =	vsub.s32 $0x0, v4  }
0x73b: {  	v3 =	vnsel vm0, $0x7F, v3;
	v4 =	vbroadcast v4, $0x0  }
0x73c: {  	v3 =	vadd.s32 $0x7F, v3  }
0x73d: {  	s4 =	sadd.s32 $0x80, s19;
	v1 =	vadd.s32 v4, v1  }
0x73e: {  	s5 =	sand.u32 $0x70, s20;
	s10 =	sand.u32 $0x7C00, s4;
	vm0 =	vgt.s32 v1, $0xFFFFFF81  }
0x73f: {  	s5 =	sor.u32 s5, s10;
	v1 =	vnsel vm0, $0xFFFFFF81, v1  }
0x740: {  	[tilespmem:s5+$0x480] =	vst v2;
	vm0 =	vlt.s32 v1, $0x7F  }
0x741: {  	v2 =	vld.idx.msk [tilespmem:v3+s2+$0x0], $0xffff;
	v1 =	vnsel vm0, $0x7F, v1  }
0x742: {  	v1 =	vadd.s32 $0x7F, v1  }
0x743: {  	s4 =	sadd.s32 $0x80, s4  }
0x744: {  	s23 =	sand.u32 $0x70, s21;
	s25 =	sand.u32 $0x7C00, s4  }
0x745: {  	s5 =	sor.u32 s23, s25  }
0x746: {  	[tilespmem:s5+$0x480] =	vst v2  }
0x747: {  	v1 =	vld.idx.msk [tilespmem:v1+s2+$0x0], $0xffff  }
0x748: {  	s19 =	simm.s32 $0x0  }
0x749: {  	s4 =	sadd.s32 $0x80, s4;
	v2 =	vmov s19  }
0x74a: {  	s26 =	sand.u32 $0x70, s22;
	s4 =	sand.u32 $0x7C00, s4;
	v2 =	vsub.s32 $0x0, v2  }
0x74b: {  	s4 =	sor.u32 s26, s4;
	v2 =	vbroadcast v2, $0x0  }
0x74c: {  	[tilespmem:s4+$0x480] =	vst v1;
	v1 =	vadd.s32 v0, v39  }
0x74d: {  	v2 =	vadd.s32 v2, v1  }
0x74e: {  	s28 =	simm.s32 $0x10;
	vm0 =	vgt.s32 v2, $0xFFFFFF81  }
0x74f: {  	v3 =	vmov s28;
	v2 =	vnsel vm0, $0xFFFFFF81, v2  }
0x750: {  	v3 =	vsub.s32 $0x0, v3;
	vm0 =	vlt.s32 v2, $0x7F  }
0x751: {  	v3 =	vbroadcast v3, $0x0;
	v2 =	vnsel vm0, $0x7F, v2  }
0x752: {  	v2 =	vadd.s32 $0x7F, v2  }
0x753: {  	v3 =	vadd.s32 v3, v1  }
0x754: {  	vm0 =	vgt.s32 v3, $0xFFFFFF81  }
0x755: {  	s29 =	simm.s32 $0x20;
	v3 =	vnsel vm0, $0xFFFFFF81, v3  }
0x756: {  	v4 =	vmov s29;
	vm0 =	vlt.s32 v3, $0x7F  }
0x757: {  	v4 =	vsub.s32 $0x0, v4;
	v3 =	vnsel vm0, $0x7F, v3;
	v2 =	vld.idx.msk [tilespmem:v2+s2+$0x0], $0xffff  }
0x758: {  	s30 =	sand.u32 $0x7, s19;
	v4 =	vbroadcast v4, $0x0;
	v5 =	vadd.s32 $0x7F, v3  }
0x759: {  	s4 =	sshll.u32 s30, $0x4  }
0x75a: {  	s4 =	sadd.s32 $0x0, s4;
	v3 =	vadd.s32 v4, v1  }
0x75b: {  	s4 =	sor.u32 $0x380, s4;
	vm0 =	vgt.s32 v3, $0xFFFFFF81  }
0x75c: {  	s31 =	simm.s32 $0x30;
	v3 =	vnsel vm0, $0xFFFFFF81, v3;
	[tilespmem:s4+$0x180] =	vst v2  }
0x75d: {  	s21 =	simm.s32 $0x40;
	s20 =	simm.s32 $0x0;
	v4 =	vmov s31;
	vm0 =	vlt.s32 v3, $0x7F;
	v2 =	vld.idx.msk [tilespmem:v5+s2+$0x0], $0xffff  }
.LBB2_88:
0x75e: {  	p0 =	sne.s32 s21, $0xF70;
	v4 =	vsub.s32 $0x0, v4;
	v3 =	vnsel vm0, $0x7F, v3;
	s19 =	sadd.s32 $0x1, s19  }
0x75f: {  	v4 =	vbroadcast v4, $0x0;
	v5 =	vadd.s32 $0x7F, v3;
	s4 =	sand.u32 $0x7, s19  }
.Ltmp43:
0x760: {  	s20 =	sadd.s32 $0x80, s20;
	s4 =	sshll.u32 s4, $0x4;
	(pc) =	sbr.rel @p0 .LBB2_88-.Ltmp43, $4  }
0x761: {  	v3 =	vadd.s32 v4, v1;
	s4 =	sadd.s32 s4, s20  }
0x762: {  	vm0 =	vgt.s32 v3, $0xFFFFFF81;
	s4 =	sor.u32 $0x380, s4  }
0x763: {  	v3 =	vnsel vm0, $0xFFFFFF81, v3;
	[tilespmem:s4+$0x180] =	vst v2  }
0x764: {  	v4 =	vmov s21;
	s21 =	sadd.s32 $0x10, s21;
	vm0 =	vlt.s32 v3, $0x7F;
	v2 =	vld.idx.msk [tilespmem:v5+s2+$0x0], $0xffff  }
0x765: {  	v4 =	vsub.s32 $0x0, v4  }
0x766: {  	v3 =	vnsel vm0, $0x7F, v3;
	s4 =	sadd.s32 $0x1, s19;
	v4 =	vbroadcast v4, $0x0  }
0x767: {  	v3 =	vadd.s32 $0x7F, v3;
	s5 =	sand.u32 $0x7, s4  }
0x768: {  	s10 =	sadd.s32 $0x80, s20;
	s5 =	sshll.u32 s5, $0x4;
	v1 =	vadd.s32 v4, v1  }
0x769: {  	s5 =	sadd.s32 s5, s10;
	vm15 =	vgt.s32 v1, $0xFFFFFF81  }
0x76a: {  	s5 =	sor.u32 $0x380, s5;
	v1 =	vnsel vm15, $0xFFFFFF81, v1  }
0x76b: {  	[tilespmem:s5+$0x180] =	vst v2;
	vm0 =	vlt.s32 v1, $0x7F  }
0x76c: {  	s4 =	sadd.s32 $0x1, s4;
	v2 =	vld.idx.msk [tilespmem:v3+s2+$0x0], $0xffff;
	v1 =	vnsel vm0, $0x7F, v1  }
0x76d: {  	s29 =	sand.u32 $0x7, s4;
	v1 =	vadd.s32 $0x7F, v1  }
0x76e: {  	s10 =	sadd.s32 $0x80, s10;
	s5 =	sshll.u32 s29, $0x4  }
0x76f: {  	s5 =	sadd.s32 s5, s10  }
0x770: {  	s5 =	sor.u32 $0x380, s5  }
0x771: {  	[tilespmem:s5+$0x180] =	vst v2  }
0x772: {  	s4 =	sadd.s32 $0x1, s4;
	v1 =	vld.idx.msk [tilespmem:v1+s2+$0x0], $0xffff  }
0x773: {  	s4 =	sand.u32 $0x7, s4  }
0x774: {  	s4 =	sshll.u32 s4, $0x4;
	s30 =	sadd.s32 $0x80, s10  }
0x775: {  	s4 =	sadd.s32 s4, s30  }
0x776: {  	s4 =	sor.u32 $0x380, s4  }
0x777: {  	s31 =	simm.s32 $0x3D80;
	s19 =	simm.s32 $0xE000;
	s20 =	smov.u32 s7;
	[tilespmem:s4+$0x180] =	vst v1  }
0x778: {  	[hbm4b:s7+s2] =	stream.linear.scatter [tilespmem:s31], [sflag:$0x1], $0x4000, $0x38;
	[tilespmem:$0xF980] =	vst v63  }
.LBB2_90:
0x779: {  	p0 =	sne.s32 s19, $0x0  }
.Ltmp44:
0x77a: {  	_ = 	snop;
	(pc) =	sbr.rel @p0 .LBB2_90-.Ltmp44, $4  }
0x77b: {  	_ = 	snop  }
0x77c: {  	s4 =	sshra.s32 s19, $0x2;
	s19 =	sadd.s32 $0xFFFFF000, s19  }
0x77d: {  	s20 =	sadd.s32 $0x8000, s20;
	s4 =	sadd.s32 $0x180, s4  }
0x77e: {  	[hbm4b:s20+s2] =	stream.linear.scatter [tilespmem:s4], [sflag:$0x1], $0x4000, $0x38;
	[tilespmem:$0xF980] =	vst v63  }
0x77f: {  	_ =	swait.ge [sflag:s17], $0x4000  }
0x780: {  	[sflag:s17] =	ssyncset.done $0x0  }
0x781: {  	[sflag:s17] =	ssyncadd.s32 $0xFFFFC000  }
0x782: {  	_ =	swait.ge [sflag:s17], $0x4000  }
0x783: {  	[sflag:s17] =	ssyncset.done $0x0  }
0x784: {  	[sflag:s17] =	ssyncadd.s32 $0xFFFFC000  }
0x785: {  	_ =	swait.ge [sflag:s17], $0x4000  }
0x786: {  	[sflag:s17] =	ssyncset.done $0x0  }
0x787: {  	[sflag:s17] =	ssyncadd.s32 $0xFFFFC000  }
0x788: {  	_ =	swait.ge [sflag:s17], $0x4000  }
0x789: {  	[sflag:s17] =	ssyncset.done $0x0  }
0x78a: {  	[sflag:s17] =	ssyncadd.s32 $0xFFFFC000  }
0x78b: {  	_ =	swait.ge [sflag:s17], $0x4000  }
0x78c: {  	[sflag:s17] =	ssyncset.done $0x0  }
0x78d: {  	[sflag:s17] =	ssyncadd.s32 $0xFFFFC000  }
0x78e: {  	_ =	swait.ge [sflag:s17], $0x4000  }
0x78f: {  	[sflag:s17] =	ssyncset.done $0x0  }
0x790: {  	[sflag:s17] =	ssyncadd.s32 $0xFFFFC000  }
0x791: {  	_ =	swait.ge [sflag:s17], $0x4000  }
0x792: {  	[sflag:s17] =	ssyncset.done $0x0  }
0x793: {  	[sflag:s17] =	ssyncadd.s32 $0xFFFFC000  }
0x794: {  	_ =	swait.ge [sflag:s17], $0x4000  }
0x795: {  	[sflag:s17] =	ssyncset.done $0x0  }
0x796: {  	[sflag:s17] =	ssyncadd.s32 $0xFFFFC000  }
0x797: {  	_ =	swait.ge [sflag:s17], $0x4000  }
0x798: {  	[sflag:s17] =	ssyncset.done $0x0  }
0x799: {  	[sflag:s17] =	ssyncadd.s32 $0xFFFFC000  }
0x79a: {  	_ =	swait.ge [sflag:s17], $0x4000  }
0x79b: {  	[sflag:s17] =	ssyncset.done $0x0  }
0x79c: {  	[sflag:s17] =	ssyncadd.s32 $0xFFFFC000  }
0x79d: {  	_ =	swait.ge [sflag:s17], $0x4000  }
0x79e: {  	[sflag:s17] =	ssyncset.done $0x0  }
0x79f: {  	[sflag:s17] =	ssyncadd.s32 $0xFFFFC000  }
0x7a0: {  	s19 =	simm.s32 $0x0;
	_ =	swait.ge [sflag:s17], $0x4000  }
0x7a1: {  	v2 =	vmov s19;
	[sflag:s17] =	ssyncset.done $0x0  }
0x7a2: {  	v2 =	vsub.s32 $0x0, v2;
	[sflag:s17] =	ssyncadd.s32 $0xFFFFC000  }
0x7a3: {  	v2 =	vbroadcast v2, $0x0;
	_ =	swait.ge [sflag:s17], $0x4000  }
0x7a4: {  	v1 =	vadd.s32 v0, v40;
	[sflag:s17] =	ssyncset.done $0x0  }
0x7a5: {  	v2 =	vadd.s32 v2, v1;
	[sflag:s17] =	ssyncadd.s32 $0xFFFFC000  }
0x7a6: {  	s20 =	simm.s32 $0x10;
	vm0 =	vgt.s32 v2, $0xFFFFFF81;
	_ =	swait.ge [sflag:s17], $0x4000  }
0x7a7: {  	v3 =	vmov s20;
	v2 =	vnsel vm0, $0xFFFFFF81, v2;
	[sflag:s17] =	ssyncset.done $0x0  }
0x7a8: {  	v3 =	vsub.s32 $0x0, v3;
	vm0 =	vlt.s32 v2, $0x7F;
	[sflag:s17] =	ssyncadd.s32 $0xFFFFC000  }
0x7a9: {  	v3 =	vbroadcast v3, $0x0;
	v2 =	vnsel vm0, $0x7F, v2;
	_ =	swait.ge [sflag:s17], $0x4000  }
0x7aa: {  	v2 =	vadd.s32 $0x7F, v2;
	[sflag:s17] =	ssyncset.done $0x0  }
0x7ab: {  	v3 =	vadd.s32 v3, v1;
	[sflag:s17] =	ssyncadd.s32 $0xFFFFC000  }
0x7ac: {  	vm0 =	vgt.s32 v3, $0xFFFFFF81;
	_ =	swait.ge [sflag:s17], $0x4000  }
0x7ad: {  	s21 =	simm.s32 $0x20;
	v3 =	vnsel vm0, $0xFFFFFF81, v3;
	[sflag:s17] =	ssyncset.done $0x0  }
0x7ae: {  	v4 =	vmov s21;
	vm0 =	vlt.s32 v3, $0x7F;
	[sflag:s17] =	ssyncadd.s32 $0xFFFFC000  }
0x7af: {  	v4 =	vsub.s32 $0x0, v4;
	v3 =	vnsel vm0, $0x7F, v3;
	v2 =	vld.idx.msk [tilespmem:v2+s2+$0x0], $0xffff  }
0x7b0: {  	v4 =	vbroadcast v4, $0x0;
	v5 =	vadd.s32 $0x7F, v3;
	_ =	sdelay $0x1  }
0x7b1: {  	s4 =	sand.u32 $0x70, s19;
	s5 =	sand.u32 $0x7C00, s19;
	v3 =	vadd.s32 v4, v1  }
0x7b2: {  	s4 =	sor.u32 s4, s5;
	vm0 =	vgt.s32 v3, $0xFFFFFF81  }
0x7b3: {  	s22 =	simm.s32 $0x30;
	v3 =	vnsel vm0, $0xFFFFFF81, v3;
	[tilespmem:s4+$0x7D80] =	vst v2  }
0x7b4: {  	s23 =	simm.s32 $0x40;
	v4 =	vmov s22;
	vm0 =	vlt.s32 v3, $0x7F;
	v2 =	vld.idx.msk [tilespmem:v5+s2+$0x0], $0xffff  }
.LBB2_92:
0x7b5: {  	p0 =	seq.s32 s23, $0xF70;
	v4 =	vsub.s32 $0x0, v4;
	v3 =	vnsel vm0, $0x7F, v3  }
0x7b6: {  	v4 =	vbroadcast v4, $0x0;
	v5 =	vadd.s32 $0x7F, v3  }
.Ltmp45:
0x7b7: {  	s19 =	sadd.s32 $0x80, s19;
	(pc) =	sbr.rel @!p0 .LBB2_92-.Ltmp45, $4  }
0x7b8: {  	s4 =	sand.u32 $0x70, s20;
	s20 =	smov.u32 s21;
	s5 =	sand.u32 $0x7C00, s19;
	v3 =	vadd.s32 v4, v1  }
0x7b9: {  	s21 =	smov.u32 s22;
	s22 =	smov.u32 s23;
	s4 =	sor.u32 s4, s5;
	vm0 =	vgt.s32 v3, $0xFFFFFF81  }
0x7ba: {  	v3 =	vnsel vm0, $0xFFFFFF81, v3;
	[tilespmem:s4+$0x7D80] =	vst v2  }
0x7bb: {  	s23 =	sadd.s32 $0x10, s23;
	v4 =	vmov s22;
	vm0 =	vlt.s32 v3, $0x7F;
	v2 =	vld.idx.msk [tilespmem:v5+s2+$0x0], $0xffff  }
0x7bc: {  	v4 =	vsub.s32 $0x0, v4  }
0x7bd: {  	v3 =	vnsel vm0, $0x7F, v3;
	v4 =	vbroadcast v4, $0x0  }
0x7be: {  	v3 =	vadd.s32 $0x7F, v3  }
0x7bf: {  	s4 =	sadd.s32 $0x80, s19;
	v1 =	vadd.s32 v4, v1  }
0x7c0: {  	s5 =	sand.u32 $0x70, s20;
	s10 =	sand.u32 $0x7C00, s4;
	vm0 =	vgt.s32 v1, $0xFFFFFF81  }
0x7c1: {  	s5 =	sor.u32 s5, s10;
	v1 =	vnsel vm0, $0xFFFFFF81, v1  }
0x7c2: {  	[tilespmem:s5+$0x7D80] =	vst v2;
	vm0 =	vlt.s32 v1, $0x7F  }
0x7c3: {  	v2 =	vld.idx.msk [tilespmem:v3+s2+$0x0], $0xffff;
	v1 =	vnsel vm0, $0x7F, v1  }
0x7c4: {  	v1 =	vadd.s32 $0x7F, v1  }
0x7c5: {  	s4 =	sadd.s32 $0x80, s4  }
0x7c6: {  	s26 =	sand.u32 $0x70, s21;
	s28 =	sand.u32 $0x7C00, s4  }
0x7c7: {  	s5 =	sor.u32 s26, s28  }
0x7c8: {  	[tilespmem:s5+$0x7D80] =	vst v2  }
0x7c9: {  	v1 =	vld.idx.msk [tilespmem:v1+s2+$0x0], $0xffff  }
0x7ca: {  	s19 =	simm.s32 $0x0  }
0x7cb: {  	s4 =	sadd.s32 $0x80, s4;
	v2 =	vmov s19  }
0x7cc: {  	s29 =	sand.u32 $0x70, s22;
	s4 =	sand.u32 $0x7C00, s4;
	v2 =	vsub.s32 $0x0, v2  }
0x7cd: {  	s4 =	sor.u32 s29, s4;
	v2 =	vbroadcast v2, $0x0  }
0x7ce: {  	[tilespmem:s4+$0x7D80] =	vst v1;
	v1 =	vadd.s32 v0, v41  }
0x7cf: {  	v2 =	vadd.s32 v2, v1  }
0x7d0: {  	s20 =	simm.s32 $0x10;
	vm0 =	vgt.s32 v2, $0xFFFFFF81  }
0x7d1: {  	v3 =	vmov s20;
	v2 =	vnsel vm0, $0xFFFFFF81, v2  }
0x7d2: {  	v3 =	vsub.s32 $0x0, v3;
	vm0 =	vlt.s32 v2, $0x7F  }
0x7d3: {  	v3 =	vbroadcast v3, $0x0;
	v2 =	vnsel vm0, $0x7F, v2  }
0x7d4: {  	v2 =	vadd.s32 $0x7F, v2  }
0x7d5: {  	v3 =	vadd.s32 v3, v1  }
0x7d6: {  	vm0 =	vgt.s32 v3, $0xFFFFFF81  }
0x7d7: {  	s21 =	simm.s32 $0x20;
	v3 =	vnsel vm0, $0xFFFFFF81, v3  }
0x7d8: {  	v4 =	vmov s21;
	vm0 =	vlt.s32 v3, $0x7F  }
0x7d9: {  	v4 =	vsub.s32 $0x0, v4;
	v3 =	vnsel vm0, $0x7F, v3;
	v2 =	vld.idx.msk [tilespmem:v2+s2+$0x0], $0xffff  }
0x7da: {  	v4 =	vbroadcast v4, $0x0;
	v5 =	vadd.s32 $0x7F, v3;
	_ =	sdelay $0x1  }
0x7db: {  	s30 =	sand.u32 $0x70, s19;
	s31 =	sand.u32 $0x7C00, s19;
	v3 =	vadd.s32 v4, v1  }
0x7dc: {  	s4 =	sor.u32 s30, s31;
	vm0 =	vgt.s32 v3, $0xFFFFFF81  }
0x7dd: {  	s22 =	simm.s32 $0x30;
	v3 =	vnsel vm0, $0xFFFFFF81, v3;
	[tilespmem:s4+$0x7E00] =	vst v2  }
0x7de: {  	s23 =	simm.s32 $0x40;
	v4 =	vmov s22;
	vm0 =	vlt.s32 v3, $0x7F;
	v2 =	vld.idx.msk [tilespmem:v5+s2+$0x0], $0xffff  }
.LBB2_94:
0x7df: {  	p0 =	seq.s32 s23, $0xF70;
	v4 =	vsub.s32 $0x0, v4;
	v3 =	vnsel vm0, $0x7F, v3  }
0x7e0: {  	v4 =	vbroadcast v4, $0x0;
	v5 =	vadd.s32 $0x7F, v3  }
.Ltmp46:
0x7e1: {  	s19 =	sadd.s32 $0x80, s19;
	(pc) =	sbr.rel @!p0 .LBB2_94-.Ltmp46, $4  }
0x7e2: {  	s4 =	sand.u32 $0x70, s20;
	s20 =	smov.u32 s21;
	s5 =	sand.u32 $0x7C00, s19;
	v3 =	vadd.s32 v4, v1  }
0x7e3: {  	s21 =	smov.u32 s22;
	s22 =	smov.u32 s23;
	s4 =	sor.u32 s4, s5;
	vm0 =	vgt.s32 v3, $0xFFFFFF81  }
0x7e4: {  	v3 =	vnsel vm0, $0xFFFFFF81, v3;
	[tilespmem:s4+$0x7E00] =	vst v2  }
0x7e5: {  	s23 =	sadd.s32 $0x10, s23;
	v4 =	vmov s22;
	vm0 =	vlt.s32 v3, $0x7F;
	v2 =	vld.idx.msk [tilespmem:v5+s2+$0x0], $0xffff  }
0x7e6: {  	v4 =	vsub.s32 $0x0, v4  }
0x7e7: {  	v3 =	vnsel vm0, $0x7F, v3;
	v4 =	vbroadcast v4, $0x0  }
0x7e8: {  	v3 =	vadd.s32 $0x7F, v3  }
0x7e9: {  	s4 =	sadd.s32 $0x80, s19;
	v1 =	vadd.s32 v4, v1  }
0x7ea: {  	s5 =	sand.u32 $0x70, s20;
	s10 =	sand.u32 $0x7C00, s4;
	vm0 =	vgt.s32 v1, $0xFFFFFF81  }
0x7eb: {  	s5 =	sor.u32 s5, s10;
	v1 =	vnsel vm0, $0xFFFFFF81, v1  }
0x7ec: {  	[tilespmem:s5+$0x7E00] =	vst v2;
	vm0 =	vlt.s32 v1, $0x7F  }
0x7ed: {  	v2 =	vld.idx.msk [tilespmem:v3+s2+$0x0], $0xffff;
	v1 =	vnsel vm0, $0x7F, v1  }
0x7ee: {  	v1 =	vadd.s32 $0x7F, v1  }
0x7ef: {  	s4 =	sadd.s32 $0x80, s4  }
0x7f0: {  	s26 =	sand.u32 $0x70, s21;
	s28 =	sand.u32 $0x7C00, s4  }
0x7f1: {  	s5 =	sor.u32 s26, s28  }
0x7f2: {  	[tilespmem:s5+$0x7E00] =	vst v2  }
0x7f3: {  	v1 =	vld.idx.msk [tilespmem:v1+s2+$0x0], $0xffff  }
0x7f4: {  	s19 =	simm.s32 $0x0  }
0x7f5: {  	s4 =	sadd.s32 $0x80, s4;
	v2 =	vmov s19  }
0x7f6: {  	s29 =	sand.u32 $0x70, s22;
	s4 =	sand.u32 $0x7C00, s4;
	v2 =	vsub.s32 $0x0, v2  }
0x7f7: {  	s4 =	sor.u32 s29, s4;
	v2 =	vbroadcast v2, $0x0  }
0x7f8: {  	[tilespmem:s4+$0x7E00] =	vst v1;
	v1 =	vadd.s32 v0, v42  }
0x7f9: {  	v2 =	vadd.s32 v2, v1  }
0x7fa: {  	s20 =	simm.s32 $0x10;
	vm0 =	vgt.s32 v2, $0xFFFFFF81  }
0x7fb: {  	v3 =	vmov s20;
	v2 =	vnsel vm0, $0xFFFFFF81, v2  }
0x7fc: {  	v3 =	vsub.s32 $0x0, v3;
	vm0 =	vlt.s32 v2, $0x7F  }
0x7fd: {  	v3 =	vbroadcast v3, $0x0;
	v2 =	vnsel vm0, $0x7F, v2  }
0x7fe: {  	v2 =	vadd.s32 $0x7F, v2  }
0x7ff: {  	v3 =	vadd.s32 v3, v1  }
0x800: {  	vm0 =	vgt.s32 v3, $0xFFFFFF81  }
0x801: {  	s21 =	simm.s32 $0x20;
	v3 =	vnsel vm0, $0xFFFFFF81, v3  }
0x802: {  	v4 =	vmov s21;
	vm0 =	vlt.s32 v3, $0x7F  }
0x803: {  	v4 =	vsub.s32 $0x0, v4;
	v3 =	vnsel vm0, $0x7F, v3;
	v2 =	vld.idx.msk [tilespmem:v2+s2+$0x0], $0xffff  }
0x804: {  	v4 =	vbroadcast v4, $0x0;
	v5 =	vadd.s32 $0x7F, v3;
	_ =	sdelay $0x1  }
0x805: {  	s30 =	sand.u32 $0x70, s19;
	s31 =	sand.u32 $0x7C00, s19;
	v3 =	vadd.s32 v4, v1  }
0x806: {  	s4 =	sor.u32 s30, s31;
	vm0 =	vgt.s32 v3, $0xFFFFFF81  }
0x807: {  	s22 =	simm.s32 $0x30;
	v3 =	vnsel vm0, $0xFFFFFF81, v3;
	[tilespmem:s4+$0x7E80] =	vst v2  }
0x808: {  	s23 =	simm.s32 $0x40;
	v4 =	vmov s22;
	vm0 =	vlt.s32 v3, $0x7F;
	v2 =	vld.idx.msk [tilespmem:v5+s2+$0x0], $0xffff  }
.LBB2_96:
0x809: {  	p0 =	seq.s32 s23, $0xF70;
	v4 =	vsub.s32 $0x0, v4;
	v3 =	vnsel vm0, $0x7F, v3  }
0x80a: {  	v4 =	vbroadcast v4, $0x0;
	v5 =	vadd.s32 $0x7F, v3  }
.Ltmp47:
0x80b: {  	s19 =	sadd.s32 $0x80, s19;
	(pc) =	sbr.rel @!p0 .LBB2_96-.Ltmp47, $4  }
0x80c: {  	s4 =	sand.u32 $0x70, s20;
	s20 =	smov.u32 s21;
	s5 =	sand.u32 $0x7C00, s19;
	v3 =	vadd.s32 v4, v1  }
0x80d: {  	s21 =	smov.u32 s22;
	s22 =	smov.u32 s23;
	s4 =	sor.u32 s4, s5;
	vm0 =	vgt.s32 v3, $0xFFFFFF81  }
0x80e: {  	v3 =	vnsel vm0, $0xFFFFFF81, v3;
	[tilespmem:s4+$0x7E80] =	vst v2  }
0x80f: {  	s23 =	sadd.s32 $0x10, s23;
	v4 =	vmov s22;
	vm0 =	vlt.s32 v3, $0x7F;
	v2 =	vld.idx.msk [tilespmem:v5+s2+$0x0], $0xffff  }
0x810: {  	v4 =	vsub.s32 $0x0, v4  }
0x811: {  	v3 =	vnsel vm0, $0x7F, v3;
	v4 =	vbroadcast v4, $0x0  }
0x812: {  	v3 =	vadd.s32 $0x7F, v3  }
0x813: {  	s4 =	sadd.s32 $0x80, s19;
	v1 =	vadd.s32 v4, v1  }
0x814: {  	s5 =	sand.u32 $0x70, s20;
	s10 =	sand.u32 $0x7C00, s4;
	vm0 =	vgt.s32 v1, $0xFFFFFF81  }
0x815: {  	s5 =	sor.u32 s5, s10;
	v1 =	vnsel vm0, $0xFFFFFF81, v1  }
0x816: {  	[tilespmem:s5+$0x7E80] =	vst v2;
	vm0 =	vlt.s32 v1, $0x7F  }
0x817: {  	v2 =	vld.idx.msk [tilespmem:v3+s2+$0x0], $0xffff;
	v1 =	vnsel vm0, $0x7F, v1  }
0x818: {  	v1 =	vadd.s32 $0x7F, v1  }
0x819: {  	s4 =	sadd.s32 $0x80, s4  }
0x81a: {  	s26 =	sand.u32 $0x70, s21;
	s28 =	sand.u32 $0x7C00, s4  }
0x81b: {  	s5 =	sor.u32 s26, s28  }
0x81c: {  	[tilespmem:s5+$0x7E80] =	vst v2  }
0x81d: {  	v1 =	vld.idx.msk [tilespmem:v1+s2+$0x0], $0xffff  }
0x81e: {  	s19 =	simm.s32 $0x0  }
0x81f: {  	s4 =	sadd.s32 $0x80, s4;
	v2 =	vmov s19  }
0x820: {  	s29 =	sand.u32 $0x70, s22;
	s4 =	sand.u32 $0x7C00, s4;
	v2 =	vsub.s32 $0x0, v2  }
0x821: {  	s4 =	sor.u32 s29, s4;
	v2 =	vbroadcast v2, $0x0  }
0x822: {  	[tilespmem:s4+$0x7E80] =	vst v1;
	v1 =	vadd.s32 v0, v43  }
0x823: {  	v2 =	vadd.s32 v2, v1  }
0x824: {  	s20 =	simm.s32 $0x10;
	vm0 =	vgt.s32 v2, $0xFFFFFF81  }
0x825: {  	v3 =	vmov s20;
	v2 =	vnsel vm0, $0xFFFFFF81, v2  }
0x826: {  	v3 =	vsub.s32 $0x0, v3;
	vm0 =	vlt.s32 v2, $0x7F  }
0x827: {  	v3 =	vbroadcast v3, $0x0;
	v2 =	vnsel vm0, $0x7F, v2  }
0x828: {  	v2 =	vadd.s32 $0x7F, v2  }
0x829: {  	v3 =	vadd.s32 v3, v1  }
0x82a: {  	vm0 =	vgt.s32 v3, $0xFFFFFF81  }
0x82b: {  	s21 =	simm.s32 $0x20;
	v3 =	vnsel vm0, $0xFFFFFF81, v3  }
0x82c: {  	v4 =	vmov s21;
	vm0 =	vlt.s32 v3, $0x7F  }
0x82d: {  	v4 =	vsub.s32 $0x0, v4;
	v3 =	vnsel vm0, $0x7F, v3;
	v2 =	vld.idx.msk [tilespmem:v2+s2+$0x0], $0xffff  }
0x82e: {  	v4 =	vbroadcast v4, $0x0;
	v5 =	vadd.s32 $0x7F, v3;
	_ =	sdelay $0x1  }
0x82f: {  	s30 =	sand.u32 $0x70, s19;
	s31 =	sand.u32 $0x7C00, s19;
	v3 =	vadd.s32 v4, v1  }
0x830: {  	s4 =	sor.u32 s30, s31;
	vm0 =	vgt.s32 v3, $0xFFFFFF81  }
0x831: {  	s22 =	simm.s32 $0x30;
	v3 =	vnsel vm0, $0xFFFFFF81, v3;
	[tilespmem:s4+$0x7F00] =	vst v2  }
0x832: {  	s23 =	simm.s32 $0x40;
	v4 =	vmov s22;
	vm0 =	vlt.s32 v3, $0x7F;
	v2 =	vld.idx.msk [tilespmem:v5+s2+$0x0], $0xffff  }
.LBB2_98:
0x833: {  	p0 =	seq.s32 s23, $0xF70;
	v4 =	vsub.s32 $0x0, v4;
	v3 =	vnsel vm0, $0x7F, v3  }
0x834: {  	v4 =	vbroadcast v4, $0x0;
	v5 =	vadd.s32 $0x7F, v3  }
.Ltmp48:
0x835: {  	s19 =	sadd.s32 $0x80, s19;
	(pc) =	sbr.rel @!p0 .LBB2_98-.Ltmp48, $4  }
0x836: {  	s4 =	sand.u32 $0x70, s20;
	s20 =	smov.u32 s21;
	s5 =	sand.u32 $0x7C00, s19;
	v3 =	vadd.s32 v4, v1  }
0x837: {  	s21 =	smov.u32 s22;
	s22 =	smov.u32 s23;
	s4 =	sor.u32 s4, s5;
	vm0 =	vgt.s32 v3, $0xFFFFFF81  }
0x838: {  	v3 =	vnsel vm0, $0xFFFFFF81, v3;
	[tilespmem:s4+$0x7F00] =	vst v2  }
0x839: {  	s23 =	sadd.s32 $0x10, s23;
	v4 =	vmov s22;
	vm0 =	vlt.s32 v3, $0x7F;
	v2 =	vld.idx.msk [tilespmem:v5+s2+$0x0], $0xffff  }
0x83a: {  	v4 =	vsub.s32 $0x0, v4  }
0x83b: {  	v3 =	vnsel vm0, $0x7F, v3;
	v4 =	vbroadcast v4, $0x0  }
0x83c: {  	v3 =	vadd.s32 $0x7F, v3  }
0x83d: {  	s4 =	sadd.s32 $0x80, s19;
	v1 =	vadd.s32 v4, v1  }
0x83e: {  	s5 =	sand.u32 $0x70, s20;
	s10 =	sand.u32 $0x7C00, s4;
	vm0 =	vgt.s32 v1, $0xFFFFFF81  }
0x83f: {  	s5 =	sor.u32 s5, s10;
	v1 =	vnsel vm0, $0xFFFFFF81, v1  }
0x840: {  	[tilespmem:s5+$0x7F00] =	vst v2;
	vm0 =	vlt.s32 v1, $0x7F  }
0x841: {  	v2 =	vld.idx.msk [tilespmem:v3+s2+$0x0], $0xffff;
	v1 =	vnsel vm0, $0x7F, v1  }
0x842: {  	v1 =	vadd.s32 $0x7F, v1  }
0x843: {  	s4 =	sadd.s32 $0x80, s4  }
0x844: {  	s26 =	sand.u32 $0x70, s21;
	s28 =	sand.u32 $0x7C00, s4  }
0x845: {  	s5 =	sor.u32 s26, s28  }
0x846: {  	[tilespmem:s5+$0x7F00] =	vst v2  }
0x847: {  	v1 =	vld.idx.msk [tilespmem:v1+s2+$0x0], $0xffff  }
0x848: {  	s19 =	simm.s32 $0x0  }
0x849: {  	s4 =	sadd.s32 $0x80, s4;
	v2 =	vmov s19  }
0x84a: {  	s29 =	sand.u32 $0x70, s22;
	s4 =	sand.u32 $0x7C00, s4;
	v2 =	vsub.s32 $0x0, v2  }
0x84b: {  	s4 =	sor.u32 s29, s4;
	v2 =	vbroadcast v2, $0x0  }
0x84c: {  	[tilespmem:s4+$0x7F00] =	vst v1;
	v1 =	vadd.s32 v0, v44  }
0x84d: {  	v2 =	vadd.s32 v2, v1  }
0x84e: {  	s20 =	simm.s32 $0x10;
	vm0 =	vgt.s32 v2, $0xFFFFFF81  }
0x84f: {  	v3 =	vmov s20;
	v2 =	vnsel vm0, $0xFFFFFF81, v2  }
0x850: {  	v3 =	vsub.s32 $0x0, v3;
	vm0 =	vlt.s32 v2, $0x7F  }
0x851: {  	v3 =	vbroadcast v3, $0x0;
	v2 =	vnsel vm0, $0x7F, v2  }
0x852: {  	v2 =	vadd.s32 $0x7F, v2  }
0x853: {  	v3 =	vadd.s32 v3, v1  }
0x854: {  	vm0 =	vgt.s32 v3, $0xFFFFFF81  }
0x855: {  	s21 =	simm.s32 $0x20;
	v3 =	vnsel vm0, $0xFFFFFF81, v3  }
0x856: {  	v4 =	vmov s21;
	vm0 =	vlt.s32 v3, $0x7F  }
0x857: {  	v4 =	vsub.s32 $0x0, v4;
	v3 =	vnsel vm0, $0x7F, v3;
	v2 =	vld.idx.msk [tilespmem:v2+s2+$0x0], $0xffff  }
0x858: {  	v4 =	vbroadcast v4, $0x0;
	v5 =	vadd.s32 $0x7F, v3;
	_ =	sdelay $0x1  }
0x859: {  	s30 =	sand.u32 $0x70, s19;
	s31 =	sand.u32 $0x7C00, s19;
	v3 =	vadd.s32 v4, v1  }
0x85a: {  	s4 =	sor.u32 s30, s31;
	vm0 =	vgt.s32 v3, $0xFFFFFF81  }
0x85b: {  	s22 =	simm.s32 $0x30;
	v3 =	vnsel vm0, $0xFFFFFF81, v3;
	[tilespmem:s4+$0x7F80] =	vst v2  }
0x85c: {  	s23 =	simm.s32 $0x40;
	v4 =	vmov s22;
	vm0 =	vlt.s32 v3, $0x7F;
	v2 =	vld.idx.msk [tilespmem:v5+s2+$0x0], $0xffff  }
.LBB2_100:
0x85d: {  	p0 =	seq.s32 s23, $0xF70;
	v4 =	vsub.s32 $0x0, v4;
	v3 =	vnsel vm0, $0x7F, v3  }
0x85e: {  	v4 =	vbroadcast v4, $0x0;
	v5 =	vadd.s32 $0x7F, v3  }
.Ltmp49:
0x85f: {  	s19 =	sadd.s32 $0x80, s19;
	(pc) =	sbr.rel @!p0 .LBB2_100-.Ltmp49, $4  }
0x860: {  	s4 =	sand.u32 $0x70, s20;
	s20 =	smov.u32 s21;
	s5 =	sand.u32 $0x7C00, s19;
	v3 =	vadd.s32 v4, v1  }
0x861: {  	s21 =	smov.u32 s22;
	s22 =	smov.u32 s23;
	s4 =	sor.u32 s4, s5;
	vm0 =	vgt.s32 v3, $0xFFFFFF81  }
0x862: {  	v3 =	vnsel vm0, $0xFFFFFF81, v3;
	[tilespmem:s4+$0x7F80] =	vst v2  }
0x863: {  	s23 =	sadd.s32 $0x10, s23;
	v4 =	vmov s22;
	vm0 =	vlt.s32 v3, $0x7F;
	v2 =	vld.idx.msk [tilespmem:v5+s2+$0x0], $0xffff  }
0x864: {  	v4 =	vsub.s32 $0x0, v4  }
0x865: {  	v3 =	vnsel vm0, $0x7F, v3;
	v4 =	vbroadcast v4, $0x0  }
0x866: {  	v3 =	vadd.s32 $0x7F, v3  }
0x867: {  	s4 =	sadd.s32 $0x80, s19;
	v1 =	vadd.s32 v4, v1  }
0x868: {  	s5 =	sand.u32 $0x70, s20;
	s10 =	sand.u32 $0x7C00, s4;
	vm0 =	vgt.s32 v1, $0xFFFFFF81  }
0x869: {  	s5 =	sor.u32 s5, s10;
	v1 =	vnsel vm0, $0xFFFFFF81, v1  }
0x86a: {  	[tilespmem:s5+$0x7F80] =	vst v2;
	vm0 =	vlt.s32 v1, $0x7F  }
0x86b: {  	v2 =	vld.idx.msk [tilespmem:v3+s2+$0x0], $0xffff;
	v1 =	vnsel vm0, $0x7F, v1  }
0x86c: {  	v1 =	vadd.s32 $0x7F, v1  }
0x86d: {  	s4 =	sadd.s32 $0x80, s4  }
0x86e: {  	s26 =	sand.u32 $0x70, s21;
	s28 =	sand.u32 $0x7C00, s4  }
0x86f: {  	s5 =	sor.u32 s26, s28  }
0x870: {  	[tilespmem:s5+$0x7F80] =	vst v2  }
0x871: {  	v1 =	vld.idx.msk [tilespmem:v1+s2+$0x0], $0xffff  }
0x872: {  	s19 =	simm.s32 $0x0  }
0x873: {  	s4 =	sadd.s32 $0x80, s4;
	v2 =	vmov s19  }
0x874: {  	s29 =	sand.u32 $0x70, s22;
	s4 =	sand.u32 $0x7C00, s4;
	v2 =	vsub.s32 $0x0, v2  }
0x875: {  	s4 =	sor.u32 s29, s4;
	v2 =	vbroadcast v2, $0x0  }
0x876: {  	[tilespmem:s4+$0x7F80] =	vst v1;
	v1 =	vadd.s32 v0, v45  }
0x877: {  	v2 =	vadd.s32 v2, v1  }
0x878: {  	s20 =	simm.s32 $0x10;
	vm0 =	vgt.s32 v2, $0xFFFFFF81  }
0x879: {  	v3 =	vmov s20;
	v2 =	vnsel vm0, $0xFFFFFF81, v2  }
0x87a: {  	v3 =	vsub.s32 $0x0, v3;
	vm0 =	vlt.s32 v2, $0x7F  }
0x87b: {  	v3 =	vbroadcast v3, $0x0;
	v2 =	vnsel vm0, $0x7F, v2  }
0x87c: {  	v2 =	vadd.s32 $0x7F, v2  }
0x87d: {  	v3 =	vadd.s32 v3, v1  }
0x87e: {  	vm0 =	vgt.s32 v3, $0xFFFFFF81  }
0x87f: {  	s21 =	simm.s32 $0x20;
	v3 =	vnsel vm0, $0xFFFFFF81, v3  }
0x880: {  	v4 =	vmov s21;
	vm0 =	vlt.s32 v3, $0x7F  }
0x881: {  	v4 =	vsub.s32 $0x0, v4;
	v3 =	vnsel vm0, $0x7F, v3;
	v2 =	vld.idx.msk [tilespmem:v2+s2+$0x0], $0xffff  }
0x882: {  	v4 =	vbroadcast v4, $0x0;
	v5 =	vadd.s32 $0x7F, v3;
	_ =	sdelay $0x1  }
0x883: {  	s30 =	sand.u32 $0x70, s19;
	s31 =	sand.u32 $0x7C00, s19;
	v3 =	vadd.s32 v4, v1  }
0x884: {  	s4 =	sor.u32 s30, s31;
	vm0 =	vgt.s32 v3, $0xFFFFFF81  }
0x885: {  	s22 =	simm.s32 $0x30;
	v3 =	vnsel vm0, $0xFFFFFF81, v3;
	[tilespmem:s4+$0x8000] =	vst v2  }
0x886: {  	s23 =	simm.s32 $0x40;
	v4 =	vmov s22;
	vm0 =	vlt.s32 v3, $0x7F;
	v2 =	vld.idx.msk [tilespmem:v5+s2+$0x0], $0xffff  }
.LBB2_102:
0x887: {  	p0 =	seq.s32 s23, $0xF70;
	v4 =	vsub.s32 $0x0, v4;
	v3 =	vnsel vm0, $0x7F, v3  }
0x888: {  	v4 =	vbroadcast v4, $0x0;
	v5 =	vadd.s32 $0x7F, v3  }
.Ltmp50:
0x889: {  	s19 =	sadd.s32 $0x80, s19;
	(pc) =	sbr.rel @!p0 .LBB2_102-.Ltmp50, $4  }
0x88a: {  	s4 =	sand.u32 $0x70, s20;
	s20 =	smov.u32 s21;
	s5 =	sand.u32 $0x7C00, s19;
	v3 =	vadd.s32 v4, v1  }
0x88b: {  	s21 =	smov.u32 s22;
	s22 =	smov.u32 s23;
	s4 =	sor.u32 s4, s5;
	vm0 =	vgt.s32 v3, $0xFFFFFF81  }
0x88c: {  	v3 =	vnsel vm0, $0xFFFFFF81, v3;
	[tilespmem:s4+$0x8000] =	vst v2  }
0x88d: {  	s23 =	sadd.s32 $0x10, s23;
	v4 =	vmov s22;
	vm0 =	vlt.s32 v3, $0x7F;
	v2 =	vld.idx.msk [tilespmem:v5+s2+$0x0], $0xffff  }
0x88e: {  	v4 =	vsub.s32 $0x0, v4  }
0x88f: {  	v3 =	vnsel vm0, $0x7F, v3;
	v4 =	vbroadcast v4, $0x0  }
0x890: {  	v3 =	vadd.s32 $0x7F, v3  }
0x891: {  	s4 =	sadd.s32 $0x80, s19;
	v1 =	vadd.s32 v4, v1  }
0x892: {  	s5 =	sand.u32 $0x70, s20;
	s10 =	sand.u32 $0x7C00, s4;
	vm0 =	vgt.s32 v1, $0xFFFFFF81  }
0x893: {  	s5 =	sor.u32 s5, s10;
	v1 =	vnsel vm0, $0xFFFFFF81, v1  }
0x894: {  	[tilespmem:s5+$0x8000] =	vst v2;
	vm0 =	vlt.s32 v1, $0x7F  }
0x895: {  	v2 =	vld.idx.msk [tilespmem:v3+s2+$0x0], $0xffff;
	v1 =	vnsel vm0, $0x7F, v1  }
0x896: {  	v1 =	vadd.s32 $0x7F, v1  }
0x897: {  	s4 =	sadd.s32 $0x80, s4  }
0x898: {  	s26 =	sand.u32 $0x70, s21;
	s28 =	sand.u32 $0x7C00, s4  }
0x899: {  	s5 =	sor.u32 s26, s28  }
0x89a: {  	[tilespmem:s5+$0x8000] =	vst v2  }
0x89b: {  	v1 =	vld.idx.msk [tilespmem:v1+s2+$0x0], $0xffff  }
0x89c: {  	s19 =	simm.s32 $0x0  }
0x89d: {  	s4 =	sadd.s32 $0x80, s4;
	v2 =	vmov s19  }
0x89e: {  	s29 =	sand.u32 $0x70, s22;
	s4 =	sand.u32 $0x7C00, s4;
	v2 =	vsub.s32 $0x0, v2  }
0x89f: {  	s4 =	sor.u32 s29, s4;
	v2 =	vbroadcast v2, $0x0  }
0x8a0: {  	[tilespmem:s4+$0x8000] =	vst v1;
	v1 =	vadd.s32 v0, v46  }
0x8a1: {  	v2 =	vadd.s32 v2, v1  }
0x8a2: {  	s20 =	simm.s32 $0x10;
	vm0 =	vgt.s32 v2, $0xFFFFFF81  }
0x8a3: {  	v3 =	vmov s20;
	v2 =	vnsel vm0, $0xFFFFFF81, v2  }
0x8a4: {  	v3 =	vsub.s32 $0x0, v3;
	vm0 =	vlt.s32 v2, $0x7F  }
0x8a5: {  	v3 =	vbroadcast v3, $0x0;
	v2 =	vnsel vm0, $0x7F, v2  }
0x8a6: {  	v2 =	vadd.s32 $0x7F, v2  }
0x8a7: {  	v3 =	vadd.s32 v3, v1  }
0x8a8: {  	vm0 =	vgt.s32 v3, $0xFFFFFF81  }
0x8a9: {  	s21 =	simm.s32 $0x20;
	v3 =	vnsel vm0, $0xFFFFFF81, v3  }
0x8aa: {  	v4 =	vmov s21;
	vm0 =	vlt.s32 v3, $0x7F  }
0x8ab: {  	v4 =	vsub.s32 $0x0, v4;
	v3 =	vnsel vm0, $0x7F, v3;
	v2 =	vld.idx.msk [tilespmem:v2+s2+$0x0], $0xffff  }
0x8ac: {  	v4 =	vbroadcast v4, $0x0;
	v5 =	vadd.s32 $0x7F, v3;
	_ =	sdelay $0x1  }
0x8ad: {  	s30 =	sand.u32 $0x70, s19;
	s31 =	sand.u32 $0x7C00, s19;
	v3 =	vadd.s32 v4, v1  }
0x8ae: {  	s4 =	sor.u32 s30, s31;
	vm0 =	vgt.s32 v3, $0xFFFFFF81  }
0x8af: {  	s22 =	simm.s32 $0x30;
	v3 =	vnsel vm0, $0xFFFFFF81, v3;
	[tilespmem:s4+$0x8080] =	vst v2  }
0x8b0: {  	s23 =	simm.s32 $0x40;
	v4 =	vmov s22;
	vm0 =	vlt.s32 v3, $0x7F;
	v2 =	vld.idx.msk [tilespmem:v5+s2+$0x0], $0xffff  }
.LBB2_104:
0x8b1: {  	p0 =	seq.s32 s23, $0xF70;
	v4 =	vsub.s32 $0x0, v4;
	v3 =	vnsel vm0, $0x7F, v3  }
0x8b2: {  	v4 =	vbroadcast v4, $0x0;
	v5 =	vadd.s32 $0x7F, v3  }
.Ltmp51:
0x8b3: {  	s19 =	sadd.s32 $0x80, s19;
	(pc) =	sbr.rel @!p0 .LBB2_104-.Ltmp51, $4  }
0x8b4: {  	s4 =	sand.u32 $0x70, s20;
	s20 =	smov.u32 s21;
	s5 =	sand.u32 $0x7C00, s19;
	v3 =	vadd.s32 v4, v1  }
0x8b5: {  	s21 =	smov.u32 s22;
	s22 =	smov.u32 s23;
	s4 =	sor.u32 s4, s5;
	vm0 =	vgt.s32 v3, $0xFFFFFF81  }
0x8b6: {  	v3 =	vnsel vm0, $0xFFFFFF81, v3;
	[tilespmem:s4+$0x8080] =	vst v2  }
0x8b7: {  	s23 =	sadd.s32 $0x10, s23;
	v4 =	vmov s22;
	vm0 =	vlt.s32 v3, $0x7F;
	v2 =	vld.idx.msk [tilespmem:v5+s2+$0x0], $0xffff  }
0x8b8: {  	v4 =	vsub.s32 $0x0, v4  }
0x8b9: {  	v3 =	vnsel vm0, $0x7F, v3;
	v4 =	vbroadcast v4, $0x0  }
0x8ba: {  	v3 =	vadd.s32 $0x7F, v3  }
0x8bb: {  	s4 =	sadd.s32 $0x80, s19;
	v1 =	vadd.s32 v4, v1  }
0x8bc: {  	s5 =	sand.u32 $0x70, s20;
	s10 =	sand.u32 $0x7C00, s4;
	vm0 =	vgt.s32 v1, $0xFFFFFF81  }
0x8bd: {  	s5 =	sor.u32 s5, s10;
	v1 =	vnsel vm0, $0xFFFFFF81, v1  }
0x8be: {  	[tilespmem:s5+$0x8080] =	vst v2;
	vm0 =	vlt.s32 v1, $0x7F  }
0x8bf: {  	v2 =	vld.idx.msk [tilespmem:v3+s2+$0x0], $0xffff;
	v1 =	vnsel vm0, $0x7F, v1  }
0x8c0: {  	v1 =	vadd.s32 $0x7F, v1  }
0x8c1: {  	s4 =	sadd.s32 $0x80, s4  }
0x8c2: {  	s23 =	sand.u32 $0x70, s21;
	s25 =	sand.u32 $0x7C00, s4  }
0x8c3: {  	s5 =	sor.u32 s23, s25  }
0x8c4: {  	[tilespmem:s5+$0x8080] =	vst v2  }
0x8c5: {  	v1 =	vld.idx.msk [tilespmem:v1+s2+$0x0], $0xffff  }
0x8c6: {  	s19 =	simm.s32 $0x0  }
0x8c7: {  	s4 =	sadd.s32 $0x80, s4;
	v2 =	vmov s19  }
0x8c8: {  	s26 =	sand.u32 $0x70, s22;
	s4 =	sand.u32 $0x7C00, s4;
	v2 =	vsub.s32 $0x0, v2  }
0x8c9: {  	s4 =	sor.u32 s26, s4;
	v2 =	vbroadcast v2, $0x0  }
0x8ca: {  	[tilespmem:s4+$0x8080] =	vst v1;
	v1 =	vadd.s32 v0, v47  }
0x8cb: {  	v2 =	vadd.s32 v2, v1  }
0x8cc: {  	s28 =	simm.s32 $0x10;
	vm0 =	vgt.s32 v2, $0xFFFFFF81  }
0x8cd: {  	v3 =	vmov s28;
	v2 =	vnsel vm0, $0xFFFFFF81, v2  }
0x8ce: {  	v3 =	vsub.s32 $0x0, v3;
	vm0 =	vlt.s32 v2, $0x7F  }
0x8cf: {  	v3 =	vbroadcast v3, $0x0;
	v2 =	vnsel vm0, $0x7F, v2  }
0x8d0: {  	v2 =	vadd.s32 $0x7F, v2  }
0x8d1: {  	v3 =	vadd.s32 v3, v1  }
0x8d2: {  	vm0 =	vgt.s32 v3, $0xFFFFFF81  }
0x8d3: {  	s29 =	simm.s32 $0x20;
	v3 =	vnsel vm0, $0xFFFFFF81, v3  }
0x8d4: {  	v4 =	vmov s29;
	vm0 =	vlt.s32 v3, $0x7F  }
0x8d5: {  	v4 =	vsub.s32 $0x0, v4;
	v3 =	vnsel vm0, $0x7F, v3;
	v2 =	vld.idx.msk [tilespmem:v2+s2+$0x0], $0xffff  }
0x8d6: {  	s30 =	sand.u32 $0x7, s19;
	v4 =	vbroadcast v4, $0x0;
	v5 =	vadd.s32 $0x7F, v3  }
0x8d7: {  	s4 =	sshll.u32 s30, $0x4  }
0x8d8: {  	s4 =	sadd.s32 $0x0, s4;
	v3 =	vadd.s32 v4, v1  }
0x8d9: {  	s4 =	sor.u32 $0x380, s4;
	vm0 =	vgt.s32 v3, $0xFFFFFF81  }
0x8da: {  	s31 =	simm.s32 $0x30;
	v3 =	vnsel vm0, $0xFFFFFF81, v3;
	[tilespmem:s4+$0x7D80] =	vst v2  }
0x8db: {  	s21 =	simm.s32 $0x40;
	s20 =	simm.s32 $0x0;
	v4 =	vmov s31;
	vm0 =	vlt.s32 v3, $0x7F;
	v2 =	vld.idx.msk [tilespmem:v5+s2+$0x0], $0xffff  }
.LBB2_106:
0x8dc: {  	p0 =	sne.s32 s21, $0xF70;
	v4 =	vsub.s32 $0x0, v4;
	v3 =	vnsel vm0, $0x7F, v3;
	s19 =	sadd.s32 $0x1, s19  }
0x8dd: {  	v4 =	vbroadcast v4, $0x0;
	v5 =	vadd.s32 $0x7F, v3;
	s4 =	sand.u32 $0x7, s19  }
.Ltmp52:
0x8de: {  	s20 =	sadd.s32 $0x80, s20;
	s4 =	sshll.u32 s4, $0x4;
	(pc) =	sbr.rel @p0 .LBB2_106-.Ltmp52, $4  }
0x8df: {  	v3 =	vadd.s32 v4, v1;
	s4 =	sadd.s32 s4, s20  }
0x8e0: {  	vm0 =	vgt.s32 v3, $0xFFFFFF81;
	s4 =	sor.u32 $0x380, s4  }
0x8e1: {  	v3 =	vnsel vm0, $0xFFFFFF81, v3;
	[tilespmem:s4+$0x7D80] =	vst v2  }
0x8e2: {  	v4 =	vmov s21;
	s21 =	sadd.s32 $0x10, s21;
	vm0 =	vlt.s32 v3, $0x7F;
	v2 =	vld.idx.msk [tilespmem:v5+s2+$0x0], $0xffff  }
0x8e3: {  	v4 =	vsub.s32 $0x0, v4  }
0x8e4: {  	v3 =	vnsel vm0, $0x7F, v3;
	s4 =	sadd.s32 $0x1, s19;
	v4 =	vbroadcast v4, $0x0  }
0x8e5: {  	v3 =	vadd.s32 $0x7F, v3;
	s5 =	sand.u32 $0x7, s4  }
0x8e6: {  	s10 =	sadd.s32 $0x80, s20;
	s5 =	sshll.u32 s5, $0x4;
	v1 =	vadd.s32 v4, v1  }
0x8e7: {  	s5 =	sadd.s32 s5, s10;
	vm15 =	vgt.s32 v1, $0xFFFFFF81  }
0x8e8: {  	s5 =	sor.u32 $0x380, s5;
	v1 =	vnsel vm15, $0xFFFFFF81, v1  }
0x8e9: {  	[tilespmem:s5+$0x7D80] =	vst v2;
	vm0 =	vlt.s32 v1, $0x7F  }
0x8ea: {  	s4 =	sadd.s32 $0x1, s4;
	v2 =	vld.idx.msk [tilespmem:v3+s2+$0x0], $0xffff;
	v1 =	vnsel vm0, $0x7F, v1  }
0x8eb: {  	s29 =	sand.u32 $0x7, s4;
	v1 =	vadd.s32 $0x7F, v1  }
0x8ec: {  	s10 =	sadd.s32 $0x80, s10;
	s5 =	sshll.u32 s29, $0x4  }
0x8ed: {  	s5 =	sadd.s32 s5, s10  }
0x8ee: {  	s5 =	sor.u32 $0x380, s5  }
0x8ef: {  	[tilespmem:s5+$0x7D80] =	vst v2  }
0x8f0: {  	s4 =	sadd.s32 $0x1, s4;
	v1 =	vld.idx.msk [tilespmem:v1+s2+$0x0], $0xffff  }
0x8f1: {  	s4 =	sand.u32 $0x7, s4  }
0x8f2: {  	s4 =	sshll.u32 s4, $0x4;
	s30 =	sadd.s32 $0x80, s10  }
0x8f3: {  	s4 =	sadd.s32 s4, s30  }
0x8f4: {  	s4 =	sor.u32 $0x380, s4  }
0x8f5: {  	s31 =	simm.s32 $0xB980;
	s19 =	simm.s32 $0xE000;
	s20 =	smov.u32 s12;
	[tilespmem:s4+$0x7D80] =	vst v1  }
0x8f6: {  	[hbm4b:s12+s2] =	stream.linear.scatter [tilespmem:s31], [sflag:$0x2], $0x4000, $0x38;
	[tilespmem:$0xF980] =	vst v63  }
.LBB2_108:
0x8f7: {  	p0 =	sne.s32 s19, $0x0  }
.Ltmp53:
0x8f8: {  	_ = 	snop;
	(pc) =	sbr.rel @p0 .LBB2_108-.Ltmp53, $4  }
0x8f9: {  	_ = 	snop  }
0x8fa: {  	s4 =	sshra.s32 s19, $0x2;
	s19 =	sadd.s32 $0xFFFFF000, s19  }
0x8fb: {  	s20 =	sadd.s32 $0x8000, s20;
	s4 =	sadd.s32 $0x7D80, s4  }
0x8fc: {  	[hbm4b:s20+s2] =	stream.linear.scatter [tilespmem:s4], [sflag:$0x2], $0x4000, $0x38;
	[tilespmem:$0xF980] =	vst v63  }
0x8fd: {  	_ =	swait.ge [sflag:s9], $0x4000  }
0x8fe: {  	[sflag:s9] =	ssyncset.done $0x0  }
0x8ff: {  	[sflag:s9] =	ssyncadd.s32 $0xFFFFC000  }
0x900: {  	_ =	swait.ge [sflag:s9], $0x4000  }
0x901: {  	[sflag:s9] =	ssyncset.done $0x0  }
0x902: {  	[sflag:s9] =	ssyncadd.s32 $0xFFFFC000  }
0x903: {  	_ =	swait.ge [sflag:s9], $0x4000  }
0x904: {  	[sflag:s9] =	ssyncset.done $0x0  }
0x905: {  	[sflag:s9] =	ssyncadd.s32 $0xFFFFC000  }
0x906: {  	_ =	swait.ge [sflag:s9], $0x4000  }
0x907: {  	[sflag:s9] =	ssyncset.done $0x0  }
0x908: {  	[sflag:s9] =	ssyncadd.s32 $0xFFFFC000  }
0x909: {  	_ =	swait.ge [sflag:s9], $0x4000  }
0x90a: {  	[sflag:s9] =	ssyncset.done $0x0  }
0x90b: {  	[sflag:s9] =	ssyncadd.s32 $0xFFFFC000  }
0x90c: {  	_ =	swait.ge [sflag:s9], $0x4000  }
0x90d: {  	[sflag:s9] =	ssyncset.done $0x0  }
0x90e: {  	[sflag:s9] =	ssyncadd.s32 $0xFFFFC000  }
0x90f: {  	_ =	swait.ge [sflag:s9], $0x4000  }
0x910: {  	[sflag:s9] =	ssyncset.done $0x0  }
0x911: {  	[sflag:s9] =	ssyncadd.s32 $0xFFFFC000  }
0x912: {  	_ =	swait.ge [sflag:s9], $0x4000  }
0x913: {  	[sflag:s9] =	ssyncset.done $0x0  }
0x914: {  	[sflag:s9] =	ssyncadd.s32 $0xFFFFC000  }
0x915: {  	_ =	swait.ge [sflag:s9], $0x4000  }
0x916: {  	[sflag:s9] =	ssyncset.done $0x0  }
0x917: {  	[sflag:s9] =	ssyncadd.s32 $0xFFFFC000  }
0x918: {  	_ =	swait.ge [sflag:s9], $0x4000  }
0x919: {  	[sflag:s9] =	ssyncset.done $0x0  }
0x91a: {  	[sflag:s9] =	ssyncadd.s32 $0xFFFFC000  }
0x91b: {  	_ =	swait.ge [sflag:s9], $0x4000  }
0x91c: {  	[sflag:s9] =	ssyncset.done $0x0  }
0x91d: {  	[sflag:s9] =	ssyncadd.s32 $0xFFFFC000  }
0x91e: {  	s19 =	simm.s32 $0x0;
	_ =	swait.ge [sflag:s9], $0x4000  }
0x91f: {  	v2 =	vmov s19;
	[sflag:s9] =	ssyncset.done $0x0  }
0x920: {  	v2 =	vsub.s32 $0x0, v2;
	[sflag:s9] =	ssyncadd.s32 $0xFFFFC000  }
0x921: {  	v2 =	vbroadcast v2, $0x0;
	_ =	swait.ge [sflag:s9], $0x4000  }
0x922: {  	v1 =	vadd.s32 v0, v48;
	[sflag:s9] =	ssyncset.done $0x0  }
0x923: {  	v2 =	vadd.s32 v2, v1;
	[sflag:s9] =	ssyncadd.s32 $0xFFFFC000  }
0x924: {  	s20 =	simm.s32 $0x10;
	vm0 =	vgt.s32 v2, $0xFFFFFF81;
	_ =	swait.ge [sflag:s9], $0x4000  }
0x925: {  	v3 =	vmov s20;
	v2 =	vnsel vm0, $0xFFFFFF81, v2;
	[sflag:s9] =	ssyncset.done $0x0  }
0x926: {  	v3 =	vsub.s32 $0x0, v3;
	vm0 =	vlt.s32 v2, $0x7F;
	[sflag:s9] =	ssyncadd.s32 $0xFFFFC000  }
0x927: {  	v3 =	vbroadcast v3, $0x0;
	v2 =	vnsel vm0, $0x7F, v2;
	_ =	swait.ge [sflag:s9], $0x4000  }
0x928: {  	v2 =	vadd.s32 $0x7F, v2;
	[sflag:s9] =	ssyncset.done $0x0  }
0x929: {  	v3 =	vadd.s32 v3, v1;
	[sflag:s9] =	ssyncadd.s32 $0xFFFFC000  }
0x92a: {  	vm0 =	vgt.s32 v3, $0xFFFFFF81;
	_ =	swait.ge [sflag:s9], $0x4000  }
0x92b: {  	s21 =	simm.s32 $0x20;
	v3 =	vnsel vm0, $0xFFFFFF81, v3;
	[sflag:s9] =	ssyncset.done $0x0  }
0x92c: {  	v4 =	vmov s21;
	vm0 =	vlt.s32 v3, $0x7F;
	[sflag:s9] =	ssyncadd.s32 $0xFFFFC000  }
0x92d: {  	v4 =	vsub.s32 $0x0, v4;
	v3 =	vnsel vm0, $0x7F, v3;
	v2 =	vld.idx.msk [tilespmem:v2+s2+$0x0], $0xffff  }
0x92e: {  	v4 =	vbroadcast v4, $0x0;
	v5 =	vadd.s32 $0x7F, v3;
	_ =	sdelay $0x1  }
0x92f: {  	s4 =	sand.u32 $0x70, s19;
	s5 =	sand.u32 $0x7C00, s19;
	v3 =	vadd.s32 v4, v1  }
0x930: {  	s4 =	sor.u32 s4, s5;
	vm0 =	vgt.s32 v3, $0xFFFFFF81  }
0x931: {  	s22 =	simm.s32 $0x30;
	v3 =	vnsel vm0, $0xFFFFFF81, v3;
	[tilespmem:s4+$0x180] =	vst v2  }
0x932: {  	s23 =	simm.s32 $0x40;
	v4 =	vmov s22;
	vm0 =	vlt.s32 v3, $0x7F;
	v2 =	vld.idx.msk [tilespmem:v5+s2+$0x0], $0xffff  }
.LBB2_110:
0x933: {  	p0 =	seq.s32 s23, $0xF70;
	v4 =	vsub.s32 $0x0, v4;
	v3 =	vnsel vm0, $0x7F, v3  }
0x934: {  	v4 =	vbroadcast v4, $0x0;
	v5 =	vadd.s32 $0x7F, v3  }
.Ltmp54:
0x935: {  	s19 =	sadd.s32 $0x80, s19;
	(pc) =	sbr.rel @!p0 .LBB2_110-.Ltmp54, $4  }
0x936: {  	s4 =	sand.u32 $0x70, s20;
	s20 =	smov.u32 s21;
	s5 =	sand.u32 $0x7C00, s19;
	v3 =	vadd.s32 v4, v1  }
0x937: {  	s21 =	smov.u32 s22;
	s22 =	smov.u32 s23;
	s4 =	sor.u32 s4, s5;
	vm0 =	vgt.s32 v3, $0xFFFFFF81  }
0x938: {  	v3 =	vnsel vm0, $0xFFFFFF81, v3;
	[tilespmem:s4+$0x180] =	vst v2  }
0x939: {  	s23 =	sadd.s32 $0x10, s23;
	v4 =	vmov s22;
	vm0 =	vlt.s32 v3, $0x7F;
	v2 =	vld.idx.msk [tilespmem:v5+s2+$0x0], $0xffff  }
0x93a: {  	v4 =	vsub.s32 $0x0, v4  }
0x93b: {  	v3 =	vnsel vm0, $0x7F, v3;
	v4 =	vbroadcast v4, $0x0  }
0x93c: {  	v3 =	vadd.s32 $0x7F, v3  }
0x93d: {  	s4 =	sadd.s32 $0x80, s19;
	v1 =	vadd.s32 v4, v1  }
0x93e: {  	s5 =	sand.u32 $0x70, s20;
	s10 =	sand.u32 $0x7C00, s4;
	vm0 =	vgt.s32 v1, $0xFFFFFF81  }
0x93f: {  	s5 =	sor.u32 s5, s10;
	v1 =	vnsel vm0, $0xFFFFFF81, v1  }
0x940: {  	[tilespmem:s5+$0x180] =	vst v2;
	vm0 =	vlt.s32 v1, $0x7F  }
0x941: {  	v2 =	vld.idx.msk [tilespmem:v3+s2+$0x0], $0xffff;
	v1 =	vnsel vm0, $0x7F, v1  }
0x942: {  	v1 =	vadd.s32 $0x7F, v1  }
0x943: {  	s4 =	sadd.s32 $0x80, s4  }
0x944: {  	s26 =	sand.u32 $0x70, s21;
	s28 =	sand.u32 $0x7C00, s4  }
0x945: {  	s5 =	sor.u32 s26, s28  }
0x946: {  	[tilespmem:s5+$0x180] =	vst v2  }
0x947: {  	v1 =	vld.idx.msk [tilespmem:v1+s2+$0x0], $0xffff  }
0x948: {  	s19 =	simm.s32 $0x0  }
0x949: {  	s4 =	sadd.s32 $0x80, s4;
	v2 =	vmov s19  }
0x94a: {  	s29 =	sand.u32 $0x70, s22;
	s4 =	sand.u32 $0x7C00, s4;
	v2 =	vsub.s32 $0x0, v2  }
0x94b: {  	s4 =	sor.u32 s29, s4;
	v2 =	vbroadcast v2, $0x0  }
0x94c: {  	[tilespmem:s4+$0x180] =	vst v1;
	v1 =	vadd.s32 v0, v49  }
0x94d: {  	v2 =	vadd.s32 v2, v1  }
0x94e: {  	s20 =	simm.s32 $0x10;
	vm0 =	vgt.s32 v2, $0xFFFFFF81  }
0x94f: {  	v3 =	vmov s20;
	v2 =	vnsel vm0, $0xFFFFFF81, v2  }
0x950: {  	v3 =	vsub.s32 $0x0, v3;
	vm0 =	vlt.s32 v2, $0x7F  }
0x951: {  	v3 =	vbroadcast v3, $0x0;
	v2 =	vnsel vm0, $0x7F, v2  }
0x952: {  	v2 =	vadd.s32 $0x7F, v2  }
0x953: {  	v3 =	vadd.s32 v3, v1  }
0x954: {  	vm0 =	vgt.s32 v3, $0xFFFFFF81  }
0x955: {  	s21 =	simm.s32 $0x20;
	v3 =	vnsel vm0, $0xFFFFFF81, v3  }
0x956: {  	v4 =	vmov s21;
	vm0 =	vlt.s32 v3, $0x7F  }
0x957: {  	v4 =	vsub.s32 $0x0, v4;
	v3 =	vnsel vm0, $0x7F, v3;
	v2 =	vld.idx.msk [tilespmem:v2+s2+$0x0], $0xffff  }
0x958: {  	v4 =	vbroadcast v4, $0x0;
	v5 =	vadd.s32 $0x7F, v3;
	_ =	sdelay $0x1  }
0x959: {  	s30 =	sand.u32 $0x70, s19;
	s31 =	sand.u32 $0x7C00, s19;
	v3 =	vadd.s32 v4, v1  }
0x95a: {  	s4 =	sor.u32 s30, s31;
	vm0 =	vgt.s32 v3, $0xFFFFFF81  }
0x95b: {  	s22 =	simm.s32 $0x30;
	v3 =	vnsel vm0, $0xFFFFFF81, v3;
	[tilespmem:s4+$0x200] =	vst v2  }
0x95c: {  	s23 =	simm.s32 $0x40;
	v4 =	vmov s22;
	vm0 =	vlt.s32 v3, $0x7F;
	v2 =	vld.idx.msk [tilespmem:v5+s2+$0x0], $0xffff  }
.LBB2_112:
0x95d: {  	p0 =	seq.s32 s23, $0xF70;
	v4 =	vsub.s32 $0x0, v4;
	v3 =	vnsel vm0, $0x7F, v3  }
0x95e: {  	v4 =	vbroadcast v4, $0x0;
	v5 =	vadd.s32 $0x7F, v3  }
.Ltmp55:
0x95f: {  	s19 =	sadd.s32 $0x80, s19;
	(pc) =	sbr.rel @!p0 .LBB2_112-.Ltmp55, $4  }
0x960: {  	s4 =	sand.u32 $0x70, s20;
	s20 =	smov.u32 s21;
	s5 =	sand.u32 $0x7C00, s19;
	v3 =	vadd.s32 v4, v1  }
0x961: {  	s21 =	smov.u32 s22;
	s22 =	smov.u32 s23;
	s4 =	sor.u32 s4, s5;
	vm0 =	vgt.s32 v3, $0xFFFFFF81  }
0x962: {  	v3 =	vnsel vm0, $0xFFFFFF81, v3;
	[tilespmem:s4+$0x200] =	vst v2  }
0x963: {  	s23 =	sadd.s32 $0x10, s23;
	v4 =	vmov s22;
	vm0 =	vlt.s32 v3, $0x7F;
	v2 =	vld.idx.msk [tilespmem:v5+s2+$0x0], $0xffff  }
0x964: {  	v4 =	vsub.s32 $0x0, v4  }
0x965: {  	v3 =	vnsel vm0, $0x7F, v3;
	v4 =	vbroadcast v4, $0x0  }
0x966: {  	v3 =	vadd.s32 $0x7F, v3  }
0x967: {  	s4 =	sadd.s32 $0x80, s19;
	v1 =	vadd.s32 v4, v1  }
0x968: {  	s5 =	sand.u32 $0x70, s20;
	s10 =	sand.u32 $0x7C00, s4;
	vm0 =	vgt.s32 v1, $0xFFFFFF81  }
0x969: {  	s5 =	sor.u32 s5, s10;
	v1 =	vnsel vm0, $0xFFFFFF81, v1  }
0x96a: {  	[tilespmem:s5+$0x200] =	vst v2;
	vm0 =	vlt.s32 v1, $0x7F  }
0x96b: {  	v2 =	vld.idx.msk [tilespmem:v3+s2+$0x0], $0xffff;
	v1 =	vnsel vm0, $0x7F, v1  }
0x96c: {  	v1 =	vadd.s32 $0x7F, v1  }
0x96d: {  	s4 =	sadd.s32 $0x80, s4  }
0x96e: {  	s26 =	sand.u32 $0x70, s21;
	s28 =	sand.u32 $0x7C00, s4  }
0x96f: {  	s5 =	sor.u32 s26, s28  }
0x970: {  	[tilespmem:s5+$0x200] =	vst v2  }
0x971: {  	v1 =	vld.idx.msk [tilespmem:v1+s2+$0x0], $0xffff  }
0x972: {  	s19 =	simm.s32 $0x0  }
0x973: {  	s4 =	sadd.s32 $0x80, s4;
	v2 =	vmov s19  }
0x974: {  	s29 =	sand.u32 $0x70, s22;
	s4 =	sand.u32 $0x7C00, s4;
	v2 =	vsub.s32 $0x0, v2  }
0x975: {  	s4 =	sor.u32 s29, s4;
	v2 =	vbroadcast v2, $0x0  }
0x976: {  	[tilespmem:s4+$0x200] =	vst v1;
	v1 =	vadd.s32 v0, v50  }
0x977: {  	v2 =	vadd.s32 v2, v1  }
0x978: {  	s20 =	simm.s32 $0x10;
	vm0 =	vgt.s32 v2, $0xFFFFFF81  }
0x979: {  	v3 =	vmov s20;
	v2 =	vnsel vm0, $0xFFFFFF81, v2  }
0x97a: {  	v3 =	vsub.s32 $0x0, v3;
	vm0 =	vlt.s32 v2, $0x7F  }
0x97b: {  	v3 =	vbroadcast v3, $0x0;
	v2 =	vnsel vm0, $0x7F, v2  }
0x97c: {  	v2 =	vadd.s32 $0x7F, v2  }
0x97d: {  	v3 =	vadd.s32 v3, v1  }
0x97e: {  	vm0 =	vgt.s32 v3, $0xFFFFFF81  }
0x97f: {  	s21 =	simm.s32 $0x20;
	v3 =	vnsel vm0, $0xFFFFFF81, v3  }
0x980: {  	v4 =	vmov s21;
	vm0 =	vlt.s32 v3, $0x7F  }
0x981: {  	v4 =	vsub.s32 $0x0, v4;
	v3 =	vnsel vm0, $0x7F, v3;
	v2 =	vld.idx.msk [tilespmem:v2+s2+$0x0], $0xffff  }
0x982: {  	v4 =	vbroadcast v4, $0x0;
	v5 =	vadd.s32 $0x7F, v3;
	_ =	sdelay $0x1  }
0x983: {  	s30 =	sand.u32 $0x70, s19;
	s31 =	sand.u32 $0x7C00, s19;
	v3 =	vadd.s32 v4, v1  }
0x984: {  	s4 =	sor.u32 s30, s31;
	vm0 =	vgt.s32 v3, $0xFFFFFF81  }
0x985: {  	s22 =	simm.s32 $0x30;
	v3 =	vnsel vm0, $0xFFFFFF81, v3;
	[tilespmem:s4+$0x280] =	vst v2  }
0x986: {  	s23 =	simm.s32 $0x40;
	v4 =	vmov s22;
	vm0 =	vlt.s32 v3, $0x7F;
	v2 =	vld.idx.msk [tilespmem:v5+s2+$0x0], $0xffff  }
.LBB2_114:
0x987: {  	p0 =	seq.s32 s23, $0xF70;
	v4 =	vsub.s32 $0x0, v4;
	v3 =	vnsel vm0, $0x7F, v3  }
0x988: {  	v4 =	vbroadcast v4, $0x0;
	v5 =	vadd.s32 $0x7F, v3  }
.Ltmp56:
0x989: {  	s19 =	sadd.s32 $0x80, s19;
	(pc) =	sbr.rel @!p0 .LBB2_114-.Ltmp56, $4  }
0x98a: {  	s4 =	sand.u32 $0x70, s20;
	s20 =	smov.u32 s21;
	s5 =	sand.u32 $0x7C00, s19;
	v3 =	vadd.s32 v4, v1  }
0x98b: {  	s21 =	smov.u32 s22;
	s22 =	smov.u32 s23;
	s4 =	sor.u32 s4, s5;
	vm0 =	vgt.s32 v3, $0xFFFFFF81  }
0x98c: {  	v3 =	vnsel vm0, $0xFFFFFF81, v3;
	[tilespmem:s4+$0x280] =	vst v2  }
0x98d: {  	s23 =	sadd.s32 $0x10, s23;
	v4 =	vmov s22;
	vm0 =	vlt.s32 v3, $0x7F;
	v2 =	vld.idx.msk [tilespmem:v5+s2+$0x0], $0xffff  }
0x98e: {  	v4 =	vsub.s32 $0x0, v4  }
0x98f: {  	v3 =	vnsel vm0, $0x7F, v3;
	v4 =	vbroadcast v4, $0x0  }
0x990: {  	v3 =	vadd.s32 $0x7F, v3  }
0x991: {  	s4 =	sadd.s32 $0x80, s19;
	v1 =	vadd.s32 v4, v1  }
0x992: {  	s5 =	sand.u32 $0x70, s20;
	s10 =	sand.u32 $0x7C00, s4;
	vm0 =	vgt.s32 v1, $0xFFFFFF81  }
0x993: {  	s5 =	sor.u32 s5, s10;
	v1 =	vnsel vm0, $0xFFFFFF81, v1  }
0x994: {  	[tilespmem:s5+$0x280] =	vst v2;
	vm0 =	vlt.s32 v1, $0x7F  }
0x995: {  	v2 =	vld.idx.msk [tilespmem:v3+s2+$0x0], $0xffff;
	v1 =	vnsel vm0, $0x7F, v1  }
0x996: {  	v1 =	vadd.s32 $0x7F, v1  }
0x997: {  	s4 =	sadd.s32 $0x80, s4  }
0x998: {  	s26 =	sand.u32 $0x70, s21;
	s28 =	sand.u32 $0x7C00, s4  }
0x999: {  	s5 =	sor.u32 s26, s28  }
0x99a: {  	[tilespmem:s5+$0x280] =	vst v2  }
0x99b: {  	v1 =	vld.idx.msk [tilespmem:v1+s2+$0x0], $0xffff  }
0x99c: {  	s19 =	simm.s32 $0x0  }
0x99d: {  	s4 =	sadd.s32 $0x80, s4;
	v2 =	vmov s19  }
0x99e: {  	s29 =	sand.u32 $0x70, s22;
	s4 =	sand.u32 $0x7C00, s4;
	v2 =	vsub.s32 $0x0, v2  }
0x99f: {  	s4 =	sor.u32 s29, s4;
	v2 =	vbroadcast v2, $0x0  }
0x9a0: {  	[tilespmem:s4+$0x280] =	vst v1;
	v1 =	vadd.s32 v0, v51  }
0x9a1: {  	v2 =	vadd.s32 v2, v1  }
0x9a2: {  	s20 =	simm.s32 $0x10;
	vm0 =	vgt.s32 v2, $0xFFFFFF81  }
0x9a3: {  	v3 =	vmov s20;
	v2 =	vnsel vm0, $0xFFFFFF81, v2  }
0x9a4: {  	v3 =	vsub.s32 $0x0, v3;
	vm0 =	vlt.s32 v2, $0x7F  }
0x9a5: {  	v3 =	vbroadcast v3, $0x0;
	v2 =	vnsel vm0, $0x7F, v2  }
0x9a6: {  	v2 =	vadd.s32 $0x7F, v2  }
0x9a7: {  	v3 =	vadd.s32 v3, v1  }
0x9a8: {  	vm0 =	vgt.s32 v3, $0xFFFFFF81  }
0x9a9: {  	s21 =	simm.s32 $0x20;
	v3 =	vnsel vm0, $0xFFFFFF81, v3  }
0x9aa: {  	v4 =	vmov s21;
	vm0 =	vlt.s32 v3, $0x7F  }
0x9ab: {  	v4 =	vsub.s32 $0x0, v4;
	v3 =	vnsel vm0, $0x7F, v3;
	v2 =	vld.idx.msk [tilespmem:v2+s2+$0x0], $0xffff  }
0x9ac: {  	v4 =	vbroadcast v4, $0x0;
	v5 =	vadd.s32 $0x7F, v3;
	_ =	sdelay $0x1  }
0x9ad: {  	s30 =	sand.u32 $0x70, s19;
	s31 =	sand.u32 $0x7C00, s19;
	v3 =	vadd.s32 v4, v1  }
0x9ae: {  	s4 =	sor.u32 s30, s31;
	vm0 =	vgt.s32 v3, $0xFFFFFF81  }
0x9af: {  	s22 =	simm.s32 $0x30;
	v3 =	vnsel vm0, $0xFFFFFF81, v3;
	[tilespmem:s4+$0x300] =	vst v2  }
0x9b0: {  	s23 =	simm.s32 $0x40;
	v4 =	vmov s22;
	vm0 =	vlt.s32 v3, $0x7F;
	v2 =	vld.idx.msk [tilespmem:v5+s2+$0x0], $0xffff  }
.LBB2_116:
0x9b1: {  	p0 =	seq.s32 s23, $0xF70;
	v4 =	vsub.s32 $0x0, v4;
	v3 =	vnsel vm0, $0x7F, v3  }
0x9b2: {  	v4 =	vbroadcast v4, $0x0;
	v5 =	vadd.s32 $0x7F, v3  }
.Ltmp57:
0x9b3: {  	s19 =	sadd.s32 $0x80, s19;
	(pc) =	sbr.rel @!p0 .LBB2_116-.Ltmp57, $4  }
0x9b4: {  	s4 =	sand.u32 $0x70, s20;
	s20 =	smov.u32 s21;
	s5 =	sand.u32 $0x7C00, s19;
	v3 =	vadd.s32 v4, v1  }
0x9b5: {  	s21 =	smov.u32 s22;
	s22 =	smov.u32 s23;
	s4 =	sor.u32 s4, s5;
	vm0 =	vgt.s32 v3, $0xFFFFFF81  }
0x9b6: {  	v3 =	vnsel vm0, $0xFFFFFF81, v3;
	[tilespmem:s4+$0x300] =	vst v2  }
0x9b7: {  	s23 =	sadd.s32 $0x10, s23;
	v4 =	vmov s22;
	vm0 =	vlt.s32 v3, $0x7F;
	v2 =	vld.idx.msk [tilespmem:v5+s2+$0x0], $0xffff  }
0x9b8: {  	v4 =	vsub.s32 $0x0, v4  }
0x9b9: {  	v3 =	vnsel vm0, $0x7F, v3;
	v4 =	vbroadcast v4, $0x0  }
0x9ba: {  	v3 =	vadd.s32 $0x7F, v3  }
0x9bb: {  	s4 =	sadd.s32 $0x80, s19;
	v1 =	vadd.s32 v4, v1  }
0x9bc: {  	s5 =	sand.u32 $0x70, s20;
	s10 =	sand.u32 $0x7C00, s4;
	vm0 =	vgt.s32 v1, $0xFFFFFF81  }
0x9bd: {  	s5 =	sor.u32 s5, s10;
	v1 =	vnsel vm0, $0xFFFFFF81, v1  }
0x9be: {  	[tilespmem:s5+$0x300] =	vst v2;
	vm0 =	vlt.s32 v1, $0x7F  }
0x9bf: {  	v2 =	vld.idx.msk [tilespmem:v3+s2+$0x0], $0xffff;
	v1 =	vnsel vm0, $0x7F, v1  }
0x9c0: {  	v1 =	vadd.s32 $0x7F, v1  }
0x9c1: {  	s4 =	sadd.s32 $0x80, s4  }
0x9c2: {  	s26 =	sand.u32 $0x70, s21;
	s28 =	sand.u32 $0x7C00, s4  }
0x9c3: {  	s5 =	sor.u32 s26, s28  }
0x9c4: {  	[tilespmem:s5+$0x300] =	vst v2  }
0x9c5: {  	v1 =	vld.idx.msk [tilespmem:v1+s2+$0x0], $0xffff  }
0x9c6: {  	s19 =	simm.s32 $0x0  }
0x9c7: {  	s4 =	sadd.s32 $0x80, s4;
	v2 =	vmov s19  }
0x9c8: {  	s29 =	sand.u32 $0x70, s22;
	s4 =	sand.u32 $0x7C00, s4;
	v2 =	vsub.s32 $0x0, v2  }
0x9c9: {  	s4 =	sor.u32 s29, s4;
	v2 =	vbroadcast v2, $0x0  }
0x9ca: {  	[tilespmem:s4+$0x300] =	vst v1;
	v1 =	vadd.s32 v0, v52  }
0x9cb: {  	v2 =	vadd.s32 v2, v1  }
0x9cc: {  	s20 =	simm.s32 $0x10;
	vm0 =	vgt.s32 v2, $0xFFFFFF81  }
0x9cd: {  	v3 =	vmov s20;
	v2 =	vnsel vm0, $0xFFFFFF81, v2  }
0x9ce: {  	v3 =	vsub.s32 $0x0, v3;
	vm0 =	vlt.s32 v2, $0x7F  }
0x9cf: {  	v3 =	vbroadcast v3, $0x0;
	v2 =	vnsel vm0, $0x7F, v2  }
0x9d0: {  	v2 =	vadd.s32 $0x7F, v2  }
0x9d1: {  	v3 =	vadd.s32 v3, v1  }
0x9d2: {  	vm0 =	vgt.s32 v3, $0xFFFFFF81  }
0x9d3: {  	s21 =	simm.s32 $0x20;
	v3 =	vnsel vm0, $0xFFFFFF81, v3  }
0x9d4: {  	v4 =	vmov s21;
	vm0 =	vlt.s32 v3, $0x7F  }
0x9d5: {  	v4 =	vsub.s32 $0x0, v4;
	v3 =	vnsel vm0, $0x7F, v3;
	v2 =	vld.idx.msk [tilespmem:v2+s2+$0x0], $0xffff  }
0x9d6: {  	v4 =	vbroadcast v4, $0x0;
	v5 =	vadd.s32 $0x7F, v3;
	_ =	sdelay $0x1  }
0x9d7: {  	s30 =	sand.u32 $0x70, s19;
	s31 =	sand.u32 $0x7C00, s19;
	v3 =	vadd.s32 v4, v1  }
0x9d8: {  	s4 =	sor.u32 s30, s31;
	vm0 =	vgt.s32 v3, $0xFFFFFF81  }
0x9d9: {  	s22 =	simm.s32 $0x30;
	v3 =	vnsel vm0, $0xFFFFFF81, v3;
	[tilespmem:s4+$0x380] =	vst v2  }
0x9da: {  	s23 =	simm.s32 $0x40;
	v4 =	vmov s22;
	vm0 =	vlt.s32 v3, $0x7F;
	v2 =	vld.idx.msk [tilespmem:v5+s2+$0x0], $0xffff  }
.LBB2_118:
0x9db: {  	p0 =	seq.s32 s23, $0xF70;
	v4 =	vsub.s32 $0x0, v4;
	v3 =	vnsel vm0, $0x7F, v3  }
0x9dc: {  	v4 =	vbroadcast v4, $0x0;
	v5 =	vadd.s32 $0x7F, v3  }
.Ltmp58:
0x9dd: {  	s19 =	sadd.s32 $0x80, s19;
	(pc) =	sbr.rel @!p0 .LBB2_118-.Ltmp58, $4  }
0x9de: {  	s4 =	sand.u32 $0x70, s20;
	s20 =	smov.u32 s21;
	s5 =	sand.u32 $0x7C00, s19;
	v3 =	vadd.s32 v4, v1  }
0x9df: {  	s21 =	smov.u32 s22;
	s22 =	smov.u32 s23;
	s4 =	sor.u32 s4, s5;
	vm0 =	vgt.s32 v3, $0xFFFFFF81  }
0x9e0: {  	v3 =	vnsel vm0, $0xFFFFFF81, v3;
	[tilespmem:s4+$0x380] =	vst v2  }
0x9e1: {  	s23 =	sadd.s32 $0x10, s23;
	v4 =	vmov s22;
	vm0 =	vlt.s32 v3, $0x7F;
	v2 =	vld.idx.msk [tilespmem:v5+s2+$0x0], $0xffff  }
0x9e2: {  	v4 =	vsub.s32 $0x0, v4  }
0x9e3: {  	v3 =	vnsel vm0, $0x7F, v3;
	v4 =	vbroadcast v4, $0x0  }
0x9e4: {  	v3 =	vadd.s32 $0x7F, v3  }
0x9e5: {  	s4 =	sadd.s32 $0x80, s19;
	v1 =	vadd.s32 v4, v1  }
0x9e6: {  	s5 =	sand.u32 $0x70, s20;
	s10 =	sand.u32 $0x7C00, s4;
	vm0 =	vgt.s32 v1, $0xFFFFFF81  }
0x9e7: {  	s5 =	sor.u32 s5, s10;
	v1 =	vnsel vm0, $0xFFFFFF81, v1  }
0x9e8: {  	[tilespmem:s5+$0x380] =	vst v2;
	vm0 =	vlt.s32 v1, $0x7F  }
0x9e9: {  	v2 =	vld.idx.msk [tilespmem:v3+s2+$0x0], $0xffff;
	v1 =	vnsel vm0, $0x7F, v1  }
0x9ea: {  	v1 =	vadd.s32 $0x7F, v1  }
0x9eb: {  	s4 =	sadd.s32 $0x80, s4  }
0x9ec: {  	s26 =	sand.u32 $0x70, s21;
	s28 =	sand.u32 $0x7C00, s4  }
0x9ed: {  	s5 =	sor.u32 s26, s28  }
0x9ee: {  	[tilespmem:s5+$0x380] =	vst v2  }
0x9ef: {  	v1 =	vld.idx.msk [tilespmem:v1+s2+$0x0], $0xffff  }
0x9f0: {  	s19 =	simm.s32 $0x0  }
0x9f1: {  	s4 =	sadd.s32 $0x80, s4;
	v2 =	vmov s19  }
0x9f2: {  	s29 =	sand.u32 $0x70, s22;
	s4 =	sand.u32 $0x7C00, s4;
	v2 =	vsub.s32 $0x0, v2  }
0x9f3: {  	s4 =	sor.u32 s29, s4;
	v2 =	vbroadcast v2, $0x0  }
0x9f4: {  	[tilespmem:s4+$0x380] =	vst v1;
	v1 =	vadd.s32 v0, v53  }
0x9f5: {  	v2 =	vadd.s32 v2, v1  }
0x9f6: {  	s20 =	simm.s32 $0x10;
	vm0 =	vgt.s32 v2, $0xFFFFFF81  }
0x9f7: {  	v3 =	vmov s20;
	v2 =	vnsel vm0, $0xFFFFFF81, v2  }
0x9f8: {  	v3 =	vsub.s32 $0x0, v3;
	vm0 =	vlt.s32 v2, $0x7F  }
0x9f9: {  	v3 =	vbroadcast v3, $0x0;
	v2 =	vnsel vm0, $0x7F, v2  }
0x9fa: {  	v2 =	vadd.s32 $0x7F, v2  }
0x9fb: {  	v3 =	vadd.s32 v3, v1  }
0x9fc: {  	vm0 =	vgt.s32 v3, $0xFFFFFF81  }
0x9fd: {  	s21 =	simm.s32 $0x20;
	v3 =	vnsel vm0, $0xFFFFFF81, v3  }
0x9fe: {  	v4 =	vmov s21;
	vm0 =	vlt.s32 v3, $0x7F  }
0x9ff: {  	v4 =	vsub.s32 $0x0, v4;
	v3 =	vnsel vm0, $0x7F, v3;
	v2 =	vld.idx.msk [tilespmem:v2+s2+$0x0], $0xffff  }
0xa00: {  	v4 =	vbroadcast v4, $0x0;
	v5 =	vadd.s32 $0x7F, v3;
	_ =	sdelay $0x1  }
0xa01: {  	s30 =	sand.u32 $0x70, s19;
	s31 =	sand.u32 $0x7C00, s19;
	v3 =	vadd.s32 v4, v1  }
0xa02: {  	s4 =	sor.u32 s30, s31;
	vm0 =	vgt.s32 v3, $0xFFFFFF81  }
0xa03: {  	s22 =	simm.s32 $0x30;
	v3 =	vnsel vm0, $0xFFFFFF81, v3;
	[tilespmem:s4+$0x400] =	vst v2  }
0xa04: {  	s23 =	simm.s32 $0x40;
	v4 =	vmov s22;
	vm0 =	vlt.s32 v3, $0x7F;
	v2 =	vld.idx.msk [tilespmem:v5+s2+$0x0], $0xffff  }
.LBB2_120:
0xa05: {  	p0 =	seq.s32 s23, $0xF70;
	v4 =	vsub.s32 $0x0, v4;
	v3 =	vnsel vm0, $0x7F, v3  }
0xa06: {  	v4 =	vbroadcast v4, $0x0;
	v5 =	vadd.s32 $0x7F, v3  }
.Ltmp59:
0xa07: {  	s19 =	sadd.s32 $0x80, s19;
	(pc) =	sbr.rel @!p0 .LBB2_120-.Ltmp59, $4  }
0xa08: {  	s4 =	sand.u32 $0x70, s20;
	s20 =	smov.u32 s21;
	s5 =	sand.u32 $0x7C00, s19;
	v3 =	vadd.s32 v4, v1  }
0xa09: {  	s21 =	smov.u32 s22;
	s22 =	smov.u32 s23;
	s4 =	sor.u32 s4, s5;
	vm0 =	vgt.s32 v3, $0xFFFFFF81  }
0xa0a: {  	v3 =	vnsel vm0, $0xFFFFFF81, v3;
	[tilespmem:s4+$0x400] =	vst v2  }
0xa0b: {  	s23 =	sadd.s32 $0x10, s23;
	v4 =	vmov s22;
	vm0 =	vlt.s32 v3, $0x7F;
	v2 =	vld.idx.msk [tilespmem:v5+s2+$0x0], $0xffff  }
0xa0c: {  	v4 =	vsub.s32 $0x0, v4  }
0xa0d: {  	v3 =	vnsel vm0, $0x7F, v3;
	v4 =	vbroadcast v4, $0x0  }
0xa0e: {  	v3 =	vadd.s32 $0x7F, v3  }
0xa0f: {  	s4 =	sadd.s32 $0x80, s19;
	v1 =	vadd.s32 v4, v1  }
0xa10: {  	s5 =	sand.u32 $0x70, s20;
	s10 =	sand.u32 $0x7C00, s4;
	vm0 =	vgt.s32 v1, $0xFFFFFF81  }
0xa11: {  	s5 =	sor.u32 s5, s10;
	v1 =	vnsel vm0, $0xFFFFFF81, v1  }
0xa12: {  	[tilespmem:s5+$0x400] =	vst v2;
	vm0 =	vlt.s32 v1, $0x7F  }
0xa13: {  	v2 =	vld.idx.msk [tilespmem:v3+s2+$0x0], $0xffff;
	v1 =	vnsel vm0, $0x7F, v1  }
0xa14: {  	v1 =	vadd.s32 $0x7F, v1  }
0xa15: {  	s4 =	sadd.s32 $0x80, s4  }
0xa16: {  	s26 =	sand.u32 $0x70, s21;
	s28 =	sand.u32 $0x7C00, s4  }
0xa17: {  	s5 =	sor.u32 s26, s28  }
0xa18: {  	[tilespmem:s5+$0x400] =	vst v2  }
0xa19: {  	v1 =	vld.idx.msk [tilespmem:v1+s2+$0x0], $0xffff  }
0xa1a: {  	s19 =	simm.s32 $0x0  }
0xa1b: {  	s4 =	sadd.s32 $0x80, s4;
	v2 =	vmov s19  }
0xa1c: {  	s29 =	sand.u32 $0x70, s22;
	s4 =	sand.u32 $0x7C00, s4;
	v2 =	vsub.s32 $0x0, v2  }
0xa1d: {  	s4 =	sor.u32 s29, s4;
	v2 =	vbroadcast v2, $0x0  }
0xa1e: {  	[tilespmem:s4+$0x400] =	vst v1;
	v1 =	vadd.s32 v0, v54  }
0xa1f: {  	v2 =	vadd.s32 v2, v1  }
0xa20: {  	s20 =	simm.s32 $0x10;
	vm0 =	vgt.s32 v2, $0xFFFFFF81  }
0xa21: {  	v3 =	vmov s20;
	v2 =	vnsel vm0, $0xFFFFFF81, v2  }
0xa22: {  	v3 =	vsub.s32 $0x0, v3;
	vm0 =	vlt.s32 v2, $0x7F  }
0xa23: {  	v3 =	vbroadcast v3, $0x0;
	v2 =	vnsel vm0, $0x7F, v2  }
0xa24: {  	v2 =	vadd.s32 $0x7F, v2  }
0xa25: {  	v3 =	vadd.s32 v3, v1  }
0xa26: {  	vm0 =	vgt.s32 v3, $0xFFFFFF81  }
0xa27: {  	s21 =	simm.s32 $0x20;
	v3 =	vnsel vm0, $0xFFFFFF81, v3  }
0xa28: {  	v4 =	vmov s21;
	vm0 =	vlt.s32 v3, $0x7F  }
0xa29: {  	v4 =	vsub.s32 $0x0, v4;
	v3 =	vnsel vm0, $0x7F, v3;
	v2 =	vld.idx.msk [tilespmem:v2+s2+$0x0], $0xffff  }
0xa2a: {  	v4 =	vbroadcast v4, $0x0;
	v5 =	vadd.s32 $0x7F, v3;
	_ =	sdelay $0x1  }
0xa2b: {  	s30 =	sand.u32 $0x70, s19;
	s31 =	sand.u32 $0x7C00, s19;
	v3 =	vadd.s32 v4, v1  }
0xa2c: {  	s4 =	sor.u32 s30, s31;
	vm0 =	vgt.s32 v3, $0xFFFFFF81  }
0xa2d: {  	s22 =	simm.s32 $0x30;
	v3 =	vnsel vm0, $0xFFFFFF81, v3;
	[tilespmem:s4+$0x480] =	vst v2  }
0xa2e: {  	s23 =	simm.s32 $0x40;
	v4 =	vmov s22;
	vm0 =	vlt.s32 v3, $0x7F;
	v2 =	vld.idx.msk [tilespmem:v5+s2+$0x0], $0xffff  }
.LBB2_122:
0xa2f: {  	p0 =	seq.s32 s23, $0xF70;
	v4 =	vsub.s32 $0x0, v4;
	v3 =	vnsel vm0, $0x7F, v3  }
0xa30: {  	v4 =	vbroadcast v4, $0x0;
	v5 =	vadd.s32 $0x7F, v3  }
.Ltmp60:
0xa31: {  	s19 =	sadd.s32 $0x80, s19;
	(pc) =	sbr.rel @!p0 .LBB2_122-.Ltmp60, $4  }
0xa32: {  	s4 =	sand.u32 $0x70, s20;
	s20 =	smov.u32 s21;
	s5 =	sand.u32 $0x7C00, s19;
	v3 =	vadd.s32 v4, v1  }
0xa33: {  	s21 =	smov.u32 s22;
	s22 =	smov.u32 s23;
	s4 =	sor.u32 s4, s5;
	vm0 =	vgt.s32 v3, $0xFFFFFF81  }
0xa34: {  	v3 =	vnsel vm0, $0xFFFFFF81, v3;
	[tilespmem:s4+$0x480] =	vst v2  }
0xa35: {  	s23 =	sadd.s32 $0x10, s23;
	v4 =	vmov s22;
	vm0 =	vlt.s32 v3, $0x7F;
	v2 =	vld.idx.msk [tilespmem:v5+s2+$0x0], $0xffff  }
0xa36: {  	v4 =	vsub.s32 $0x0, v4  }
0xa37: {  	v3 =	vnsel vm0, $0x7F, v3;
	v4 =	vbroadcast v4, $0x0  }
0xa38: {  	v3 =	vadd.s32 $0x7F, v3  }
0xa39: {  	s4 =	sadd.s32 $0x80, s19;
	v1 =	vadd.s32 v4, v1  }
0xa3a: {  	s5 =	sand.u32 $0x70, s20;
	s10 =	sand.u32 $0x7C00, s4;
	vm0 =	vgt.s32 v1, $0xFFFFFF81  }
0xa3b: {  	s5 =	sor.u32 s5, s10;
	v1 =	vnsel vm0, $0xFFFFFF81, v1  }
0xa3c: {  	[tilespmem:s5+$0x480] =	vst v2;
	vm0 =	vlt.s32 v1, $0x7F  }
0xa3d: {  	v2 =	vld.idx.msk [tilespmem:v3+s2+$0x0], $0xffff;
	v1 =	vnsel vm0, $0x7F, v1  }
0xa3e: {  	v1 =	vadd.s32 $0x7F, v1  }
0xa3f: {  	s4 =	sadd.s32 $0x80, s4  }
0xa40: {  	s23 =	sand.u32 $0x70, s21;
	s25 =	sand.u32 $0x7C00, s4  }
0xa41: {  	s5 =	sor.u32 s23, s25  }
0xa42: {  	[tilespmem:s5+$0x480] =	vst v2  }
0xa43: {  	v1 =	vld.idx.msk [tilespmem:v1+s2+$0x0], $0xffff  }
0xa44: {  	s19 =	simm.s32 $0x0  }
0xa45: {  	s4 =	sadd.s32 $0x80, s4;
	v2 =	vmov s19  }
0xa46: {  	s26 =	sand.u32 $0x70, s22;
	s4 =	sand.u32 $0x7C00, s4;
	v2 =	vsub.s32 $0x0, v2  }
0xa47: {  	s4 =	sor.u32 s26, s4;
	v2 =	vbroadcast v2, $0x0  }
0xa48: {  	[tilespmem:s4+$0x480] =	vst v1;
	v1 =	vadd.s32 v0, v55  }
0xa49: {  	v2 =	vadd.s32 v2, v1  }
0xa4a: {  	s28 =	simm.s32 $0x10;
	vm0 =	vgt.s32 v2, $0xFFFFFF81  }
0xa4b: {  	v3 =	vmov s28;
	v2 =	vnsel vm0, $0xFFFFFF81, v2  }
0xa4c: {  	v3 =	vsub.s32 $0x0, v3;
	vm0 =	vlt.s32 v2, $0x7F  }
0xa4d: {  	v3 =	vbroadcast v3, $0x0;
	v2 =	vnsel vm0, $0x7F, v2  }
0xa4e: {  	v2 =	vadd.s32 $0x7F, v2  }
0xa4f: {  	v3 =	vadd.s32 v3, v1  }
0xa50: {  	vm0 =	vgt.s32 v3, $0xFFFFFF81  }
0xa51: {  	s29 =	simm.s32 $0x20;
	v3 =	vnsel vm0, $0xFFFFFF81, v3  }
0xa52: {  	v4 =	vmov s29;
	vm0 =	vlt.s32 v3, $0x7F  }
0xa53: {  	v4 =	vsub.s32 $0x0, v4;
	v3 =	vnsel vm0, $0x7F, v3;
	v2 =	vld.idx.msk [tilespmem:v2+s2+$0x0], $0xffff  }
0xa54: {  	s30 =	sand.u32 $0x7, s19;
	v4 =	vbroadcast v4, $0x0;
	v5 =	vadd.s32 $0x7F, v3  }
0xa55: {  	s4 =	sshll.u32 s30, $0x4  }
0xa56: {  	s4 =	sadd.s32 $0x0, s4;
	v3 =	vadd.s32 v4, v1  }
0xa57: {  	s4 =	sor.u32 $0x380, s4;
	vm0 =	vgt.s32 v3, $0xFFFFFF81  }
0xa58: {  	s31 =	simm.s32 $0x30;
	v3 =	vnsel vm0, $0xFFFFFF81, v3;
	[tilespmem:s4+$0x180] =	vst v2  }
0xa59: {  	s21 =	simm.s32 $0x40;
	s20 =	simm.s32 $0x0;
	v4 =	vmov s31;
	vm0 =	vlt.s32 v3, $0x7F;
	v2 =	vld.idx.msk [tilespmem:v5+s2+$0x0], $0xffff  }
.LBB2_124:
0xa5a: {  	p0 =	sne.s32 s21, $0xF70;
	v4 =	vsub.s32 $0x0, v4;
	v3 =	vnsel vm0, $0x7F, v3;
	s19 =	sadd.s32 $0x1, s19  }
0xa5b: {  	v4 =	vbroadcast v4, $0x0;
	v5 =	vadd.s32 $0x7F, v3;
	s4 =	sand.u32 $0x7, s19  }
.Ltmp61:
0xa5c: {  	s20 =	sadd.s32 $0x80, s20;
	s4 =	sshll.u32 s4, $0x4;
	(pc) =	sbr.rel @p0 .LBB2_124-.Ltmp61, $4  }
0xa5d: {  	v3 =	vadd.s32 v4, v1;
	s4 =	sadd.s32 s4, s20  }
0xa5e: {  	vm0 =	vgt.s32 v3, $0xFFFFFF81;
	s4 =	sor.u32 $0x380, s4  }
0xa5f: {  	v3 =	vnsel vm0, $0xFFFFFF81, v3;
	[tilespmem:s4+$0x180] =	vst v2  }
0xa60: {  	v4 =	vmov s21;
	s21 =	sadd.s32 $0x10, s21;
	vm0 =	vlt.s32 v3, $0x7F;
	v2 =	vld.idx.msk [tilespmem:v5+s2+$0x0], $0xffff  }
0xa61: {  	v4 =	vsub.s32 $0x0, v4  }
0xa62: {  	v3 =	vnsel vm0, $0x7F, v3;
	s4 =	sadd.s32 $0x1, s19;
	v4 =	vbroadcast v4, $0x0  }
0xa63: {  	v3 =	vadd.s32 $0x7F, v3;
	s5 =	sand.u32 $0x7, s4  }
0xa64: {  	s10 =	sadd.s32 $0x80, s20;
	s5 =	sshll.u32 s5, $0x4;
	v1 =	vadd.s32 v4, v1  }
0xa65: {  	s5 =	sadd.s32 s5, s10;
	vm15 =	vgt.s32 v1, $0xFFFFFF81  }
0xa66: {  	s5 =	sor.u32 $0x380, s5;
	v1 =	vnsel vm15, $0xFFFFFF81, v1  }
0xa67: {  	[tilespmem:s5+$0x180] =	vst v2;
	vm0 =	vlt.s32 v1, $0x7F  }
0xa68: {  	s4 =	sadd.s32 $0x1, s4;
	v2 =	vld.idx.msk [tilespmem:v3+s2+$0x0], $0xffff;
	v1 =	vnsel vm0, $0x7F, v1  }
0xa69: {  	s29 =	sand.u32 $0x7, s4;
	v1 =	vadd.s32 $0x7F, v1  }
0xa6a: {  	s10 =	sadd.s32 $0x80, s10;
	s5 =	sshll.u32 s29, $0x4  }
0xa6b: {  	s5 =	sadd.s32 s5, s10  }
0xa6c: {  	s5 =	sor.u32 $0x380, s5  }
0xa6d: {  	[tilespmem:s5+$0x180] =	vst v2  }
0xa6e: {  	s4 =	sadd.s32 $0x1, s4;
	v1 =	vld.idx.msk [tilespmem:v1+s2+$0x0], $0xffff  }
0xa6f: {  	s4 =	sand.u32 $0x7, s4  }
0xa70: {  	s4 =	sshll.u32 s4, $0x4;
	s30 =	sadd.s32 $0x80, s10  }
0xa71: {  	s4 =	sadd.s32 s4, s30  }
0xa72: {  	s4 =	sor.u32 $0x380, s4  }
0xa73: {  	s31 =	simm.s32 $0x3D80;
	s19 =	simm.s32 $0xE000;
	s20 =	smov.u32 s13;
	[tilespmem:s4+$0x180] =	vst v1  }
0xa74: {  	[hbm4b:s13+s2] =	stream.linear.scatter [tilespmem:s31], [sflag:$0x1], $0x4000, $0x38;
	[tilespmem:$0xF980] =	vst v63  }
.LBB2_126:
0xa75: {  	p0 =	sne.s32 s19, $0x0  }
.Ltmp62:
0xa76: {  	_ = 	snop;
	(pc) =	sbr.rel @p0 .LBB2_126-.Ltmp62, $4  }
0xa77: {  	_ = 	snop  }
0xa78: {  	s4 =	sshra.s32 s19, $0x2;
	s19 =	sadd.s32 $0xFFFFF000, s19  }
0xa79: {  	s20 =	sadd.s32 $0x8000, s20;
	s4 =	sadd.s32 $0x180, s4  }
0xa7a: {  	[hbm4b:s20+s2] =	stream.linear.scatter [tilespmem:s4], [sflag:$0x1], $0x4000, $0x38;
	[tilespmem:$0xF980] =	vst v63  }
0xa7b: {  	_ =	swait.ge [sflag:s17], $0x4000  }
0xa7c: {  	[sflag:s17] =	ssyncset.done $0x0  }
0xa7d: {  	[sflag:s17] =	ssyncadd.s32 $0xFFFFC000  }
0xa7e: {  	_ =	swait.ge [sflag:s17], $0x4000  }
0xa7f: {  	[sflag:s17] =	ssyncset.done $0x0  }
0xa80: {  	[sflag:s17] =	ssyncadd.s32 $0xFFFFC000  }
0xa81: {  	_ =	swait.ge [sflag:s17], $0x4000  }
0xa82: {  	[sflag:s17] =	ssyncset.done $0x0  }
0xa83: {  	[sflag:s17] =	ssyncadd.s32 $0xFFFFC000  }
0xa84: {  	_ =	swait.ge [sflag:s17], $0x4000  }
0xa85: {  	[sflag:s17] =	ssyncset.done $0x0  }
0xa86: {  	[sflag:s17] =	ssyncadd.s32 $0xFFFFC000  }
0xa87: {  	_ =	swait.ge [sflag:s17], $0x4000  }
0xa88: {  	[sflag:s17] =	ssyncset.done $0x0  }
0xa89: {  	[sflag:s17] =	ssyncadd.s32 $0xFFFFC000  }
0xa8a: {  	_ =	swait.ge [sflag:s17], $0x4000  }
0xa8b: {  	[sflag:s17] =	ssyncset.done $0x0  }
0xa8c: {  	[sflag:s17] =	ssyncadd.s32 $0xFFFFC000  }
0xa8d: {  	_ =	swait.ge [sflag:s17], $0x4000  }
0xa8e: {  	[sflag:s17] =	ssyncset.done $0x0  }
0xa8f: {  	[sflag:s17] =	ssyncadd.s32 $0xFFFFC000  }
0xa90: {  	_ =	swait.ge [sflag:s17], $0x4000  }
0xa91: {  	[sflag:s17] =	ssyncset.done $0x0  }
0xa92: {  	[sflag:s17] =	ssyncadd.s32 $0xFFFFC000  }
0xa93: {  	_ =	swait.ge [sflag:s17], $0x4000  }
0xa94: {  	[sflag:s17] =	ssyncset.done $0x0  }
0xa95: {  	[sflag:s17] =	ssyncadd.s32 $0xFFFFC000  }
0xa96: {  	_ =	swait.ge [sflag:s17], $0x4000  }
0xa97: {  	[sflag:s17] =	ssyncset.done $0x0  }
0xa98: {  	[sflag:s17] =	ssyncadd.s32 $0xFFFFC000  }
0xa99: {  	_ =	swait.ge [sflag:s17], $0x4000  }
0xa9a: {  	[sflag:s17] =	ssyncset.done $0x0  }
0xa9b: {  	[sflag:s17] =	ssyncadd.s32 $0xFFFFC000  }
0xa9c: {  	s19 =	simm.s32 $0x0;
	_ =	swait.ge [sflag:s17], $0x4000  }
0xa9d: {  	v2 =	vmov s19;
	[sflag:s17] =	ssyncset.done $0x0  }
0xa9e: {  	v2 =	vsub.s32 $0x0, v2;
	[sflag:s17] =	ssyncadd.s32 $0xFFFFC000  }
0xa9f: {  	v2 =	vbroadcast v2, $0x0;
	_ =	swait.ge [sflag:s17], $0x4000  }
0xaa0: {  	v1 =	vadd.s32 v0, v56;
	[sflag:s17] =	ssyncset.done $0x0  }
0xaa1: {  	v2 =	vadd.s32 v2, v1;
	[sflag:s17] =	ssyncadd.s32 $0xFFFFC000  }
0xaa2: {  	s20 =	simm.s32 $0x10;
	vm0 =	vgt.s32 v2, $0xFFFFFF81;
	_ =	swait.ge [sflag:s17], $0x4000  }
0xaa3: {  	v3 =	vmov s20;
	v2 =	vnsel vm0, $0xFFFFFF81, v2;
	[sflag:s17] =	ssyncset.done $0x0  }
0xaa4: {  	v3 =	vsub.s32 $0x0, v3;
	vm0 =	vlt.s32 v2, $0x7F;
	[sflag:s17] =	ssyncadd.s32 $0xFFFFC000  }
0xaa5: {  	v3 =	vbroadcast v3, $0x0;
	v2 =	vnsel vm0, $0x7F, v2;
	_ =	swait.ge [sflag:s17], $0x4000  }
0xaa6: {  	v2 =	vadd.s32 $0x7F, v2;
	[sflag:s17] =	ssyncset.done $0x0  }
0xaa7: {  	v3 =	vadd.s32 v3, v1;
	[sflag:s17] =	ssyncadd.s32 $0xFFFFC000  }
0xaa8: {  	vm0 =	vgt.s32 v3, $0xFFFFFF81;
	_ =	swait.ge [sflag:s17], $0x4000  }
0xaa9: {  	s21 =	simm.s32 $0x20;
	v3 =	vnsel vm0, $0xFFFFFF81, v3;
	[sflag:s17] =	ssyncset.done $0x0  }
0xaaa: {  	v4 =	vmov s21;
	vm0 =	vlt.s32 v3, $0x7F;
	[sflag:s17] =	ssyncadd.s32 $0xFFFFC000  }
0xaab: {  	v4 =	vsub.s32 $0x0, v4;
	v3 =	vnsel vm0, $0x7F, v3;
	v2 =	vld.idx.msk [tilespmem:v2+s2+$0x0], $0xffff  }
0xaac: {  	v4 =	vbroadcast v4, $0x0;
	v5 =	vadd.s32 $0x7F, v3;
	_ =	sdelay $0x1  }
0xaad: {  	s4 =	sand.u32 $0x70, s19;
	s5 =	sand.u32 $0x7C00, s19;
	v3 =	vadd.s32 v4, v1  }
0xaae: {  	s4 =	sor.u32 s4, s5;
	vm0 =	vgt.s32 v3, $0xFFFFFF81  }
0xaaf: {  	s22 =	simm.s32 $0x30;
	v3 =	vnsel vm0, $0xFFFFFF81, v3;
	[tilespmem:s4+$0x7D80] =	vst v2  }
0xab0: {  	s23 =	simm.s32 $0x40;
	v4 =	vmov s22;
	vm0 =	vlt.s32 v3, $0x7F;
	v2 =	vld.idx.msk [tilespmem:v5+s2+$0x0], $0xffff  }
.LBB2_128:
0xab1: {  	p0 =	seq.s32 s23, $0xF70;
	v4 =	vsub.s32 $0x0, v4;
	v3 =	vnsel vm0, $0x7F, v3  }
0xab2: {  	v4 =	vbroadcast v4, $0x0;
	v5 =	vadd.s32 $0x7F, v3  }
.Ltmp63:
0xab3: {  	s19 =	sadd.s32 $0x80, s19;
	(pc) =	sbr.rel @!p0 .LBB2_128-.Ltmp63, $4  }
0xab4: {  	s4 =	sand.u32 $0x70, s20;
	s20 =	smov.u32 s21;
	s5 =	sand.u32 $0x7C00, s19;
	v3 =	vadd.s32 v4, v1  }
0xab5: {  	s21 =	smov.u32 s22;
	s22 =	smov.u32 s23;
	s4 =	sor.u32 s4, s5;
	vm0 =	vgt.s32 v3, $0xFFFFFF81  }
0xab6: {  	v3 =	vnsel vm0, $0xFFFFFF81, v3;
	[tilespmem:s4+$0x7D80] =	vst v2  }
0xab7: {  	s23 =	sadd.s32 $0x10, s23;
	v4 =	vmov s22;
	vm0 =	vlt.s32 v3, $0x7F;
	v2 =	vld.idx.msk [tilespmem:v5+s2+$0x0], $0xffff  }
0xab8: {  	v4 =	vsub.s32 $0x0, v4  }
0xab9: {  	v3 =	vnsel vm0, $0x7F, v3;
	v4 =	vbroadcast v4, $0x0  }
0xaba: {  	v3 =	vadd.s32 $0x7F, v3  }
0xabb: {  	s4 =	sadd.s32 $0x80, s19;
	v1 =	vadd.s32 v4, v1  }
0xabc: {  	s5 =	sand.u32 $0x70, s20;
	s10 =	sand.u32 $0x7C00, s4;
	vm0 =	vgt.s32 v1, $0xFFFFFF81  }
0xabd: {  	s5 =	sor.u32 s5, s10;
	v1 =	vnsel vm0, $0xFFFFFF81, v1  }
0xabe: {  	[tilespmem:s5+$0x7D80] =	vst v2;
	vm0 =	vlt.s32 v1, $0x7F  }
0xabf: {  	v2 =	vld.idx.msk [tilespmem:v3+s2+$0x0], $0xffff;
	v1 =	vnsel vm0, $0x7F, v1  }
0xac0: {  	v1 =	vadd.s32 $0x7F, v1  }
0xac1: {  	s4 =	sadd.s32 $0x80, s4  }
0xac2: {  	s26 =	sand.u32 $0x70, s21;
	s28 =	sand.u32 $0x7C00, s4  }
0xac3: {  	s5 =	sor.u32 s26, s28  }
0xac4: {  	[tilespmem:s5+$0x7D80] =	vst v2  }
0xac5: {  	v1 =	vld.idx.msk [tilespmem:v1+s2+$0x0], $0xffff  }
0xac6: {  	s19 =	simm.s32 $0x0  }
0xac7: {  	s4 =	sadd.s32 $0x80, s4;
	v2 =	vmov s19  }
0xac8: {  	s29 =	sand.u32 $0x70, s22;
	s4 =	sand.u32 $0x7C00, s4;
	v2 =	vsub.s32 $0x0, v2  }
0xac9: {  	s4 =	sor.u32 s29, s4;
	v2 =	vbroadcast v2, $0x0  }
0xaca: {  	[tilespmem:s4+$0x7D80] =	vst v1;
	v1 =	vadd.s32 v0, v57  }
0xacb: {  	v2 =	vadd.s32 v2, v1  }
0xacc: {  	s20 =	simm.s32 $0x10;
	vm0 =	vgt.s32 v2, $0xFFFFFF81  }
0xacd: {  	v3 =	vmov s20;
	v2 =	vnsel vm0, $0xFFFFFF81, v2  }
0xace: {  	v3 =	vsub.s32 $0x0, v3;
	vm0 =	vlt.s32 v2, $0x7F  }
0xacf: {  	v3 =	vbroadcast v3, $0x0;
	v2 =	vnsel vm0, $0x7F, v2  }
0xad0: {  	v2 =	vadd.s32 $0x7F, v2  }
0xad1: {  	v3 =	vadd.s32 v3, v1  }
0xad2: {  	vm0 =	vgt.s32 v3, $0xFFFFFF81  }
0xad3: {  	s21 =	simm.s32 $0x20;
	v3 =	vnsel vm0, $0xFFFFFF81, v3  }
0xad4: {  	v4 =	vmov s21;
	vm0 =	vlt.s32 v3, $0x7F  }
0xad5: {  	v4 =	vsub.s32 $0x0, v4;
	v3 =	vnsel vm0, $0x7F, v3;
	v2 =	vld.idx.msk [tilespmem:v2+s2+$0x0], $0xffff  }
0xad6: {  	v4 =	vbroadcast v4, $0x0;
	v5 =	vadd.s32 $0x7F, v3;
	_ =	sdelay $0x1  }
0xad7: {  	s30 =	sand.u32 $0x70, s19;
	s31 =	sand.u32 $0x7C00, s19;
	v3 =	vadd.s32 v4, v1  }
0xad8: {  	s4 =	sor.u32 s30, s31;
	vm0 =	vgt.s32 v3, $0xFFFFFF81  }
0xad9: {  	s22 =	simm.s32 $0x30;
	v3 =	vnsel vm0, $0xFFFFFF81, v3;
	[tilespmem:s4+$0x7E00] =	vst v2  }
0xada: {  	s23 =	simm.s32 $0x40;
	v4 =	vmov s22;
	vm0 =	vlt.s32 v3, $0x7F;
	v2 =	vld.idx.msk [tilespmem:v5+s2+$0x0], $0xffff  }
.LBB2_130:
0xadb: {  	p0 =	seq.s32 s23, $0xF70;
	v4 =	vsub.s32 $0x0, v4;
	v3 =	vnsel vm0, $0x7F, v3  }
0xadc: {  	v4 =	vbroadcast v4, $0x0;
	v5 =	vadd.s32 $0x7F, v3  }
.Ltmp64:
0xadd: {  	s19 =	sadd.s32 $0x80, s19;
	(pc) =	sbr.rel @!p0 .LBB2_130-.Ltmp64, $4  }
0xade: {  	s4 =	sand.u32 $0x70, s20;
	s20 =	smov.u32 s21;
	s5 =	sand.u32 $0x7C00, s19;
	v3 =	vadd.s32 v4, v1  }
0xadf: {  	s21 =	smov.u32 s22;
	s22 =	smov.u32 s23;
	s4 =	sor.u32 s4, s5;
	vm0 =	vgt.s32 v3, $0xFFFFFF81  }
0xae0: {  	v3 =	vnsel vm0, $0xFFFFFF81, v3;
	[tilespmem:s4+$0x7E00] =	vst v2  }
0xae1: {  	s23 =	sadd.s32 $0x10, s23;
	v4 =	vmov s22;
	vm0 =	vlt.s32 v3, $0x7F;
	v2 =	vld.idx.msk [tilespmem:v5+s2+$0x0], $0xffff  }
0xae2: {  	v4 =	vsub.s32 $0x0, v4  }
0xae3: {  	v3 =	vnsel vm0, $0x7F, v3;
	v4 =	vbroadcast v4, $0x0  }
0xae4: {  	v3 =	vadd.s32 $0x7F, v3  }
0xae5: {  	s4 =	sadd.s32 $0x80, s19;
	v1 =	vadd.s32 v4, v1  }
0xae6: {  	s5 =	sand.u32 $0x70, s20;
	s10 =	sand.u32 $0x7C00, s4;
	vm0 =	vgt.s32 v1, $0xFFFFFF81  }
0xae7: {  	s5 =	sor.u32 s5, s10;
	v1 =	vnsel vm0, $0xFFFFFF81, v1  }
0xae8: {  	[tilespmem:s5+$0x7E00] =	vst v2;
	vm0 =	vlt.s32 v1, $0x7F  }
0xae9: {  	v2 =	vld.idx.msk [tilespmem:v3+s2+$0x0], $0xffff;
	v1 =	vnsel vm0, $0x7F, v1  }
0xaea: {  	v1 =	vadd.s32 $0x7F, v1  }
0xaeb: {  	s4 =	sadd.s32 $0x80, s4  }
0xaec: {  	s26 =	sand.u32 $0x70, s21;
	s28 =	sand.u32 $0x7C00, s4  }
0xaed: {  	s5 =	sor.u32 s26, s28  }
0xaee: {  	[tilespmem:s5+$0x7E00] =	vst v2  }
0xaef: {  	v1 =	vld.idx.msk [tilespmem:v1+s2+$0x0], $0xffff  }
0xaf0: {  	s19 =	simm.s32 $0x0  }
0xaf1: {  	s4 =	sadd.s32 $0x80, s4;
	v2 =	vmov s19  }
0xaf2: {  	s29 =	sand.u32 $0x70, s22;
	s4 =	sand.u32 $0x7C00, s4;
	v2 =	vsub.s32 $0x0, v2  }
0xaf3: {  	s4 =	sor.u32 s29, s4;
	v2 =	vbroadcast v2, $0x0  }
0xaf4: {  	[tilespmem:s4+$0x7E00] =	vst v1;
	v1 =	vadd.s32 v0, v58  }
0xaf5: {  	v2 =	vadd.s32 v2, v1  }
0xaf6: {  	s20 =	simm.s32 $0x10;
	vm0 =	vgt.s32 v2, $0xFFFFFF81  }
0xaf7: {  	v3 =	vmov s20;
	v2 =	vnsel vm0, $0xFFFFFF81, v2  }
0xaf8: {  	v3 =	vsub.s32 $0x0, v3;
	vm0 =	vlt.s32 v2, $0x7F  }
0xaf9: {  	v3 =	vbroadcast v3, $0x0;
	v2 =	vnsel vm0, $0x7F, v2  }
0xafa: {  	v2 =	vadd.s32 $0x7F, v2  }
0xafb: {  	v3 =	vadd.s32 v3, v1  }
0xafc: {  	vm0 =	vgt.s32 v3, $0xFFFFFF81  }
0xafd: {  	s21 =	simm.s32 $0x20;
	v3 =	vnsel vm0, $0xFFFFFF81, v3  }
0xafe: {  	v4 =	vmov s21;
	vm0 =	vlt.s32 v3, $0x7F  }
0xaff: {  	v4 =	vsub.s32 $0x0, v4;
	v3 =	vnsel vm0, $0x7F, v3;
	v2 =	vld.idx.msk [tilespmem:v2+s2+$0x0], $0xffff  }
0xb00: {  	v4 =	vbroadcast v4, $0x0;
	v5 =	vadd.s32 $0x7F, v3;
	_ =	sdelay $0x1  }
0xb01: {  	s30 =	sand.u32 $0x70, s19;
	s31 =	sand.u32 $0x7C00, s19;
	v3 =	vadd.s32 v4, v1  }
0xb02: {  	s4 =	sor.u32 s30, s31;
	vm0 =	vgt.s32 v3, $0xFFFFFF81  }
0xb03: {  	s22 =	simm.s32 $0x30;
	v3 =	vnsel vm0, $0xFFFFFF81, v3;
	[tilespmem:s4+$0x7E80] =	vst v2  }
0xb04: {  	s23 =	simm.s32 $0x40;
	v4 =	vmov s22;
	vm0 =	vlt.s32 v3, $0x7F;
	v2 =	vld.idx.msk [tilespmem:v5+s2+$0x0], $0xffff  }
.LBB2_132:
0xb05: {  	p0 =	seq.s32 s23, $0xF70;
	v4 =	vsub.s32 $0x0, v4;
	v3 =	vnsel vm0, $0x7F, v3  }
0xb06: {  	v4 =	vbroadcast v4, $0x0;
	v5 =	vadd.s32 $0x7F, v3  }
.Ltmp65:
0xb07: {  	s19 =	sadd.s32 $0x80, s19;
	(pc) =	sbr.rel @!p0 .LBB2_132-.Ltmp65, $4  }
0xb08: {  	s4 =	sand.u32 $0x70, s20;
	s20 =	smov.u32 s21;
	s5 =	sand.u32 $0x7C00, s19;
	v3 =	vadd.s32 v4, v1  }
0xb09: {  	s21 =	smov.u32 s22;
	s22 =	smov.u32 s23;
	s4 =	sor.u32 s4, s5;
	vm0 =	vgt.s32 v3, $0xFFFFFF81  }
0xb0a: {  	v3 =	vnsel vm0, $0xFFFFFF81, v3;
	[tilespmem:s4+$0x7E80] =	vst v2  }
0xb0b: {  	s23 =	sadd.s32 $0x10, s23;
	v4 =	vmov s22;
	vm0 =	vlt.s32 v3, $0x7F;
	v2 =	vld.idx.msk [tilespmem:v5+s2+$0x0], $0xffff  }
0xb0c: {  	v4 =	vsub.s32 $0x0, v4  }
0xb0d: {  	v3 =	vnsel vm0, $0x7F, v3;
	v4 =	vbroadcast v4, $0x0  }
0xb0e: {  	v3 =	vadd.s32 $0x7F, v3  }
0xb0f: {  	s4 =	sadd.s32 $0x80, s19;
	v1 =	vadd.s32 v4, v1  }
0xb10: {  	s5 =	sand.u32 $0x70, s20;
	s10 =	sand.u32 $0x7C00, s4;
	vm0 =	vgt.s32 v1, $0xFFFFFF81  }
0xb11: {  	s5 =	sor.u32 s5, s10;
	v1 =	vnsel vm0, $0xFFFFFF81, v1  }
0xb12: {  	[tilespmem:s5+$0x7E80] =	vst v2;
	vm0 =	vlt.s32 v1, $0x7F  }
0xb13: {  	v2 =	vld.idx.msk [tilespmem:v3+s2+$0x0], $0xffff;
	v1 =	vnsel vm0, $0x7F, v1  }
0xb14: {  	v1 =	vadd.s32 $0x7F, v1  }
0xb15: {  	s4 =	sadd.s32 $0x80, s4  }
0xb16: {  	s26 =	sand.u32 $0x70, s21;
	s28 =	sand.u32 $0x7C00, s4  }
0xb17: {  	s5 =	sor.u32 s26, s28  }
0xb18: {  	[tilespmem:s5+$0x7E80] =	vst v2  }
0xb19: {  	v1 =	vld.idx.msk [tilespmem:v1+s2+$0x0], $0xffff  }
0xb1a: {  	s19 =	simm.s32 $0x0  }
0xb1b: {  	s4 =	sadd.s32 $0x80, s4;
	v2 =	vmov s19  }
0xb1c: {  	s29 =	sand.u32 $0x70, s22;
	s4 =	sand.u32 $0x7C00, s4;
	v2 =	vsub.s32 $0x0, v2  }
0xb1d: {  	s4 =	sor.u32 s29, s4;
	v2 =	vbroadcast v2, $0x0  }
0xb1e: {  	[tilespmem:s4+$0x7E80] =	vst v1;
	v1 =	vadd.s32 v0, v59  }
0xb1f: {  	v2 =	vadd.s32 v2, v1  }
0xb20: {  	s20 =	simm.s32 $0x10;
	vm0 =	vgt.s32 v2, $0xFFFFFF81  }
0xb21: {  	v3 =	vmov s20;
	v2 =	vnsel vm0, $0xFFFFFF81, v2  }
0xb22: {  	v3 =	vsub.s32 $0x0, v3;
	vm0 =	vlt.s32 v2, $0x7F  }
0xb23: {  	v3 =	vbroadcast v3, $0x0;
	v2 =	vnsel vm0, $0x7F, v2  }
0xb24: {  	v2 =	vadd.s32 $0x7F, v2  }
0xb25: {  	v3 =	vadd.s32 v3, v1  }
0xb26: {  	vm0 =	vgt.s32 v3, $0xFFFFFF81  }
0xb27: {  	s21 =	simm.s32 $0x20;
	v3 =	vnsel vm0, $0xFFFFFF81, v3  }
0xb28: {  	v4 =	vmov s21;
	vm0 =	vlt.s32 v3, $0x7F  }
0xb29: {  	v4 =	vsub.s32 $0x0, v4;
	v3 =	vnsel vm0, $0x7F, v3;
	v2 =	vld.idx.msk [tilespmem:v2+s2+$0x0], $0xffff  }
0xb2a: {  	v4 =	vbroadcast v4, $0x0;
	v5 =	vadd.s32 $0x7F, v3;
	_ =	sdelay $0x1  }
0xb2b: {  	s30 =	sand.u32 $0x70, s19;
	s31 =	sand.u32 $0x7C00, s19;
	v3 =	vadd.s32 v4, v1  }
0xb2c: {  	s4 =	sor.u32 s30, s31;
	vm0 =	vgt.s32 v3, $0xFFFFFF81  }
0xb2d: {  	s22 =	simm.s32 $0x30;
	v3 =	vnsel vm0, $0xFFFFFF81, v3;
	[tilespmem:s4+$0x7F00] =	vst v2  }
0xb2e: {  	s23 =	simm.s32 $0x40;
	v4 =	vmov s22;
	vm0 =	vlt.s32 v3, $0x7F;
	v2 =	vld.idx.msk [tilespmem:v5+s2+$0x0], $0xffff  }
.LBB2_134:
0xb2f: {  	p0 =	seq.s32 s23, $0xF70;
	v4 =	vsub.s32 $0x0, v4;
	v3 =	vnsel vm0, $0x7F, v3  }
0xb30: {  	v4 =	vbroadcast v4, $0x0;
	v5 =	vadd.s32 $0x7F, v3  }
.Ltmp66:
0xb31: {  	s19 =	sadd.s32 $0x80, s19;
	(pc) =	sbr.rel @!p0 .LBB2_134-.Ltmp66, $4  }
0xb32: {  	s4 =	sand.u32 $0x70, s20;
	s20 =	smov.u32 s21;
	s5 =	sand.u32 $0x7C00, s19;
	v3 =	vadd.s32 v4, v1  }
0xb33: {  	s21 =	smov.u32 s22;
	s22 =	smov.u32 s23;
	s4 =	sor.u32 s4, s5;
	vm0 =	vgt.s32 v3, $0xFFFFFF81  }
0xb34: {  	v3 =	vnsel vm0, $0xFFFFFF81, v3;
	[tilespmem:s4+$0x7F00] =	vst v2  }
0xb35: {  	s23 =	sadd.s32 $0x10, s23;
	v4 =	vmov s22;
	vm0 =	vlt.s32 v3, $0x7F;
	v2 =	vld.idx.msk [tilespmem:v5+s2+$0x0], $0xffff  }
0xb36: {  	v4 =	vsub.s32 $0x0, v4  }
0xb37: {  	v3 =	vnsel vm0, $0x7F, v3;
	v4 =	vbroadcast v4, $0x0  }
0xb38: {  	v3 =	vadd.s32 $0x7F, v3  }
0xb39: {  	s4 =	sadd.s32 $0x80, s19;
	v1 =	vadd.s32 v4, v1  }
0xb3a: {  	s5 =	sand.u32 $0x70, s20;
	s10 =	sand.u32 $0x7C00, s4;
	vm0 =	vgt.s32 v1, $0xFFFFFF81  }
0xb3b: {  	s5 =	sor.u32 s5, s10;
	v1 =	vnsel vm0, $0xFFFFFF81, v1  }
0xb3c: {  	[tilespmem:s5+$0x7F00] =	vst v2;
	vm0 =	vlt.s32 v1, $0x7F  }
0xb3d: {  	v2 =	vld.idx.msk [tilespmem:v3+s2+$0x0], $0xffff;
	v1 =	vnsel vm0, $0x7F, v1  }
0xb3e: {  	v1 =	vadd.s32 $0x7F, v1  }
0xb3f: {  	s4 =	sadd.s32 $0x80, s4  }
0xb40: {  	s26 =	sand.u32 $0x70, s21;
	s28 =	sand.u32 $0x7C00, s4  }
0xb41: {  	s5 =	sor.u32 s26, s28  }
0xb42: {  	[tilespmem:s5+$0x7F00] =	vst v2  }
0xb43: {  	v1 =	vld.idx.msk [tilespmem:v1+s2+$0x0], $0xffff  }
0xb44: {  	s19 =	simm.s32 $0x0  }
0xb45: {  	s4 =	sadd.s32 $0x80, s4;
	v2 =	vmov s19  }
0xb46: {  	s29 =	sand.u32 $0x70, s22;
	s4 =	sand.u32 $0x7C00, s4;
	v2 =	vsub.s32 $0x0, v2  }
0xb47: {  	s4 =	sor.u32 s29, s4;
	v2 =	vbroadcast v2, $0x0  }
0xb48: {  	[tilespmem:s4+$0x7F00] =	vst v1;
	v1 =	vadd.s32 v0, v60  }
0xb49: {  	v2 =	vadd.s32 v2, v1  }
0xb4a: {  	s20 =	simm.s32 $0x10;
	vm0 =	vgt.s32 v2, $0xFFFFFF81  }
0xb4b: {  	v3 =	vmov s20;
	v2 =	vnsel vm0, $0xFFFFFF81, v2  }
0xb4c: {  	v3 =	vsub.s32 $0x0, v3;
	vm0 =	vlt.s32 v2, $0x7F  }
0xb4d: {  	v3 =	vbroadcast v3, $0x0;
	v2 =	vnsel vm0, $0x7F, v2  }
0xb4e: {  	v2 =	vadd.s32 $0x7F, v2  }
0xb4f: {  	v3 =	vadd.s32 v3, v1  }
0xb50: {  	vm0 =	vgt.s32 v3, $0xFFFFFF81  }
0xb51: {  	s21 =	simm.s32 $0x20;
	v3 =	vnsel vm0, $0xFFFFFF81, v3  }
0xb52: {  	v4 =	vmov s21;
	vm0 =	vlt.s32 v3, $0x7F  }
0xb53: {  	v4 =	vsub.s32 $0x0, v4;
	v3 =	vnsel vm0, $0x7F, v3;
	v2 =	vld.idx.msk [tilespmem:v2+s2+$0x0], $0xffff  }
0xb54: {  	v4 =	vbroadcast v4, $0x0;
	v5 =	vadd.s32 $0x7F, v3;
	_ =	sdelay $0x1  }
0xb55: {  	s30 =	sand.u32 $0x70, s19;
	s31 =	sand.u32 $0x7C00, s19;
	v3 =	vadd.s32 v4, v1  }
0xb56: {  	s4 =	sor.u32 s30, s31;
	vm0 =	vgt.s32 v3, $0xFFFFFF81  }
0xb57: {  	s22 =	simm.s32 $0x30;
	v3 =	vnsel vm0, $0xFFFFFF81, v3;
	[tilespmem:s4+$0x7F80] =	vst v2  }
0xb58: {  	s23 =	simm.s32 $0x40;
	v4 =	vmov s22;
	vm0 =	vlt.s32 v3, $0x7F;
	v2 =	vld.idx.msk [tilespmem:v5+s2+$0x0], $0xffff  }
.LBB2_136:
0xb59: {  	p0 =	seq.s32 s23, $0xF70;
	v4 =	vsub.s32 $0x0, v4;
	v3 =	vnsel vm0, $0x7F, v3  }
0xb5a: {  	v4 =	vbroadcast v4, $0x0;
	v5 =	vadd.s32 $0x7F, v3  }
.Ltmp67:
0xb5b: {  	s19 =	sadd.s32 $0x80, s19;
	(pc) =	sbr.rel @!p0 .LBB2_136-.Ltmp67, $4  }
0xb5c: {  	s4 =	sand.u32 $0x70, s20;
	s20 =	smov.u32 s21;
	s5 =	sand.u32 $0x7C00, s19;
	v3 =	vadd.s32 v4, v1  }
0xb5d: {  	s21 =	smov.u32 s22;
	s22 =	smov.u32 s23;
	s4 =	sor.u32 s4, s5;
	vm0 =	vgt.s32 v3, $0xFFFFFF81  }
0xb5e: {  	v3 =	vnsel vm0, $0xFFFFFF81, v3;
	[tilespmem:s4+$0x7F80] =	vst v2  }
0xb5f: {  	s23 =	sadd.s32 $0x10, s23;
	v4 =	vmov s22;
	vm0 =	vlt.s32 v3, $0x7F;
	v2 =	vld.idx.msk [tilespmem:v5+s2+$0x0], $0xffff  }
0xb60: {  	v4 =	vsub.s32 $0x0, v4  }
0xb61: {  	v3 =	vnsel vm0, $0x7F, v3;
	v4 =	vbroadcast v4, $0x0  }
0xb62: {  	v3 =	vadd.s32 $0x7F, v3  }
0xb63: {  	s4 =	sadd.s32 $0x80, s19;
	v1 =	vadd.s32 v4, v1  }
0xb64: {  	s5 =	sand.u32 $0x70, s20;
	s10 =	sand.u32 $0x7C00, s4;
	vm0 =	vgt.s32 v1, $0xFFFFFF81  }
0xb65: {  	s5 =	sor.u32 s5, s10;
	v1 =	vnsel vm0, $0xFFFFFF81, v1  }
0xb66: {  	[tilespmem:s5+$0x7F80] =	vst v2;
	vm0 =	vlt.s32 v1, $0x7F  }
0xb67: {  	v2 =	vld.idx.msk [tilespmem:v3+s2+$0x0], $0xffff;
	v1 =	vnsel vm0, $0x7F, v1  }
0xb68: {  	v1 =	vadd.s32 $0x7F, v1  }
0xb69: {  	s4 =	sadd.s32 $0x80, s4  }
0xb6a: {  	s26 =	sand.u32 $0x70, s21;
	s28 =	sand.u32 $0x7C00, s4  }
0xb6b: {  	s5 =	sor.u32 s26, s28  }
0xb6c: {  	[tilespmem:s5+$0x7F80] =	vst v2  }
0xb6d: {  	v1 =	vld.idx.msk [tilespmem:v1+s2+$0x0], $0xffff  }
0xb6e: {  	s19 =	simm.s32 $0x0  }
0xb6f: {  	s4 =	sadd.s32 $0x80, s4;
	v2 =	vmov s19  }
0xb70: {  	s29 =	sand.u32 $0x70, s22;
	s4 =	sand.u32 $0x7C00, s4;
	v2 =	vsub.s32 $0x0, v2  }
0xb71: {  	s4 =	sor.u32 s29, s4;
	v2 =	vbroadcast v2, $0x0  }
0xb72: {  	[tilespmem:s4+$0x7F80] =	vst v1;
	v1 =	vadd.s32 v0, v61  }
0xb73: {  	v2 =	vadd.s32 v2, v1  }
0xb74: {  	s20 =	simm.s32 $0x10;
	vm0 =	vgt.s32 v2, $0xFFFFFF81  }
0xb75: {  	v3 =	vmov s20;
	v2 =	vnsel vm0, $0xFFFFFF81, v2  }
0xb76: {  	v3 =	vsub.s32 $0x0, v3;
	vm0 =	vlt.s32 v2, $0x7F  }
0xb77: {  	v3 =	vbroadcast v3, $0x0;
	v2 =	vnsel vm0, $0x7F, v2  }
0xb78: {  	v2 =	vadd.s32 $0x7F, v2  }
0xb79: {  	v3 =	vadd.s32 v3, v1  }
0xb7a: {  	vm0 =	vgt.s32 v3, $0xFFFFFF81  }
0xb7b: {  	s21 =	simm.s32 $0x20;
	v3 =	vnsel vm0, $0xFFFFFF81, v3  }
0xb7c: {  	v4 =	vmov s21;
	vm0 =	vlt.s32 v3, $0x7F  }
0xb7d: {  	v4 =	vsub.s32 $0x0, v4;
	v3 =	vnsel vm0, $0x7F, v3;
	v2 =	vld.idx.msk [tilespmem:v2+s2+$0x0], $0xffff  }
0xb7e: {  	v4 =	vbroadcast v4, $0x0;
	v5 =	vadd.s32 $0x7F, v3;
	_ =	sdelay $0x1  }
0xb7f: {  	s30 =	sand.u32 $0x70, s19;
	s31 =	sand.u32 $0x7C00, s19;
	v3 =	vadd.s32 v4, v1  }
0xb80: {  	s4 =	sor.u32 s30, s31;
	vm0 =	vgt.s32 v3, $0xFFFFFF81  }
0xb81: {  	s22 =	simm.s32 $0x30;
	v3 =	vnsel vm0, $0xFFFFFF81, v3;
	[tilespmem:s4+$0x8000] =	vst v2  }
0xb82: {  	s23 =	simm.s32 $0x40;
	v4 =	vmov s22;
	vm0 =	vlt.s32 v3, $0x7F;
	v2 =	vld.idx.msk [tilespmem:v5+s2+$0x0], $0xffff  }
.LBB2_138:
0xb83: {  	p0 =	seq.s32 s23, $0xF70;
	v4 =	vsub.s32 $0x0, v4;
	v3 =	vnsel vm0, $0x7F, v3  }
0xb84: {  	v4 =	vbroadcast v4, $0x0;
	v5 =	vadd.s32 $0x7F, v3  }
.Ltmp68:
0xb85: {  	s19 =	sadd.s32 $0x80, s19;
	(pc) =	sbr.rel @!p0 .LBB2_138-.Ltmp68, $4  }
0xb86: {  	s4 =	sand.u32 $0x70, s20;
	s20 =	smov.u32 s21;
	s5 =	sand.u32 $0x7C00, s19;
	v3 =	vadd.s32 v4, v1  }
0xb87: {  	s21 =	smov.u32 s22;
	s22 =	smov.u32 s23;
	s4 =	sor.u32 s4, s5;
	vm0 =	vgt.s32 v3, $0xFFFFFF81  }
0xb88: {  	v3 =	vnsel vm0, $0xFFFFFF81, v3;
	[tilespmem:s4+$0x8000] =	vst v2  }
0xb89: {  	s23 =	sadd.s32 $0x10, s23;
	v4 =	vmov s22;
	vm0 =	vlt.s32 v3, $0x7F;
	v2 =	vld.idx.msk [tilespmem:v5+s2+$0x0], $0xffff  }
0xb8a: {  	v4 =	vsub.s32 $0x0, v4  }
0xb8b: {  	v3 =	vnsel vm0, $0x7F, v3;
	v4 =	vbroadcast v4, $0x0  }
0xb8c: {  	v3 =	vadd.s32 $0x7F, v3  }
0xb8d: {  	s4 =	sadd.s32 $0x80, s19;
	v1 =	vadd.s32 v4, v1  }
0xb8e: {  	s5 =	sand.u32 $0x70, s20;
	s10 =	sand.u32 $0x7C00, s4;
	vm0 =	vgt.s32 v1, $0xFFFFFF81  }
0xb8f: {  	s5 =	sor.u32 s5, s10;
	v1 =	vnsel vm0, $0xFFFFFF81, v1  }
0xb90: {  	[tilespmem:s5+$0x8000] =	vst v2;
	vm0 =	vlt.s32 v1, $0x7F  }
0xb91: {  	v2 =	vld.idx.msk [tilespmem:v3+s2+$0x0], $0xffff;
	v1 =	vnsel vm0, $0x7F, v1  }
0xb92: {  	v1 =	vadd.s32 $0x7F, v1  }
0xb93: {  	s4 =	sadd.s32 $0x80, s4  }
0xb94: {  	s26 =	sand.u32 $0x70, s21;
	s28 =	sand.u32 $0x7C00, s4  }
0xb95: {  	s5 =	sor.u32 s26, s28  }
0xb96: {  	[tilespmem:s5+$0x8000] =	vst v2  }
0xb97: {  	v1 =	vld.idx.msk [tilespmem:v1+s2+$0x0], $0xffff  }
0xb98: {  	s19 =	simm.s32 $0x0  }
0xb99: {  	s4 =	sadd.s32 $0x80, s4;
	v2 =	vmov s19  }
0xb9a: {  	s29 =	sand.u32 $0x70, s22;
	s4 =	sand.u32 $0x7C00, s4;
	v2 =	vsub.s32 $0x0, v2  }
0xb9b: {  	s4 =	sor.u32 s29, s4;
	v2 =	vbroadcast v2, $0x0  }
0xb9c: {  	[tilespmem:s4+$0x8000] =	vst v1;
	v1 =	vadd.s32 v0, v62  }
0xb9d: {  	v2 =	vadd.s32 v2, v1  }
0xb9e: {  	s20 =	simm.s32 $0x10;
	vm0 =	vgt.s32 v2, $0xFFFFFF81  }
0xb9f: {  	v3 =	vmov s20;
	v2 =	vnsel vm0, $0xFFFFFF81, v2  }
0xba0: {  	v3 =	vsub.s32 $0x0, v3;
	vm0 =	vlt.s32 v2, $0x7F  }
0xba1: {  	v3 =	vbroadcast v3, $0x0;
	v2 =	vnsel vm0, $0x7F, v2  }
0xba2: {  	v2 =	vadd.s32 $0x7F, v2  }
0xba3: {  	v3 =	vadd.s32 v3, v1  }
0xba4: {  	vm0 =	vgt.s32 v3, $0xFFFFFF81  }
0xba5: {  	s21 =	simm.s32 $0x20;
	v3 =	vnsel vm0, $0xFFFFFF81, v3  }
0xba6: {  	v4 =	vmov s21;
	vm0 =	vlt.s32 v3, $0x7F  }
0xba7: {  	v4 =	vsub.s32 $0x0, v4;
	v3 =	vnsel vm0, $0x7F, v3;
	v2 =	vld.idx.msk [tilespmem:v2+s2+$0x0], $0xffff  }
0xba8: {  	v4 =	vbroadcast v4, $0x0;
	v5 =	vadd.s32 $0x7F, v3;
	_ =	sdelay $0x1  }
0xba9: {  	s30 =	sand.u32 $0x70, s19;
	s31 =	sand.u32 $0x7C00, s19;
	v3 =	vadd.s32 v4, v1  }
0xbaa: {  	s4 =	sor.u32 s30, s31;
	vm0 =	vgt.s32 v3, $0xFFFFFF81  }
0xbab: {  	s22 =	simm.s32 $0x30;
	v3 =	vnsel vm0, $0xFFFFFF81, v3;
	[tilespmem:s4+$0x8080] =	vst v2  }
0xbac: {  	s23 =	simm.s32 $0x40;
	v4 =	vmov s22;
	vm0 =	vlt.s32 v3, $0x7F;
	v2 =	vld.idx.msk [tilespmem:v5+s2+$0x0], $0xffff  }
.LBB2_140:
0xbad: {  	p0 =	seq.s32 s23, $0xF70;
	v4 =	vsub.s32 $0x0, v4;
	v3 =	vnsel vm0, $0x7F, v3  }
0xbae: {  	v4 =	vbroadcast v4, $0x0;
	v5 =	vadd.s32 $0x7F, v3  }
.Ltmp69:
0xbaf: {  	s19 =	sadd.s32 $0x80, s19;
	(pc) =	sbr.rel @!p0 .LBB2_140-.Ltmp69, $4  }
0xbb0: {  	s4 =	sand.u32 $0x70, s20;
	s20 =	smov.u32 s21;
	s5 =	sand.u32 $0x7C00, s19;
	v3 =	vadd.s32 v4, v1  }
0xbb1: {  	s21 =	smov.u32 s22;
	s22 =	smov.u32 s23;
	s4 =	sor.u32 s4, s5;
	vm0 =	vgt.s32 v3, $0xFFFFFF81  }
0xbb2: {  	v3 =	vnsel vm0, $0xFFFFFF81, v3;
	[tilespmem:s4+$0x8080] =	vst v2  }
0xbb3: {  	s23 =	sadd.s32 $0x10, s23;
	v4 =	vmov s22;
	vm0 =	vlt.s32 v3, $0x7F;
	v2 =	vld.idx.msk [tilespmem:v5+s2+$0x0], $0xffff  }
0xbb4: {  	v4 =	vsub.s32 $0x0, v4  }
0xbb5: {  	v3 =	vnsel vm0, $0x7F, v3;
	v4 =	vbroadcast v4, $0x0  }
0xbb6: {  	v3 =	vadd.s32 $0x7F, v3  }
0xbb7: {  	s4 =	sadd.s32 $0x80, s19;
	v1 =	vadd.s32 v4, v1  }
0xbb8: {  	s5 =	sand.u32 $0x70, s20;
	s10 =	sand.u32 $0x7C00, s4;
	vm0 =	vgt.s32 v1, $0xFFFFFF81  }
0xbb9: {  	s5 =	sor.u32 s5, s10;
	v1 =	vnsel vm0, $0xFFFFFF81, v1  }
0xbba: {  	[tilespmem:s5+$0x8080] =	vst v2;
	vm0 =	vlt.s32 v1, $0x7F  }
0xbbb: {  	v2 =	vld.idx.msk [tilespmem:v3+s2+$0x0], $0xffff;
	v1 =	vnsel vm0, $0x7F, v1  }
0xbbc: {  	v1 =	vadd.s32 $0x7F, v1  }
0xbbd: {  	s4 =	sadd.s32 $0x80, s4  }
0xbbe: {  	s23 =	sand.u32 $0x70, s21;
	s25 =	sand.u32 $0x7C00, s4  }
0xbbf: {  	s5 =	sor.u32 s23, s25  }
0xbc0: {  	[tilespmem:s5+$0x8080] =	vst v2  }
0xbc1: {  	v1 =	vld.idx.msk [tilespmem:v1+s2+$0x0], $0xffff;
	_ =	sdelay $0x1  }
0xbc2: {  	s4 =	sadd.s32 $0x80, s4  }
0xbc3: {  	s26 =	sand.u32 $0x70, s22;
	s4 =	sand.u32 $0x7C00, s4  }
0xbc4: {  	s19 =	simm.s32 $0x0;
	s4 =	sor.u32 s26, s4  }
0xbc5: {  	[tilespmem:s4+$0x8080] =	vst v1;
	v1 =	vmov s19  }
0xbc6: {  	v1 =	vsub.s32 $0x0, v1  }
0xbc7: {  	v1 =	vbroadcast v1, $0x0  }
0xbc8: {  	v0 =	vadd.s32 v0, v63  }
0xbc9: {  	v1 =	vadd.s32 v1, v0  }
0xbca: {  	s28 =	simm.s32 $0x10;
	vm0 =	vgt.s32 v1, $0xFFFFFF81  }
0xbcb: {  	v2 =	vmov s28;
	v1 =	vnsel vm0, $0xFFFFFF81, v1  }
0xbcc: {  	v2 =	vsub.s32 $0x0, v2;
	vm0 =	vlt.s32 v1, $0x7F  }
0xbcd: {  	v2 =	vbroadcast v2, $0x0;
	v1 =	vnsel vm0, $0x7F, v1  }
0xbce: {  	v1 =	vadd.s32 $0x7F, v1  }
0xbcf: {  	v2 =	vadd.s32 v2, v0  }
0xbd0: {  	vm0 =	vgt.s32 v2, $0xFFFFFF81  }
0xbd1: {  	s29 =	simm.s32 $0x20;
	v2 =	vnsel vm0, $0xFFFFFF81, v2  }
0xbd2: {  	v3 =	vmov s29;
	vm0 =	vlt.s32 v2, $0x7F  }
0xbd3: {  	v3 =	vsub.s32 $0x0, v3;
	v2 =	vnsel vm0, $0x7F, v2;
	v1 =	vld.idx.msk [tilespmem:v1+s2+$0x0], $0xffff  }
0xbd4: {  	s30 =	sand.u32 $0x7, s19;
	v3 =	vbroadcast v3, $0x0;
	v4 =	vadd.s32 $0x7F, v2  }
0xbd5: {  	s4 =	sshll.u32 s30, $0x4  }
0xbd6: {  	s4 =	sadd.s32 $0x0, s4;
	v2 =	vadd.s32 v3, v0  }
0xbd7: {  	s4 =	sor.u32 $0x380, s4;
	vm0 =	vgt.s32 v2, $0xFFFFFF81  }
0xbd8: {  	s31 =	simm.s32 $0x30;
	v2 =	vnsel vm0, $0xFFFFFF81, v2;
	[tilespmem:s4+$0x7D80] =	vst v1  }
0xbd9: {  	s21 =	simm.s32 $0x40;
	s20 =	simm.s32 $0x0;
	v3 =	vmov s31;
	vm0 =	vlt.s32 v2, $0x7F;
	v1 =	vld.idx.msk [tilespmem:v4+s2+$0x0], $0xffff  }
.LBB2_142:
0xbda: {  	p0 =	sne.s32 s21, $0xF70;
	v3 =	vsub.s32 $0x0, v3;
	v2 =	vnsel vm0, $0x7F, v2;
	s19 =	sadd.s32 $0x1, s19  }
0xbdb: {  	v3 =	vbroadcast v3, $0x0;
	v4 =	vadd.s32 $0x7F, v2;
	s4 =	sand.u32 $0x7, s19  }
.Ltmp70:
0xbdc: {  	s20 =	sadd.s32 $0x80, s20;
	s4 =	sshll.u32 s4, $0x4;
	(pc) =	sbr.rel @p0 .LBB2_142-.Ltmp70, $4  }
0xbdd: {  	v2 =	vadd.s32 v3, v0;
	s4 =	sadd.s32 s4, s20  }
0xbde: {  	vm0 =	vgt.s32 v2, $0xFFFFFF81;
	s4 =	sor.u32 $0x380, s4  }
0xbdf: {  	v2 =	vnsel vm0, $0xFFFFFF81, v2;
	[tilespmem:s4+$0x7D80] =	vst v1  }
0xbe0: {  	v3 =	vmov s21;
	s21 =	sadd.s32 $0x10, s21;
	vm0 =	vlt.s32 v2, $0x7F;
	v1 =	vld.idx.msk [tilespmem:v4+s2+$0x0], $0xffff  }
0xbe1: {  	v3 =	vsub.s32 $0x0, v3  }
0xbe2: {  	v2 =	vnsel vm0, $0x7F, v2;
	s4 =	sadd.s32 $0x1, s19;
	v3 =	vbroadcast v3, $0x0  }
0xbe3: {  	v2 =	vadd.s32 $0x7F, v2;
	s5 =	sand.u32 $0x7, s4  }
0xbe4: {  	s10 =	sadd.s32 $0x80, s20;
	s5 =	sshll.u32 s5, $0x4;
	v0 =	vadd.s32 v3, v0  }
0xbe5: {  	s5 =	sadd.s32 s5, s10;
	vm15 =	vgt.s32 v0, $0xFFFFFF81  }
0xbe6: {  	s5 =	sor.u32 $0x380, s5;
	v0 =	vnsel vm15, $0xFFFFFF81, v0  }
0xbe7: {  	[tilespmem:s5+$0x7D80] =	vst v1;
	vm0 =	vlt.s32 v0, $0x7F  }
0xbe8: {  	s4 =	sadd.s32 $0x1, s4;
	v1 =	vld.idx.msk [tilespmem:v2+s2+$0x0], $0xffff;
	v0 =	vnsel vm0, $0x7F, v0  }
0xbe9: {  	s29 =	sand.u32 $0x7, s4;
	v0 =	vadd.s32 $0x7F, v0  }
0xbea: {  	s10 =	sadd.s32 $0x80, s10;
	s5 =	sshll.u32 s29, $0x4  }
0xbeb: {  	s5 =	sadd.s32 s5, s10  }
0xbec: {  	s5 =	sor.u32 $0x380, s5  }
0xbed: {  	[tilespmem:s5+$0x7D80] =	vst v1  }
0xbee: {  	s4 =	sadd.s32 $0x1, s4;
	v0 =	vld.idx.msk [tilespmem:v0+s2+$0x0], $0xffff  }
0xbef: {  	s4 =	sand.u32 $0x7, s4  }
0xbf0: {  	s4 =	sshll.u32 s4, $0x4;
	s30 =	sadd.s32 $0x80, s10  }
0xbf1: {  	s4 =	sadd.s32 s4, s30  }
0xbf2: {  	s4 =	sor.u32 $0x380, s4  }
0xbf3: {  	s31 =	simm.s32 $0xB980;
	s19 =	simm.s32 $0xE000;
	s20 =	smov.u32 s14;
	[tilespmem:s4+$0x7D80] =	vst v0  }
0xbf4: {  	[hbm4b:s14+s2] =	stream.linear.scatter [tilespmem:s31], [sflag:$0x2], $0x4000, $0x38;
	[tilespmem:$0xF980] =	vst v63  }
.LBB2_144:
0xbf5: {  	p0 =	sne.s32 s19, $0x0  }
.Ltmp71:
0xbf6: {  	_ = 	snop;
	(pc) =	sbr.rel @p0 .LBB2_144-.Ltmp71, $4  }
0xbf7: {  	_ = 	snop  }
0xbf8: {  	s4 =	sshra.s32 s19, $0x2;
	s19 =	sadd.s32 $0xFFFFF000, s19  }
0xbf9: {  	s20 =	sadd.s32 $0x8000, s20;
	s4 =	sadd.s32 $0x7D80, s4  }
0xbfa: {  	[hbm4b:s20+s2] =	stream.linear.scatter [tilespmem:s4], [sflag:$0x2], $0x4000, $0x38;
	[tilespmem:$0xF980] =	vst v63  }
0xbfb: {  	_ =	swait.ge [sflag:s9], $0x4000  }
0xbfc: {  	[sflag:s9] =	ssyncset.done $0x0  }
0xbfd: {  	[sflag:s9] =	ssyncadd.s32 $0xFFFFC000  }
0xbfe: {  	_ =	swait.ge [sflag:s9], $0x4000  }
0xbff: {  	[sflag:s9] =	ssyncset.done $0x0  }
0xc00: {  	[sflag:s9] =	ssyncadd.s32 $0xFFFFC000  }
0xc01: {  	_ =	swait.ge [sflag:s9], $0x4000  }
0xc02: {  	[sflag:s9] =	ssyncset.done $0x0  }
0xc03: {  	[sflag:s9] =	ssyncadd.s32 $0xFFFFC000  }
0xc04: {  	_ =	swait.ge [sflag:s9], $0x4000  }
0xc05: {  	[sflag:s9] =	ssyncset.done $0x0  }
0xc06: {  	[sflag:s9] =	ssyncadd.s32 $0xFFFFC000  }
0xc07: {  	_ =	swait.ge [sflag:s9], $0x4000  }
0xc08: {  	[sflag:s9] =	ssyncset.done $0x0  }
0xc09: {  	[sflag:s9] =	ssyncadd.s32 $0xFFFFC000  }
0xc0a: {  	_ =	swait.ge [sflag:s9], $0x4000  }
0xc0b: {  	[sflag:s9] =	ssyncset.done $0x0  }
0xc0c: {  	[sflag:s9] =	ssyncadd.s32 $0xFFFFC000  }
0xc0d: {  	_ =	swait.ge [sflag:s9], $0x4000  }
0xc0e: {  	[sflag:s9] =	ssyncset.done $0x0  }
0xc0f: {  	[sflag:s9] =	ssyncadd.s32 $0xFFFFC000  }
0xc10: {  	_ =	swait.ge [sflag:s9], $0x4000  }
0xc11: {  	[sflag:s9] =	ssyncset.done $0x0  }
0xc12: {  	[sflag:s9] =	ssyncadd.s32 $0xFFFFC000  }
0xc13: {  	_ =	swait.ge [sflag:s9], $0x4000  }
0xc14: {  	[sflag:s9] =	ssyncset.done $0x0  }
0xc15: {  	[sflag:s9] =	ssyncadd.s32 $0xFFFFC000  }
0xc16: {  	_ =	swait.ge [sflag:s9], $0x4000  }
0xc17: {  	[sflag:s9] =	ssyncset.done $0x0  }
0xc18: {  	[sflag:s9] =	ssyncadd.s32 $0xFFFFC000  }
0xc19: {  	_ =	swait.ge [sflag:s9], $0x4000  }
0xc1a: {  	[sflag:s9] =	ssyncset.done $0x0  }
0xc1b: {  	[sflag:s9] =	ssyncadd.s32 $0xFFFFC000  }
0xc1c: {  	_ =	swait.ge [sflag:s9], $0x4000  }
0xc1d: {  	[sflag:s9] =	ssyncset.done $0x0  }
0xc1e: {  	[sflag:s9] =	ssyncadd.s32 $0xFFFFC000  }
0xc1f: {  	_ =	swait.ge [sflag:s9], $0x4000  }
0xc20: {  	[sflag:s9] =	ssyncset.done $0x0  }
0xc21: {  	[sflag:s9] =	ssyncadd.s32 $0xFFFFC000  }
0xc22: {  	_ =	swait.ge [sflag:s9], $0x4000  }
0xc23: {  	[sflag:s9] =	ssyncset.done $0x0  }
0xc24: {  	[sflag:s9] =	ssyncadd.s32 $0xFFFFC000  }
0xc25: {  	_ =	swait.ge [sflag:s9], $0x4000  }
0xc26: {  	[sflag:s9] =	ssyncset.done $0x0  }
0xc27: {  	[sflag:s9] =	ssyncadd.s32 $0xFFFFC000  }
0xc28: {  	_ =	swait.ge [sflag:s9], $0x4000  }
0xc29: {  	[sflag:s9] =	ssyncset.done $0x0  }
0xc2a: {  	[sflag:s9] =	ssyncadd.s32 $0xFFFFC000  }
0xc2b: {  	_ =	swait.ge [sflag:s17], $0x4000  }
0xc2c: {  	[sflag:s17] =	ssyncset.done $0x0  }
0xc2d: {  	[sflag:s17] =	ssyncadd.s32 $0xFFFFC000  }
0xc2e: {  	_ =	swait.ge [sflag:s17], $0x4000  }
0xc2f: {  	[sflag:s17] =	ssyncset.done $0x0  }
0xc30: {  	[sflag:s17] =	ssyncadd.s32 $0xFFFFC000  }
0xc31: {  	_ =	swait.ge [sflag:s17], $0x4000  }
0xc32: {  	[sflag:s17] =	ssyncset.done $0x0  }
0xc33: {  	[sflag:s17] =	ssyncadd.s32 $0xFFFFC000  }
0xc34: {  	_ =	swait.ge [sflag:s17], $0x4000  }
0xc35: {  	[sflag:s17] =	ssyncset.done $0x0  }
0xc36: {  	[sflag:s17] =	ssyncadd.s32 $0xFFFFC000  }
0xc37: {  	_ =	swait.ge [sflag:s17], $0x4000  }
0xc38: {  	[sflag:s17] =	ssyncset.done $0x0  }
0xc39: {  	[sflag:s17] =	ssyncadd.s32 $0xFFFFC000  }
0xc3a: {  	_ =	swait.ge [sflag:s17], $0x4000  }
0xc3b: {  	[sflag:s17] =	ssyncset.done $0x0  }
0xc3c: {  	[sflag:s17] =	ssyncadd.s32 $0xFFFFC000  }
0xc3d: {  	_ =	swait.ge [sflag:s17], $0x4000  }
0xc3e: {  	[sflag:s17] =	ssyncset.done $0x0  }
0xc3f: {  	[sflag:s17] =	ssyncadd.s32 $0xFFFFC000  }
0xc40: {  	_ =	swait.ge [sflag:s17], $0x4000  }
0xc41: {  	[sflag:s17] =	ssyncset.done $0x0  }
0xc42: {  	[sflag:s17] =	ssyncadd.s32 $0xFFFFC000  }
0xc43: {  	_ =	swait.ge [sflag:s17], $0x4000  }
0xc44: {  	[sflag:s17] =	ssyncset.done $0x0  }
0xc45: {  	[sflag:s17] =	ssyncadd.s32 $0xFFFFC000  }
0xc46: {  	_ =	swait.ge [sflag:s17], $0x4000  }
0xc47: {  	[sflag:s17] =	ssyncset.done $0x0  }
0xc48: {  	[sflag:s17] =	ssyncadd.s32 $0xFFFFC000  }
0xc49: {  	_ =	swait.ge [sflag:s17], $0x4000  }
0xc4a: {  	[sflag:s17] =	ssyncset.done $0x0  }
0xc4b: {  	[sflag:s17] =	ssyncadd.s32 $0xFFFFC000  }
0xc4c: {  	_ =	swait.ge [sflag:s17], $0x4000  }
0xc4d: {  	[sflag:s17] =	ssyncset.done $0x0  }
0xc4e: {  	[sflag:s17] =	ssyncadd.s32 $0xFFFFC000  }
0xc4f: {  	_ =	swait.ge [sflag:s17], $0x4000  }
0xc50: {  	[sflag:s17] =	ssyncset.done $0x0  }
0xc51: {  	[sflag:s17] =	ssyncadd.s32 $0xFFFFC000  }
0xc52: {  	_ =	swait.ge [sflag:s17], $0x4000  }
0xc53: {  	[sflag:s17] =	ssyncset.done $0x0  }
0xc54: {  	s18 =	sadd.s32 $0x1, s18;
	[sflag:s17] =	ssyncadd.s32 $0xFFFFC000  }
0xc55: {  	p0 =	sne.s32 s18, s16;
	_ =	swait.ge [sflag:s17], $0x4000  }
.Ltmp72:
0xc56: {  	[sflag:s17] =	ssyncset.done $0x0;
	(pc) =	sbr.rel @p0 .LBB2_1-.Ltmp72, $4  }
0xc57: {  	[sflag:s17] =	ssyncadd.s32 $0xFFFFC000  }
0xc58: {  	_ =	swait.ge [sflag:s17], $0x4000  }
0xc59: {  	[sflag:s17] =	ssyncset.done $0x0  }
0xc5a: {  	[sflag:s17] =	ssyncadd.s32 $0xFFFFC000  }
0xc5b: {  	_ =	sfence.sel $0x180000  }
0xc5c: {  	[bflag:$0x0] =	sbarrier.arrive $0xFFFF  }
0xc5d: {  	_ =	strace $0x90000047  }
0xc5e: {  	s0 =	stileid.u32;
	[bflag:$0x2] =	sbarrier.arrive $0xFFFF  }
0xc5f: {  	p0 =	sne.s32 s0, $0x0;
	s0 =	rddreg [dreg:$0x2]  }
0xc60: {  	s0 =	sadd.s32 @!p0 $0x100000, s0  }
0xc61: {  	[sflag:s0] =	ssyncadd.tile.s32 @!p0 $0x1;
	_ =	shalt  }
.Lfunc_end2:
_tile_overlayer_lowered:
.L_overlay_start_2:
0xc62: {  	(tag) =	ssettag $0x2  }
0xc63: {  	s0 =	rddreg [dreg:$0x0];
	s2 =	stileid.u32  }
0xc64: {  	s1 =	rddreg [dreg:$0x1];
	p0 =	sne.s32 s2, $0x0  }
0xc65: {  	s3 =	rddreg [dreg:$0x2];
	[bflag:$0x3] =	sbarrier.arrive $0xFFFF;
	s2 =	simm.s32 @!p0 $0x1C03  }
0xc66: {  	[timem:s3], [sflag:s2] =	dma.local @!p0 [hbm:s0], s1  }
0xc67: {  	s0 =	simm.s32 @!p0 $0x3  }
0xc68: {  	_ =	swait.ge @!p0 [sflag:s0], s1  }
0xc69: {  	s1 =	ssub.s32 @!p0 $0x0, s1;
	[sflag:s0] =	ssyncset.done @!p0 $0x0  }
0xc6a: {  	[sflag:s0] =	ssyncadd.s32 @!p0 s1  }
0xc6b: {  	[bflag:$0x3] =	sbarrier.arrive $0xFFFF  }
0xc6c: {  	_ =	shalt  }

</sc_bundles>
